<compile_context>
chip_gen: v7x
topology: tpu7x:2x2x1
jax: 0.10.2.dev20260603
libtpu: 0.0.44.dev20260713+nightly
codegen_flags: <defaults>
</compile_context>

<pallas_src>
import functools

import jax
import jax.numpy as jnp
from jax import lax
from jax.experimental import pallas as pl
from jax.experimental.pallas import tpu as pltpu
from jax.experimental.pallas import tpu_sc as plsc

N_NODES = 10000
N_EDGES = 320000
N_GRAPHS = 128
MAX_ATOM = 120
NUM_GENES = 954
DIM = 128

NC = 2
NS = 16
NW = NC * NS
EK = 128
N_CHUNKS = N_EDGES // EK
CHUNKS_PER_W = -(-N_CHUNKS // NW)
ROWS_PER_SUB = 624
TAIL_ROWS = N_NODES - NS * ROWS_PER_SUB

_PREC = jax.lax.Precision.HIGHEST

_sc_mesh = plsc.VectorSubcoreMesh(
    core_axis_name="c", subcore_axis_name="s", num_cores=NC, num_subcores=NS)


@functools.partial(
    pl.kernel,
    out_type=jax.ShapeDtypeStruct((NC * N_NODES, DIM), jnp.float32),
    mesh=_sc_mesh,
    scratch_types=[
        pltpu.VMEM((EK,), jnp.int32),
        pltpu.VMEM((EK,), jnp.int32),
        pltpu.VMEM((EK, DIM), jnp.float32),
        pltpu.VMEM_SHARED((N_NODES, DIM), jnp.float32),
        pltpu.SemaphoreType.DMA,
    ],
)
def _edge_agg(h_hbm, src_hbm, dst_hbm, out_hbm, src_v, dst_v, rows_v,
              acc_sh, sem):
    c = lax.axis_index("c")
    s = lax.axis_index("s")
    w = s * NC + c
    r0 = s * ROWS_PER_SUB
    pltpu.sync_copy(h_hbm.at[pl.ds(r0, ROWS_PER_SUB)],
                    acc_sh.at[pl.ds(r0, ROWS_PER_SUB)])

    @pl.when(s == NS - 1)
    def _():
        t0 = NS * ROWS_PER_SUB
        pltpu.sync_copy(h_hbm.at[pl.ds(t0, TAIL_ROWS)],
                        acc_sh.at[pl.ds(t0, TAIL_ROWS)])

    plsc.subcore_barrier()

    def body(j, carry):
        chunk = w + j * NW

        @pl.when(chunk < N_CHUNKS)
        def _():
            base = chunk * EK
            pltpu.sync_copy(src_hbm.at[pl.ds(base, EK)], src_v)
            pltpu.sync_copy(dst_hbm.at[pl.ds(base, EK)], dst_v)
            pltpu.async_copy(h_hbm.at[src_v], rows_v, sem).wait()
            pltpu.sync_copy(rows_v, acc_sh.at[dst_v], add=True)

        return carry

    lax.fori_loop(0, CHUNKS_PER_W, body, 0)
    plsc.subcore_barrier()
    pltpu.sync_copy(acc_sh.at[pl.ds(r0, ROWS_PER_SUB)],
                    out_hbm.at[pl.ds(c * N_NODES + r0, ROWS_PER_SUB)])

    @pl.when(s == NS - 1)
    def _():
        t0 = NS * ROWS_PER_SUB
        pltpu.sync_copy(acc_sh.at[pl.ds(t0, TAIL_ROWS)],
                        out_hbm.at[pl.ds(c * N_NODES + t0, TAIL_ROWS)])


IDS_PER_W = N_NODES // NW
IDS_TAIL = N_NODES - NW * IDS_PER_W


@functools.partial(
    pl.kernel,
    out_type=jax.ShapeDtypeStruct((N_NODES, DIM), jnp.float32),
    mesh=_sc_mesh,
    scratch_types=[
        pltpu.VMEM((IDS_PER_W + IDS_TAIL,), jnp.int32),
        pltpu.VMEM((IDS_PER_W + IDS_TAIL, DIM), jnp.float32),
        pltpu.SemaphoreType.DMA,
    ],
)
def _sc_embed(emb_hbm, x_hbm, out_hbm, ids_v, rows_v, sem):
    c = lax.axis_index("c")
    s = lax.axis_index("s")
    w = s * NC + c
    base = w * IDS_PER_W
    pltpu.sync_copy(x_hbm.at[pl.ds(base, IDS_PER_W)],
                    ids_v.at[pl.ds(0, IDS_PER_W)])
    pltpu.async_copy(emb_hbm.at[ids_v.at[pl.ds(0, IDS_PER_W)]],
                     rows_v.at[pl.ds(0, IDS_PER_W)], sem).wait()
    pltpu.sync_copy(rows_v.at[pl.ds(0, IDS_PER_W)],
                    out_hbm.at[pl.ds(base, IDS_PER_W)])

    @pl.when(w == NW - 1)
    def _():
        t0 = NW * IDS_PER_W
        pltpu.sync_copy(x_hbm.at[pl.ds(t0, IDS_TAIL)],
                        ids_v.at[pl.ds(0, IDS_TAIL)])
        pltpu.async_copy(emb_hbm.at[ids_v.at[pl.ds(0, IDS_TAIL)]],
                         rows_v.at[pl.ds(0, IDS_TAIL)], sem).wait()
        pltpu.sync_copy(rows_v.at[pl.ds(0, IDS_TAIL)],
                        out_hbm.at[pl.ds(t0, IDS_TAIL)])


def _mm_f32(a, b):
    return jax.lax.dot_general(
        a, b, (((1,), (0,)), ((), ())), precision=_PREC,
        preferred_element_type=jnp.float32)


def _mlp_bn(h, p0, p1, w1, b1, w2, b2, g, bb):
    z = p0 + p1 - h
    z1 = jnp.maximum(_mm_f32(z, w1) + b1, 0.0)
    h2 = _mm_f32(z1, w2) + b2
    hr = jnp.maximum(h2, 0.0)
    mu = jnp.mean(hr, axis=0, keepdims=True)
    var = jnp.mean((hr - mu) ** 2, axis=0, keepdims=True)
    return (hr - mu) / jnp.sqrt(var + 1e-5) * g + bb


def _dense_pool_body(h_ref, parts_ref, w1_ref, b1_ref, w2_ref, b2_ref,
                     g_ref, bb_ref, batch_ref, out_ref):
    hbn = _mlp_bn(
        h_ref[...], parts_ref[0], parts_ref[1], w1_ref[...], b1_ref[...],
        w2_ref[...], b2_ref[...], g_ref[...], bb_ref[...])
    gids = lax.broadcasted_iota(jnp.int32, (N_NODES, N_GRAPHS), 1)
    oh = (batch_ref[...] == gids).astype(jnp.float32)
    out_ref[...] = jax.lax.dot_general(
        oh, hbn, (((0,), (0,)), ((), ())),
        precision=_PREC, preferred_element_type=jnp.float32)


def _tc_dense_pool(h, parts, w1, b1, w2, b2, g, bb, batch2d):
    return pl.pallas_call(
        _dense_pool_body,
        out_shape=jax.ShapeDtypeStruct((N_GRAPHS, DIM), jnp.float32),
    )(h, parts, w1, b1, w2, b2, g, bb, batch2d)


def _head_body(pooled_ref, exp_ref, fxw_ref, fxb_ref, c1w_ref, c1b_ref,
               c2w_ref, c2b_ref, f1w_ref, f1b_ref, f2w_ref, f2b_ref,
               f3w_ref, f3b_ref, out_ref):
    mm = _mm_f32

    hg = jnp.maximum(mm(pooled_ref[...], fxw_ref[...]) + fxb_ref[...], 0.0)
    t = mm(exp_ref[...], c1w_ref[...]) + c1b_ref[...]
    cl = t * 0.5 * (1.0 + lax.erf(t * (2.0 ** -0.5)))
    cl = mm(cl, c2w_ref[...]) + c2b_ref[...]
    comb = jnp.concatenate([hg, cl], axis=1)
    o = jnp.maximum(mm(comb, f1w_ref[...]) + f1b_ref[...], 0.0)
    o = jnp.maximum(mm(o, f2w_ref[...]) + f2b_ref[...], 0.0)
    out_ref[...] = mm(o, f3w_ref[...]) + f3b_ref[...]


def _tc_head(pooled, exp, p):
    return pl.pallas_call(
        _head_body,
        out_shape=jax.ShapeDtypeStruct((N_GRAPHS, 1), jnp.float32),
    )(pooled, exp,
      p['fc_xd_W'], p['fc_xd_b'].reshape(1, -1),
      p['cl1_W'], p['cl1_b'].reshape(1, -1),
      p['cl2_W'], p['cl2_b'].reshape(1, -1),
      p['fc1_W'], p['fc1_b'].reshape(1, -1),
      p['fc2_W'], p['fc2_b'].reshape(1, -1),
      p['fc3_W'], p['fc3_b'].reshape(1, -1))


def kernel(exp, x, edge_index, batch, params):
    x1d = x.astype(jnp.int32)
    src = edge_index[0].astype(jnp.int32)
    dst = edge_index[1].astype(jnp.int32)
    batch2d = batch.astype(jnp.int32).reshape(N_NODES, 1)

    h = _sc_embed(params['emb'], x1d)
    convs = params['convs']

    for i, p in enumerate(convs[:-1]):
        if i == 3:
            parts = _edge_agg(h, src, dst).reshape(NC, N_NODES, DIM)
            z = parts[0] + parts[1] - h
        else:
            agg = jax.ops.segment_sum(h[src], dst, num_segments=N_NODES)
            z = h + agg
        z1 = jnp.maximum(z @ p['W1'] + p['b1'], 0.0)
        h2 = z1 @ p['W2'] + p['b2']
        hr = jnp.maximum(h2, 0.0)
        mu = jnp.mean(hr, axis=0)
        var = jnp.mean((hr - mu) ** 2, axis=0)
        h = (hr - mu) / jnp.sqrt(var + 1e-5) * p['bn_g'] + p['bn_b']

    p = convs[-1]
    parts = _edge_agg(h, src, dst).reshape(NC, N_NODES, DIM)
    pooled = _tc_dense_pool(
        h, parts, p['W1'], p['b1'].reshape(1, -1), p['W2'],
        p['b2'].reshape(1, -1), p['bn_g'].reshape(1, -1),
        p['bn_b'].reshape(1, -1), batch2d)

    return _tc_head(pooled, exp, params)

# --- scband reference (transcript-rebuilt; emitter-appended) ---
"""Pipeline reference for scband-drp-model-88304527606469 (READ-ONLY COPY).

The authoritative reference and input builder live on the scoring server;
editing this copy changes nothing except your own understanding.
"""

import jax, jax.numpy as jnp
import numpy as np

N_NODES = 10000
N_EDGES = 320000
N_GRAPHS = 128
MAX_ATOM = 120
NUM_GENES = 954
DIM = 128
EMBED_OUT = 128


def setup_inputs(seed: int = 0) -> dict:
    key = jax.random.key(seed)
    ks = jax.random.split(key, 64)
    it = iter(range(64))

    def nrm(shape, s=0.02):
        return jax.random.normal(ks[next(it)], shape, dtype=jnp.float32) * s

    exp = jax.random.normal(ks[next(it)], (N_GRAPHS, NUM_GENES), dtype=jnp.float32)
    x = jax.random.randint(ks[next(it)], (N_NODES,), 0, MAX_ATOM, dtype=jnp.int64)
    edge_index = jax.random.randint(ks[next(it)], (2, N_EDGES), 0, N_NODES, dtype=jnp.int64)
    batch = jnp.sort(jax.random.randint(ks[next(it)], (N_NODES,), 0, N_GRAPHS, dtype=jnp.int64))

    convs = []
    out_dims = [DIM, DIM, DIM, DIM, EMBED_OUT]
    for od in out_dims:
        convs.append({
            'W1': nrm((DIM, DIM)), 'b1': jnp.zeros((DIM,), jnp.float32),
            'W2': nrm((DIM, od)), 'b2': jnp.zeros((od,), jnp.float32),
            'bn_g': jnp.ones((od,), jnp.float32), 'bn_b': jnp.zeros((od,), jnp.float32),
        })
    params = {
        'emb': nrm((MAX_ATOM, DIM), 1.0),
        'convs': convs,
        'fc_xd_W': nrm((DIM, EMBED_OUT)), 'fc_xd_b': jnp.zeros((EMBED_OUT,), jnp.float32),
        'cl1_W': nrm((NUM_GENES, DIM)), 'cl1_b': jnp.zeros((DIM,), jnp.float32),
        'cl2_W': nrm((DIM, DIM)), 'cl2_b': jnp.zeros((DIM,), jnp.float32),
        'fc1_W': nrm((2 * EMBED_OUT, 1024)), 'fc1_b': jnp.zeros((1024,), jnp.float32),
        'fc2_W': nrm((1024, 1024)), 'fc2_b': jnp.zeros((1024,), jnp.float32),
        'fc3_W': nrm((1024, 1)), 'fc3_b': jnp.zeros((1,), jnp.float32),
    }
    return {'exp': exp, 'x': x, 'edge_index': edge_index, 'batch': batch, 'params': params}


def _bn(h, g, b):
    # torch BatchNorm1d in training mode: biased batch statistics
    mu = jnp.mean(h, axis=0)
    var = jnp.mean((h - mu) ** 2, axis=0)
    return (h - mu) / jnp.sqrt(var + 1e-5) * g + b


def _gin(h, src, dst, p):
    # GINConv with eps=0: nn((1+eps)*x + sum_{j in N(i)} x_j)
    agg = jax.ops.segment_sum(h[src], dst, num_segments=h.shape[0])
    z = h + agg
    z = jnp.maximum(z @ p['W1'] + p['b1'], 0.0)
    return z @ p['W2'] + p['b2']


def _forward(exp, params, x, edge_index, batch):
    src, dst = edge_index[0], edge_index[1]
    h = params['emb'][x]
    for p in params['convs']:
        h = jnp.maximum(_gin(h, src, dst, p), 0.0)
        h = _bn(h, p['bn_g'], p['bn_b'])
    pooled = jax.ops.segment_sum(h, batch, num_segments=N_GRAPHS)
    hg = jnp.maximum(pooled @ params['fc_xd_W'] + params['fc_xd_b'], 0.0)
    cl = jax.nn.gelu(exp @ params['cl1_W'] + params['cl1_b'], approximate=False)
    cl = cl @ params['cl2_W'] + params['cl2_b']
    comb = jnp.concatenate([hg, cl], axis=1)
    o = jnp.maximum(comb @ params['fc1_W'] + params['fc1_b'], 0.0)
    o = jnp.maximum(o @ params['fc2_W'] + params['fc2_b'], 0.0)
    o = o @ params['fc3_W'] + params['fc3_b']
    return o


def reference(exp, x, edge_index, batch, params):
    return _forward(exp, params, x, edge_index, batch)

if __name__ == "__main__":
    import jax
    _d = setup_inputs()
    print(jax.jit(kernel)(*tuple(_d.values())))

</pallas_src>

<mosaic_0001>
#map = affine_map<(d0, d1) -> (0, 0)>
#map1 = affine_map<(d0, d1) -> (0)>
module attributes {stable_mosaic.version = 14 : i64} {
  func.func @_sc_embed(%arg0: i32, %arg1: i32, %arg2: memref<120x128xf32, #tpu.memory_space<hbm>>, %arg3: memref<10000xi32, #tpu.memory_space<hbm>>, %arg4: memref<10000x128xf32, #tpu.memory_space<hbm>>, %arg5: memref<328xi32, #tpu.memory_space<vmem>>, %arg6: memref<328x128xf32, #tpu.memory_space<vmem>>, %arg7: memref<!tpu.dma_semaphore, #tpu.memory_space<semaphore_mem>>) attributes {dimension_semantics = [#tpu.dimension_semantics<core_parallel>, #tpu.dimension_semantics<subcore_parallel>], iteration_bounds = array<i64: 2, 16>, scalar_prefetch = 0 : i64, scratch_operands = 3 : i64, tpu.core_type = #tpu.core_type<sc_vector_subcore>, window_params = [{transform_indices = #map}, {transform_indices = #map1}, {transform_indices = #map}]} {
    %mul3A = arith.constant 2 : i32
    %mul3A_0 = arith.muli %arg1, %mul3A : i32
    %add3A = arith.addi %mul3A_0, %arg0 : i32
    %mul3A_1 = arith.constant 312 : i32
    %mul3A_2 = arith.muli %add3A, %mul3A_1 : i32
    "tpu.region"() ({
      %run_scoped3A = tpu.sem_alloc : memref<!tpu.dma_semaphore, #tpu.memory_space<semaphore_mem>>
      %dma_start3A_19 = arith.constant 0 : i32
      %dma_start3A_20 = tpu.memref_slice %arg5[%dma_start3A_19] : memref<328xi32, #tpu.memory_space<vmem>> -> memref<312xi32, #tpu.memory_space<vmem>>
      %dma_start3A_21 = tpu.memref_slice %arg3[%mul3A_2] : memref<10000xi32, #tpu.memory_space<hbm>> -> memref<312xi32, #tpu.memory_space<hbm>>
      %dma_start3A_22 = arith.constant 0 : i32
      %dma_start3A_23 = tpu.memref_slice %arg5[%dma_start3A_22] : memref<328xi32, #tpu.memory_space<vmem>> -> memref<312xi32, #tpu.memory_space<vmem>>
      %dma_start3A_24 = tpu.memref_slice %arg3[%mul3A_2] : memref<10000xi32, #tpu.memory_space<hbm>> -> memref<312xi32, #tpu.memory_space<hbm>>
      tpu.enqueue_dma source(%dma_start3A_24 : memref<312xi32, #tpu.memory_space<hbm>>) target(%dma_start3A_23 : memref<312xi32, #tpu.memory_space<vmem>>) target_semaphore(%run_scoped3A : memref<!tpu.dma_semaphore, #tpu.memory_space<semaphore_mem>>)
      %dma_wait3A_25 = arith.constant 0 : i32
      %dma_wait3A_26 = tpu.memref_slice %arg5[%dma_wait3A_25] : memref<328xi32, #tpu.memory_space<vmem>> -> memref<312xi32, #tpu.memory_space<vmem>>
      %dma_wait3A_27 = tpu.memref_slice %arg3[%mul3A_2] : memref<10000xi32, #tpu.memory_space<hbm>> -> memref<312xi32, #tpu.memory_space<hbm>>
      %dma_wait3A_28 = arith.constant 0 : i32
      %dma_wait3A_29 = tpu.memref_slice %arg5[%dma_wait3A_28] : memref<328xi32, #tpu.memory_space<vmem>> -> memref<312xi32, #tpu.memory_space<vmem>>
      %dma_wait3A_30 = tpu.memref_slice %arg3[%mul3A_2] : memref<10000xi32, #tpu.memory_space<hbm>> -> memref<312xi32, #tpu.memory_space<hbm>>
      tpu.wait_dma2 semaphore(%run_scoped3A : memref<!tpu.dma_semaphore, #tpu.memory_space<semaphore_mem>>) src(%dma_wait3A_30 : memref<312xi32, #tpu.memory_space<hbm>>) dst(%dma_wait3A_29 : memref<312xi32, #tpu.memory_space<vmem>>)
      tpu.yield
    }) : () -> ()
    %dma_start3A = arith.constant 0 : i32
    %dma_start3A_3 = arith.constant 0 : i32
    %dma_start3A_4 = tpu.memref_slice %arg6[%dma_start3A, %dma_start3A_3] : memref<328x128xf32, #tpu.memory_space<vmem>> -> memref<312x128xf32, #tpu.memory_space<vmem>>
    %dma_start3A_5 = arith.constant 0 : i32
    %dma_start3A_6 = tpu.memref_slice %arg5[%dma_start3A_5] : memref<328xi32, #tpu.memory_space<vmem>> -> memref<312xi32, #tpu.memory_space<vmem>>
    %dma_start3A_7 = arith.constant 0 : i32
    %dma_start3A_8 = arith.constant 0 : i32
    %dma_start3A_9 = tpu.memref_slice %arg2[%dma_start3A_7, %dma_start3A_8] : memref<120x128xf32, #tpu.memory_space<hbm>> -> memref<120x128xf32, #tpu.memory_space<hbm>>
    tpu.enqueue_indirect_dma source(%dma_start3A_9 : memref<120x128xf32, #tpu.memory_space<hbm>>) target(%dma_start3A_4 : memref<312x128xf32, #tpu.memory_space<vmem>>) offsets(%dma_start3A_6 : memref<312xi32, #tpu.memory_space<vmem>>) semaphore(%arg7 : memref<!tpu.dma_semaphore, #tpu.memory_space<semaphore_mem>>)
    %dma_wait3A = arith.constant 0 : i32
    %dma_wait3A_10 = arith.constant 0 : i32
    %dma_wait3A_11 = tpu.memref_slice %arg6[%dma_wait3A, %dma_wait3A_10] : memref<328x128xf32, #tpu.memory_space<vmem>> -> memref<312x128xf32, #tpu.memory_space<vmem>>
    %dma_wait3A_12 = arith.constant 0 : i32
    %dma_wait3A_13 = tpu.memref_slice %arg5[%dma_wait3A_12] : memref<328xi32, #tpu.memory_space<vmem>> -> memref<312xi32, #tpu.memory_space<vmem>>
    %dma_wait3A_14 = arith.constant 0 : i32
    %dma_wait3A_15 = arith.constant 0 : i32
    %dma_wait3A_16 = tpu.memref_slice %arg2[%dma_wait3A_14, %dma_wait3A_15] : memref<120x128xf32, #tpu.memory_space<hbm>> -> memref<120x128xf32, #tpu.memory_space<hbm>>
    tpu.wait_indirect_dma semaphore(%arg7 : memref<!tpu.dma_semaphore, #tpu.memory_space<semaphore_mem>>) src(%dma_wait3A_16 : memref<120x128xf32, #tpu.memory_space<hbm>>) dst(%dma_wait3A_11 : memref<312x128xf32, #tpu.memory_space<vmem>>)
    "tpu.region"() ({
      %run_scoped3A = tpu.sem_alloc : memref<!tpu.dma_semaphore, #tpu.memory_space<semaphore_mem>>
      %dma_start3A_19 = arith.constant 0 : i32
      %dma_start3A_20 = arith.constant 0 : i32
      %dma_start3A_21 = tpu.memref_slice %arg6[%dma_start3A_19, %dma_start3A_20] : memref<328x128xf32, #tpu.memory_space<vmem>> -> memref<312x128xf32, #tpu.memory_space<vmem>>
      %dma_start3A_22 = arith.constant 0 : i32
      %dma_start3A_23 = tpu.memref_slice %arg4[%mul3A_2, %dma_start3A_22] : memref<10000x128xf32, #tpu.memory_space<hbm>> -> memref<312x128xf32, #tpu.memory_space<hbm>>
      %dma_start3A_24 = arith.constant 0 : i32
      %dma_start3A_25 = tpu.memref_slice %arg4[%mul3A_2, %dma_start3A_24] : memref<10000x128xf32, #tpu.memory_space<hbm>> -> memref<312x128xf32, #tpu.memory_space<hbm>>
      %dma_start3A_26 = arith.constant 0 : i32
      %dma_start3A_27 = arith.constant 0 : i32
      %dma_start3A_28 = tpu.memref_slice %arg6[%dma_start3A_26, %dma_start3A_27] : memref<328x128xf32, #tpu.memory_space<vmem>> -> memref<312x128xf32, #tpu.memory_space<vmem>>
      tpu.enqueue_dma source(%dma_start3A_28 : memref<312x128xf32, #tpu.memory_space<vmem>>) target(%dma_start3A_25 : memref<312x128xf32, #tpu.memory_space<hbm>>) target_semaphore(%run_scoped3A : memref<!tpu.dma_semaphore, #tpu.memory_space<semaphore_mem>>)
      %dma_wait3A_29 = arith.constant 0 : i32
      %dma_wait3A_30 = arith.constant 0 : i32
      %dma_wait3A_31 = tpu.memref_slice %arg6[%dma_wait3A_29, %dma_wait3A_30] : memref<328x128xf32, #tpu.memory_space<vmem>> -> memref<312x128xf32, #tpu.memory_space<vmem>>
      %dma_wait3A_32 = arith.constant 0 : i32
      %dma_wait3A_33 = tpu.memref_slice %arg4[%mul3A_2, %dma_wait3A_32] : memref<10000x128xf32, #tpu.memory_space<hbm>> -> memref<312x128xf32, #tpu.memory_space<hbm>>
      %dma_wait3A_34 = arith.constant 0 : i32
      %dma_wait3A_35 = tpu.memref_slice %arg4[%mul3A_2, %dma_wait3A_34] : memref<10000x128xf32, #tpu.memory_space<hbm>> -> memref<312x128xf32, #tpu.memory_space<hbm>>
      %dma_wait3A_36 = arith.constant 0 : i32
      %dma_wait3A_37 = arith.constant 0 : i32
      %dma_wait3A_38 = tpu.memref_slice %arg6[%dma_wait3A_36, %dma_wait3A_37] : memref<328x128xf32, #tpu.memory_space<vmem>> -> memref<312x128xf32, #tpu.memory_space<vmem>>
      tpu.wait_dma2 semaphore(%run_scoped3A : memref<!tpu.dma_semaphore, #tpu.memory_space<semaphore_mem>>) src(%dma_wait3A_38 : memref<312x128xf32, #tpu.memory_space<vmem>>) dst(%dma_wait3A_35 : memref<312x128xf32, #tpu.memory_space<hbm>>)
      tpu.yield
    }) : () -> ()
    %eq3A = arith.constant 31 : i32
    %eq3A_17 = arith.cmpi eq, %add3A, %eq3A : i32
    %convert_element_type3A = arith.extui %eq3A_17 : i1 to i32
    %cond3A = arith.constant 0 : i32
    %cond3A_18 = arith.cmpi ne, %convert_element_type3A, %cond3A : i32
    scf.if %cond3A_18 {
      "tpu.region"() ({
        %run_scoped3A = tpu.sem_alloc : memref<!tpu.dma_semaphore, #tpu.memory_space<semaphore_mem>>
        %dma_start3A_35 = arith.constant 0 : i32
        %dma_start3A_36 = tpu.memref_slice %arg5[%dma_start3A_35] : memref<328xi32, #tpu.memory_space<vmem>> -> memref<16xi32, #tpu.memory_space<vmem>>
        %dma_start3A_37 = arith.constant 9984 : i32
        %dma_start3A_38 = tpu.memref_slice %arg3[%dma_start3A_37] : memref<10000xi32, #tpu.memory_space<hbm>> -> memref<16xi32, #tpu.memory_space<hbm>>
        %dma_start3A_39 = arith.constant 0 : i32
        %dma_start3A_40 = tpu.memref_slice %arg5[%dma_start3A_39] : memref<328xi32, #tpu.memory_space<vmem>> -> memref<16xi32, #tpu.memory_space<vmem>>
        %dma_start3A_41 = arith.constant 9984 : i32
        %dma_start3A_42 = tpu.memref_slice %arg3[%dma_start3A_41] : memref<10000xi32, #tpu.memory_space<hbm>> -> memref<16xi32, #tpu.memory_space<hbm>>
        tpu.enqueue_dma source(%dma_start3A_42 : memref<16xi32, #tpu.memory_space<hbm>>) target(%dma_start3A_40 : memref<16xi32, #tpu.memory_space<vmem>>) target_semaphore(%run_scoped3A : memref<!tpu.dma_semaphore, #tpu.memory_space<semaphore_mem>>)
        %dma_wait3A_43 = arith.constant 0 : i32
        %dma_wait3A_44 = tpu.memref_slice %arg5[%dma_wait3A_43] : memref<328xi32, #tpu.memory_space<vmem>> -> memref<16xi32, #tpu.memory_space<vmem>>
        %dma_wait3A_45 = arith.constant 9984 : i32
        %dma_wait3A_46 = tpu.memref_slice %arg3[%dma_wait3A_45] : memref<10000xi32, #tpu.memory_space<hbm>> -> memref<16xi32, #tpu.memory_space<hbm>>
        %dma_wait3A_47 = arith.constant 0 : i32
        %dma_wait3A_48 = tpu.memref_slice %arg5[%dma_wait3A_47] : memref<328xi32, #tpu.memory_space<vmem>> -> memref<16xi32, #tpu.memory_space<vmem>>
        %dma_wait3A_49 = arith.constant 9984 : i32
        %dma_wait3A_50 = tpu.memref_slice %arg3[%dma_wait3A_49] : memref<10000xi32, #tpu.memory_space<hbm>> -> memref<16xi32, #tpu.memory_space<hbm>>
        tpu.wait_dma2 semaphore(%run_scoped3A : memref<!tpu.dma_semaphore, #tpu.memory_space<semaphore_mem>>) src(%dma_wait3A_50 : memref<16xi32, #tpu.memory_space<hbm>>) dst(%dma_wait3A_48 : memref<16xi32, #tpu.memory_space<vmem>>)
        tpu.yield
      }) : () -> ()
      %dma_start3A_19 = arith.constant 0 : i32
      %dma_start3A_20 = arith.constant 0 : i32
      %dma_start3A_21 = tpu.memref_slice %arg6[%dma_start3A_19, %dma_start3A_20] : memref<328x128xf32, #tpu.memory_space<vmem>> -> memref<16x128xf32, #tpu.memory_space<vmem>>
      %dma_start3A_22 = arith.constant 0 : i32
      %dma_start3A_23 = tpu.memref_slice %arg5[%dma_start3A_22] : memref<328xi32, #tpu.memory_space<vmem>> -> memref<16xi32, #tpu.memory_space<vmem>>
      %dma_start3A_24 = arith.constant 0 : i32
      %dma_start3A_25 = arith.constant 0 : i32
      %dma_start3A_26 = tpu.memref_slice %arg2[%dma_start3A_24, %dma_start3A_25] : memref<120x128xf32, #tpu.memory_space<hbm>> -> memref<120x128xf32, #tpu.memory_space<hbm>>
      tpu.enqueue_indirect_dma source(%dma_start3A_26 : memref<120x128xf32, #tpu.memory_space<hbm>>) target(%dma_start3A_21 : memref<16x128xf32, #tpu.memory_space<vmem>>) offsets(%dma_start3A_23 : memref<16xi32, #tpu.memory_space<vmem>>) semaphore(%arg7 : memref<!tpu.dma_semaphore, #tpu.memory_space<semaphore_mem>>)
      %dma_wait3A_27 = arith.constant 0 : i32
      %dma_wait3A_28 = arith.constant 0 : i32
      %dma_wait3A_29 = tpu.memref_slice %arg6[%dma_wait3A_27, %dma_wait3A_28] : memref<328x128xf32, #tpu.memory_space<vmem>> -> memref<16x128xf32, #tpu.memory_space<vmem>>
      %dma_wait3A_30 = arith.constant 0 : i32
      %dma_wait3A_31 = tpu.memref_slice %arg5[%dma_wait3A_30] : memref<328xi32, #tpu.memory_space<vmem>> -> memref<16xi32, #tpu.memory_space<vmem>>
      %dma_wait3A_32 = arith.constant 0 : i32
      %dma_wait3A_33 = arith.constant 0 : i32
      %dma_wait3A_34 = tpu.memref_slice %arg2[%dma_wait3A_32, %dma_wait3A_33] : memref<120x128xf32, #tpu.memory_space<hbm>> -> memref<120x128xf32, #tpu.memory_space<hbm>>
      tpu.wait_indirect_dma semaphore(%arg7 : memref<!tpu.dma_semaphore, #tpu.memory_space<semaphore_mem>>) src(%dma_wait3A_34 : memref<120x128xf32, #tpu.memory_space<hbm>>) dst(%dma_wait3A_29 : memref<16x128xf32, #tpu.memory_space<vmem>>)
      "tpu.region"() ({
        %run_scoped3A = tpu.sem_alloc : memref<!tpu.dma_semaphore, #tpu.memory_space<semaphore_mem>>
        %dma_start3A_35 = arith.constant 0 : i32
        %dma_start3A_36 = arith.constant 0 : i32
        %dma_start3A_37 = tpu.memref_slice %arg6[%dma_start3A_35, %dma_start3A_36] : memref<328x128xf32, #tpu.memory_space<vmem>> -> memref<16x128xf32, #tpu.memory_space<vmem>>
        %dma_start3A_38 = arith.constant 9984 : i32
        %dma_start3A_39 = arith.constant 0 : i32
        %dma_start3A_40 = tpu.memref_slice %arg4[%dma_start3A_38, %dma_start3A_39] : memref<10000x128xf32, #tpu.memory_space<hbm>> -> memref<16x128xf32, #tpu.memory_space<hbm>>
        %dma_start3A_41 = arith.constant 9984 : i32
        %dma_start3A_42 = arith.constant 0 : i32
        %dma_start3A_43 = tpu.memref_slice %arg4[%dma_start3A_41, %dma_start3A_42] : memref<10000x128xf32, #tpu.memory_space<hbm>> -> memref<16x128xf32, #tpu.memory_space<hbm>>
        %dma_start3A_44 = arith.constant 0 : i32
        %dma_start3A_45 = arith.constant 0 : i32
        %dma_start3A_46 = tpu.memref_slice %arg6[%dma_start3A_44, %dma_start3A_45] : memref<328x128xf32, #tpu.memory_space<vmem>> -> memref<16x128xf32, #tpu.memory_space<vmem>>
        tpu.enqueue_dma source(%dma_start3A_46 : memref<16x128xf32, #tpu.memory_space<vmem>>) target(%dma_start3A_43 : memref<16x128xf32, #tpu.memory_space<hbm>>) target_semaphore(%run_scoped3A : memref<!tpu.dma_semaphore, #tpu.memory_space<semaphore_mem>>)
        %dma_wait3A_47 = arith.constant 0 : i32
        %dma_wait3A_48 = arith.constant 0 : i32
        %dma_wait3A_49 = tpu.memref_slice %arg6[%dma_wait3A_47, %dma_wait3A_48] : memref<328x128xf32, #tpu.memory_space<vmem>> -> memref<16x128xf32, #tpu.memory_space<vmem>>
        %dma_wait3A_50 = arith.constant 9984 : i32
        %dma_wait3A_51 = arith.constant 0 : i32
        %dma_wait3A_52 = tpu.memref_slice %arg4[%dma_wait3A_50, %dma_wait3A_51] : memref<10000x128xf32, #tpu.memory_space<hbm>> -> memref<16x128xf32, #tpu.memory_space<hbm>>
        %dma_wait3A_53 = arith.constant 9984 : i32
        %dma_wait3A_54 = arith.constant 0 : i32
        %dma_wait3A_55 = tpu.memref_slice %arg4[%dma_wait3A_53, %dma_wait3A_54] : memref<10000x128xf32, #tpu.memory_space<hbm>> -> memref<16x128xf32, #tpu.memory_space<hbm>>
        %dma_wait3A_56 = arith.constant 0 : i32
        %dma_wait3A_57 = arith.constant 0 : i32
        %dma_wait3A_58 = tpu.memref_slice %arg6[%dma_wait3A_56, %dma_wait3A_57] : memref<328x128xf32, #tpu.memory_space<vmem>> -> memref<16x128xf32, #tpu.memory_space<vmem>>
        tpu.wait_dma2 semaphore(%run_scoped3A : memref<!tpu.dma_semaphore, #tpu.memory_space<semaphore_mem>>) src(%dma_wait3A_58 : memref<16x128xf32, #tpu.memory_space<vmem>>) dst(%dma_wait3A_55 : memref<16x128xf32, #tpu.memory_space<hbm>>)
        tpu.yield
      }) : () -> ()
    } else {
    }
    return
  }
}

#map = affine_map<(d0, d1) -> (0, 0)>
#map1 = affine_map<(d0, d1) -> (0)>
module attributes {stable_mosaic.version = 14 : i64} {
  func.func @_edge_agg(%arg0: i32, %arg1: i32, %arg2: memref<10000x128xf32, #tpu.memory_space<hbm>>, %arg3: memref<320000xi32, #tpu.memory_space<hbm>>, %arg4: memref<320000xi32, #tpu.memory_space<hbm>>, %arg5: memref<20000x128xf32, #tpu.memory_space<hbm>>, %arg6: memref<128xi32, #tpu.memory_space<vmem>>, %arg7: memref<128xi32, #tpu.memory_space<vmem>>, %arg8: memref<128x128xf32, #tpu.memory_space<vmem>>, %arg9: memref<10000x128xf32, #tpu.memory_space<vmem_shared>>, %arg10: memref<!tpu.dma_semaphore, #tpu.memory_space<semaphore_mem>>) attributes {dimension_semantics = [#tpu.dimension_semantics<core_parallel>, #tpu.dimension_semantics<subcore_parallel>], iteration_bounds = array<i64: 2, 16>, scalar_prefetch = 0 : i64, scratch_operands = 5 : i64, tpu.core_type = #tpu.core_type<sc_vector_subcore>, window_params = [{transform_indices = #map}, {transform_indices = #map1}, {transform_indices = #map1}, {transform_indices = #map}]} {
    %mul3A = arith.constant 2 : i32
    %mul3A_0 = arith.muli %arg1, %mul3A : i32
    %add3A = arith.addi %mul3A_0, %arg0 : i32
    %mul3A_1 = arith.constant 624 : i32
    %mul3A_2 = arith.muli %arg1, %mul3A_1 : i32
    "tpu.region"() ({
      %run_scoped3A = tpu.sem_alloc : memref<!tpu.dma_semaphore, #tpu.memory_space<semaphore_mem>>
      %dma_start3A = arith.constant 0 : i32
      %dma_start3A_19 = tpu.memref_slice %arg9[%mul3A_2, %dma_start3A] : memref<10000x128xf32, #tpu.memory_space<vmem_shared>> -> memref<624x128xf32, #tpu.memory_space<vmem_shared>>
      %dma_start3A_20 = arith.constant 0 : i32
      %dma_start3A_21 = tpu.memref_slice %arg2[%mul3A_2, %dma_start3A_20] : memref<10000x128xf32, #tpu.memory_space<hbm>> -> memref<624x128xf32, #tpu.memory_space<hbm>>
      tpu.enqueue_dma source(%dma_start3A_21 : memref<624x128xf32, #tpu.memory_space<hbm>>) target(%dma_start3A_19 : memref<624x128xf32, #tpu.memory_space<vmem_shared>>) target_semaphore(%run_scoped3A : memref<!tpu.dma_semaphore, #tpu.memory_space<semaphore_mem>>)
      %dma_wait3A = arith.constant 0 : i32
      %dma_wait3A_22 = tpu.memref_slice %arg9[%mul3A_2, %dma_wait3A] : memref<10000x128xf32, #tpu.memory_space<vmem_shared>> -> memref<624x128xf32, #tpu.memory_space<vmem_shared>>
      %dma_wait3A_23 = arith.constant 0 : i32
      %dma_wait3A_24 = tpu.memref_slice %arg2[%mul3A_2, %dma_wait3A_23] : memref<10000x128xf32, #tpu.memory_space<hbm>> -> memref<624x128xf32, #tpu.memory_space<hbm>>
      tpu.wait_dma2 semaphore(%run_scoped3A : memref<!tpu.dma_semaphore, #tpu.memory_space<semaphore_mem>>) src(%dma_wait3A_24 : memref<624x128xf32, #tpu.memory_space<hbm>>) dst(%dma_wait3A_22 : memref<624x128xf32, #tpu.memory_space<vmem_shared>>)
      tpu.yield
    }) : () -> ()
    %eq3A = arith.constant 15 : i32
    %eq3A_3 = arith.cmpi eq, %arg1, %eq3A : i32
    %convert_element_type3A = arith.extui %eq3A_3 : i1 to i32
    %cond3A = arith.constant 0 : i32
    %cond3A_4 = arith.cmpi ne, %convert_element_type3A, %cond3A : i32
    scf.if %cond3A_4 {
      "tpu.region"() ({
        %run_scoped3A = tpu.sem_alloc : memref<!tpu.dma_semaphore, #tpu.memory_space<semaphore_mem>>
        %dma_start3A = arith.constant 9984 : i32
        %dma_start3A_19 = arith.constant 0 : i32
        %dma_start3A_20 = tpu.memref_slice %arg9[%dma_start3A, %dma_start3A_19] : memref<10000x128xf32, #tpu.memory_space<vmem_shared>> -> memref<16x128xf32, #tpu.memory_space<vmem_shared>>
        %dma_start3A_21 = arith.constant 9984 : i32
        %dma_start3A_22 = arith.constant 0 : i32
        %dma_start3A_23 = tpu.memref_slice %arg2[%dma_start3A_21, %dma_start3A_22] : memref<10000x128xf32, #tpu.memory_space<hbm>> -> memref<16x128xf32, #tpu.memory_space<hbm>>
        tpu.enqueue_dma source(%dma_start3A_23 : memref<16x128xf32, #tpu.memory_space<hbm>>) target(%dma_start3A_20 : memref<16x128xf32, #tpu.memory_space<vmem_shared>>) target_semaphore(%run_scoped3A : memref<!tpu.dma_semaphore, #tpu.memory_space<semaphore_mem>>)
        %dma_wait3A = arith.constant 9984 : i32
        %dma_wait3A_24 = arith.constant 0 : i32
        %dma_wait3A_25 = tpu.memref_slice %arg9[%dma_wait3A, %dma_wait3A_24] : memref<10000x128xf32, #tpu.memory_space<vmem_shared>> -> memref<16x128xf32, #tpu.memory_space<vmem_shared>>
        %dma_wait3A_26 = arith.constant 9984 : i32
        %dma_wait3A_27 = arith.constant 0 : i32
        %dma_wait3A_28 = tpu.memref_slice %arg2[%dma_wait3A_26, %dma_wait3A_27] : memref<10000x128xf32, #tpu.memory_space<hbm>> -> memref<16x128xf32, #tpu.memory_space<hbm>>
        tpu.wait_dma2 semaphore(%run_scoped3A : memref<!tpu.dma_semaphore, #tpu.memory_space<semaphore_mem>>) src(%dma_wait3A_28 : memref<16x128xf32, #tpu.memory_space<hbm>>) dst(%dma_wait3A_25 : memref<16x128xf32, #tpu.memory_space<vmem_shared>>)
        tpu.yield
      }) : () -> ()
    } else {
    }
    %barrier3A = arith.constant 0 : index
    tpu.barrier barrier_id(%barrier3A)
    %scan3A = arith.constant 0 : i32
    %scan3A_5 = arith.constant 0 : i32
    %scan3A_6 = arith.constant 79 : i32
    %scan3A_7 = arith.addi %scan3A_5, %scan3A_6 : i32
    %scan3A_8 = arith.constant 1 : i32
    scf.for %scan3A_19 = %scan3A_5 to %scan3A_7 step %scan3A_8  : i32 {
      %mul3A_20 = arith.constant 32 : i32
      %mul3A_21 = arith.muli %scan3A_19, %mul3A_20 : i32
      %add3A_22 = arith.addi %add3A, %mul3A_21 : i32
      %lt3A = arith.constant 2500 : i32
      %lt3A_23 = arith.cmpi slt, %add3A_22, %lt3A : i32
      %convert_element_type3A_24 = arith.extui %lt3A_23 : i1 to i32
      %cond3A_25 = arith.constant 0 : i32
      %cond3A_26 = arith.cmpi ne, %convert_element_type3A_24, %cond3A_25 : i32
      scf.if %cond3A_26 {
        %mul3A_27 = arith.constant 128 : i32
        %mul3A_28 = arith.muli %add3A_22, %mul3A_27 : i32
        "tpu.region"() ({
          %run_scoped3A = tpu.sem_alloc : memref<!tpu.dma_semaphore, #tpu.memory_space<semaphore_mem>>
          %dma_start3A_33 = tpu.memref_slice %arg3[%mul3A_28] : memref<320000xi32, #tpu.memory_space<hbm>> -> memref<128xi32, #tpu.memory_space<hbm>>
          %dma_start3A_34 = tpu.memref_slice %arg3[%mul3A_28] : memref<320000xi32, #tpu.memory_space<hbm>> -> memref<128xi32, #tpu.memory_space<hbm>>
          tpu.enqueue_dma source(%dma_start3A_34 : memref<128xi32, #tpu.memory_space<hbm>>) target(%arg6 : memref<128xi32, #tpu.memory_space<vmem>>) target_semaphore(%run_scoped3A : memref<!tpu.dma_semaphore, #tpu.memory_space<semaphore_mem>>)
          %dma_wait3A_35 = tpu.memref_slice %arg3[%mul3A_28] : memref<320000xi32, #tpu.memory_space<hbm>> -> memref<128xi32, #tpu.memory_space<hbm>>
          %dma_wait3A_36 = tpu.memref_slice %arg3[%mul3A_28] : memref<320000xi32, #tpu.memory_space<hbm>> -> memref<128xi32, #tpu.memory_space<hbm>>
          tpu.wait_dma2 semaphore(%run_scoped3A : memref<!tpu.dma_semaphore, #tpu.memory_space<semaphore_mem>>) src(%dma_wait3A_36 : memref<128xi32, #tpu.memory_space<hbm>>) dst(%arg6 : memref<128xi32, #tpu.memory_space<vmem>>)
          tpu.yield
        }) : () -> ()
        "tpu.region"() ({
          %run_scoped3A = tpu.sem_alloc : memref<!tpu.dma_semaphore, #tpu.memory_space<semaphore_mem>>
          %dma_start3A_33 = tpu.memref_slice %arg4[%mul3A_28] : memref<320000xi32, #tpu.memory_space<hbm>> -> memref<128xi32, #tpu.memory_space<hbm>>
          %dma_start3A_34 = tpu.memref_slice %arg4[%mul3A_28] : memref<320000xi32, #tpu.memory_space<hbm>> -> memref<128xi32, #tpu.memory_space<hbm>>
          tpu.enqueue_dma source(%dma_start3A_34 : memref<128xi32, #tpu.memory_space<hbm>>) target(%arg7 : memref<128xi32, #tpu.memory_space<vmem>>) target_semaphore(%run_scoped3A : memref<!tpu.dma_semaphore, #tpu.memory_space<semaphore_mem>>)
          %dma_wait3A_35 = tpu.memref_slice %arg4[%mul3A_28] : memref<320000xi32, #tpu.memory_space<hbm>> -> memref<128xi32, #tpu.memory_space<hbm>>
          %dma_wait3A_36 = tpu.memref_slice %arg4[%mul3A_28] : memref<320000xi32, #tpu.memory_space<hbm>> -> memref<128xi32, #tpu.memory_space<hbm>>
          tpu.wait_dma2 semaphore(%run_scoped3A : memref<!tpu.dma_semaphore, #tpu.memory_space<semaphore_mem>>) src(%dma_wait3A_36 : memref<128xi32, #tpu.memory_space<hbm>>) dst(%arg7 : memref<128xi32, #tpu.memory_space<vmem>>)
          tpu.yield
        }) : () -> ()
        %dma_start3A = arith.constant 0 : i32
        %dma_start3A_29 = arith.constant 0 : i32
        %dma_start3A_30 = tpu.memref_slice %arg2[%dma_start3A, %dma_start3A_29] : memref<10000x128xf32, #tpu.memory_space<hbm>> -> memref<10000x128xf32, #tpu.memory_space<hbm>>
        tpu.enqueue_indirect_dma source(%dma_start3A_30 : memref<10000x128xf32, #tpu.memory_space<hbm>>) target(%arg8 : memref<128x128xf32, #tpu.memory_space<vmem>>) offsets(%arg6 : memref<128xi32, #tpu.memory_space<vmem>>) semaphore(%arg10 : memref<!tpu.dma_semaphore, #tpu.memory_space<semaphore_mem>>)
        %dma_wait3A = arith.constant 0 : i32
        %dma_wait3A_31 = arith.constant 0 : i32
        %dma_wait3A_32 = tpu.memref_slice %arg2[%dma_wait3A, %dma_wait3A_31] : memref<10000x128xf32, #tpu.memory_space<hbm>> -> memref<10000x128xf32, #tpu.memory_space<hbm>>
        tpu.wait_indirect_dma semaphore(%arg10 : memref<!tpu.dma_semaphore, #tpu.memory_space<semaphore_mem>>) src(%dma_wait3A_32 : memref<10000x128xf32, #tpu.memory_space<hbm>>) dst(%arg8 : memref<128x128xf32, #tpu.memory_space<vmem>>)
        "tpu.region"() ({
          %run_scoped3A = tpu.sem_alloc : memref<!tpu.dma_semaphore, #tpu.memory_space<semaphore_mem>>
          %dma_start3A_33 = arith.constant 0 : i32
          %dma_start3A_34 = arith.constant 0 : i32
          %dma_start3A_35 = tpu.memref_slice %arg9[%dma_start3A_33, %dma_start3A_34] : memref<10000x128xf32, #tpu.memory_space<vmem_shared>> -> memref<10000x128xf32, #tpu.memory_space<vmem_shared>>
          tpu.enqueue_indirect_dma source(%arg8 : memref<128x128xf32, #tpu.memory_space<vmem>>) target(%dma_start3A_35 : memref<10000x128xf32, #tpu.memory_space<vmem_shared>>) offsets(%arg7 : memref<128xi32, #tpu.memory_space<vmem>>) semaphore(%run_scoped3A : memref<!tpu.dma_semaphore, #tpu.memory_space<semaphore_mem>>) {add = true}
          %dma_wait3A_36 = arith.constant 0 : i32
          %dma_wait3A_37 = arith.constant 0 : i32
          %dma_wait3A_38 = tpu.memref_slice %arg9[%dma_wait3A_36, %dma_wait3A_37] : memref<10000x128xf32, #tpu.memory_space<vmem_shared>> -> memref<10000x128xf32, #tpu.memory_space<vmem_shared>>
          tpu.wait_indirect_dma semaphore(%run_scoped3A : memref<!tpu.dma_semaphore, #tpu.memory_space<semaphore_mem>>) src(%arg8 : memref<128x128xf32, #tpu.memory_space<vmem>>) dst(%dma_wait3A_38 : memref<10000x128xf32, #tpu.memory_space<vmem_shared>>)
          tpu.yield
        }) : () -> ()
      } else {
      }
    }
    %scan3A_9 = arith.constant 79 : i32
    %barrier3A_10 = arith.constant 0 : index
    tpu.barrier barrier_id(%barrier3A_10)
    %mul3A_11 = arith.constant 10000 : i32
    %mul3A_12 = arith.muli %arg0, %mul3A_11 : i32
    %add3A_13 = arith.addi %mul3A_12, %mul3A_2 : i32
    "tpu.region"() ({
      %run_scoped3A = tpu.sem_alloc : memref<!tpu.dma_semaphore, #tpu.memory_space<semaphore_mem>>
      %dma_start3A = arith.constant 0 : i32
      %dma_start3A_19 = tpu.memref_slice %arg5[%add3A_13, %dma_start3A] : memref<20000x128xf32, #tpu.memory_space<hbm>> -> memref<624x128xf32, #tpu.memory_space<hbm>>
      %dma_start3A_20 = arith.constant 0 : i32
      %dma_start3A_21 = tpu.memref_slice %arg9[%mul3A_2, %dma_start3A_20] : memref<10000x128xf32, #tpu.memory_space<vmem_shared>> -> memref<624x128xf32, #tpu.memory_space<vmem_shared>>
      tpu.enqueue_dma source(%dma_start3A_21 : memref<624x128xf32, #tpu.memory_space<vmem_shared>>) target(%dma_start3A_19 : memref<624x128xf32, #tpu.memory_space<hbm>>) target_semaphore(%run_scoped3A : memref<!tpu.dma_semaphore, #tpu.memory_space<semaphore_mem>>)
      %dma_wait3A = arith.constant 0 : i32
      %dma_wait3A_22 = tpu.memref_slice %arg5[%add3A_13, %dma_wait3A] : memref<20000x128xf32, #tpu.memory_space<hbm>> -> memref<624x128xf32, #tpu.memory_space<hbm>>
      %dma_wait3A_23 = arith.constant 0 : i32
      %dma_wait3A_24 = tpu.memref_slice %arg9[%mul3A_2, %dma_wait3A_23] : memref<10000x128xf32, #tpu.memory_space<vmem_shared>> -> memref<624x128xf32, #tpu.memory_space<vmem_shared>>
      tpu.wait_dma2 semaphore(%run_scoped3A : memref<!tpu.dma_semaphore, #tpu.memory_space<semaphore_mem>>) src(%dma_wait3A_24 : memref<624x128xf32, #tpu.memory_space<vmem_shared>>) dst(%dma_wait3A_22 : memref<624x128xf32, #tpu.memory_space<hbm>>)
      tpu.yield
    }) : () -> ()
    %eq3A_14 = arith.constant 15 : i32
    %eq3A_15 = arith.cmpi eq, %arg1, %eq3A_14 : i32
    %convert_element_type3A_16 = arith.extui %eq3A_15 : i1 to i32
    %cond3A_17 = arith.constant 0 : i32
    %cond3A_18 = arith.cmpi ne, %convert_element_type3A_16, %cond3A_17 : i32
    scf.if %cond3A_18 {
      %mul3A_19 = arith.constant 10000 : i32
      %mul3A_20 = arith.muli %arg0, %mul3A_19 : i32
      %add3A_21 = arith.constant 9984 : i32
      %add3A_22 = arith.addi %mul3A_20, %add3A_21 : i32
      "tpu.region"() ({
        %run_scoped3A = tpu.sem_alloc : memref<!tpu.dma_semaphore, #tpu.memory_space<semaphore_mem>>
        %dma_start3A = arith.constant 0 : i32
        %dma_start3A_23 = tpu.memref_slice %arg5[%add3A_22, %dma_start3A] : memref<20000x128xf32, #tpu.memory_space<hbm>> -> memref<16x128xf32, #tpu.memory_space<hbm>>
        %dma_start3A_24 = arith.constant 9984 : i32
        %dma_start3A_25 = arith.constant 0 : i32
        %dma_start3A_26 = tpu.memref_slice %arg9[%dma_start3A_24, %dma_start3A_25] : memref<10000x128xf32, #tpu.memory_space<vmem_shared>> -> memref<16x128xf32, #tpu.memory_space<vmem_shared>>
        tpu.enqueue_dma source(%dma_start3A_26 : memref<16x128xf32, #tpu.memory_space<vmem_shared>>) target(%dma_start3A_23 : memref<16x128xf32, #tpu.memory_space<hbm>>) target_semaphore(%run_scoped3A : memref<!tpu.dma_semaphore, #tpu.memory_space<semaphore_mem>>)
        %dma_wait3A = arith.constant 0 : i32
        %dma_wait3A_27 = tpu.memref_slice %arg5[%add3A_22, %dma_wait3A] : memref<20000x128xf32, #tpu.memory_space<hbm>> -> memref<16x128xf32, #tpu.memory_space<hbm>>
        %dma_wait3A_28 = arith.constant 9984 : i32
        %dma_wait3A_29 = arith.constant 0 : i32
        %dma_wait3A_30 = tpu.memref_slice %arg9[%dma_wait3A_28, %dma_wait3A_29] : memref<10000x128xf32, #tpu.memory_space<vmem_shared>> -> memref<16x128xf32, #tpu.memory_space<vmem_shared>>
        tpu.wait_dma2 semaphore(%run_scoped3A : memref<!tpu.dma_semaphore, #tpu.memory_space<semaphore_mem>>) src(%dma_wait3A_30 : memref<16x128xf32, #tpu.memory_space<vmem_shared>>) dst(%dma_wait3A_27 : memref<16x128xf32, #tpu.memory_space<hbm>>)
        tpu.yield
      }) : () -> ()
    } else {
    }
    return
  }
}

#map = affine_map<(d0, d1) -> (0, 0)>
#map1 = affine_map<(d0, d1) -> (0)>
module attributes {stable_mosaic.version = 14 : i64} {
  func.func @_edge_agg(%arg0: i32, %arg1: i32, %arg2: memref<10000x128xf32, #tpu.memory_space<hbm>>, %arg3: memref<320000xi32, #tpu.memory_space<hbm>>, %arg4: memref<320000xi32, #tpu.memory_space<hbm>>, %arg5: memref<20000x128xf32, #tpu.memory_space<hbm>>, %arg6: memref<128xi32, #tpu.memory_space<vmem>>, %arg7: memref<128xi32, #tpu.memory_space<vmem>>, %arg8: memref<128x128xf32, #tpu.memory_space<vmem>>, %arg9: memref<10000x128xf32, #tpu.memory_space<vmem_shared>>, %arg10: memref<!tpu.dma_semaphore, #tpu.memory_space<semaphore_mem>>) attributes {dimension_semantics = [#tpu.dimension_semantics<core_parallel>, #tpu.dimension_semantics<subcore_parallel>], iteration_bounds = array<i64: 2, 16>, scalar_prefetch = 0 : i64, scratch_operands = 5 : i64, tpu.core_type = #tpu.core_type<sc_vector_subcore>, window_params = [{transform_indices = #map}, {transform_indices = #map1}, {transform_indices = #map1}, {transform_indices = #map}]} {
    %mul3A = arith.constant 2 : i32
    %mul3A_0 = arith.muli %arg1, %mul3A : i32
    %add3A = arith.addi %mul3A_0, %arg0 : i32
    %mul3A_1 = arith.constant 624 : i32
    %mul3A_2 = arith.muli %arg1, %mul3A_1 : i32
    "tpu.region"() ({
      %run_scoped3A = tpu.sem_alloc : memref<!tpu.dma_semaphore, #tpu.memory_space<semaphore_mem>>
      %dma_start3A = arith.constant 0 : i32
      %dma_start3A_19 = tpu.memref_slice %arg9[%mul3A_2, %dma_start3A] : memref<10000x128xf32, #tpu.memory_space<vmem_shared>> -> memref<624x128xf32, #tpu.memory_space<vmem_shared>>
      %dma_start3A_20 = arith.constant 0 : i32
      %dma_start3A_21 = tpu.memref_slice %arg2[%mul3A_2, %dma_start3A_20] : memref<10000x128xf32, #tpu.memory_space<hbm>> -> memref<624x128xf32, #tpu.memory_space<hbm>>
      tpu.enqueue_dma source(%dma_start3A_21 : memref<624x128xf32, #tpu.memory_space<hbm>>) target(%dma_start3A_19 : memref<624x128xf32, #tpu.memory_space<vmem_shared>>) target_semaphore(%run_scoped3A : memref<!tpu.dma_semaphore, #tpu.memory_space<semaphore_mem>>)
      %dma_wait3A = arith.constant 0 : i32
      %dma_wait3A_22 = tpu.memref_slice %arg9[%mul3A_2, %dma_wait3A] : memref<10000x128xf32, #tpu.memory_space<vmem_shared>> -> memref<624x128xf32, #tpu.memory_space<vmem_shared>>
      %dma_wait3A_23 = arith.constant 0 : i32
      %dma_wait3A_24 = tpu.memref_slice %arg2[%mul3A_2, %dma_wait3A_23] : memref<10000x128xf32, #tpu.memory_space<hbm>> -> memref<624x128xf32, #tpu.memory_space<hbm>>
      tpu.wait_dma2 semaphore(%run_scoped3A : memref<!tpu.dma_semaphore, #tpu.memory_space<semaphore_mem>>) src(%dma_wait3A_24 : memref<624x128xf32, #tpu.memory_space<hbm>>) dst(%dma_wait3A_22 : memref<624x128xf32, #tpu.memory_space<vmem_shared>>)
      tpu.yield
    }) : () -> ()
    %eq3A = arith.constant 15 : i32
    %eq3A_3 = arith.cmpi eq, %arg1, %eq3A : i32
    %convert_element_type3A = arith.extui %eq3A_3 : i1 to i32
    %cond3A = arith.constant 0 : i32
    %cond3A_4 = arith.cmpi ne, %convert_element_type3A, %cond3A : i32
    scf.if %cond3A_4 {
      "tpu.region"() ({
        %run_scoped3A = tpu.sem_alloc : memref<!tpu.dma_semaphore, #tpu.memory_space<semaphore_mem>>
        %dma_start3A = arith.constant 9984 : i32
        %dma_start3A_19 = arith.constant 0 : i32
        %dma_start3A_20 = tpu.memref_slice %arg9[%dma_start3A, %dma_start3A_19] : memref<10000x128xf32, #tpu.memory_space<vmem_shared>> -> memref<16x128xf32, #tpu.memory_space<vmem_shared>>
        %dma_start3A_21 = arith.constant 9984 : i32
        %dma_start3A_22 = arith.constant 0 : i32
        %dma_start3A_23 = tpu.memref_slice %arg2[%dma_start3A_21, %dma_start3A_22] : memref<10000x128xf32, #tpu.memory_space<hbm>> -> memref<16x128xf32, #tpu.memory_space<hbm>>
        tpu.enqueue_dma source(%dma_start3A_23 : memref<16x128xf32, #tpu.memory_space<hbm>>) target(%dma_start3A_20 : memref<16x128xf32, #tpu.memory_space<vmem_shared>>) target_semaphore(%run_scoped3A : memref<!tpu.dma_semaphore, #tpu.memory_space<semaphore_mem>>)
        %dma_wait3A = arith.constant 9984 : i32
        %dma_wait3A_24 = arith.constant 0 : i32
        %dma_wait3A_25 = tpu.memref_slice %arg9[%dma_wait3A, %dma_wait3A_24] : memref<10000x128xf32, #tpu.memory_space<vmem_shared>> -> memref<16x128xf32, #tpu.memory_space<vmem_shared>>
        %dma_wait3A_26 = arith.constant 9984 : i32
        %dma_wait3A_27 = arith.constant 0 : i32
        %dma_wait3A_28 = tpu.memref_slice %arg2[%dma_wait3A_26, %dma_wait3A_27] : memref<10000x128xf32, #tpu.memory_space<hbm>> -> memref<16x128xf32, #tpu.memory_space<hbm>>
        tpu.wait_dma2 semaphore(%run_scoped3A : memref<!tpu.dma_semaphore, #tpu.memory_space<semaphore_mem>>) src(%dma_wait3A_28 : memref<16x128xf32, #tpu.memory_space<hbm>>) dst(%dma_wait3A_25 : memref<16x128xf32, #tpu.memory_space<vmem_shared>>)
        tpu.yield
      }) : () -> ()
    } else {
    }
    %barrier3A = arith.constant 0 : index
    tpu.barrier barrier_id(%barrier3A)
    %scan3A = arith.constant 0 : i32
    %scan3A_5 = arith.constant 0 : i32
    %scan3A_6 = arith.constant 79 : i32
    %scan3A_7 = arith.addi %scan3A_5, %scan3A_6 : i32
    %scan3A_8 = arith.constant 1 : i32
    scf.for %scan3A_19 = %scan3A_5 to %scan3A_7 step %scan3A_8  : i32 {
      %mul3A_20 = arith.constant 32 : i32
      %mul3A_21 = arith.muli %scan3A_19, %mul3A_20 : i32
      %add3A_22 = arith.addi %add3A, %mul3A_21 : i32
      %lt3A = arith.constant 2500 : i32
      %lt3A_23 = arith.cmpi slt, %add3A_22, %lt3A : i32
      %convert_element_type3A_24 = arith.extui %lt3A_23 : i1 to i32
      %cond3A_25 = arith.constant 0 : i32
      %cond3A_26 = arith.cmpi ne, %convert_element_type3A_24, %cond3A_25 : i32
      scf.if %cond3A_26 {
        %mul3A_27 = arith.constant 128 : i32
        %mul3A_28 = arith.muli %add3A_22, %mul3A_27 : i32
        "tpu.region"() ({
          %run_scoped3A = tpu.sem_alloc : memref<!tpu.dma_semaphore, #tpu.memory_space<semaphore_mem>>
          %dma_start3A_33 = tpu.memref_slice %arg3[%mul3A_28] : memref<320000xi32, #tpu.memory_space<hbm>> -> memref<128xi32, #tpu.memory_space<hbm>>
          %dma_start3A_34 = tpu.memref_slice %arg3[%mul3A_28] : memref<320000xi32, #tpu.memory_space<hbm>> -> memref<128xi32, #tpu.memory_space<hbm>>
          tpu.enqueue_dma source(%dma_start3A_34 : memref<128xi32, #tpu.memory_space<hbm>>) target(%arg6 : memref<128xi32, #tpu.memory_space<vmem>>) target_semaphore(%run_scoped3A : memref<!tpu.dma_semaphore, #tpu.memory_space<semaphore_mem>>)
          %dma_wait3A_35 = tpu.memref_slice %arg3[%mul3A_28] : memref<320000xi32, #tpu.memory_space<hbm>> -> memref<128xi32, #tpu.memory_space<hbm>>
          %dma_wait3A_36 = tpu.memref_slice %arg3[%mul3A_28] : memref<320000xi32, #tpu.memory_space<hbm>> -> memref<128xi32, #tpu.memory_space<hbm>>
          tpu.wait_dma2 semaphore(%run_scoped3A : memref<!tpu.dma_semaphore, #tpu.memory_space<semaphore_mem>>) src(%dma_wait3A_36 : memref<128xi32, #tpu.memory_space<hbm>>) dst(%arg6 : memref<128xi32, #tpu.memory_space<vmem>>)
          tpu.yield
        }) : () -> ()
        "tpu.region"() ({
          %run_scoped3A = tpu.sem_alloc : memref<!tpu.dma_semaphore, #tpu.memory_space<semaphore_mem>>
          %dma_start3A_33 = tpu.memref_slice %arg4[%mul3A_28] : memref<320000xi32, #tpu.memory_space<hbm>> -> memref<128xi32, #tpu.memory_space<hbm>>
          %dma_start3A_34 = tpu.memref_slice %arg4[%mul3A_28] : memref<320000xi32, #tpu.memory_space<hbm>> -> memref<128xi32, #tpu.memory_space<hbm>>
          tpu.enqueue_dma source(%dma_start3A_34 : memref<128xi32, #tpu.memory_space<hbm>>) target(%arg7 : memref<128xi32, #tpu.memory_space<vmem>>) target_semaphore(%run_scoped3A : memref<!tpu.dma_semaphore, #tpu.memory_space<semaphore_mem>>)
          %dma_wait3A_35 = tpu.memref_slice %arg4[%mul3A_28] : memref<320000xi32, #tpu.memory_space<hbm>> -> memref<128xi32, #tpu.memory_space<hbm>>
          %dma_wait3A_36 = tpu.memref_slice %arg4[%mul3A_28] : memref<320000xi32, #tpu.memory_space<hbm>> -> memref<128xi32, #tpu.memory_space<hbm>>
          tpu.wait_dma2 semaphore(%run_scoped3A : memref<!tpu.dma_semaphore, #tpu.memory_space<semaphore_mem>>) src(%dma_wait3A_36 : memref<128xi32, #tpu.memory_space<hbm>>) dst(%arg7 : memref<128xi32, #tpu.memory_space<vmem>>)
          tpu.yield
        }) : () -> ()
        %dma_start3A = arith.constant 0 : i32
        %dma_start3A_29 = arith.constant 0 : i32
        %dma_start3A_30 = tpu.memref_slice %arg2[%dma_start3A, %dma_start3A_29] : memref<10000x128xf32, #tpu.memory_space<hbm>> -> memref<10000x128xf32, #tpu.memory_space<hbm>>
        tpu.enqueue_indirect_dma source(%dma_start3A_30 : memref<10000x128xf32, #tpu.memory_space<hbm>>) target(%arg8 : memref<128x128xf32, #tpu.memory_space<vmem>>) offsets(%arg6 : memref<128xi32, #tpu.memory_space<vmem>>) semaphore(%arg10 : memref<!tpu.dma_semaphore, #tpu.memory_space<semaphore_mem>>)
        %dma_wait3A = arith.constant 0 : i32
        %dma_wait3A_31 = arith.constant 0 : i32
        %dma_wait3A_32 = tpu.memref_slice %arg2[%dma_wait3A, %dma_wait3A_31] : memref<10000x128xf32, #tpu.memory_space<hbm>> -> memref<10000x128xf32, #tpu.memory_space<hbm>>
        tpu.wait_indirect_dma semaphore(%arg10 : memref<!tpu.dma_semaphore, #tpu.memory_space<semaphore_mem>>) src(%dma_wait3A_32 : memref<10000x128xf32, #tpu.memory_space<hbm>>) dst(%arg8 : memref<128x128xf32, #tpu.memory_space<vmem>>)
        "tpu.region"() ({
          %run_scoped3A = tpu.sem_alloc : memref<!tpu.dma_semaphore, #tpu.memory_space<semaphore_mem>>
          %dma_start3A_33 = arith.constant 0 : i32
          %dma_start3A_34 = arith.constant 0 : i32
          %dma_start3A_35 = tpu.memref_slice %arg9[%dma_start3A_33, %dma_start3A_34] : memref<10000x128xf32, #tpu.memory_space<vmem_shared>> -> memref<10000x128xf32, #tpu.memory_space<vmem_shared>>
          tpu.enqueue_indirect_dma source(%arg8 : memref<128x128xf32, #tpu.memory_space<vmem>>) target(%dma_start3A_35 : memref<10000x128xf32, #tpu.memory_space<vmem_shared>>) offsets(%arg7 : memref<128xi32, #tpu.memory_space<vmem>>) semaphore(%run_scoped3A : memref<!tpu.dma_semaphore, #tpu.memory_space<semaphore_mem>>) {add = true}
          %dma_wait3A_36 = arith.constant 0 : i32
          %dma_wait3A_37 = arith.constant 0 : i32
          %dma_wait3A_38 = tpu.memref_slice %arg9[%dma_wait3A_36, %dma_wait3A_37] : memref<10000x128xf32, #tpu.memory_space<vmem_shared>> -> memref<10000x128xf32, #tpu.memory_space<vmem_shared>>
          tpu.wait_indirect_dma semaphore(%run_scoped3A : memref<!tpu.dma_semaphore, #tpu.memory_space<semaphore_mem>>) src(%arg8 : memref<128x128xf32, #tpu.memory_space<vmem>>) dst(%dma_wait3A_38 : memref<10000x128xf32, #tpu.memory_space<vmem_shared>>)
          tpu.yield
        }) : () -> ()
      } else {
      }
    }
    %scan3A_9 = arith.constant 79 : i32
    %barrier3A_10 = arith.constant 0 : index
    tpu.barrier barrier_id(%barrier3A_10)
    %mul3A_11 = arith.constant 10000 : i32
    %mul3A_12 = arith.muli %arg0, %mul3A_11 : i32
    %add3A_13 = arith.addi %mul3A_12, %mul3A_2 : i32
    "tpu.region"() ({
      %run_scoped3A = tpu.sem_alloc : memref<!tpu.dma_semaphore, #tpu.memory_space<semaphore_mem>>
      %dma_start3A = arith.constant 0 : i32
      %dma_start3A_19 = tpu.memref_slice %arg5[%add3A_13, %dma_start3A] : memref<20000x128xf32, #tpu.memory_space<hbm>> -> memref<624x128xf32, #tpu.memory_space<hbm>>
      %dma_start3A_20 = arith.constant 0 : i32
      %dma_start3A_21 = tpu.memref_slice %arg9[%mul3A_2, %dma_start3A_20] : memref<10000x128xf32, #tpu.memory_space<vmem_shared>> -> memref<624x128xf32, #tpu.memory_space<vmem_shared>>
      tpu.enqueue_dma source(%dma_start3A_21 : memref<624x128xf32, #tpu.memory_space<vmem_shared>>) target(%dma_start3A_19 : memref<624x128xf32, #tpu.memory_space<hbm>>) target_semaphore(%run_scoped3A : memref<!tpu.dma_semaphore, #tpu.memory_space<semaphore_mem>>)
      %dma_wait3A = arith.constant 0 : i32
      %dma_wait3A_22 = tpu.memref_slice %arg5[%add3A_13, %dma_wait3A] : memref<20000x128xf32, #tpu.memory_space<hbm>> -> memref<624x128xf32, #tpu.memory_space<hbm>>
      %dma_wait3A_23 = arith.constant 0 : i32
      %dma_wait3A_24 = tpu.memref_slice %arg9[%mul3A_2, %dma_wait3A_23] : memref<10000x128xf32, #tpu.memory_space<vmem_shared>> -> memref<624x128xf32, #tpu.memory_space<vmem_shared>>
      tpu.wait_dma2 semaphore(%run_scoped3A : memref<!tpu.dma_semaphore, #tpu.memory_space<semaphore_mem>>) src(%dma_wait3A_24 : memref<624x128xf32, #tpu.memory_space<vmem_shared>>) dst(%dma_wait3A_22 : memref<624x128xf32, #tpu.memory_space<hbm>>)
      tpu.yield
    }) : () -> ()
    %eq3A_14 = arith.constant 15 : i32
    %eq3A_15 = arith.cmpi eq, %arg1, %eq3A_14 : i32
    %convert_element_type3A_16 = arith.extui %eq3A_15 : i1 to i32
    %cond3A_17 = arith.constant 0 : i32
    %cond3A_18 = arith.cmpi ne, %convert_element_type3A_16, %cond3A_17 : i32
    scf.if %cond3A_18 {
      %mul3A_19 = arith.constant 10000 : i32
      %mul3A_20 = arith.muli %arg0, %mul3A_19 : i32
      %add3A_21 = arith.constant 9984 : i32
      %add3A_22 = arith.addi %mul3A_20, %add3A_21 : i32
      "tpu.region"() ({
        %run_scoped3A = tpu.sem_alloc : memref<!tpu.dma_semaphore, #tpu.memory_space<semaphore_mem>>
        %dma_start3A = arith.constant 0 : i32
        %dma_start3A_23 = tpu.memref_slice %arg5[%add3A_22, %dma_start3A] : memref<20000x128xf32, #tpu.memory_space<hbm>> -> memref<16x128xf32, #tpu.memory_space<hbm>>
        %dma_start3A_24 = arith.constant 9984 : i32
        %dma_start3A_25 = arith.constant 0 : i32
        %dma_start3A_26 = tpu.memref_slice %arg9[%dma_start3A_24, %dma_start3A_25] : memref<10000x128xf32, #tpu.memory_space<vmem_shared>> -> memref<16x128xf32, #tpu.memory_space<vmem_shared>>
        tpu.enqueue_dma source(%dma_start3A_26 : memref<16x128xf32, #tpu.memory_space<vmem_shared>>) target(%dma_start3A_23 : memref<16x128xf32, #tpu.memory_space<hbm>>) target_semaphore(%run_scoped3A : memref<!tpu.dma_semaphore, #tpu.memory_space<semaphore_mem>>)
        %dma_wait3A = arith.constant 0 : i32
        %dma_wait3A_27 = tpu.memref_slice %arg5[%add3A_22, %dma_wait3A] : memref<20000x128xf32, #tpu.memory_space<hbm>> -> memref<16x128xf32, #tpu.memory_space<hbm>>
        %dma_wait3A_28 = arith.constant 9984 : i32
        %dma_wait3A_29 = arith.constant 0 : i32
        %dma_wait3A_30 = tpu.memref_slice %arg9[%dma_wait3A_28, %dma_wait3A_29] : memref<10000x128xf32, #tpu.memory_space<vmem_shared>> -> memref<16x128xf32, #tpu.memory_space<vmem_shared>>
        tpu.wait_dma2 semaphore(%run_scoped3A : memref<!tpu.dma_semaphore, #tpu.memory_space<semaphore_mem>>) src(%dma_wait3A_30 : memref<16x128xf32, #tpu.memory_space<vmem_shared>>) dst(%dma_wait3A_27 : memref<16x128xf32, #tpu.memory_space<hbm>>)
        tpu.yield
      }) : () -> ()
    } else {
    }
    return
  }
}

module attributes {stable_mosaic.version = 14 : i64} {
  func.func @_dense_pool_body(%arg0: memref<10000x128xf32, #tpu.memory_space<vmem>>, %arg1: memref<2x10000x128xf32, #tpu.memory_space<vmem>>, %arg2: memref<128x128xf32, #tpu.memory_space<vmem>>, %arg3: memref<1x128xf32, #tpu.memory_space<vmem>>, %arg4: memref<128x128xf32, #tpu.memory_space<vmem>>, %arg5: memref<1x128xf32, #tpu.memory_space<vmem>>, %arg6: memref<1x128xf32, #tpu.memory_space<vmem>>, %arg7: memref<1x128xf32, #tpu.memory_space<vmem>>, %arg8: memref<10000x1xi32, #tpu.memory_space<vmem>>, %arg9: memref<128x128xf32, #tpu.memory_space<vmem>>) attributes {dimension_semantics = [], scalar_prefetch = 0 : i64, scratch_operands = 0 : i64, tpu.core_type = #tpu.core_type<tc>} {
    %get3A = arith.constant 0 : index
    %get3A_0 = arith.constant 0 : index
    %get3A_1 = vector.load %arg0[%get3A, %get3A_0] : memref<10000x128xf32, #tpu.memory_space<vmem>>, vector<10000x128xf32>
    %get3A_2 = arith.constant 0 : index
    %get3A_3 = arith.constant 0 : index
    %get3A_4 = arith.constant 0 : index
    %get3A_5 = vector.load %arg1[%get3A_2, %get3A_3, %get3A_4] : memref<2x10000x128xf32, #tpu.memory_space<vmem>>, vector<1x10000x128xf32>
    %get3A_6 = vector.shape_cast %get3A_5 : vector<1x10000x128xf32> to vector<10000x128xf32>
    %get3A_7 = arith.constant 1 : index
    %get3A_8 = arith.constant 0 : index
    %get3A_9 = arith.constant 0 : index
    %get3A_10 = vector.load %arg1[%get3A_7, %get3A_8, %get3A_9] : memref<2x10000x128xf32, #tpu.memory_space<vmem>>, vector<1x10000x128xf32>
    %get3A_11 = vector.shape_cast %get3A_10 : vector<1x10000x128xf32> to vector<10000x128xf32>
    %get3A_12 = arith.constant 0 : index
    %get3A_13 = arith.constant 0 : index
    %get3A_14 = vector.load %arg2[%get3A_12, %get3A_13] : memref<128x128xf32, #tpu.memory_space<vmem>>, vector<128x128xf32>
    %get3A_15 = arith.constant 0 : index
    %get3A_16 = arith.constant 0 : index
    %get3A_17 = vector.load %arg3[%get3A_15, %get3A_16] : memref<1x128xf32, #tpu.memory_space<vmem>>, vector<1x128xf32>
    %get3A_18 = arith.constant 0 : index
    %get3A_19 = arith.constant 0 : index
    %get3A_20 = vector.load %arg4[%get3A_18, %get3A_19] : memref<128x128xf32, #tpu.memory_space<vmem>>, vector<128x128xf32>
    %get3A_21 = arith.constant 0 : index
    %get3A_22 = arith.constant 0 : index
    %get3A_23 = vector.load %arg5[%get3A_21, %get3A_22] : memref<1x128xf32, #tpu.memory_space<vmem>>, vector<1x128xf32>
    %get3A_24 = arith.constant 0 : index
    %get3A_25 = arith.constant 0 : index
    %get3A_26 = vector.load %arg6[%get3A_24, %get3A_25] : memref<1x128xf32, #tpu.memory_space<vmem>>, vector<1x128xf32>
    %get3A_27 = arith.constant 0 : index
    %get3A_28 = arith.constant 0 : index
    %get3A_29 = vector.load %arg7[%get3A_27, %get3A_28] : memref<1x128xf32, #tpu.memory_space<vmem>>, vector<1x128xf32>
    %add3A = arith.addf %get3A_6, %get3A_11 : vector<10000x128xf32>
    %sub3A = arith.subf %add3A, %get3A_1 : vector<10000x128xf32>
    %dot_general3A = arith.constant dense<0.000000e+00> : vector<10000x128xf32>
    %dot_general3A_30 = tpu.matmul %sub3A, %get3A_14, %dot_general3A {dimension_numbers = #tpu.dot_dimension_numbers<[1], [0], [0], [1], [0, 0, 1, 1], [], []>, precision = #tpu.contract_precision<fp32>, transpose_lhs_hint = false} : vector<10000x128xf32>, vector<128x128xf32>, vector<10000x128xf32> -> vector<10000x128xf32>
    %add3A_31 = vector.broadcast %get3A_17 : vector<1x128xf32> to vector<10000x128xf32>
    %add3A_32 = arith.addf %dot_general3A_30, %add3A_31 : vector<10000x128xf32>
    %max3A = arith.constant 0.000000e+00 : f32
    %max3A_33 = vector.broadcast %max3A : f32 to vector<10000x128xf32>
    %max3A_34 = arith.maximumf %add3A_32, %max3A_33 : vector<10000x128xf32>
    %dot_general3A_35 = arith.constant dense<0.000000e+00> : vector<10000x128xf32>
    %dot_general3A_36 = tpu.matmul %max3A_34, %get3A_20, %dot_general3A_35 {dimension_numbers = #tpu.dot_dimension_numbers<[1], [0], [0], [1], [0, 0, 1, 1], [], []>, precision = #tpu.contract_precision<fp32>, transpose_lhs_hint = false} : vector<10000x128xf32>, vector<128x128xf32>, vector<10000x128xf32> -> vector<10000x128xf32>
    %add3A_37 = vector.broadcast %get3A_23 : vector<1x128xf32> to vector<10000x128xf32>
    %add3A_38 = arith.addf %dot_general3A_36, %add3A_37 : vector<10000x128xf32>
    %max3A_39 = arith.constant 0.000000e+00 : f32
    %max3A_40 = vector.broadcast %max3A_39 : f32 to vector<10000x128xf32>
    %max3A_41 = arith.maximumf %add3A_38, %max3A_40 : vector<10000x128xf32>
    %reduce_sum3A = arith.constant dense<0.000000e+00> : vector<128xf32>
    %reduce_sum3A_42 = vector.multi_reduction <add>, %max3A_41, %reduce_sum3A [0] : vector<10000x128xf32> to vector<128xf32>
    %broadcast_in_dim3A = vector.shape_cast %reduce_sum3A_42 : vector<128xf32> to vector<1x128xf32>
    %div3A = arith.constant 1.000000e+04 : f32
    %div3A_43 = vector.broadcast %div3A : f32 to vector<1x128xf32>
    %div3A_44 = arith.divf %broadcast_in_dim3A, %div3A_43 : vector<1x128xf32>
    %sub3A_45 = vector.broadcast %div3A_44 : vector<1x128xf32> to vector<10000x128xf32>
    %sub3A_46 = arith.subf %max3A_41, %sub3A_45 : vector<10000x128xf32>
    %integer_pow3A = arith.mulf %sub3A_46, %sub3A_46 : vector<10000x128xf32>
    %reduce_sum3A_47 = arith.constant dense<0.000000e+00> : vector<128xf32>
    %reduce_sum3A_48 = vector.multi_reduction <add>, %integer_pow3A, %reduce_sum3A_47 [0] : vector<10000x128xf32> to vector<128xf32>
    %broadcast_in_dim3A_49 = vector.shape_cast %reduce_sum3A_48 : vector<128xf32> to vector<1x128xf32>
    %div3A_50 = arith.constant 1.000000e+04 : f32
    %div3A_51 = vector.broadcast %div3A_50 : f32 to vector<1x128xf32>
    %div3A_52 = arith.divf %broadcast_in_dim3A_49, %div3A_51 : vector<1x128xf32>
    %sub3A_53 = vector.broadcast %div3A_44 : vector<1x128xf32> to vector<10000x128xf32>
    %sub3A_54 = arith.subf %max3A_41, %sub3A_53 : vector<10000x128xf32>
    %add3A_55 = arith.constant 9.99999974E-6 : f32
    %add3A_56 = vector.broadcast %add3A_55 : f32 to vector<1x128xf32>
    %add3A_57 = arith.addf %div3A_52, %add3A_56 : vector<1x128xf32>
    %sqrt3A = math.sqrt %add3A_57 : vector<1x128xf32>
    %div3A_58 = vector.broadcast %sqrt3A : vector<1x128xf32> to vector<10000x128xf32>
    %div3A_59 = arith.divf %sub3A_54, %div3A_58 : vector<10000x128xf32>
    %mul3A = vector.broadcast %get3A_26 : vector<1x128xf32> to vector<10000x128xf32>
    %mul3A_60 = arith.mulf %div3A_59, %mul3A : vector<10000x128xf32>
    %add3A_61 = vector.broadcast %get3A_29 : vector<1x128xf32> to vector<10000x128xf32>
    %add3A_62 = arith.addf %mul3A_60, %add3A_61 : vector<10000x128xf32>
    %iota3A = tpu.iota {dimensions = array<i32: 1>} : vector<10000x128xi32>
    %get3A_63 = arith.constant 0 : index
    %get3A_64 = arith.constant 0 : index
    %get3A_65 = vector.load %arg8[%get3A_63, %get3A_64] : memref<10000x1xi32, #tpu.memory_space<vmem>>, vector<10000x1xi32>
    %eq3A = vector.broadcast %get3A_65 : vector<10000x1xi32> to vector<10000x128xi32>
    %eq3A_66 = arith.cmpi eq, %eq3A, %iota3A : vector<10000x128xi32>
    %convert_element_type3A = arith.extui %eq3A_66 : vector<10000x128xi1> to vector<10000x128xi32>
    %convert_element_type3A_67 = arith.sitofp %convert_element_type3A : vector<10000x128xi32> to vector<10000x128xf32>
    %dot_general3A_68 = arith.constant dense<0.000000e+00> : vector<128x128xf32>
    %dot_general3A_69 = tpu.matmul %convert_element_type3A_67, %add3A_62, %dot_general3A_68 {dimension_numbers = #tpu.dot_dimension_numbers<[0], [0], [1], [1], [0, 1, 1, 1], [], []>, precision = #tpu.contract_precision<fp32>, transpose_lhs_hint = false} : vector<10000x128xf32>, vector<10000x128xf32>, vector<128x128xf32> -> vector<128x128xf32>
    %swap3A = arith.constant 0 : index
    %swap3A_70 = arith.constant 0 : index
    %swap3A_71 = vector.load %arg9[%swap3A, %swap3A_70] : memref<128x128xf32, #tpu.memory_space<vmem>>, vector<128x128xf32>
    tpu.vector_store %arg9[%swap3A, %swap3A_70], %dot_general3A_69 {strides = array<i32>} : memref<128x128xf32, #tpu.memory_space<vmem>>, vector<128x128xf32>,
    return
  }
}

module attributes {stable_mosaic.version = 14 : i64} {
  func.func @_head_body(%arg0: memref<128x128xf32, #tpu.memory_space<vmem>>, %arg1: memref<128x954xf32, #tpu.memory_space<vmem>>, %arg2: memref<128x128xf32, #tpu.memory_space<vmem>>, %arg3: memref<1x128xf32, #tpu.memory_space<vmem>>, %arg4: memref<954x128xf32, #tpu.memory_space<vmem>>, %arg5: memref<1x128xf32, #tpu.memory_space<vmem>>, %arg6: memref<128x128xf32, #tpu.memory_space<vmem>>, %arg7: memref<1x128xf32, #tpu.memory_space<vmem>>, %arg8: memref<256x1024xf32, #tpu.memory_space<vmem>>, %arg9: memref<1x1024xf32, #tpu.memory_space<vmem>>, %arg10: memref<1024x1024xf32, #tpu.memory_space<vmem>>, %arg11: memref<1x1024xf32, #tpu.memory_space<vmem>>, %arg12: memref<1024x1xf32, #tpu.memory_space<vmem>>, %arg13: memref<1x1xf32, #tpu.memory_space<vmem>>, %arg14: memref<128x1xf32, #tpu.memory_space<vmem>>) attributes {dimension_semantics = [], scalar_prefetch = 0 : i64, scratch_operands = 0 : i64, tpu.core_type = #tpu.core_type<tc>} {
    %get3A = arith.constant 0 : index
    %get3A_0 = arith.constant 0 : index
    %get3A_1 = vector.load %arg0[%get3A, %get3A_0] : memref<128x128xf32, #tpu.memory_space<vmem>>, vector<128x128xf32>
    %get3A_2 = arith.constant 0 : index
    %get3A_3 = arith.constant 0 : index
    %get3A_4 = vector.load %arg2[%get3A_2, %get3A_3] : memref<128x128xf32, #tpu.memory_space<vmem>>, vector<128x128xf32>
    %dot_general3A = arith.constant dense<0.000000e+00> : vector<128x128xf32>
    %dot_general3A_5 = tpu.matmul %get3A_1, %get3A_4, %dot_general3A {dimension_numbers = #tpu.dot_dimension_numbers<[1], [0], [0], [1], [0, 0, 1, 1], [], []>, precision = #tpu.contract_precision<fp32>, transpose_lhs_hint = false} : vector<128x128xf32>, vector<128x128xf32>, vector<128x128xf32> -> vector<128x128xf32>
    %get3A_6 = arith.constant 0 : index
    %get3A_7 = arith.constant 0 : index
    %get3A_8 = vector.load %arg3[%get3A_6, %get3A_7] : memref<1x128xf32, #tpu.memory_space<vmem>>, vector<1x128xf32>
    %add3A = vector.broadcast %get3A_8 : vector<1x128xf32> to vector<128x128xf32>
    %add3A_9 = arith.addf %dot_general3A_5, %add3A : vector<128x128xf32>
    %max3A = arith.constant 0.000000e+00 : f32
    %max3A_10 = vector.broadcast %max3A : f32 to vector<128x128xf32>
    %max3A_11 = arith.maximumf %add3A_9, %max3A_10 : vector<128x128xf32>
    %get3A_12 = arith.constant 0 : index
    %get3A_13 = arith.constant 0 : index
    %get3A_14 = vector.load %arg1[%get3A_12, %get3A_13] : memref<128x954xf32, #tpu.memory_space<vmem>>, vector<128x954xf32>
    %get3A_15 = arith.constant 0 : index
    %get3A_16 = arith.constant 0 : index
    %get3A_17 = vector.load %arg4[%get3A_15, %get3A_16] : memref<954x128xf32, #tpu.memory_space<vmem>>, vector<954x128xf32>
    %dot_general3A_18 = arith.constant dense<0.000000e+00> : vector<128x128xf32>
    %dot_general3A_19 = tpu.matmul %get3A_14, %get3A_17, %dot_general3A_18 {dimension_numbers = #tpu.dot_dimension_numbers<[1], [0], [0], [1], [0, 0, 1, 1], [], []>, precision = #tpu.contract_precision<fp32>, transpose_lhs_hint = false} : vector<128x954xf32>, vector<954x128xf32>, vector<128x128xf32> -> vector<128x128xf32>
    %get3A_20 = arith.constant 0 : index
    %get3A_21 = arith.constant 0 : index
    %get3A_22 = vector.load %arg5[%get3A_20, %get3A_21] : memref<1x128xf32, #tpu.memory_space<vmem>>, vector<1x128xf32>
    %add3A_23 = vector.broadcast %get3A_22 : vector<1x128xf32> to vector<128x128xf32>
    %add3A_24 = arith.addf %dot_general3A_19, %add3A_23 : vector<128x128xf32>
    %mul3A = arith.constant 5.000000e-01 : f32
    %mul3A_25 = vector.broadcast %mul3A : f32 to vector<128x128xf32>
    %mul3A_26 = arith.mulf %add3A_24, %mul3A_25 : vector<128x128xf32>
    %mul3A_27 = arith.constant 0.707106769 : f32
    %mul3A_28 = vector.broadcast %mul3A_27 : f32 to vector<128x128xf32>
    %mul3A_29 = arith.mulf %add3A_24, %mul3A_28 : vector<128x128xf32>
    %erf3A = math.erf %mul3A_29 : vector<128x128xf32>
    %add3A_30 = arith.constant 1.000000e+00 : f32
    %add3A_31 = vector.broadcast %add3A_30 : f32 to vector<128x128xf32>
    %add3A_32 = arith.addf %add3A_31, %erf3A : vector<128x128xf32>
    %mul3A_33 = arith.mulf %mul3A_26, %add3A_32 : vector<128x128xf32>
    %get3A_34 = arith.constant 0 : index
    %get3A_35 = arith.constant 0 : index
    %get3A_36 = vector.load %arg6[%get3A_34, %get3A_35] : memref<128x128xf32, #tpu.memory_space<vmem>>, vector<128x128xf32>
    %dot_general3A_37 = arith.constant dense<0.000000e+00> : vector<128x128xf32>
    %dot_general3A_38 = tpu.matmul %mul3A_33, %get3A_36, %dot_general3A_37 {dimension_numbers = #tpu.dot_dimension_numbers<[1], [0], [0], [1], [0, 0, 1, 1], [], []>, precision = #tpu.contract_precision<fp32>, transpose_lhs_hint = false} : vector<128x128xf32>, vector<128x128xf32>, vector<128x128xf32> -> vector<128x128xf32>
    %get3A_39 = arith.constant 0 : index
    %get3A_40 = arith.constant 0 : index
    %get3A_41 = vector.load %arg7[%get3A_39, %get3A_40] : memref<1x128xf32, #tpu.memory_space<vmem>>, vector<1x128xf32>
    %add3A_42 = vector.broadcast %get3A_41 : vector<1x128xf32> to vector<128x128xf32>
    %add3A_43 = arith.addf %dot_general3A_38, %add3A_42 : vector<128x128xf32>
    %concatenate3A = tpu.concatenate %max3A_11, %add3A_43 in 1 : vector<128x128xf32>, vector<128x128xf32> -> vector<128x256xf32>
    %get3A_44 = arith.constant 0 : index
    %get3A_45 = arith.constant 0 : index
    %get3A_46 = vector.load %arg8[%get3A_44, %get3A_45] : memref<256x1024xf32, #tpu.memory_space<vmem>>, vector<256x1024xf32>
    %dot_general3A_47 = arith.constant dense<0.000000e+00> : vector<128x1024xf32>
    %dot_general3A_48 = tpu.matmul %concatenate3A, %get3A_46, %dot_general3A_47 {dimension_numbers = #tpu.dot_dimension_numbers<[1], [0], [0], [1], [0, 0, 1, 1], [], []>, precision = #tpu.contract_precision<fp32>, transpose_lhs_hint = false} : vector<128x256xf32>, vector<256x1024xf32>, vector<128x1024xf32> -> vector<128x1024xf32>
    %get3A_49 = arith.constant 0 : index
    %get3A_50 = arith.constant 0 : index
    %get3A_51 = vector.load %arg9[%get3A_49, %get3A_50] : memref<1x1024xf32, #tpu.memory_space<vmem>>, vector<1x1024xf32>
    %add3A_52 = vector.broadcast %get3A_51 : vector<1x1024xf32> to vector<128x1024xf32>
    %add3A_53 = arith.addf %dot_general3A_48, %add3A_52 : vector<128x1024xf32>
    %max3A_54 = arith.constant 0.000000e+00 : f32
    %max3A_55 = vector.broadcast %max3A_54 : f32 to vector<128x1024xf32>
    %max3A_56 = arith.maximumf %add3A_53, %max3A_55 : vector<128x1024xf32>
    %get3A_57 = arith.constant 0 : index
    %get3A_58 = arith.constant 0 : index
    %get3A_59 = vector.load %arg10[%get3A_57, %get3A_58] : memref<1024x1024xf32, #tpu.memory_space<vmem>>, vector<1024x1024xf32>
    %dot_general3A_60 = arith.constant dense<0.000000e+00> : vector<128x1024xf32>
    %dot_general3A_61 = tpu.matmul %max3A_56, %get3A_59, %dot_general3A_60 {dimension_numbers = #tpu.dot_dimension_numbers<[1], [0], [0], [1], [0, 0, 1, 1], [], []>, precision = #tpu.contract_precision<fp32>, transpose_lhs_hint = false} : vector<128x1024xf32>, vector<1024x1024xf32>, vector<128x1024xf32> -> vector<128x1024xf32>
    %get3A_62 = arith.constant 0 : index
    %get3A_63 = arith.constant 0 : index
    %get3A_64 = vector.load %arg11[%get3A_62, %get3A_63] : memref<1x1024xf32, #tpu.memory_space<vmem>>, vector<1x1024xf32>
    %add3A_65 = vector.broadcast %get3A_64 : vector<1x1024xf32> to vector<128x1024xf32>
    %add3A_66 = arith.addf %dot_general3A_61, %add3A_65 : vector<128x1024xf32>
    %max3A_67 = arith.constant 0.000000e+00 : f32
    %max3A_68 = vector.broadcast %max3A_67 : f32 to vector<128x1024xf32>
    %max3A_69 = arith.maximumf %add3A_66, %max3A_68 : vector<128x1024xf32>
    %get3A_70 = arith.constant 0 : index
    %get3A_71 = arith.constant 0 : index
    %get3A_72 = vector.load %arg12[%get3A_70, %get3A_71] : memref<1024x1xf32, #tpu.memory_space<vmem>>, vector<1024x1xf32>
    %dot_general3A_73 = arith.constant dense<0.000000e+00> : vector<128x1xf32>
    %dot_general3A_74 = tpu.matmul %max3A_69, %get3A_72, %dot_general3A_73 {dimension_numbers = #tpu.dot_dimension_numbers<[1], [0], [0], [1], [0, 0, 1, 1], [], []>, precision = #tpu.contract_precision<fp32>, transpose_lhs_hint = false} : vector<128x1024xf32>, vector<1024x1xf32>, vector<128x1xf32> -> vector<128x1xf32>
    %get3A_75 = arith.constant 0 : index
    %get3A_76 = arith.constant 0 : index
    %get3A_77 = vector.load %arg13[%get3A_75, %get3A_76] : memref<1x1xf32, #tpu.memory_space<vmem>>, vector<1x1xf32>
    %add3A_78 = vector.broadcast %get3A_77 : vector<1x1xf32> to vector<128x1xf32>
    %add3A_79 = arith.addf %dot_general3A_74, %add3A_78 : vector<128x1xf32>
    %swap3A = arith.constant 0 : index
    %swap3A_80 = arith.constant 0 : index
    %swap3A_81 = vector.load %arg14[%swap3A, %swap3A_80] : memref<128x1xf32, #tpu.memory_space<vmem>>, vector<128x1xf32>
    tpu.vector_store %arg14[%swap3A, %swap3A_80], %add3A_79 {strides = array<i32>} : memref<128x1xf32, #tpu.memory_space<vmem>>, vector<128x1xf32>,
    return
  }
}

</mosaic_0001>

<sc_bundles>
// kernel: kernel.10.cloned.1.call-start
scs
__scs_entry_jumppad:
0x0: {  	(pc) =	sbr.rel $0x88, $3  }
0x1: {  	(tag) =	ssettag $0x0;
	lr =	simm.s32 $0x1  }
0x2: {  	[smem:$0x3F72] =	sst lr;
	_ =	strace $0xD0000000  }
0x3: {  	_ = 	snop  }
0x4: {  	_ = 	snop  }
0x5: {  	_ = 	snop  }
0x6: {  	_ = 	snop  }
0x7: {  	_ = 	snop  }
__scs_overlays_trampoline_lowered:
0x8: {  	[smem:$0x3F81] =	sst s0  }
0x9: {  	[smem:$0x3F82] =	sst s1  }
0xa: {  	[smem:$0x3F83] =	sst s2  }
0xb: {  	[smem:$0x3F84] =	sst s3  }
0xc: {  	[smem:$0x3F85] =	sst s4  }
0xd: {  	[smem:$0x3F86] =	sst s5  }
0xe: {  	[smem:$0x3F87] =	sst s6  }
0xf: {  	[smem:$0x3F88] =	sst s7  }
0x10: {  	[smem:$0x3F89] =	sst s8  }
0x11: {  	[smem:$0x3F8A] =	sst s9;
	s0 =	simm.s32 @!p0 $0x0  }
0x12: {  	s1 =	sld [smem:$0x3F70];
	s0 =	simm.s32 @p0 $0x1  }
0x13: {  	[smem:$0x3F8B] =	sst s0;
	s0 =	simm.s32 @!p1 $0x0  }
0x14: {  	s2 =	sld [smem:$0x3F6F];
	s0 =	simm.s32 @p1 $0x1  }
0x15: {  	[smem:$0x3F8C] =	sst s0;
	s0 =	simm.s32 @!p2 $0x0  }
0x16: {  	s3 =	sld [smem:$0x3FDB];
	s0 =	simm.s32 @p2 $0x1  }
0x17: {  	s4 =	simm.s32 $0x1BF5;
	[smem:$0x3F8E] =	sst s0  }
0x18: {  	s0 =	sld [smem:$0x3F71];
	_ =	swait.ge [sflag:s4], $0x0  }
0x19: {  	s7 =	sld [smem:$0x3F72]  }
0x1a: {  	s8 =	sadd.s32 $0xFFFFE003, lr  }
0x1b: {  	s9 =	sadd.s32 $0xFFFFFEF7, lr;
	s5 =	simm.s32 $0xFFFFFFFF;
	p2 =	slt.u32 s8, $0xFFFFF086  }
0x1c: {  	p1 =	slt.u32 s9, $0xF7A;
	s5 =	simm.s32 @!p2 $0x0  }
0x1d: {  	s5 =	simm.s32 @p1 $0x1;
	p0 =	seq.s32 s7, s2  }
0x1e: {  	s7 =	smul.u32 @!p0 $0xF7A, s2;
	p2 =	seq.s32 @!p0 s5, $0x0  }
0x1f: {  	s9 =	smul.u32 $0xF7A, s1;
	s8 =	simm.s32 @!p0 $0x1BF5;
	p2 =	por !p2, p0  }
0x20: {  	[sflag:s8] =	ssyncset.s32 @!p0 $0xFFFFF086;
	s6 =	sadd.s32 @!p0 s3, s7;
	s7 =	simm.s32 @!p0 $0x108  }
0x21: {  	s3 =	sadd.s32 s3, s9;
	s6 =	sadd.s32 @!p0 $0x88, s6;
	s7 =	simm.s32 @p2 $0x1082  }
0x22: {  	[simem:s7], [sflag:s8] =	dma.local @!p0 [hbm:s6], $0xF7A  }
0x23: {  	s9 =	sor.u32 $0xD0000000, s2;
	s6 =	simm.s32 $0x108;
	_ =	swait.ge @!p0 [sflag:s8], $0x0  }
0x24: {  	s3 =	sadd.s32 $0x88, s3;
	s6 =	simm.s32 @!p1 $0x1082;
	[sflag:s4] =	ssyncset.s32 $0xFFFFF086  }
0x25: {  	[simem:s6], [sflag:s4] =	dma.local [hbm:s3], $0xF7A  }
0x26: {  	[smem:$0x3F72] =	sst s1;
	(tag) =	ssettag s2;
	_ =	strace s9  }
0x27: {  	s1 =	sld [smem:$0x3F82]  }
0x28: {  	s2 =	sld [smem:$0x3F83]  }
0x29: {  	s4 =	sld [smem:$0x3F85]  }
0x2a: {  	p0 =	seq.s32 s5, $0x0;
	s5 =	sld [smem:$0x3F86]  }
0x2b: {  	s6 =	sld [smem:$0x3F87]  }
0x2c: {  	s7 =	sld [smem:$0x3F88]  }
0x2d: {  	s3 =	simm.s32 $0x108;
	s8 =	sld [smem:$0x3F89]  }
0x2e: {  	s3 =	simm.s32 @!p0 $0x1082;
	s9 =	sld [smem:$0x3F8A]  }
0x2f: {  	lr =	sadd.s32 s0, s3;
	s0 =	sld [smem:$0x3F81]  }
0x30: {  	s3 =	sld [smem:$0x3F84]  }
0x31: {  	[smem:$0x3F8D] =	sst s10  }
0x32: {  	s10 =	sld [smem:$0x3F8B];
	_ =	sdelay $0x3  }
0x33: {  	p0 =	seq.s32 s10, $0x1;
	s10 =	sld [smem:$0x3F8D];
	_ =	sdelay $0x3  }
0x34: {  	[smem:$0x3F8D] =	sst s10  }
0x35: {  	s10 =	sld [smem:$0x3F8C];
	_ =	sdelay $0x3  }
0x36: {  	p1 =	seq.s32 s10, $0x1;
	s10 =	sld [smem:$0x3F8D];
	_ =	sdelay $0x3  }
0x37: {  	[smem:$0x3F8D] =	sst s10  }
0x38: {  	s10 =	sld [smem:$0x3F8E]  }
0x39: {  	_ = 	snop;
	(pc) =	sbr.ind lr, $3  }
0x3a: {  	_ = 	snop  }
0x3b: {  	_ = 	snop  }
0x3c: {  	p2 =	seq.s32 s10, $0x1;
	s10 =	sld [smem:$0x3F8D]  }
0x3d: {  	_ =	shalt  }
0x3e: {  	_ =	shalt  }
0x3f: {  	_ =	shalt  }
0x40: {  	_ =	shalt  }
0x41: {  	_ =	shalt  }
0x42: {  	_ =	shalt  }
0x43: {  	_ =	shalt  }
0x44: {  	_ =	shalt  }
0x45: {  	_ =	shalt  }
0x46: {  	_ =	shalt  }
0x47: {  	_ =	shalt  }
0x48: {  	_ =	shalt  }
0x49: {  	_ =	shalt  }
0x4a: {  	_ =	shalt  }
0x4b: {  	_ =	shalt  }
0x4c: {  	_ =	shalt  }
0x4d: {  	_ =	shalt  }
0x4e: {  	_ =	shalt  }
0x4f: {  	_ =	shalt  }
0x50: {  	_ =	shalt  }
0x51: {  	_ =	shalt  }
0x52: {  	_ =	shalt  }
0x53: {  	_ =	shalt  }
0x54: {  	_ =	shalt  }
0x55: {  	_ =	shalt  }
0x56: {  	_ =	shalt  }
0x57: {  	_ =	shalt  }
0x58: {  	_ =	shalt  }
0x59: {  	_ =	shalt  }
0x5a: {  	_ =	shalt  }
0x5b: {  	_ =	shalt  }
0x5c: {  	_ =	shalt  }
0x5d: {  	_ =	shalt  }
0x5e: {  	_ =	shalt  }
0x5f: {  	_ =	shalt  }
0x60: {  	_ =	shalt  }
0x61: {  	_ =	shalt  }
0x62: {  	_ =	shalt  }
0x63: {  	_ =	shalt  }
0x64: {  	_ =	shalt  }
0x65: {  	_ =	shalt  }
0x66: {  	_ =	shalt  }
0x67: {  	_ =	shalt  }
0x68: {  	_ =	shalt  }
0x69: {  	_ =	shalt  }
0x6a: {  	_ =	shalt  }
0x6b: {  	_ =	shalt  }
0x6c: {  	_ =	shalt  }
0x6d: {  	_ =	shalt  }
0x6e: {  	_ =	shalt  }
0x6f: {  	_ =	shalt  }
0x70: {  	_ =	shalt  }
0x71: {  	_ =	shalt  }
0x72: {  	_ =	shalt  }
0x73: {  	_ =	shalt  }
0x74: {  	_ =	shalt  }
0x75: {  	_ =	shalt  }
0x76: {  	_ =	shalt  }
0x77: {  	_ =	shalt  }
0x78: {  	_ =	shalt  }
0x79: {  	_ =	shalt  }
0x7a: {  	_ =	shalt  }
0x7b: {  	_ =	shalt  }
0x7c: {  	_ =	shalt  }
0x7d: {  	_ =	shalt  }
0x7e: {  	_ =	shalt  }
0x7f: {  	_ =	shalt  }
0x80: {  	_ =	shalt  }
0x81: {  	_ =	shalt  }
0x82: {  	_ =	shalt  }
0x83: {  	_ =	shalt  }
0x84: {  	_ =	shalt  }
0x85: {  	_ =	shalt  }
0x86: {  	_ =	shalt  }
0x87: {  	_ =	shalt  }
.Lfunc_end0:
.L_simem_size_0:
called_computation.4_lowered:
.L_overlay_start_0:
0x88: {  	s2 =	sld [smem:$0x3FD9]  }
0x89: {  	s3 =	sld [smem:$0x3FFE];
	_ =	sdelay $0x1  }
0x8a: {  	s1 =	srdreg.scid  }
0x8b: {  	s0 =	sand.u32 $0x1, s1  }
0x8c: {  	s16 =	sshll.u32 s0, $0xA;
	s2 =	sadd.s32 s3, s2  }
0x8d: {  	s2 =	sadd.s32 s2, s16  }
0x8e: {  	[smem:$0x3F99] =	sst s2  }
0x8f: {  	_ = 	snop  }
0x90: {  	(tm) =	ssettm $0x1  }
0x91: {  	s17 =	sld [smem:$0x3FFB];
	_ =	sdelay $0x3  }
0x92: {  	_ =	strace s17  }
0x93: {  	s2 =	sld [smem:$0x3FFC];
	_ =	sdelay $0x3  }
0x94: {  	_ =	strace s2  }
0x95: {  	s2 =	sld [smem:$0x3FFD];
	_ =	sdelay $0x3  }
0x96: {  	_ =	strace s2  }
0x97: {  	_ =	strace $0x8FFFFFFF  }
0x98: {  	s18 =	sld [smem:$0x3FDB];
	_ =	sdelay $0x1  }
0x99: {  	s19 =	simm.s32 $_scs_section_size  }
0x9a: {  	s4 =	simm.s32 $_size__tile_overlayer_lowered;
	s5 =	simm.s32 $_tile_overlayer_lowered  }
0x9b: {  	s22 =	simm.s32 $0x1BFF;
	s21 =	sshll.u32 s5, $0x1;
	s2 =	sadd.s32 s19, s18  }
0x9c: {  	s6 =	simm.s32 $0x0;
	s20 =	sshll.u32 s4, $0x1;
	s4 =	sadd.s32 s21, s2  }
0x9d: {  	[timem:s6], [sflag:s22] =	dma.local [hbm:s4], s20  }
0x9e: {  	_ =	swait.ge [sflag:s22], s20  }
0x9f: {  	s3 =	ssub.s32 $0x0, s20;
	[sflag:s22] =	ssyncset.done $0x0  }
0xa0: {  	[sflag:s22] =	ssyncadd.s32 s3;
	_ =	sdelay $0x1  }
0xa1: {  	s23 =	simm.s32 $0x1B8B  }
0xa2: {  	_ =	swait.ge [sflag:s23], $0x1  }
0xa3: {  	[sflag:s23] =	ssyncset.done $0x0  }
0xa4: {  	s25 =	simm.s32 $0x1B8E;
	s24 =	sld [smem:$0x3FFE];
	[sflag:s23] =	ssyncadd.s32 $0xFFFFFFFF  }
0xa5: {  	s26 =	simm.s32 $execute0_lowered;
	[smem:$0x3FD2] =	sst s25  }
0xa6: {  	s4 =	sshll.u32 s26, $0x1;
	_ =	strace $0x80000052;
	[dreg:$0x1] =	wrdreg $0xFFFFFFFF  }
0xa7: {  	s28 =	simm.s32 $_size_execute0_lowered;
	s2 =	sadd.s32 s2, s4;
	[dreg:$0x0] =	wrdreg $0x0  }
0xa8: {  	s4 =	sshll.u32 s28, $0x1;
	[dreg:$0x2] =	wrdreg s2  }
0xa9: {  	[dreg:$0x3] =	wrdreg s4  }
0xaa: {  	[dreg:$0x4] =	wrdreg $0xC0  }
0xab: {  	_ =	task [dreg:s6], $0x5FFFF  }
0xac: {  	[dreg:$0x1] =	wrdreg $0xFFFFFFFF  }
0xad: {  	[dreg:$0x0] =	wrdreg $0x60  }
0xae: {  	[dreg:$0x2] =	wrdreg s24  }
0xaf: {  	[dreg:$0x3] =	wrdreg $0x41000  }
0xb0: {  	[dreg:$0x4] =	wrdreg $0x9  }
0xb1: {  	_ =	task.clear_ibuf [dreg:s6], $0x5FFFF;
	_ =	strace $0x90000052  }
0xb2: {  	s29 =	simm.s32 $0x9;
	_ =	strace $0x80000054  }
0xb3: {  	_ =	swait.ge [sflag:s29], $0x1  }
0xb4: {  	[sflag:s29] =	ssyncadd.s32 $0xFFFFFFFF  }
0xb5: {  	_ =	strace $0x90000054  }
0xb6: {  	_ =	sfence  }
0xb7: {  	s30 =	sld [smem:$0x0];
	_ =	sdelay $0x2  }
0xb8: {  	s31 =	sshll.u32 s1, $0xD;
	s1 =	sshrl.u32 s1, $0x2  }
0xb9: {  	s3 =	sand.u32 $0x4000, s31;
	s1 =	sadd.s32 s1, s30  }
0xba: {  	s0 =	sor.u32 s3, s0;
	s1 =	sshll.u32 s1, $0x11  }
0xbb: {  	s0 =	sor.u32 s1, s0  }
0xbc: {  	s0 =	sadd.s32 $0x8F2B, s0  }
0xbd: {  	[sflag:s0] =	ssyncadd.remote.s32 $0x1  }
0xbe: {  	_ =	sfence.sel $0xFFFF  }
0xbf: {  	[dreg:$0x0] =	wrdreg $0xFFFFFFFF;
	(pc) =	sbr.abs _section_cstart, $3  }
0xc0: {  	[dreg:$0x1] =	wrdreg $0xFFFFFFFF  }
0xc1: {  	_ =	task.clear_ibuf [dreg:s6], $0x2FFFF;
	_ =	strace $0x9FFFFFFF  }
0xc2: {  	(tm) =	ssettm $0x7FFFFFFF  }
0xc3: {  	_ =	shalt  }
tec
execute0_lowered:
.L_overlay_start_1:
0x0: {  	(tag) =	ssettag $0x1  }
0x1: {  	s8 =	rddreg [dreg:$0x0]  }
0x2: {  	s1 =	rddreg [dreg:$0x1]  }
0x3: {  	s0 =	rddreg [dreg:$0x2]  }
0x4: {  	s3 =	simm.s32 $0x0;
	s4 =	srdreg.scid;
	s2 =	stileid.u32  }
0x5: {  	[smem:$0x7FF] =	sst s3;
	s10 =	sand.u32 $0x1, s4;
	s4 =	sadd.s32 $0x2E00, s8  }
0x6: {  	s5 =	sshll.u32 s2, $0x5;
	s7 =	smul.u32 $0x4E000, s2;
	s11 =	sadd.s32 $0x3DC00, s8  }
0x7: {  	s9 =	smul.u32 $0x2700, s2;
	s28 =	sshll.u32 s2, $0x6;
	s17 =	sadd.s32 $0x138000, s1  }
0x8: {  	p0 =	sne.s32 s2, $0xF;
	_ =	strace $0x80000053;
	s6 =	ssub.s32 $0x2, s10  }
0x9: {  	s12 =	sadd.s32 s5, s8;
	s5 =	sshll.u32 s2, $0x1;
	s14 =	smul.u32 $0x27100, s10  }
0xa: {  	s16 =	smul.u32 $0x138800, s10;
	s8 =	sadd.s32 $0x29E00, s8;
	s30 =	sshll.u32 s10, $0x4  }
0xb: {  	s25 =	sshrl.u32 s6, $0x1;
	s26 =	sshrl.u32 s7, $0x2;
	s7 =	sor.u32 $0x1C02, s28  }
0xc: {  	s31 =	sadd.s32 s30, s12;
	s13 =	ssub.s32 s6, s25;
	s15 =	sadd.s32 s26, s1  }
0xd: {  	s6 =	sadd.s32 s4, s9;
	s9 =	sadd.s32 s9, s14;
	s29 =	sshrl.u32 s16, $0x3  }
0xe: {  	s12 =	sadd.s32 $0x33E00, s31;
	s16 =	sshrl.u32 @!p0 s17, $0x3;
	s9 =	sadd.s32 s11, s9  }
0xf: {  	s11 =	sadd.s32 s11, s29;
	s14 =	sshrl.u32 s15, $0x3;
	s15 =	simm.s32 $0x2  }
0x10: {  	s10 =	sadd.s32 $0x27000, s11;
	s11 =	smax.u32 s13, $0x1;
	s13 =	sadd.s32 $0x2A000, s31  }
.LBB2_1:
0x11: {  	[spmem:s14], [sflag:s7] =	dma.local [hbm:s6], $0x2700  }
0x12: {  	_ =	swait.ge [sflag:s15], $0x2700  }
0x13: {  	[sflag:s15] =	ssyncset.done $0x0  }
0x14: {  	s17 =	simm.s32 @!p0 $0x2;
	[sflag:s15] =	ssyncadd.s32 $0xFFFFD900  }
0x15: {  	[spmem:s16], [sflag:s7] =	dma.local @!p0 [hbm:s8], $0x100  }
0x16: {  	_ =	swait.ge @!p0 [sflag:s17], $0x100  }
0x17: {  	p1 =	sgt.u32 s5, $0x9C3;
	[sflag:s17] =	ssyncset.done @!p0 $0x0  }
0x18: {  	s18 =	simm.s32 @!p1 $0x0;
	[sflag:s17] =	ssyncadd.s32 @!p0 $0xFFFFFF00  }
0x19: {  	s19 =	simm.s32 @!p1 $0x3;
	s17 =	sadd.s32 @!p1 $0x0, s13;
	[bflag:$0x0] =	sbarrier.arrive $0xFFFF  }
0x1a: {  	[tilespmem:s18], [sflag:$0x3] =	stream.linear.gather @!p1 [hbm4b:s17+s18], $0x80, $0x38;
	[tilespmem:$0x17980] =	vst v63  }
0x1b: {  	_ =	swait.ge @!p1 [sflag:s19], $0x80;
	p1 =	por p1, p1  }
0x1c: {  	[sflag:s19] =	ssyncset.done @!p1 $0x0  }
0x1d: {  	s17 =	sadd.s32 @!p1 $0x0, s12;
	s20 =	simm.s32 @!p1 $0x80;
	[sflag:s19] =	ssyncadd.s32 @!p1 $0xFFFFFF80  }
0x1e: {  	[tilespmem:s20], [sflag:$0x3] =	stream.linear.gather @!p1 [hbm4b:s17+s18], $0x80, $0x38;
	[tilespmem:$0x17980] =	vst v63  }
0x1f: {  	_ =	swait.ge @!p1 [sflag:s19], $0x80  }
0x20: {  	[sflag:s19] =	ssyncset.done @!p1 $0x0  }
0x21: {  	s17 =	simm.s32 @!p1 $0x100;
	[sflag:s19] =	ssyncadd.s32 @!p1 $0xFFFFFF80;
	s19 =	simm.s32 @!p1 $0x1  }
0x22: {  	[tilespmem:s17], [sflag:$0x1] =	stream.indirect.gather @!p1 [hbm4b:s4+s20], $0x80, s18, s20, $0xb8;
	[tilespmem:$0x17980] =	vst v63  }
0x23: {  	_ =	swait.ge @!p1 [sflag:s19], $0x4000  }
0x24: {  	[sflag:s19] =	ssyncset.done @!p1 $0x0  }
0x25: {  	s18 =	sadd.s32 $0x20, s5;
	[sflag:s19] =	ssyncadd.s32 @!p1 $0xFFFFC000  }
0x26: {  	[spmem:s1] =	stream.indirect.scatter.add.f32 @!p1 [tilespmem:s17], [sflag:$0x2], $0x80, s20, s20, $0xb8;
	[tilespmem:$0x17980] =	vst v63  }
0x27: {  	p3 =	sgt.u32 s18, $0x9C3;
	s20 =	simm.s32 @!p1 $0x2  }
0x28: {  	s19 =	simm.s32 $0x400;
	s17 =	simm.s32 $0x200;
	_ =	swait.ge @!p1 [sflag:s20], $0x4000  }
.LBB2_2:
0x29: {  	s21 =	sadd.s32 @!p3 s17, s13  }
0x2a: {  	s22 =	simm.s32 @!p3 $0x0;
	[sflag:s20] =	ssyncset.done @!p1 $0x0;
	s23 =	smov.u32 s19  }
0x2b: {  	s19 =	sadd.s32 $0x200, s19;
	s24 =	simm.s32 @!p3 $0x3;
	[sflag:s20] =	ssyncadd.s32 @!p1 $0xFFFFC000  }
0x2c: {  	[tilespmem:s22], [sflag:$0x3] =	stream.linear.gather @!p3 [hbm4b:s21+s22], $0x80, $0x38;
	[tilespmem:$0x17980] =	vst v63  }
0x2d: {  	p2 =	sne.s32 s19, $0x9E00;
	p1 =	por p3, p3;
	_ =	swait.ge @!p3 [sflag:s24], $0x80  }
0x2e: {  	[sflag:s24] =	ssyncset.done @!p1 $0x0  }
0x2f: {  	s17 =	sadd.s32 @!p1 s17, s12;
	s21 =	simm.s32 @!p1 $0x80;
	[sflag:s24] =	ssyncadd.s32 @!p1 $0xFFFFFF80  }
0x30: {  	[tilespmem:s21], [sflag:$0x3] =	stream.linear.gather @!p1 [hbm4b:s17+s22], $0x80, $0x38;
	[tilespmem:$0x17980] =	vst v63  }
0x31: {  	s17 =	smov.u32 s23;
	_ =	swait.ge @!p1 [sflag:s24], $0x80  }
0x32: {  	[sflag:s24] =	ssyncset.done @!p1 $0x0  }
0x33: {  	s20 =	simm.s32 @!p1 $0x1;
	s23 =	simm.s32 @!p1 $0x100;
	[sflag:s24] =	ssyncadd.s32 @!p1 $0xFFFFFF80  }
0x34: {  	[tilespmem:s23], [sflag:$0x1] =	stream.indirect.gather @!p1 [hbm4b:s4+s21], $0x80, s22, s21, $0xb8;
	[tilespmem:$0x17980] =	vst v63  }
.Ltmp0:
0x35: {  	_ =	swait.ge @!p1 [sflag:s20], $0x4000;
	(pc) =	sbr.rel @p2 .LBB2_2-.Ltmp0, $4  }
0x36: {  	[sflag:s20] =	ssyncset.done @!p1 $0x0  }
0x37: {  	s18 =	sadd.s32 $0x20, s18;
	[sflag:s20] =	ssyncadd.s32 @!p1 $0xFFFFC000;
	s20 =	simm.s32 @!p1 $0x2  }
0x38: {  	[spmem:s1] =	stream.indirect.scatter.add.f32 @!p1 [tilespmem:s23], [sflag:$0x2], $0x80, s21, s21, $0xb8;
	[tilespmem:$0x17980] =	vst v63  }
0x39: {  	p3 =	sgt.u32 s18, $0x9C3;
	_ =	swait.ge @!p1 [sflag:s20], $0x4000  }
0x3a: {  	s18 =	sadd.s32 @!p3 s17, s13;
	[sflag:s20] =	ssyncset.done @!p1 $0x0  }
0x3b: {  	s19 =	simm.s32 @!p3 $0x0;
	s21 =	simm.s32 @!p3 $0x3;
	[sflag:s20] =	ssyncadd.s32 @!p1 $0xFFFFC000  }
0x3c: {  	[tilespmem:s19], [sflag:$0x3] =	stream.linear.gather @!p3 [hbm4b:s18+s19], $0x80, $0x38;
	[tilespmem:$0x17980] =	vst v63  }
0x3d: {  	p1 =	por p3, p3;
	_ =	swait.ge @!p3 [sflag:s21], $0x80  }
0x3e: {  	[sflag:s21] =	ssyncset.done @!p1 $0x0  }
0x3f: {  	s17 =	sadd.s32 @!p1 s17, s12;
	s18 =	simm.s32 @!p1 $0x80;
	[sflag:s21] =	ssyncadd.s32 @!p1 $0xFFFFFF80  }
0x40: {  	[tilespmem:s18], [sflag:$0x3] =	stream.linear.gather @!p1 [hbm4b:s17+s19], $0x80, $0x38;
	[tilespmem:$0x17980] =	vst v63  }
0x41: {  	_ =	swait.ge @!p1 [sflag:s21], $0x80  }
0x42: {  	[sflag:s21] =	ssyncset.done @!p1 $0x0  }
0x43: {  	s20 =	simm.s32 @!p1 $0x1;
	s17 =	simm.s32 @!p1 $0x100;
	[sflag:s21] =	ssyncadd.s32 @!p1 $0xFFFFFF80  }
0x44: {  	[tilespmem:s17], [sflag:$0x1] =	stream.indirect.gather @!p1 [hbm4b:s4+s18], $0x80, s19, s18, $0xb8;
	[tilespmem:$0x17980] =	vst v63  }
0x45: {  	_ =	swait.ge @!p1 [sflag:s20], $0x4000  }
0x46: {  	[sflag:s20] =	ssyncset.done @!p1 $0x0  }
0x47: {  	s19 =	simm.s32 @!p1 $0x2;
	[sflag:s20] =	ssyncadd.s32 @!p1 $0xFFFFC000  }
0x48: {  	[spmem:s1] =	stream.indirect.scatter.add.f32 @!p1 [tilespmem:s17], [sflag:$0x2], $0x80, s18, s18, $0xb8;
	[tilespmem:$0x17980] =	vst v63  }
0x49: {  	_ =	swait.ge @!p1 [sflag:s19], $0x4000  }
0x4a: {  	[sflag:s19] =	ssyncset.done @!p1 $0x0  }
0x4b: {  	[sflag:s19] =	ssyncadd.s32 @!p1 $0xFFFFC000  }
0x4c: {  	[bflag:$0x0] =	sbarrier.arrive $0xFFFF  }
0x4d: {  	[hbm:s9], [sflag:s7] =	dma.local [spmem:s14], $0x2700  }
0x4e: {  	s3 =	sadd.s32 $0x1, s3;
	_ =	swait.ge [sflag:s15], $0x2700  }
0x4f: {  	p1 =	sne.s32 s3, s11;
	[sflag:s15] =	ssyncset.done $0x0  }
.Ltmp1:
0x50: {  	s17 =	simm.s32 @!p0 $0x2;
	[sflag:s15] =	ssyncadd.s32 $0xFFFFD900;
	(pc) =	sbr.rel @p1 .LBB2_1-.Ltmp1, $4  }
0x51: {  	[hbm:s10], [sflag:s7] =	dma.local @!p0 [spmem:s16], $0x100  }
0x52: {  	_ =	swait.ge @!p0 [sflag:s17], $0x100  }
0x53: {  	[sflag:s17] =	ssyncset.done @!p0 $0x0  }
0x54: {  	[sflag:s17] =	ssyncadd.s32 @!p0 $0xFFFFFF00  }
0x55: {  	_ =	sfence.sel $0x180000  }
0x56: {  	[bflag:$0x0] =	sbarrier.arrive $0xFFFF  }
0x57: {  	p0 =	sne.s32 s2, $0x0;
	_ =	strace $0x90000053  }
0x58: {  	s0 =	sadd.s32 @!p0 $0x100000, s0;
	[bflag:$0x2] =	sbarrier.arrive $0xFFFF  }
0x59: {  	[sflag:s0] =	ssyncadd.tile.s32 @!p0 $0x1;
	_ =	shalt  }
.Lfunc_end2:
_tile_overlayer_lowered:
.L_overlay_start_2:
0x5a: {  	(tag) =	ssettag $0x2  }
0x5b: {  	s0 =	rddreg [dreg:$0x0];
	s2 =	stileid.u32  }
0x5c: {  	s1 =	rddreg [dreg:$0x1];
	p0 =	sne.s32 s2, $0x0  }
0x5d: {  	s3 =	rddreg [dreg:$0x2];
	[bflag:$0x3] =	sbarrier.arrive $0xFFFF;
	s2 =	simm.s32 @!p0 $0x1C02  }
0x5e: {  	[timem:s3], [sflag:s2] =	dma.local @!p0 [hbm:s0], s1  }
0x5f: {  	s0 =	simm.s32 @!p0 $0x2  }
0x60: {  	_ =	swait.ge @!p0 [sflag:s0], s1  }
0x61: {  	s1 =	ssub.s32 @!p0 $0x0, s1;
	[sflag:s0] =	ssyncset.done @!p0 $0x0  }
0x62: {  	[sflag:s0] =	ssyncadd.s32 @!p0 s1  }
0x63: {  	[bflag:$0x3] =	sbarrier.arrive $0xFFFF  }
0x64: {  	_ =	shalt  }

// kernel: kernel.13.cloned.1.call-start
scs
__scs_entry_jumppad:
0x0: {  	(pc) =	sbr.rel $0x88, $3  }
0x1: {  	(tag) =	ssettag $0x0;
	lr =	simm.s32 $0x1  }
0x2: {  	[smem:$0x3F72] =	sst lr;
	_ =	strace $0xD0000000  }
0x3: {  	_ = 	snop  }
0x4: {  	_ = 	snop  }
0x5: {  	_ = 	snop  }
0x6: {  	_ = 	snop  }
0x7: {  	_ = 	snop  }
__scs_overlays_trampoline_lowered:
0x8: {  	[smem:$0x3F81] =	sst s0  }
0x9: {  	[smem:$0x3F82] =	sst s1  }
0xa: {  	[smem:$0x3F83] =	sst s2  }
0xb: {  	[smem:$0x3F84] =	sst s3  }
0xc: {  	[smem:$0x3F85] =	sst s4  }
0xd: {  	[smem:$0x3F86] =	sst s5  }
0xe: {  	[smem:$0x3F87] =	sst s6  }
0xf: {  	[smem:$0x3F88] =	sst s7  }
0x10: {  	[smem:$0x3F89] =	sst s8  }
0x11: {  	[smem:$0x3F8A] =	sst s9;
	s0 =	simm.s32 @!p0 $0x0  }
0x12: {  	s1 =	sld [smem:$0x3F70];
	s0 =	simm.s32 @p0 $0x1  }
0x13: {  	[smem:$0x3F8B] =	sst s0;
	s0 =	simm.s32 @!p1 $0x0  }
0x14: {  	s2 =	sld [smem:$0x3F6F];
	s0 =	simm.s32 @p1 $0x1  }
0x15: {  	[smem:$0x3F8C] =	sst s0;
	s0 =	simm.s32 @!p2 $0x0  }
0x16: {  	s3 =	sld [smem:$0x3FDB];
	s0 =	simm.s32 @p2 $0x1  }
0x17: {  	s4 =	simm.s32 $0x1BF5;
	[smem:$0x3F8E] =	sst s0  }
0x18: {  	s0 =	sld [smem:$0x3F71];
	_ =	swait.ge [sflag:s4], $0x0  }
0x19: {  	s7 =	sld [smem:$0x3F72]  }
0x1a: {  	s8 =	sadd.s32 $0xFFFFE003, lr  }
0x1b: {  	s9 =	sadd.s32 $0xFFFFFEF7, lr;
	s5 =	simm.s32 $0xFFFFFFFF;
	p2 =	slt.u32 s8, $0xFFFFF086  }
0x1c: {  	p1 =	slt.u32 s9, $0xF7A;
	s5 =	simm.s32 @!p2 $0x0  }
0x1d: {  	s5 =	simm.s32 @p1 $0x1;
	p0 =	seq.s32 s7, s2  }
0x1e: {  	s7 =	smul.u32 @!p0 $0xF7A, s2;
	p2 =	seq.s32 @!p0 s5, $0x0  }
0x1f: {  	s9 =	smul.u32 $0xF7A, s1;
	s8 =	simm.s32 @!p0 $0x1BF5;
	p2 =	por !p2, p0  }
0x20: {  	[sflag:s8] =	ssyncset.s32 @!p0 $0xFFFFF086;
	s6 =	sadd.s32 @!p0 s3, s7;
	s7 =	simm.s32 @!p0 $0x108  }
0x21: {  	s3 =	sadd.s32 s3, s9;
	s6 =	sadd.s32 @!p0 $0x88, s6;
	s7 =	simm.s32 @p2 $0x1082  }
0x22: {  	[simem:s7], [sflag:s8] =	dma.local @!p0 [hbm:s6], $0xF7A  }
0x23: {  	s9 =	sor.u32 $0xD0000000, s2;
	s6 =	simm.s32 $0x108;
	_ =	swait.ge @!p0 [sflag:s8], $0x0  }
0x24: {  	s3 =	sadd.s32 $0x88, s3;
	s6 =	simm.s32 @!p1 $0x1082;
	[sflag:s4] =	ssyncset.s32 $0xFFFFF086  }
0x25: {  	[simem:s6], [sflag:s4] =	dma.local [hbm:s3], $0xF7A  }
0x26: {  	[smem:$0x3F72] =	sst s1;
	(tag) =	ssettag s2;
	_ =	strace s9  }
0x27: {  	s1 =	sld [smem:$0x3F82]  }
0x28: {  	s2 =	sld [smem:$0x3F83]  }
0x29: {  	s4 =	sld [smem:$0x3F85]  }
0x2a: {  	p0 =	seq.s32 s5, $0x0;
	s5 =	sld [smem:$0x3F86]  }
0x2b: {  	s6 =	sld [smem:$0x3F87]  }
0x2c: {  	s7 =	sld [smem:$0x3F88]  }
0x2d: {  	s3 =	simm.s32 $0x108;
	s8 =	sld [smem:$0x3F89]  }
0x2e: {  	s3 =	simm.s32 @!p0 $0x1082;
	s9 =	sld [smem:$0x3F8A]  }
0x2f: {  	lr =	sadd.s32 s0, s3;
	s0 =	sld [smem:$0x3F81]  }
0x30: {  	s3 =	sld [smem:$0x3F84]  }
0x31: {  	[smem:$0x3F8D] =	sst s10  }
0x32: {  	s10 =	sld [smem:$0x3F8B];
	_ =	sdelay $0x3  }
0x33: {  	p0 =	seq.s32 s10, $0x1;
	s10 =	sld [smem:$0x3F8D];
	_ =	sdelay $0x3  }
0x34: {  	[smem:$0x3F8D] =	sst s10  }
0x35: {  	s10 =	sld [smem:$0x3F8C];
	_ =	sdelay $0x3  }
0x36: {  	p1 =	seq.s32 s10, $0x1;
	s10 =	sld [smem:$0x3F8D];
	_ =	sdelay $0x3  }
0x37: {  	[smem:$0x3F8D] =	sst s10  }
0x38: {  	s10 =	sld [smem:$0x3F8E]  }
0x39: {  	_ = 	snop;
	(pc) =	sbr.ind lr, $3  }
0x3a: {  	_ = 	snop  }
0x3b: {  	_ = 	snop  }
0x3c: {  	p2 =	seq.s32 s10, $0x1;
	s10 =	sld [smem:$0x3F8D]  }
0x3d: {  	_ =	shalt  }
0x3e: {  	_ =	shalt  }
0x3f: {  	_ =	shalt  }
0x40: {  	_ =	shalt  }
0x41: {  	_ =	shalt  }
0x42: {  	_ =	shalt  }
0x43: {  	_ =	shalt  }
0x44: {  	_ =	shalt  }
0x45: {  	_ =	shalt  }
0x46: {  	_ =	shalt  }
0x47: {  	_ =	shalt  }
0x48: {  	_ =	shalt  }
0x49: {  	_ =	shalt  }
0x4a: {  	_ =	shalt  }
0x4b: {  	_ =	shalt  }
0x4c: {  	_ =	shalt  }
0x4d: {  	_ =	shalt  }
0x4e: {  	_ =	shalt  }
0x4f: {  	_ =	shalt  }
0x50: {  	_ =	shalt  }
0x51: {  	_ =	shalt  }
0x52: {  	_ =	shalt  }
0x53: {  	_ =	shalt  }
0x54: {  	_ =	shalt  }
0x55: {  	_ =	shalt  }
0x56: {  	_ =	shalt  }
0x57: {  	_ =	shalt  }
0x58: {  	_ =	shalt  }
0x59: {  	_ =	shalt  }
0x5a: {  	_ =	shalt  }
0x5b: {  	_ =	shalt  }
0x5c: {  	_ =	shalt  }
0x5d: {  	_ =	shalt  }
0x5e: {  	_ =	shalt  }
0x5f: {  	_ =	shalt  }
0x60: {  	_ =	shalt  }
0x61: {  	_ =	shalt  }
0x62: {  	_ =	shalt  }
0x63: {  	_ =	shalt  }
0x64: {  	_ =	shalt  }
0x65: {  	_ =	shalt  }
0x66: {  	_ =	shalt  }
0x67: {  	_ =	shalt  }
0x68: {  	_ =	shalt  }
0x69: {  	_ =	shalt  }
0x6a: {  	_ =	shalt  }
0x6b: {  	_ =	shalt  }
0x6c: {  	_ =	shalt  }
0x6d: {  	_ =	shalt  }
0x6e: {  	_ =	shalt  }
0x6f: {  	_ =	shalt  }
0x70: {  	_ =	shalt  }
0x71: {  	_ =	shalt  }
0x72: {  	_ =	shalt  }
0x73: {  	_ =	shalt  }
0x74: {  	_ =	shalt  }
0x75: {  	_ =	shalt  }
0x76: {  	_ =	shalt  }
0x77: {  	_ =	shalt  }
0x78: {  	_ =	shalt  }
0x79: {  	_ =	shalt  }
0x7a: {  	_ =	shalt  }
0x7b: {  	_ =	shalt  }
0x7c: {  	_ =	shalt  }
0x7d: {  	_ =	shalt  }
0x7e: {  	_ =	shalt  }
0x7f: {  	_ =	shalt  }
0x80: {  	_ =	shalt  }
0x81: {  	_ =	shalt  }
0x82: {  	_ =	shalt  }
0x83: {  	_ =	shalt  }
0x84: {  	_ =	shalt  }
0x85: {  	_ =	shalt  }
0x86: {  	_ =	shalt  }
0x87: {  	_ =	shalt  }
.Lfunc_end0:
.L_simem_size_0:
called_computation.5_lowered:
.L_overlay_start_0:
0x88: {  	s2 =	sld [smem:$0x3FD9]  }
0x89: {  	s3 =	sld [smem:$0x3FFE];
	_ =	sdelay $0x1  }
0x8a: {  	s1 =	srdreg.scid  }
0x8b: {  	s0 =	sand.u32 $0x1, s1  }
0x8c: {  	s16 =	sshll.u32 s0, $0xA;
	s2 =	sadd.s32 s3, s2  }
0x8d: {  	s2 =	sadd.s32 s2, s16  }
0x8e: {  	[smem:$0x3F99] =	sst s2  }
0x8f: {  	_ = 	snop  }
0x90: {  	(tm) =	ssettm $0x1  }
0x91: {  	s17 =	sld [smem:$0x3FFB];
	_ =	sdelay $0x3  }
0x92: {  	_ =	strace s17  }
0x93: {  	s2 =	sld [smem:$0x3FFC];
	_ =	sdelay $0x3  }
0x94: {  	_ =	strace s2  }
0x95: {  	s2 =	sld [smem:$0x3FFD];
	_ =	sdelay $0x3  }
0x96: {  	_ =	strace s2  }
0x97: {  	_ =	strace $0x8FFFFFFF  }
0x98: {  	s18 =	sld [smem:$0x3FDB];
	_ =	sdelay $0x1  }
0x99: {  	s19 =	simm.s32 $_scs_section_size  }
0x9a: {  	s4 =	simm.s32 $_size__tile_overlayer_lowered;
	s5 =	simm.s32 $_tile_overlayer_lowered  }
0x9b: {  	s22 =	simm.s32 $0x1BFF;
	s21 =	sshll.u32 s5, $0x1;
	s2 =	sadd.s32 s19, s18  }
0x9c: {  	s6 =	simm.s32 $0x0;
	s20 =	sshll.u32 s4, $0x1;
	s4 =	sadd.s32 s21, s2  }
0x9d: {  	[timem:s6], [sflag:s22] =	dma.local [hbm:s4], s20  }
0x9e: {  	_ =	swait.ge [sflag:s22], s20  }
0x9f: {  	s3 =	ssub.s32 $0x0, s20;
	[sflag:s22] =	ssyncset.done $0x0  }
0xa0: {  	[sflag:s22] =	ssyncadd.s32 s3;
	_ =	sdelay $0x1  }
0xa1: {  	s23 =	simm.s32 $0x1B8B  }
0xa2: {  	_ =	swait.ge [sflag:s23], $0x1  }
0xa3: {  	[sflag:s23] =	ssyncset.done $0x0  }
0xa4: {  	s25 =	simm.s32 $0x1B8E;
	s24 =	sld [smem:$0x3FFE];
	[sflag:s23] =	ssyncadd.s32 $0xFFFFFFFF  }
0xa5: {  	s26 =	simm.s32 $execute0_lowered;
	[smem:$0x3FD2] =	sst s25  }
0xa6: {  	s4 =	sshll.u32 s26, $0x1;
	_ =	strace $0x80000055;
	[dreg:$0x1] =	wrdreg $0xFFFFFFFF  }
0xa7: {  	s28 =	simm.s32 $_size_execute0_lowered;
	s2 =	sadd.s32 s2, s4;
	[dreg:$0x0] =	wrdreg $0x0  }
0xa8: {  	s4 =	sshll.u32 s28, $0x1;
	[dreg:$0x2] =	wrdreg s2  }
0xa9: {  	[dreg:$0x3] =	wrdreg s4  }
0xaa: {  	[dreg:$0x4] =	wrdreg $0xC0  }
0xab: {  	_ =	task [dreg:s6], $0x5FFFF  }
0xac: {  	[dreg:$0x1] =	wrdreg $0xFFFFFFFF  }
0xad: {  	[dreg:$0x0] =	wrdreg $0x60  }
0xae: {  	[dreg:$0x2] =	wrdreg s24  }
0xaf: {  	[dreg:$0x3] =	wrdreg $0x41000  }
0xb0: {  	[dreg:$0x4] =	wrdreg $0x9  }
0xb1: {  	_ =	task.clear_ibuf [dreg:s6], $0x5FFFF;
	_ =	strace $0x90000055  }
0xb2: {  	s29 =	simm.s32 $0x9;
	_ =	strace $0x80000057  }
0xb3: {  	_ =	swait.ge [sflag:s29], $0x1  }
0xb4: {  	[sflag:s29] =	ssyncadd.s32 $0xFFFFFFFF  }
0xb5: {  	_ =	strace $0x90000057  }
0xb6: {  	_ =	sfence  }
0xb7: {  	s30 =	sld [smem:$0x0];
	_ =	sdelay $0x2  }
0xb8: {  	s31 =	sshll.u32 s1, $0xD;
	s1 =	sshrl.u32 s1, $0x2  }
0xb9: {  	s3 =	sand.u32 $0x4000, s31;
	s1 =	sadd.s32 s1, s30  }
0xba: {  	s0 =	sor.u32 s3, s0;
	s1 =	sshll.u32 s1, $0x11  }
0xbb: {  	s0 =	sor.u32 s1, s0  }
0xbc: {  	s0 =	sadd.s32 $0x8F2B, s0  }
0xbd: {  	[sflag:s0] =	ssyncadd.remote.s32 $0x1  }
0xbe: {  	_ =	sfence.sel $0xFFFF  }
0xbf: {  	[dreg:$0x0] =	wrdreg $0xFFFFFFFF;
	(pc) =	sbr.abs _section_cstart, $3  }
0xc0: {  	[dreg:$0x1] =	wrdreg $0xFFFFFFFF  }
0xc1: {  	_ =	task.clear_ibuf [dreg:s6], $0x2FFFF;
	_ =	strace $0x9FFFFFFF  }
0xc2: {  	(tm) =	ssettm $0x7FFFFFFF  }
0xc3: {  	_ =	shalt  }
tec
execute0_lowered:
.L_overlay_start_1:
0x0: {  	(tag) =	ssettag $0x1  }
0x1: {  	s8 =	rddreg [dreg:$0x0]  }
0x2: {  	s1 =	rddreg [dreg:$0x1]  }
0x3: {  	s0 =	rddreg [dreg:$0x2]  }
0x4: {  	s3 =	simm.s32 $0x0;
	s4 =	srdreg.scid;
	s2 =	stileid.u32  }
0x5: {  	[smem:$0x7FF] =	sst s3;
	s10 =	sand.u32 $0x1, s4;
	s4 =	sadd.s32 $0x2E00, s8  }
0x6: {  	s5 =	sshll.u32 s2, $0x5;
	s7 =	smul.u32 $0x4E000, s2;
	s11 =	sadd.s32 $0x3DC00, s8  }
0x7: {  	s9 =	smul.u32 $0x2700, s2;
	s28 =	sshll.u32 s2, $0x6;
	s17 =	sadd.s32 $0x138000, s1  }
0x8: {  	p0 =	sne.s32 s2, $0xF;
	_ =	strace $0x80000056;
	s6 =	ssub.s32 $0x2, s10  }
0x9: {  	s12 =	sadd.s32 s5, s8;
	s5 =	sshll.u32 s2, $0x1;
	s14 =	smul.u32 $0x27100, s10  }
0xa: {  	s16 =	smul.u32 $0x138800, s10;
	s8 =	sadd.s32 $0x29E00, s8;
	s30 =	sshll.u32 s10, $0x4  }
0xb: {  	s25 =	sshrl.u32 s6, $0x1;
	s26 =	sshrl.u32 s7, $0x2;
	s7 =	sor.u32 $0x1C02, s28  }
0xc: {  	s31 =	sadd.s32 s30, s12;
	s13 =	ssub.s32 s6, s25;
	s15 =	sadd.s32 s26, s1  }
0xd: {  	s6 =	sadd.s32 s4, s9;
	s9 =	sadd.s32 s9, s14;
	s29 =	sshrl.u32 s16, $0x3  }
0xe: {  	s12 =	sadd.s32 $0x33E00, s31;
	s16 =	sshrl.u32 @!p0 s17, $0x3;
	s9 =	sadd.s32 s11, s9  }
0xf: {  	s11 =	sadd.s32 s11, s29;
	s14 =	sshrl.u32 s15, $0x3;
	s15 =	simm.s32 $0x2  }
0x10: {  	s10 =	sadd.s32 $0x27000, s11;
	s11 =	smax.u32 s13, $0x1;
	s13 =	sadd.s32 $0x2A000, s31  }
.LBB2_1:
0x11: {  	[spmem:s14], [sflag:s7] =	dma.local [hbm:s6], $0x2700  }
0x12: {  	_ =	swait.ge [sflag:s15], $0x2700  }
0x13: {  	[sflag:s15] =	ssyncset.done $0x0  }
0x14: {  	s17 =	simm.s32 @!p0 $0x2;
	[sflag:s15] =	ssyncadd.s32 $0xFFFFD900  }
0x15: {  	[spmem:s16], [sflag:s7] =	dma.local @!p0 [hbm:s8], $0x100  }
0x16: {  	_ =	swait.ge @!p0 [sflag:s17], $0x100  }
0x17: {  	p1 =	sgt.u32 s5, $0x9C3;
	[sflag:s17] =	ssyncset.done @!p0 $0x0  }
0x18: {  	s18 =	simm.s32 @!p1 $0x0;
	[sflag:s17] =	ssyncadd.s32 @!p0 $0xFFFFFF00  }
0x19: {  	s19 =	simm.s32 @!p1 $0x3;
	s17 =	sadd.s32 @!p1 $0x0, s13;
	[bflag:$0x0] =	sbarrier.arrive $0xFFFF  }
0x1a: {  	[tilespmem:s18], [sflag:$0x3] =	stream.linear.gather @!p1 [hbm4b:s17+s18], $0x80, $0x38;
	[tilespmem:$0x17980] =	vst v63  }
0x1b: {  	_ =	swait.ge @!p1 [sflag:s19], $0x80;
	p1 =	por p1, p1  }
0x1c: {  	[sflag:s19] =	ssyncset.done @!p1 $0x0  }
0x1d: {  	s17 =	sadd.s32 @!p1 $0x0, s12;
	s20 =	simm.s32 @!p1 $0x80;
	[sflag:s19] =	ssyncadd.s32 @!p1 $0xFFFFFF80  }
0x1e: {  	[tilespmem:s20], [sflag:$0x3] =	stream.linear.gather @!p1 [hbm4b:s17+s18], $0x80, $0x38;
	[tilespmem:$0x17980] =	vst v63  }
0x1f: {  	_ =	swait.ge @!p1 [sflag:s19], $0x80  }
0x20: {  	[sflag:s19] =	ssyncset.done @!p1 $0x0  }
0x21: {  	s17 =	simm.s32 @!p1 $0x100;
	[sflag:s19] =	ssyncadd.s32 @!p1 $0xFFFFFF80;
	s19 =	simm.s32 @!p1 $0x1  }
0x22: {  	[tilespmem:s17], [sflag:$0x1] =	stream.indirect.gather @!p1 [hbm4b:s4+s20], $0x80, s18, s20, $0xb8;
	[tilespmem:$0x17980] =	vst v63  }
0x23: {  	_ =	swait.ge @!p1 [sflag:s19], $0x4000  }
0x24: {  	[sflag:s19] =	ssyncset.done @!p1 $0x0  }
0x25: {  	s18 =	sadd.s32 $0x20, s5;
	[sflag:s19] =	ssyncadd.s32 @!p1 $0xFFFFC000  }
0x26: {  	[spmem:s1] =	stream.indirect.scatter.add.f32 @!p1 [tilespmem:s17], [sflag:$0x2], $0x80, s20, s20, $0xb8;
	[tilespmem:$0x17980] =	vst v63  }
0x27: {  	p3 =	sgt.u32 s18, $0x9C3;
	s20 =	simm.s32 @!p1 $0x2  }
0x28: {  	s19 =	simm.s32 $0x400;
	s17 =	simm.s32 $0x200;
	_ =	swait.ge @!p1 [sflag:s20], $0x4000  }
.LBB2_2:
0x29: {  	s21 =	sadd.s32 @!p3 s17, s13  }
0x2a: {  	s22 =	simm.s32 @!p3 $0x0;
	[sflag:s20] =	ssyncset.done @!p1 $0x0;
	s23 =	smov.u32 s19  }
0x2b: {  	s19 =	sadd.s32 $0x200, s19;
	s24 =	simm.s32 @!p3 $0x3;
	[sflag:s20] =	ssyncadd.s32 @!p1 $0xFFFFC000  }
0x2c: {  	[tilespmem:s22], [sflag:$0x3] =	stream.linear.gather @!p3 [hbm4b:s21+s22], $0x80, $0x38;
	[tilespmem:$0x17980] =	vst v63  }
0x2d: {  	p2 =	sne.s32 s19, $0x9E00;
	p1 =	por p3, p3;
	_ =	swait.ge @!p3 [sflag:s24], $0x80  }
0x2e: {  	[sflag:s24] =	ssyncset.done @!p1 $0x0  }
0x2f: {  	s17 =	sadd.s32 @!p1 s17, s12;
	s21 =	simm.s32 @!p1 $0x80;
	[sflag:s24] =	ssyncadd.s32 @!p1 $0xFFFFFF80  }
0x30: {  	[tilespmem:s21], [sflag:$0x3] =	stream.linear.gather @!p1 [hbm4b:s17+s22], $0x80, $0x38;
	[tilespmem:$0x17980] =	vst v63  }
0x31: {  	s17 =	smov.u32 s23;
	_ =	swait.ge @!p1 [sflag:s24], $0x80  }
0x32: {  	[sflag:s24] =	ssyncset.done @!p1 $0x0  }
0x33: {  	s20 =	simm.s32 @!p1 $0x1;
	s23 =	simm.s32 @!p1 $0x100;
	[sflag:s24] =	ssyncadd.s32 @!p1 $0xFFFFFF80  }
0x34: {  	[tilespmem:s23], [sflag:$0x1] =	stream.indirect.gather @!p1 [hbm4b:s4+s21], $0x80, s22, s21, $0xb8;
	[tilespmem:$0x17980] =	vst v63  }
.Ltmp0:
0x35: {  	_ =	swait.ge @!p1 [sflag:s20], $0x4000;
	(pc) =	sbr.rel @p2 .LBB2_2-.Ltmp0, $4  }
0x36: {  	[sflag:s20] =	ssyncset.done @!p1 $0x0  }
0x37: {  	s18 =	sadd.s32 $0x20, s18;
	[sflag:s20] =	ssyncadd.s32 @!p1 $0xFFFFC000;
	s20 =	simm.s32 @!p1 $0x2  }
0x38: {  	[spmem:s1] =	stream.indirect.scatter.add.f32 @!p1 [tilespmem:s23], [sflag:$0x2], $0x80, s21, s21, $0xb8;
	[tilespmem:$0x17980] =	vst v63  }
0x39: {  	p3 =	sgt.u32 s18, $0x9C3;
	_ =	swait.ge @!p1 [sflag:s20], $0x4000  }
0x3a: {  	s18 =	sadd.s32 @!p3 s17, s13;
	[sflag:s20] =	ssyncset.done @!p1 $0x0  }
0x3b: {  	s19 =	simm.s32 @!p3 $0x0;
	s21 =	simm.s32 @!p3 $0x3;
	[sflag:s20] =	ssyncadd.s32 @!p1 $0xFFFFC000  }
0x3c: {  	[tilespmem:s19], [sflag:$0x3] =	stream.linear.gather @!p3 [hbm4b:s18+s19], $0x80, $0x38;
	[tilespmem:$0x17980] =	vst v63  }
0x3d: {  	p1 =	por p3, p3;
	_ =	swait.ge @!p3 [sflag:s21], $0x80  }
0x3e: {  	[sflag:s21] =	ssyncset.done @!p1 $0x0  }
0x3f: {  	s17 =	sadd.s32 @!p1 s17, s12;
	s18 =	simm.s32 @!p1 $0x80;
	[sflag:s21] =	ssyncadd.s32 @!p1 $0xFFFFFF80  }
0x40: {  	[tilespmem:s18], [sflag:$0x3] =	stream.linear.gather @!p1 [hbm4b:s17+s19], $0x80, $0x38;
	[tilespmem:$0x17980] =	vst v63  }
0x41: {  	_ =	swait.ge @!p1 [sflag:s21], $0x80  }
0x42: {  	[sflag:s21] =	ssyncset.done @!p1 $0x0  }
0x43: {  	s20 =	simm.s32 @!p1 $0x1;
	s17 =	simm.s32 @!p1 $0x100;
	[sflag:s21] =	ssyncadd.s32 @!p1 $0xFFFFFF80  }
0x44: {  	[tilespmem:s17], [sflag:$0x1] =	stream.indirect.gather @!p1 [hbm4b:s4+s18], $0x80, s19, s18, $0xb8;
	[tilespmem:$0x17980] =	vst v63  }
0x45: {  	_ =	swait.ge @!p1 [sflag:s20], $0x4000  }
0x46: {  	[sflag:s20] =	ssyncset.done @!p1 $0x0  }
0x47: {  	s19 =	simm.s32 @!p1 $0x2;
	[sflag:s20] =	ssyncadd.s32 @!p1 $0xFFFFC000  }
0x48: {  	[spmem:s1] =	stream.indirect.scatter.add.f32 @!p1 [tilespmem:s17], [sflag:$0x2], $0x80, s18, s18, $0xb8;
	[tilespmem:$0x17980] =	vst v63  }
0x49: {  	_ =	swait.ge @!p1 [sflag:s19], $0x4000  }
0x4a: {  	[sflag:s19] =	ssyncset.done @!p1 $0x0  }
0x4b: {  	[sflag:s19] =	ssyncadd.s32 @!p1 $0xFFFFC000  }
0x4c: {  	[bflag:$0x0] =	sbarrier.arrive $0xFFFF  }
0x4d: {  	[hbm:s9], [sflag:s7] =	dma.local [spmem:s14], $0x2700  }
0x4e: {  	s3 =	sadd.s32 $0x1, s3;
	_ =	swait.ge [sflag:s15], $0x2700  }
0x4f: {  	p1 =	sne.s32 s3, s11;
	[sflag:s15] =	ssyncset.done $0x0  }
.Ltmp1:
0x50: {  	s17 =	simm.s32 @!p0 $0x2;
	[sflag:s15] =	ssyncadd.s32 $0xFFFFD900;
	(pc) =	sbr.rel @p1 .LBB2_1-.Ltmp1, $4  }
0x51: {  	[hbm:s10], [sflag:s7] =	dma.local @!p0 [spmem:s16], $0x100  }
0x52: {  	_ =	swait.ge @!p0 [sflag:s17], $0x100  }
0x53: {  	[sflag:s17] =	ssyncset.done @!p0 $0x0  }
0x54: {  	[sflag:s17] =	ssyncadd.s32 @!p0 $0xFFFFFF00  }
0x55: {  	_ =	sfence.sel $0x180000  }
0x56: {  	[bflag:$0x0] =	sbarrier.arrive $0xFFFF  }
0x57: {  	p0 =	sne.s32 s2, $0x0;
	_ =	strace $0x90000056  }
0x58: {  	s0 =	sadd.s32 @!p0 $0x100000, s0;
	[bflag:$0x2] =	sbarrier.arrive $0xFFFF  }
0x59: {  	[sflag:s0] =	ssyncadd.tile.s32 @!p0 $0x1;
	_ =	shalt  }
.Lfunc_end2:
_tile_overlayer_lowered:
.L_overlay_start_2:
0x5a: {  	(tag) =	ssettag $0x2  }
0x5b: {  	s0 =	rddreg [dreg:$0x0];
	s2 =	stileid.u32  }
0x5c: {  	s1 =	rddreg [dreg:$0x1];
	p0 =	sne.s32 s2, $0x0  }
0x5d: {  	s3 =	rddreg [dreg:$0x2];
	[bflag:$0x3] =	sbarrier.arrive $0xFFFF;
	s2 =	simm.s32 @!p0 $0x1C02  }
0x5e: {  	[timem:s3], [sflag:s2] =	dma.local @!p0 [hbm:s0], s1  }
0x5f: {  	s0 =	simm.s32 @!p0 $0x2  }
0x60: {  	_ =	swait.ge @!p0 [sflag:s0], s1  }
0x61: {  	s1 =	ssub.s32 @!p0 $0x0, s1;
	[sflag:s0] =	ssyncset.done @!p0 $0x0  }
0x62: {  	[sflag:s0] =	ssyncadd.s32 @!p0 s1  }
0x63: {  	[bflag:$0x3] =	sbarrier.arrive $0xFFFF  }
0x64: {  	_ =	shalt  }

// kernel: kernel.7.cloned.1.call-start
scs
__scs_entry_jumppad:
0x0: {  	(pc) =	sbr.rel $0x88, $3  }
0x1: {  	(tag) =	ssettag $0x0;
	lr =	simm.s32 $0x1  }
0x2: {  	[smem:$0x3F72] =	sst lr;
	_ =	strace $0xD0000000  }
0x3: {  	_ = 	snop  }
0x4: {  	_ = 	snop  }
0x5: {  	_ = 	snop  }
0x6: {  	_ = 	snop  }
0x7: {  	_ = 	snop  }
__scs_overlays_trampoline_lowered:
0x8: {  	[smem:$0x3F81] =	sst s0  }
0x9: {  	[smem:$0x3F82] =	sst s1  }
0xa: {  	[smem:$0x3F83] =	sst s2  }
0xb: {  	[smem:$0x3F84] =	sst s3  }
0xc: {  	[smem:$0x3F85] =	sst s4  }
0xd: {  	[smem:$0x3F86] =	sst s5  }
0xe: {  	[smem:$0x3F87] =	sst s6  }
0xf: {  	[smem:$0x3F88] =	sst s7  }
0x10: {  	[smem:$0x3F89] =	sst s8  }
0x11: {  	[smem:$0x3F8A] =	sst s9;
	s0 =	simm.s32 @!p0 $0x0  }
0x12: {  	s1 =	sld [smem:$0x3F70];
	s0 =	simm.s32 @p0 $0x1  }
0x13: {  	[smem:$0x3F8B] =	sst s0;
	s0 =	simm.s32 @!p1 $0x0  }
0x14: {  	s2 =	sld [smem:$0x3F6F];
	s0 =	simm.s32 @p1 $0x1  }
0x15: {  	[smem:$0x3F8C] =	sst s0;
	s0 =	simm.s32 @!p2 $0x0  }
0x16: {  	s3 =	sld [smem:$0x3FDB];
	s0 =	simm.s32 @p2 $0x1  }
0x17: {  	s4 =	simm.s32 $0x1BF5;
	[smem:$0x3F8E] =	sst s0  }
0x18: {  	s0 =	sld [smem:$0x3F71];
	_ =	swait.ge [sflag:s4], $0x0  }
0x19: {  	s7 =	sld [smem:$0x3F72]  }
0x1a: {  	s8 =	sadd.s32 $0xFFFFE003, lr  }
0x1b: {  	s9 =	sadd.s32 $0xFFFFFEF7, lr;
	s5 =	simm.s32 $0xFFFFFFFF;
	p2 =	slt.u32 s8, $0xFFFFF086  }
0x1c: {  	p1 =	slt.u32 s9, $0xF7A;
	s5 =	simm.s32 @!p2 $0x0  }
0x1d: {  	s5 =	simm.s32 @p1 $0x1;
	p0 =	seq.s32 s7, s2  }
0x1e: {  	s7 =	smul.u32 @!p0 $0xF7A, s2;
	p2 =	seq.s32 @!p0 s5, $0x0  }
0x1f: {  	s9 =	smul.u32 $0xF7A, s1;
	s8 =	simm.s32 @!p0 $0x1BF5;
	p2 =	por !p2, p0  }
0x20: {  	[sflag:s8] =	ssyncset.s32 @!p0 $0xFFFFF086;
	s6 =	sadd.s32 @!p0 s3, s7;
	s7 =	simm.s32 @!p0 $0x108  }
0x21: {  	s3 =	sadd.s32 s3, s9;
	s6 =	sadd.s32 @!p0 $0x88, s6;
	s7 =	simm.s32 @p2 $0x1082  }
0x22: {  	[simem:s7], [sflag:s8] =	dma.local @!p0 [hbm:s6], $0xF7A  }
0x23: {  	s9 =	sor.u32 $0xD0000000, s2;
	s6 =	simm.s32 $0x108;
	_ =	swait.ge @!p0 [sflag:s8], $0x0  }
0x24: {  	s3 =	sadd.s32 $0x88, s3;
	s6 =	simm.s32 @!p1 $0x1082;
	[sflag:s4] =	ssyncset.s32 $0xFFFFF086  }
0x25: {  	[simem:s6], [sflag:s4] =	dma.local [hbm:s3], $0xF7A  }
0x26: {  	[smem:$0x3F72] =	sst s1;
	(tag) =	ssettag s2;
	_ =	strace s9  }
0x27: {  	s1 =	sld [smem:$0x3F82]  }
0x28: {  	s2 =	sld [smem:$0x3F83]  }
0x29: {  	s4 =	sld [smem:$0x3F85]  }
0x2a: {  	p0 =	seq.s32 s5, $0x0;
	s5 =	sld [smem:$0x3F86]  }
0x2b: {  	s6 =	sld [smem:$0x3F87]  }
0x2c: {  	s7 =	sld [smem:$0x3F88]  }
0x2d: {  	s3 =	simm.s32 $0x108;
	s8 =	sld [smem:$0x3F89]  }
0x2e: {  	s3 =	simm.s32 @!p0 $0x1082;
	s9 =	sld [smem:$0x3F8A]  }
0x2f: {  	lr =	sadd.s32 s0, s3;
	s0 =	sld [smem:$0x3F81]  }
0x30: {  	s3 =	sld [smem:$0x3F84]  }
0x31: {  	[smem:$0x3F8D] =	sst s10  }
0x32: {  	s10 =	sld [smem:$0x3F8B];
	_ =	sdelay $0x3  }
0x33: {  	p0 =	seq.s32 s10, $0x1;
	s10 =	sld [smem:$0x3F8D];
	_ =	sdelay $0x3  }
0x34: {  	[smem:$0x3F8D] =	sst s10  }
0x35: {  	s10 =	sld [smem:$0x3F8C];
	_ =	sdelay $0x3  }
0x36: {  	p1 =	seq.s32 s10, $0x1;
	s10 =	sld [smem:$0x3F8D];
	_ =	sdelay $0x3  }
0x37: {  	[smem:$0x3F8D] =	sst s10  }
0x38: {  	s10 =	sld [smem:$0x3F8E]  }
0x39: {  	_ = 	snop;
	(pc) =	sbr.ind lr, $3  }
0x3a: {  	_ = 	snop  }
0x3b: {  	_ = 	snop  }
0x3c: {  	p2 =	seq.s32 s10, $0x1;
	s10 =	sld [smem:$0x3F8D]  }
0x3d: {  	_ =	shalt  }
0x3e: {  	_ =	shalt  }
0x3f: {  	_ =	shalt  }
0x40: {  	_ =	shalt  }
0x41: {  	_ =	shalt  }
0x42: {  	_ =	shalt  }
0x43: {  	_ =	shalt  }
0x44: {  	_ =	shalt  }
0x45: {  	_ =	shalt  }
0x46: {  	_ =	shalt  }
0x47: {  	_ =	shalt  }
0x48: {  	_ =	shalt  }
0x49: {  	_ =	shalt  }
0x4a: {  	_ =	shalt  }
0x4b: {  	_ =	shalt  }
0x4c: {  	_ =	shalt  }
0x4d: {  	_ =	shalt  }
0x4e: {  	_ =	shalt  }
0x4f: {  	_ =	shalt  }
0x50: {  	_ =	shalt  }
0x51: {  	_ =	shalt  }
0x52: {  	_ =	shalt  }
0x53: {  	_ =	shalt  }
0x54: {  	_ =	shalt  }
0x55: {  	_ =	shalt  }
0x56: {  	_ =	shalt  }
0x57: {  	_ =	shalt  }
0x58: {  	_ =	shalt  }
0x59: {  	_ =	shalt  }
0x5a: {  	_ =	shalt  }
0x5b: {  	_ =	shalt  }
0x5c: {  	_ =	shalt  }
0x5d: {  	_ =	shalt  }
0x5e: {  	_ =	shalt  }
0x5f: {  	_ =	shalt  }
0x60: {  	_ =	shalt  }
0x61: {  	_ =	shalt  }
0x62: {  	_ =	shalt  }
0x63: {  	_ =	shalt  }
0x64: {  	_ =	shalt  }
0x65: {  	_ =	shalt  }
0x66: {  	_ =	shalt  }
0x67: {  	_ =	shalt  }
0x68: {  	_ =	shalt  }
0x69: {  	_ =	shalt  }
0x6a: {  	_ =	shalt  }
0x6b: {  	_ =	shalt  }
0x6c: {  	_ =	shalt  }
0x6d: {  	_ =	shalt  }
0x6e: {  	_ =	shalt  }
0x6f: {  	_ =	shalt  }
0x70: {  	_ =	shalt  }
0x71: {  	_ =	shalt  }
0x72: {  	_ =	shalt  }
0x73: {  	_ =	shalt  }
0x74: {  	_ =	shalt  }
0x75: {  	_ =	shalt  }
0x76: {  	_ =	shalt  }
0x77: {  	_ =	shalt  }
0x78: {  	_ =	shalt  }
0x79: {  	_ =	shalt  }
0x7a: {  	_ =	shalt  }
0x7b: {  	_ =	shalt  }
0x7c: {  	_ =	shalt  }
0x7d: {  	_ =	shalt  }
0x7e: {  	_ =	shalt  }
0x7f: {  	_ =	shalt  }
0x80: {  	_ =	shalt  }
0x81: {  	_ =	shalt  }
0x82: {  	_ =	shalt  }
0x83: {  	_ =	shalt  }
0x84: {  	_ =	shalt  }
0x85: {  	_ =	shalt  }
0x86: {  	_ =	shalt  }
0x87: {  	_ =	shalt  }
.Lfunc_end0:
.L_simem_size_0:
called_computation.3_lowered:
.L_overlay_start_0:
0x88: {  	s2 =	sld [smem:$0x3FD9]  }
0x89: {  	s3 =	sld [smem:$0x3FFE];
	_ =	sdelay $0x1  }
0x8a: {  	s1 =	srdreg.scid  }
0x8b: {  	s0 =	sand.u32 $0x1, s1  }
0x8c: {  	s17 =	sshll.u32 s0, $0xA;
	s2 =	sadd.s32 s3, s2  }
0x8d: {  	s2 =	sadd.s32 s2, s17  }
0x8e: {  	[smem:$0x3F99] =	sst s2  }
0x8f: {  	_ = 	snop  }
0x90: {  	s2 =	sld [smem:$0x3FC8]  }
0x91: {  	s18 =	sld [smem:$0x3FA3];
	(tm) =	ssettm $0x1  }
0x92: {  	s4 =	sld [smem:$0x3FFB];
	_ =	sdelay $0x3  }
0x93: {  	_ =	strace s4  }
0x94: {  	s4 =	sld [smem:$0x3FFC];
	_ =	sdelay $0x3  }
0x95: {  	_ =	strace s4  }
0x96: {  	s4 =	sld [smem:$0x3FFD];
	_ =	sdelay $0x3  }
0x97: {  	_ =	strace s4  }
0x98: {  	_ =	strace $0x8FFFFFFF  }
0x99: {  	s19 =	sld [smem:$0x3FDB];
	_ =	sdelay $0x1  }
0x9a: {  	s5 =	simm.s32 $_scs_section_size  }
0x9b: {  	s6 =	simm.s32 $_size__tile_overlayer_lowered;
	s7 =	simm.s32 $_tile_overlayer_lowered  }
0x9c: {  	s22 =	simm.s32 $0x1BFF;
	s21 =	sshll.u32 s7, $0x1;
	s4 =	sadd.s32 s5, s19  }
0x9d: {  	s8 =	simm.s32 $0x0;
	s20 =	sshll.u32 s6, $0x1;
	s6 =	sadd.s32 s21, s4  }
0x9e: {  	[timem:s8], [sflag:s22] =	dma.local [hbm:s6], s20  }
0x9f: {  	_ =	swait.ge [sflag:s22], s20  }
0xa0: {  	s5 =	ssub.s32 $0x0, s20;
	[sflag:s22] =	ssyncset.done $0x0  }
0xa1: {  	[sflag:s22] =	ssyncadd.s32 s5;
	_ =	sdelay $0x1  }
0xa2: {  	s23 =	simm.s32 $0x1B8B  }
0xa3: {  	_ =	swait.ge [sflag:s23], $0x1  }
0xa4: {  	[sflag:s23] =	ssyncset.done $0x0  }
0xa5: {  	s25 =	simm.s32 $0x1B8E;
	s24 =	sld [smem:$0x3FFE];
	[sflag:s23] =	ssyncadd.s32 $0xFFFFFFFF  }
0xa6: {  	s26 =	simm.s32 $execute0_lowered;
	[smem:$0x3FD2] =	sst s25  }
0xa7: {  	s6 =	sshll.u32 s26, $0x1;
	_ =	strace $0x80000046;
	[dreg:$0x1] =	wrdreg $0xFFFFFFFF  }
0xa8: {  	s28 =	simm.s32 $_size_execute0_lowered;
	s4 =	sadd.s32 s4, s6;
	[dreg:$0x0] =	wrdreg $0x0  }
0xa9: {  	s6 =	sshll.u32 s28, $0x1;
	[dreg:$0x2] =	wrdreg s4  }
0xaa: {  	[dreg:$0x3] =	wrdreg s6  }
0xab: {  	[dreg:$0x4] =	wrdreg $0xC0  }
0xac: {  	_ =	task [dreg:s8], $0x5FFFF  }
0xad: {  	[dreg:$0x1] =	wrdreg $0xFFFFFFFF  }
0xae: {  	[dreg:$0x0] =	wrdreg $0x60  }
0xaf: {  	[dreg:$0x2] =	wrdreg s18  }
0xb0: {  	[dreg:$0x3] =	wrdreg s2  }
0xb1: {  	[dreg:$0x4] =	wrdreg s24  }
0xb2: {  	[dreg:$0x5] =	wrdreg $0x9  }
0xb3: {  	_ =	task.clear_ibuf [dreg:s8], $0x6FFFF;
	_ =	strace $0x90000046  }
0xb4: {  	s29 =	simm.s32 $0x9;
	_ =	strace $0x80000048  }
0xb5: {  	_ =	swait.ge [sflag:s29], $0x1  }
0xb6: {  	[sflag:s29] =	ssyncadd.s32 $0xFFFFFFFF  }
0xb7: {  	_ =	strace $0x90000048  }
0xb8: {  	_ =	sfence  }
0xb9: {  	s30 =	sld [smem:$0x0];
	_ =	sdelay $0x2  }
0xba: {  	s31 =	sshll.u32 s1, $0xD;
	s1 =	sshrl.u32 s1, $0x2  }
0xbb: {  	s3 =	sand.u32 $0x4000, s31;
	s1 =	sadd.s32 s1, s30  }
0xbc: {  	s0 =	sor.u32 s3, s0;
	s1 =	sshll.u32 s1, $0x11  }
0xbd: {  	s0 =	sor.u32 s1, s0  }
0xbe: {  	s0 =	sadd.s32 $0x8F2B, s0  }
0xbf: {  	[sflag:s0] =	ssyncadd.remote.s32 $0x1  }
0xc0: {  	_ =	sfence.sel $0xFFFF  }
0xc1: {  	[dreg:$0x0] =	wrdreg $0xFFFFFFFF;
	(pc) =	sbr.abs _section_cstart, $3  }
0xc2: {  	[dreg:$0x1] =	wrdreg $0xFFFFFFFF  }
0xc3: {  	_ =	task.clear_ibuf [dreg:s8], $0x2FFFF;
	_ =	strace $0x9FFFFFFF  }
0xc4: {  	(tm) =	ssettm $0x7FFFFFFF  }
0xc5: {  	_ =	shalt  }
tec
execute0_lowered:
.L_overlay_start_1:
0x0: {  	(tag) =	ssettag $0x1  }
0x1: {  	s1 =	srdreg.scid;
	s0 =	stileid.u32  }
0x2: {  	s2 =	rddreg [dreg:$0x0];
	s13 =	sand.u32 $0x1, s1;
	s31 =	sshll.u32 s0, $0x1  }
0x3: {  	s10 =	rddreg [dreg:$0x1];
	s11 =	sor.u32 s13, s31  }
0x4: {  	s16 =	rddreg [dreg:$0x2];
	s3 =	simm.s32 $0x0;
	s4 =	smul.u32 $0x27, s11  }
0x5: {  	s5 =	simm.s32 $0x2;
	[smem:$0x7FF] =	sst s3  }
0x6: {  	s1 =	rddreg [dreg:$0x3];
	_ =	strace $0x80000047;
	s4 =	sadd.s32 s10, s4  }
0x7: {  	[tilespmem:s3], [sflag:$0x2] =	stream.linear.gather [hbm4b:s4+s3], $0x138, $0x38;
	[tilespmem:$0xA580] =	vst v63  }
0x8: {  	_ =	swait.ge [sflag:s5], $0x138  }
0x9: {  	s6 =	simm.s32 $0x138;
	s7 =	simm.s32 $0x180;
	[sflag:s5] =	ssyncset.done $0x0  }
0xa: {  	s8 =	simm.s32 $0x1;
	s9 =	smul.u32 $0x1380, s11;
	[sflag:s5] =	ssyncadd.s32 $0xFFFFFEC8  }
0xb: {  	[tilespmem:s7], [sflag:$0x1] =	stream.indirect.gather [hbm4b:s2+s6], $0x80, s3, s6, $0xb8;
	[tilespmem:$0xA580] =	vst v63  }
0xc: {  	_ =	swait.ge [sflag:s8], $0x9C00  }
0xd: {  	s9 =	sadd.s32 s9, s16;
	[sflag:s8] =	ssyncset.done $0x0  }
0xe: {  	s9 =	sadd.s32 $0x2E00, s9;
	[sflag:s8] =	ssyncadd.s32 $0xFFFF6400  }
0xf: {  	[hbm4b:s9+s3] =	stream.linear.scatter [tilespmem:s7], [sflag:$0x2], $0x9C00, $0x38;
	[tilespmem:$0xA580] =	vst v63  }
0x10: {  	s17 =	ssub.s32 $0x2, s13;
	p0 =	sne.s32 s11, $0x1F;
	_ =	swait.ge [sflag:s5], $0x9C00  }
0x11: {  	s18 =	sshrl.u32 s17, $0x1;
	s12 =	simm.s32 @!p0 $0x0;
	[sflag:s5] =	ssyncset.done $0x0  }
0x12: {  	s11 =	simm.s32 @!p0 $0x2;
	s10 =	sadd.s32 $0x4E0, s10;
	[sflag:s5] =	ssyncadd.s32 $0xFFFF6400  }
0x13: {  	[tilespmem:s12], [sflag:$0x2] =	stream.linear.gather @!p0 [hbm4b:s10+s12], $0x10, $0x38;
	[tilespmem:$0xA580] =	vst v63  }
0x14: {  	s13 =	simm.s32 @!p0 $0x1;
	s17 =	ssub.s32 s17, s18;
	_ =	swait.ge @!p0 [sflag:s11], $0x10  }
0x15: {  	s14 =	simm.s32 @!p0 $0x10;
	s17 =	smax.u32 s17, $0x1;
	[sflag:s11] =	ssyncset.done @!p0 $0x0  }
0x16: {  	s15 =	simm.s32 @!p0 $0x180;
	s17 =	sadd.s32 $0xFFFFFFFF, s17;
	[sflag:s11] =	ssyncadd.s32 @!p0 $0xFFFFFFF0  }
0x17: {  	[tilespmem:s15], [sflag:$0x1] =	stream.indirect.gather @!p0 [hbm4b:s2+s14], $0x80, s12, s14, $0xb8;
	[tilespmem:$0xA580] =	vst v63  }
0x18: {  	p1 =	sne.s32 s17, $0x0;
	_ =	swait.ge @!p0 [sflag:s13], $0x800  }
.Ltmp0:
0x19: {  	[sflag:s13] =	ssyncset.done @!p0 $0x0;
	(pc) =	sbr.rel @!p1 .LBB2_2-.Ltmp0, $4  }
0x1a: {  	s16 =	sadd.s32 $0x29E00, s16;
	[sflag:s13] =	ssyncadd.s32 @!p0 $0xFFFFF800  }
0x1b: {  	[hbm4b:s16+s12] =	stream.linear.scatter @!p0 [tilespmem:s15], [sflag:$0x2], $0x800, $0x38;
	[tilespmem:$0xA580] =	vst v63  }
0x1c: {  	_ =	swait.ge @!p0 [sflag:s11], $0x800  }
0x1d: {  	[sflag:s11] =	ssyncset.done @!p0 $0x0  }
.LBB2_1:
0x1e: {  	s17 =	sadd.s32 $0xFFFFFFFF, s17;
	[sflag:s11] =	ssyncadd.s32 @!p0 $0xFFFFF800  }
0x1f: {  	[tilespmem:s3], [sflag:$0x2] =	stream.linear.gather [hbm4b:s4+s3], $0x138, $0x38;
	[tilespmem:$0xA580] =	vst v63  }
0x20: {  	p1 =	sne.s32 s17, $0x0;
	_ =	swait.ge [sflag:s5], $0x138  }
0x21: {  	[sflag:s5] =	ssyncset.done $0x0  }
0x22: {  	[sflag:s5] =	ssyncadd.s32 $0xFFFFFEC8  }
0x23: {  	[tilespmem:s7], [sflag:$0x1] =	stream.indirect.gather [hbm4b:s2+s6], $0x80, s3, s6, $0xb8;
	[tilespmem:$0xA580] =	vst v63  }
0x24: {  	_ =	swait.ge [sflag:s8], $0x9C00  }
0x25: {  	[sflag:s8] =	ssyncset.done $0x0  }
0x26: {  	[sflag:s8] =	ssyncadd.s32 $0xFFFF6400  }
0x27: {  	[hbm4b:s9+s3] =	stream.linear.scatter [tilespmem:s7], [sflag:$0x2], $0x9C00, $0x38;
	[tilespmem:$0xA580] =	vst v63  }
0x28: {  	_ =	swait.ge [sflag:s5], $0x9C00  }
0x29: {  	[sflag:s5] =	ssyncset.done $0x0  }
0x2a: {  	[sflag:s5] =	ssyncadd.s32 $0xFFFF6400  }
0x2b: {  	[tilespmem:s12], [sflag:$0x2] =	stream.linear.gather @!p0 [hbm4b:s10+s12], $0x10, $0x38;
	[tilespmem:$0xA580] =	vst v63  }
0x2c: {  	_ =	swait.ge @!p0 [sflag:s11], $0x10  }
0x2d: {  	[sflag:s11] =	ssyncset.done @!p0 $0x0  }
0x2e: {  	[sflag:s11] =	ssyncadd.s32 @!p0 $0xFFFFFFF0  }
0x2f: {  	[tilespmem:s15], [sflag:$0x1] =	stream.indirect.gather @!p0 [hbm4b:s2+s14], $0x80, s12, s14, $0xb8;
	[tilespmem:$0xA580] =	vst v63  }
0x30: {  	_ =	swait.ge @!p0 [sflag:s13], $0x800  }
.Ltmp1:
0x31: {  	[sflag:s13] =	ssyncset.done @!p0 $0x0;
	(pc) =	sbr.rel @p1 .LBB2_1-.Ltmp1, $4  }
0x32: {  	[sflag:s13] =	ssyncadd.s32 @!p0 $0xFFFFF800  }
0x33: {  	[hbm4b:s16+s12] =	stream.linear.scatter @!p0 [tilespmem:s15], [sflag:$0x2], $0x800, $0x38;
	[tilespmem:$0xA580] =	vst v63  }
0x34: {  	_ =	swait.ge @!p0 [sflag:s11], $0x800  }
0x35: {  	[sflag:s11] =	ssyncset.done @!p0 $0x0  }
.LBB2_2:
0x36: {  	[sflag:s11] =	ssyncadd.s32 @!p0 $0xFFFFF800  }
0x37: {  	_ =	sfence.sel $0x180000  }
0x38: {  	[bflag:$0x0] =	sbarrier.arrive $0xFFFF  }
0x39: {  	p0 =	sne.s32 s0, $0x0;
	_ =	strace $0x90000047  }
0x3a: {  	s0 =	sadd.s32 @!p0 $0x100000, s1;
	[bflag:$0x2] =	sbarrier.arrive $0xFFFF  }
0x3b: {  	[sflag:s0] =	ssyncadd.tile.s32 @!p0 $0x1;
	_ =	shalt  }
.Lfunc_end2:
_tile_overlayer_lowered:
.L_overlay_start_2:
0x3c: {  	(tag) =	ssettag $0x2  }
0x3d: {  	s0 =	rddreg [dreg:$0x0];
	s2 =	stileid.u32  }
0x3e: {  	s1 =	rddreg [dreg:$0x1];
	p0 =	sne.s32 s2, $0x0  }
0x3f: {  	s3 =	rddreg [dreg:$0x2];
	[bflag:$0x3] =	sbarrier.arrive $0xFFFF;
	s2 =	simm.s32 @!p0 $0x1C02  }
0x40: {  	[timem:s3], [sflag:s2] =	dma.local @!p0 [hbm:s0], s1  }
0x41: {  	s0 =	simm.s32 @!p0 $0x2  }
0x42: {  	_ =	swait.ge @!p0 [sflag:s0], s1  }
0x43: {  	s1 =	ssub.s32 @!p0 $0x0, s1;
	[sflag:s0] =	ssyncset.done @!p0 $0x0  }
0x44: {  	[sflag:s0] =	ssyncadd.s32 @!p0 s1  }
0x45: {  	[bflag:$0x3] =	sbarrier.arrive $0xFFFF  }
0x46: {  	_ =	shalt  }

// kernel: scatter_offload_async_start.1
scs
__scs_entry_jumppad:
0x0: {  	(pc) =	sbr.rel $0x88, $3  }
0x1: {  	(tag) =	ssettag $0x0;
	lr =	simm.s32 $0x1  }
0x2: {  	[smem:$0x3F72] =	sst lr;
	_ =	strace $0xD0000000  }
0x3: {  	_ = 	snop  }
0x4: {  	_ = 	snop  }
0x5: {  	_ = 	snop  }
0x6: {  	_ = 	snop  }
0x7: {  	_ = 	snop  }
__scs_overlays_trampoline_lowered:
0x8: {  	[smem:$0x3F81] =	sst s0  }
0x9: {  	[smem:$0x3F82] =	sst s1  }
0xa: {  	[smem:$0x3F83] =	sst s2  }
0xb: {  	[smem:$0x3F84] =	sst s3  }
0xc: {  	[smem:$0x3F85] =	sst s4  }
0xd: {  	[smem:$0x3F86] =	sst s5  }
0xe: {  	[smem:$0x3F87] =	sst s6  }
0xf: {  	[smem:$0x3F88] =	sst s7  }
0x10: {  	[smem:$0x3F89] =	sst s8  }
0x11: {  	[smem:$0x3F8A] =	sst s9;
	s0 =	simm.s32 @!p0 $0x0  }
0x12: {  	s1 =	sld [smem:$0x3F70];
	s0 =	simm.s32 @p0 $0x1  }
0x13: {  	[smem:$0x3F8B] =	sst s0;
	s0 =	simm.s32 @!p1 $0x0  }
0x14: {  	s2 =	sld [smem:$0x3F6F];
	s0 =	simm.s32 @p1 $0x1  }
0x15: {  	[smem:$0x3F8C] =	sst s0;
	s0 =	simm.s32 @!p2 $0x0  }
0x16: {  	s3 =	sld [smem:$0x3FDB];
	s0 =	simm.s32 @p2 $0x1  }
0x17: {  	s4 =	simm.s32 $0x1BF5;
	[smem:$0x3F8E] =	sst s0  }
0x18: {  	s0 =	sld [smem:$0x3F71];
	_ =	swait.ge [sflag:s4], $0x0  }
0x19: {  	s7 =	sld [smem:$0x3F72]  }
0x1a: {  	s8 =	sadd.s32 $0xFFFFE003, lr  }
0x1b: {  	s9 =	sadd.s32 $0xFFFFFEF7, lr;
	s5 =	simm.s32 $0xFFFFFFFF;
	p2 =	slt.u32 s8, $0xFFFFF086  }
0x1c: {  	p1 =	slt.u32 s9, $0xF7A;
	s5 =	simm.s32 @!p2 $0x0  }
0x1d: {  	s5 =	simm.s32 @p1 $0x1;
	p0 =	seq.s32 s7, s2  }
0x1e: {  	s7 =	smul.u32 @!p0 $0xF7A, s2;
	p2 =	seq.s32 @!p0 s5, $0x0  }
0x1f: {  	s9 =	smul.u32 $0xF7A, s1;
	s8 =	simm.s32 @!p0 $0x1BF5;
	p2 =	por !p2, p0  }
0x20: {  	[sflag:s8] =	ssyncset.s32 @!p0 $0xFFFFF086;
	s6 =	sadd.s32 @!p0 s3, s7;
	s7 =	simm.s32 @!p0 $0x108  }
0x21: {  	s3 =	sadd.s32 s3, s9;
	s6 =	sadd.s32 @!p0 $0x88, s6;
	s7 =	simm.s32 @p2 $0x1082  }
0x22: {  	[simem:s7], [sflag:s8] =	dma.local @!p0 [hbm:s6], $0xF7A  }
0x23: {  	s9 =	sor.u32 $0xD0000000, s2;
	s6 =	simm.s32 $0x108;
	_ =	swait.ge @!p0 [sflag:s8], $0x0  }
0x24: {  	s3 =	sadd.s32 $0x88, s3;
	s6 =	simm.s32 @!p1 $0x1082;
	[sflag:s4] =	ssyncset.s32 $0xFFFFF086  }
0x25: {  	[simem:s6], [sflag:s4] =	dma.local [hbm:s3], $0xF7A  }
0x26: {  	[smem:$0x3F72] =	sst s1;
	(tag) =	ssettag s2;
	_ =	strace s9  }
0x27: {  	s1 =	sld [smem:$0x3F82]  }
0x28: {  	s2 =	sld [smem:$0x3F83]  }
0x29: {  	s4 =	sld [smem:$0x3F85]  }
0x2a: {  	p0 =	seq.s32 s5, $0x0;
	s5 =	sld [smem:$0x3F86]  }
0x2b: {  	s6 =	sld [smem:$0x3F87]  }
0x2c: {  	s7 =	sld [smem:$0x3F88]  }
0x2d: {  	s3 =	simm.s32 $0x108;
	s8 =	sld [smem:$0x3F89]  }
0x2e: {  	s3 =	simm.s32 @!p0 $0x1082;
	s9 =	sld [smem:$0x3F8A]  }
0x2f: {  	lr =	sadd.s32 s0, s3;
	s0 =	sld [smem:$0x3F81]  }
0x30: {  	s3 =	sld [smem:$0x3F84]  }
0x31: {  	[smem:$0x3F8D] =	sst s10  }
0x32: {  	s10 =	sld [smem:$0x3F8B];
	_ =	sdelay $0x3  }
0x33: {  	p0 =	seq.s32 s10, $0x1;
	s10 =	sld [smem:$0x3F8D];
	_ =	sdelay $0x3  }
0x34: {  	[smem:$0x3F8D] =	sst s10  }
0x35: {  	s10 =	sld [smem:$0x3F8C];
	_ =	sdelay $0x3  }
0x36: {  	p1 =	seq.s32 s10, $0x1;
	s10 =	sld [smem:$0x3F8D];
	_ =	sdelay $0x3  }
0x37: {  	[smem:$0x3F8D] =	sst s10  }
0x38: {  	s10 =	sld [smem:$0x3F8E]  }
0x39: {  	_ = 	snop;
	(pc) =	sbr.ind lr, $3  }
0x3a: {  	_ = 	snop  }
0x3b: {  	_ = 	snop  }
0x3c: {  	p2 =	seq.s32 s10, $0x1;
	s10 =	sld [smem:$0x3F8D]  }
0x3d: {  	_ =	shalt  }
0x3e: {  	_ =	shalt  }
0x3f: {  	_ =	shalt  }
0x40: {  	_ =	shalt  }
0x41: {  	_ =	shalt  }
0x42: {  	_ =	shalt  }
0x43: {  	_ =	shalt  }
0x44: {  	_ =	shalt  }
0x45: {  	_ =	shalt  }
0x46: {  	_ =	shalt  }
0x47: {  	_ =	shalt  }
0x48: {  	_ =	shalt  }
0x49: {  	_ =	shalt  }
0x4a: {  	_ =	shalt  }
0x4b: {  	_ =	shalt  }
0x4c: {  	_ =	shalt  }
0x4d: {  	_ =	shalt  }
0x4e: {  	_ =	shalt  }
0x4f: {  	_ =	shalt  }
0x50: {  	_ =	shalt  }
0x51: {  	_ =	shalt  }
0x52: {  	_ =	shalt  }
0x53: {  	_ =	shalt  }
0x54: {  	_ =	shalt  }
0x55: {  	_ =	shalt  }
0x56: {  	_ =	shalt  }
0x57: {  	_ =	shalt  }
0x58: {  	_ =	shalt  }
0x59: {  	_ =	shalt  }
0x5a: {  	_ =	shalt  }
0x5b: {  	_ =	shalt  }
0x5c: {  	_ =	shalt  }
0x5d: {  	_ =	shalt  }
0x5e: {  	_ =	shalt  }
0x5f: {  	_ =	shalt  }
0x60: {  	_ =	shalt  }
0x61: {  	_ =	shalt  }
0x62: {  	_ =	shalt  }
0x63: {  	_ =	shalt  }
0x64: {  	_ =	shalt  }
0x65: {  	_ =	shalt  }
0x66: {  	_ =	shalt  }
0x67: {  	_ =	shalt  }
0x68: {  	_ =	shalt  }
0x69: {  	_ =	shalt  }
0x6a: {  	_ =	shalt  }
0x6b: {  	_ =	shalt  }
0x6c: {  	_ =	shalt  }
0x6d: {  	_ =	shalt  }
0x6e: {  	_ =	shalt  }
0x6f: {  	_ =	shalt  }
0x70: {  	_ =	shalt  }
0x71: {  	_ =	shalt  }
0x72: {  	_ =	shalt  }
0x73: {  	_ =	shalt  }
0x74: {  	_ =	shalt  }
0x75: {  	_ =	shalt  }
0x76: {  	_ =	shalt  }
0x77: {  	_ =	shalt  }
0x78: {  	_ =	shalt  }
0x79: {  	_ =	shalt  }
0x7a: {  	_ =	shalt  }
0x7b: {  	_ =	shalt  }
0x7c: {  	_ =	shalt  }
0x7d: {  	_ =	shalt  }
0x7e: {  	_ =	shalt  }
0x7f: {  	_ =	shalt  }
0x80: {  	_ =	shalt  }
0x81: {  	_ =	shalt  }
0x82: {  	_ =	shalt  }
0x83: {  	_ =	shalt  }
0x84: {  	_ =	shalt  }
0x85: {  	_ =	shalt  }
0x86: {  	_ =	shalt  }
0x87: {  	_ =	shalt  }
.Lfunc_end0:
.L_simem_size_0:
called_computation.1_lowered:
.L_overlay_start_0:
0x88: {  	s2 =	sld [smem:$0x3FD9]  }
0x89: {  	s3 =	sld [smem:$0x3FFE];
	_ =	sdelay $0x1  }
0x8a: {  	s1 =	srdreg.scid  }
0x8b: {  	s0 =	sand.u32 $0x1, s1  }
0x8c: {  	s15 =	sshll.u32 s0, $0xA;
	s2 =	sadd.s32 s3, s2  }
0x8d: {  	s2 =	sadd.s32 s2, s15  }
0x8e: {  	[smem:$0x3F99] =	sst s2  }
0x8f: {  	_ = 	snop  }
0x90: {  	(tm) =	ssettm $0x1  }
0x91: {  	s16 =	sld [smem:$0x3FFB];
	_ =	sdelay $0x3  }
0x92: {  	_ =	strace s16  }
0x93: {  	s2 =	sld [smem:$0x3FFC];
	_ =	sdelay $0x3  }
0x94: {  	_ =	strace s2  }
0x95: {  	s2 =	sld [smem:$0x3FFD];
	_ =	sdelay $0x3  }
0x96: {  	_ =	strace s2  }
0x97: {  	_ =	strace $0x8FFFFFFF  }
0x98: {  	s17 =	sld [smem:$0x3FDB];
	_ =	sdelay $0x1  }
0x99: {  	s18 =	simm.s32 $_scs_section_size  }
0x9a: {  	s4 =	simm.s32 $_size__tile_overlayer_lowered;
	s5 =	simm.s32 $_tile_overlayer_lowered  }
0x9b: {  	s21 =	simm.s32 $0x1BFF;
	s20 =	sshll.u32 s5, $0x1;
	s2 =	sadd.s32 s18, s17  }
0x9c: {  	s6 =	simm.s32 $0x0;
	s19 =	sshll.u32 s4, $0x1;
	s4 =	sadd.s32 s20, s2  }
0x9d: {  	[timem:s6], [sflag:s21] =	dma.local [hbm:s4], s19  }
0x9e: {  	_ =	swait.ge [sflag:s21], s19  }
0x9f: {  	s3 =	ssub.s32 $0x0, s19;
	[sflag:s21] =	ssyncset.done $0x0  }
0xa0: {  	[sflag:s21] =	ssyncadd.s32 s3;
	_ =	sdelay $0x1  }
0xa1: {  	s22 =	simm.s32 $0x1B8B  }
0xa2: {  	_ =	swait.ge [sflag:s22], $0x1  }
0xa3: {  	[sflag:s22] =	ssyncset.done $0x0  }
0xa4: {  	s23 =	sld [smem:$0x3FFE];
	[sflag:s22] =	ssyncadd.s32 $0xFFFFFFFF  }
0xa5: {  	s25 =	simm.s32 $0x1B8E;
	s24 =	sld [smem:$0x0]  }
0xa6: {  	s26 =	simm.s32 $execute0_lowered;
	[smem:$0x3FD2] =	sst s25  }
0xa7: {  	s5 =	sshll.u32 s26, $0x1;
	_ =	strace $0x8000004C;
	[dreg:$0x1] =	wrdreg $0xFFFFFFFF  }
0xa8: {  	s28 =	simm.s32 $_size_execute0_lowered;
	s2 =	sadd.s32 s2, s5;
	[dreg:$0x0] =	wrdreg $0x0  }
0xa9: {  	s5 =	sshll.u32 s28, $0x1;
	[dreg:$0x2] =	wrdreg s2  }
0xaa: {  	[dreg:$0x3] =	wrdreg s5  }
0xab: {  	[dreg:$0x4] =	wrdreg $0xC0  }
0xac: {  	_ =	task [dreg:s6], $0x5FFFF  }
0xad: {  	[dreg:$0x1] =	wrdreg $0xFFFFFFFF  }
0xae: {  	[dreg:$0x0] =	wrdreg $0x60  }
0xaf: {  	[dreg:$0x2] =	wrdreg s23  }
0xb0: {  	[dreg:$0x3] =	wrdreg s1  }
0xb1: {  	[dreg:$0x4] =	wrdreg s24  }
0xb2: {  	[dreg:$0x5] =	wrdreg $0x9  }
0xb3: {  	_ =	task.clear_ibuf [dreg:s6], $0x6FFFF;
	_ =	strace $0x9000004C  }
0xb4: {  	s29 =	simm.s32 $0x9;
	_ =	strace $0x8000004E  }
0xb5: {  	_ =	swait.ge [sflag:s29], $0x1  }
0xb6: {  	[sflag:s29] =	ssyncadd.s32 $0xFFFFFFFF  }
0xb7: {  	_ =	strace $0x9000004E  }
0xb8: {  	_ =	sfence  }
0xb9: {  	s30 =	sld [smem:$0x0];
	_ =	sdelay $0x2  }
0xba: {  	s31 =	sshll.u32 s1, $0xD;
	s1 =	sshrl.u32 s1, $0x2  }
0xbb: {  	s3 =	sand.u32 $0x4000, s31;
	s1 =	sadd.s32 s1, s30  }
0xbc: {  	s0 =	sor.u32 s3, s0;
	s1 =	sshll.u32 s1, $0x11  }
0xbd: {  	s0 =	sor.u32 s1, s0  }
0xbe: {  	s0 =	sadd.s32 $0x8F2B, s0  }
0xbf: {  	[sflag:s0] =	ssyncadd.remote.s32 $0x1  }
0xc0: {  	_ =	sfence.sel $0xFFFF  }
0xc1: {  	[dreg:$0x0] =	wrdreg $0xFFFFFFFF;
	(pc) =	sbr.abs _section_cstart, $3  }
0xc2: {  	[dreg:$0x1] =	wrdreg $0xFFFFFFFF  }
0xc3: {  	_ =	task.clear_ibuf [dreg:s6], $0x2FFFF;
	_ =	strace $0x9FFFFFFF  }
0xc4: {  	(tm) =	ssettm $0x7FFFFFFF  }
0xc5: {  	_ =	shalt  }
tec
execute0_lowered:
.L_overlay_start_1:
0x0: {  	(tag) =	ssettag $0x1  }
0x1: {  	s2 =	rddreg [dreg:$0x0]  }
0x2: {  	s3 =	rddreg [dreg:$0x1];
	_ =	strace $0x8000004D;
	s0 =	simm.s32 $0x1  }
0x3: {  	v0 =	vimm.s32 $0x0;
	[sflag:s0] =	ssyncpa.u1 $0x0;
	s0 =	simm.s32 $0x108  }
0x4: {  	[tilespmem:s0+$0x70] =	vst v0  }
0x5: {  	[tilespmem:s0+$0x60] =	vst v0  }
0x6: {  	[tilespmem:s0+$0x50] =	vst v0  }
0x7: {  	[tilespmem:s0+$0x40] =	vst v0  }
0x8: {  	[tilespmem:s0+$0x30] =	vst v0  }
0x9: {  	s1 =	sadd.s32 $0x2E00, s2;
	s15 =	sadd.s32 $0x3DC00, s2;
	s6 =	sadd.s32 $0x5B600, s2;
	[tilespmem:s0+$0x20] =	vst v0  }
0xa: {  	s14 =	sadd.s32 $0x47A00, s2;
	s5 =	sand.u32 $0x1, s3;
	s3 =	simm.s32 $0x40;
	[tilespmem:s0+$0x10] =	vst v0  }
.LBB2_1:
0xb: {  	s3 =	sadd.s32 $0x40, s3;
	[tilespmem:s0+$0x0] =	vst v0;
	s0 =	sadd.s32 $0x80, s0  }
0xc: {  	p0 =	slt.u32 s3, $0x3C40;
	[tilespmem:s0+$0x70] =	vst v0  }
0xd: {  	[tilespmem:s0+$0x60] =	vst v0  }
.Ltmp0:
0xe: {  	[tilespmem:s0+$0x50] =	vst v0;
	(pc) =	sbr.rel @p0 .LBB2_1-.Ltmp0, $4  }
0xf: {  	[tilespmem:s0+$0x40] =	vst v0  }
0x10: {  	[tilespmem:s0+$0x30] =	vst v0  }
0x11: {  	[tilespmem:s0+$0x20] =	vst v0  }
0x12: {  	[tilespmem:s0+$0x10] =	vst v0  }
0x13: {  	s9 =	stileid.u32  }
0x14: {  	s2 =	smul.u32 $0x29, s9  }
0x15: {  	s3 =	smin.u32 s9, $0xB  }
0x16: {  	s2 =	sadd.s32 s3, s2  }
0x17: {  	p0 =	slt.u32 s9, $0xB;
	s7 =	smul.u32 $0xF0, s2;
	s2 =	simm.s32 $0x2760  }
0x18: {  	s2 =	simm.s32 @!p0 $0x2670  }
0x19: {  	s2 =	sadd.s32 s2, s7  }
0x1a: {  	s8 =	smin.u32 s2, $0x27100  }
0x1b: {  	s2 =	ssub.s32 s8, s7  }
0x1c: {  	p0 =	sgt.s32 s2, $0x0  }
0x1d: {  	s29 =	simm.s32 $0x2;
	s10 =	simm.s32 $0x9;
	s2 =	simm.s32 @!p0 $0x0  }
0x1e: {  	s4 =	simm.s32 $0xA;
	s11 =	simm.s32 $0xB;
	s28 =	smulhi.u32 $0x88888889, s2  }
0x1f: {  	[dreg:$0x4] =	wrdreg s5;
	s31 =	smul.u32 $0x4E20, s5;
	s12 =	simm.s32 $0x1  }
0x20: {  	s22 =	simm.s32 $0x0;
	s18 =	simm.s32 $0xC;
	s30 =	sshrl.u32 s28, $0x7  }
0x21: {  	s20 =	simm.s32 $0x0;
	s21 =	simm.s32 $0x0;
	s3 =	smul.u32 $0xF0, s30  }
.Ltmp1:
0x22: {  	[tilespmem:s0+$0x0] =	vst v0;
	v0 =	vimm.s32 $0xFFFFFFFF;
	[sflag:s29] =	ssyncpa.u1 $0x0;
	s16 =	sshll.u32 s9, $0x8;
	(pc) =	sbr.rel .LBB2_3-.Ltmp1, $4  }
0x23: {  	[tilespmem:$0xF208] =	vst v0;
	[sflag:s10] =	ssyncpa.u1 $0x0;
	p0 =	sne.s32 s2, s3;
	s2 =	simm.s32 $0x1  }
0x24: {  	s14 =	sadd.s32 s31, s14;
	[sflag:s4] =	ssyncpa.u1 $0x0;
	s2 =	simm.s32 @!p0 $0x0  }
0x25: {  	s15 =	sadd.s32 s31, s15;
	[sflag:s11] =	ssyncpa.u1 $0x0;
	s13 =	sadd.s32 s2, s30  }
0x26: {  	v0 =	vlaneseq.u32;
	s19 =	smov.u32 s7;
	p0 =	por $0x0, $0x0;
	s17 =	sadd.s32 $0x1, s13  }
.LBB2_18:
0x27: {  	s0 =	sshrl.u32 s31, $0x2  }
.LBB2_20:
0x28: {  	_ =	swait.ge [sflag:s18], s0  }
0x29: {  	s31 =	ssub.s32 $0x0, s0;
	v1 =	vmov s24;
	vm0 =	veq.s32 v0, $0x0;
	[sflag:s18] =	ssyncset.done $0x0  }
0x2a: {  	vm15 =	veq.s32 v0, $0x2;
	v1 =	vsel vm0, s30, v1;
	[sflag:s18] =	ssyncadd.s32 s31  }
0x2b: {  	v1 =	vsel vm15, s22, v1;
	[sflag:s18] =	ssyncpa.u1 $0x1  }
0x2c: {  	[tilespmem:$0xF208] =	vst v1  }
.LBB2_21:
0x2d: {  	s0 =	sadd.s32 $0xF0, s19  }
0x2e: {  	s2 =	smov.u32 s7;
	p1 =	slt.s32 s0, s8  }
0x2f: {  	s2 =	smov.u32 @p1 s0;
	p1 =	sne.s32 s21, s17  }
.Ltmp2:
0x30: {  	_ = 	snop;
	(pc) =	sbr.rel @!p1 .LBB2_22-.Ltmp2, $3  }
0x31: {  	_ =	sdelay $0x1  }
0x32: {  	s22 =	smov.u32 s20;
	s31 =	sadd.s32 $0x1, s21;
	s20 =	smov.u32 s19  }
0x33: {  	p0 =	por !p0, !p0;
	s21 =	smov.u32 s31;
	s19 =	smov.u32 s2  }
.LBB2_3:
0x34: {  	p1 =	sge.u32 s21, s13  }
0x35: {  	s0 =	smulhi.u32 @!p1 $0xAAAAAAAB, s21  }
0x36: {  	s2 =	smov.u32 s19;
	p2 =	sgt.s32 @!p1 s19, $0x27010  }
0x37: {  	s3 =	sshra.s32 @!p1 s19, $0x1F;
	p2 =	por !p2, p1;
	s0 =	sshrl.u32 @!p1 s0, $0x1  }
0x38: {  	s3 =	sand.u32 @!p1 s3, s19;
	s2 =	simm.s32 @p2 $0x27010;
	s0 =	smul.u32 @!p1 $0x3, s0  }
0x39: {  	s2 =	ssub.s32 @!p1 s2, s3  }
0x3a: {  	s2 =	sadd.s32 @!p1 $0xFFFD8FF0, s2;
	s0 =	ssub.s32 @!p1 s21, s0  }
0x3b: {  	s3 =	sshll.u32 @!p1 s2, $0x2;
	p2 =	sgt.s32 @!p1 s2, $0xEF;
	s0 =	smul.u32 @!p1 $0x3C0, s0  }
0x3c: {  	s4 =	sand.u32 @!p1 $0x7, s19;
	s2 =	ssub.s32 @!p1 $0x3C0, s3;
	p2 =	por !p2, p1  }
0x3d: {  	s3 =	sshrl.u32 @!p1 s19, $0x3;
	s2 =	sshrl.u32 @!p1 s2, $0x2;
	s0 =	sshrl.u32 @!p1 s0, $0x2  }
0x3e: {  	s3 =	sadd.s32 @!p1 s3, s14;
	s2 =	simm.s32 @!p2 $0x0;
	s0 =	sadd.s32 @!p1 $0x10248, s0  }
0x3f: {  	[tilespmem:s0], [sflag:$0xA] =	stream.linear.gather @!p1 [hbm4b:s3+s4], s2, $0x38;
	[tilespmem:$0x1F6F8] =	vst v63  }
0x40: {  	s0 =	sadd.s32 $0xFFFFFFFF, s21  }
0x41: {  	p1 =	sge.u32 s0, s13  }
0x42: {  	p2 =	sgt.s32 @!p1 s20, $0x27010  }
0x43: {  	s2 =	smov.u32 s20;
	s3 =	sshra.s32 @!p1 s20, $0x1F;
	p2 =	por !p2, p1  }
0x44: {  	s3 =	sand.u32 @!p1 s3, s20;
	s2 =	simm.s32 @p2 $0x27010  }
0x45: {  	s2 =	ssub.s32 @!p1 s2, s3  }
0x46: {  	s2 =	sadd.s32 @!p1 $0xFFFD8FF0, s2  }
0x47: {  	s4 =	sand.u32 @!p1 $0x1, s0;
	s3 =	sshll.u32 @!p1 s2, $0x2  }
0x48: {  	p2 =	sgt.s32 @!p1 s2, $0xEF;
	s2 =	ssub.s32 @!p1 $0x3C0, s3;
	s3 =	smulhi.u32 @!p1 $0xAAAAAAAB, s0  }
0x49: {  	s23 =	smul.u32 @!p1 $0x3C0, s4;
	p2 =	por !p2, p1;
	s2 =	sshrl.u32 @!p1 s2, $0x2  }
0x4a: {  	s5 =	simm.s32 @!p1 $0xA;
	s2 =	simm.s32 @!p2 $0x0;
	s3 =	sshrl.u32 @!p1 s3, $0x1  }
0x4b: {  	s23 =	sshrl.u32 @!p1 s23, $0x2;
	_ =	swait.ge @!p1 [sflag:s5], s2;
	s3 =	smul.u32 @!p1 $0x3, s3  }
0x4c: {  	s23 =	sadd.s32 @!p1 $0x10518, s23;
	s24 =	ssub.s32 @!p1 $0x0, s2;
	[sflag:s5] =	ssyncset.done @!p1 $0x0  }
0x4d: {  	[sflag:s5] =	ssyncadd.s32 @!p1 s24;
	s5 =	sshrl.u32 @!p1 s20, $0x3;
	s0 =	ssub.s32 @!p1 s0, s3  }
0x4e: {  	s24 =	sand.u32 @!p1 $0x7, s20;
	s5 =	sadd.s32 @!p1 s5, s15;
	s0 =	smul.u32 @!p1 $0x3C0, s0  }
0x4f: {  	[tilespmem:s23], [sflag:$0xB] =	stream.linear.gather @!p1 [hbm4b:s5+s24], s2, $0x38;
	[tilespmem:$0x1F6F8] =	vst v63  }
0x50: {  	s3 =	ssub.s32 @!p1 $0x27100, s20;
	s2 =	smul.u32 @!p1 $0x1E000, s4  }
0x51: {  	p2 =	slt.s32 @!p1 s3, $0xF0  }
0x52: {  	p2 =	por !p2, p1;
	s0 =	sshrl.u32 @!p1 s0, $0x2;
	s2 =	sshrl.u32 @!p1 s2, $0x2  }
0x53: {  	s3 =	simm.s32 @p2 $0xF0;
	s0 =	sadd.s32 @!p1 $0x10248, s0;
	s2 =	sor.u32 @!p1 $0x106F8, s2  }
0x54: {  	[tilespmem:s2], [sflag:$0x9] =	stream.indirect.gather @!p1 [hbm4b:s6+s3], $0x80, s0, s3, $0xb8;
	[tilespmem:$0x1F6F8] =	vst v63  }
0x55: {  	p1 =	slt.u32 s21, $0x2  }
.Ltmp3:
0x56: {  	_ = 	snop;
	(pc) =	sbr.rel @p1 .LBB2_21-.Ltmp3, $1  }
0x57: {  	_ =	sdelay $0x3  }
0x58: {  	p1 =	sgt.s32 s22, $0x27010  }
0x59: {  	s0 =	smov.u32 s22;
	s2 =	sshra.s32 s22, $0x1F;
	s3 =	ssub.s32 $0x27100, s22  }
0x5a: {  	s0 =	simm.s32 @!p1 $0x27010;
	s2 =	sand.u32 s2, s22;
	p1 =	slt.s32 s3, $0xF0  }
0x5b: {  	s0 =	ssub.s32 s0, s2;
	s3 =	simm.s32 @!p1 $0xF0  }
0x5c: {  	s0 =	sadd.s32 $0xFFFD8FF0, s0;
	s25 =	sshll.u32 s3, $0x7  }
0x5d: {  	s26 =	sshll.u32 s0, $0x2;
	s2 =	sand.u32 $0x3FFFFF80, s25  }
0x5e: {  	p1 =	sgt.s32 s0, $0xEF;
	s29 =	ssub.s32 $0x3C0, s26;
	_ =	swait.ge [sflag:s10], s2  }
0x5f: {  	s2 =	ssub.s32 $0x0, s2;
	[sflag:s10] =	ssyncset.done $0x0;
	s0 =	sshrl.u32 s29, $0x2  }
0x60: {  	[sflag:s10] =	ssyncadd.s32 s2;
	s0 =	simm.s32 @p1 $0x0  }
0x61: {  	_ =	swait.ge [sflag:s11], s0  }
0x62: {  	s0 =	ssub.s32 $0x0, s0;
	[sflag:s11] =	ssyncset.done $0x0  }
0x63: {  	[sflag:s11] =	ssyncadd.s32 s0  }
0x64: {  	v1 =	vld [tilespmem:$0xF208];
	_ =	sdelay $0x4  }
0x65: {  	(v2sf) =	vpush v1, $0x0  }
0x66: {  	(v2sf) =	vpush v1, $0x1  }
0x67: {  	(v2sf) =	vpush v1, $0x2;
	_ =	sdelay $0x3  }
0x68: {  	s0 =	sadd.s32 $0xF0, s22  }
0x69: {  	s2 =	ssub.s32 $0x4E200, s22;
	p1 =	slt.s32 s8, s0  }
0x6a: {  	s0 =	smov.u32 @p1 s8;
	p1 =	sgt.s32 s2, $0x0  }
0x6b: {  	s26 =	ssub.s32 s0, s22;
	s2 =	simm.s32 @!p1 $0x0  }
0x6c: {  	p1 =	slt.s32 s2, s26  }
0x6d: {  	s26 =	smov.u32 @p1 s2  }
0x6e: {  	s25 =	simm.s32 $0x1;
	p1 =	slt.s32 s26, $0x1  }
.Ltmp4:
0x6f: {  	s25 =	simm.s32 @!p0 $0x0;
	(pc) =	sbr.rel @p1 .LBB2_8-.Ltmp4, $4  }
0x70: {  	s31 =	smul.u32 $0x3C0, s25  }
0x71: {  	s28 =	spop (v2sf)  }
0x72: {  	s0 =	sshrl.u32 s31, $0x2;
	s30 =	spop (v2sf)  }
0x73: {  	s23 =	sadd.s32 $0x10518, s0;
	s22 =	spop (v2sf)  }
0x74: {  	s0 =	smin.u32 s26, $0x10  }
0x75: {  	v1 =	vmov s0  }
0x76: {  	p2 =	sgt.s32 s26, $0x10;
	vm1 =	vgt.u32 v1, v0  }
.Ltmp5:
0x77: {  	_ = 	snop;
	(pc) =	sbr.rel @!p2 .LBB2_7-.Ltmp5, $2  }
0x78: {  	_ =	sdelay $0x2  }
0x79: {  	s4 =	simm.s32 $0x10;
	s24 =	sadd.s32 $0xFFFFFFF0, s26;
	s0 =	smov.u32 s23;
	vm0 =	vmmov vm1  }
.LBB2_6:
0x7a: {  	s2 =	smin.u32 s24, $0x10;
	s4 =	sadd.s32 $0x10, s4;
	v1 =	vld.msk [tilespmem:s0+$0x0 ss:$0x1], vm1  }
0x7b: {  	v2 =	vmov s2;
	p2 =	slt.s32 s4, s26  }
0x7c: {  	vm1 =	vgt.u32 v2, v0  }
.Ltmp6:
0x7d: {  	(pc) =	sbr.rel @p2 .LBB2_6-.Ltmp6, $3  }
0x7e: {  	_ =	sdelay $0x1  }
0x7f: {  	v1 =	vshll.u32 v1, $0x4  }
0x80: {  	s24 =	sadd.s32 $0xFFFFFFF0, s24;
	[tilespmem:s0+$0x0] =	vst.msk vm0, v1;
	s0 =	sadd.s32 $0x10, s0;
	vm0 =	vmmov vm1  }
.LBB2_7:
0x81: {  	_ =	sdelay $0x4  }
0x82: {  	v1 =	vld.msk [tilespmem:s0+$0x0 ss:$0x1], vm1;
	_ =	sdelay $0x4  }
0x83: {  	v1 =	vshll.u32 v1, $0x4  }
0x84: {  	[tilespmem:s0+$0x0] =	vst.msk vm0, v1  }
.LBB2_8:
0x85: {  	s0 =	sand.u32 $0x1, s21  }
0x86: {  	s0 =	smul.u32 $0xF0, s0  }
0x87: {  	p2 =	sne.s32 s30, $0xFFFFFFFF  }
0x88: {  	v1 =	vld.msk @!p2 [tilespmem:s0+$0x10518], $0x1;
	_ =	sdelay $0x4  }
0x89: {  	(v2sf) =	vpush @!p2 v1, $0x0;
	_ =	sdelay $0xc  }
.Ltmp7:
0x8a: {  	_ = 	snop;
	(pc) =	sbr.rel @p1 .LBB2_19-.Ltmp7, $4  }
0x8b: {  	_ = 	snop  }
0x8c: {  	s29 =	spop @!p2 (v2sf)  }
0x8d: {  	s22 =	simm.s32 @!p2 $0x0;
	s24 =	smov.u32 s29  }
0x8e: {  	[sflag:s18] =	ssyncpa.u1 $0x0;
	s29 =	smov.u32 @p2 s28;
	s24 =	smov.u32 @p2 s30  }
0x8f: {  	v1 =	vld.msk [tilespmem:s23+$0x0], $0x1;
	_ =	sdelay $0x4  }
0x90: {  	(v2sf) =	vpush v1, $0x0;
	_ =	sdelay $0xe  }
0x91: {  	s2 =	smul.u32 $0x1E000, s25;
	s0 =	spop (v2sf)  }
0x92: {  	s26 =	ssub.s32 $0x0, s26;
	p1 =	seq.s32 s29, s0  }
0x93: {  	s30 =	sadd.s32 $0x1, s26;
	s2 =	sshrl.u32 s2, $0x2;
	p2 =	sgt.s32 @!p1 s29, $0x0  }
0x94: {  	s25 =	sor.u32 $0x10738, s2;
	s2 =	smov.u32 s29;
	p2 =	por !p2, p1  }
0x95: {  	s2 =	simm.s32 @p2 $0x0;
	p2 =	seq.s32 s30, $0x0  }
.Ltmp8:
0x96: {  	_ = 	snop;
	(pc) =	sbr.rel @p2 .LBB2_11-.Ltmp8, $4  }
0x97: {  	_ = 	snop  }
0x98: {  	s28 =	simm.s32 $0x0;
	s31 =	sadd.s32 $0x1, s23;
	s2 =	smin.u32 @!p1 s2, $0x270F0  }
0x99: {  	s4 =	simm.s32 @!p1 $0x1;
	s5 =	simm.s32 @!p1 $0x7988;
	s3 =	sand.u32 @!p1 $0x3FFF8, s2  }
0x9a: {  	s4 =	smov.u32 @p1 s28;
	s2 =	sand.u32 @!p1 $0x7, s2;
	s3 =	sadd.s32 @!p1 s1, s3  }
.LBB2_10:
0x9b: {  	s9 =	smov.u32 s4  }
0x9c: {  	[tilespmem:s5], [sflag:$0x2] =	stream.linear.gather @!p1 [hbm4b:s3+s2], $0x80, $0x38;
	[tilespmem:$0x1F6F8] =	vst v63  }
0x9d: {  	s30 =	sadd.s32 $0x1, s30;
	s2 =	smov.u32 s0;
	v1 =	vld.msk [tilespmem:s31+$0x0], $0x1  }
0x9e: {  	p2 =	seq.s32 s30, $0x0;
	_ =	sdelay $0x3  }
0x9f: {  	(v2sf) =	vpush v1, $0x0;
	_ =	sdelay $0xe  }
0xa0: {  	s0 =	spop (v2sf)  }
0xa1: {  	p1 =	seq.s32 s2, s0  }
0xa2: {  	p3 =	sgt.s32 @!p1 s2, $0x0;
	s3 =	sshll.u32 @!p1 s4, $0x9;
	s4 =	sadd.s32 @!p1 $0x1, s4  }
.Ltmp9:
0xa3: {  	p3 =	por !p3, p1;
	s3 =	sshra.s32 @!p1 s3, $0x2;
	(pc) =	sbr.rel @!p2 .LBB2_10-.Ltmp9, $4  }
0xa4: {  	s4 =	smov.u32 @p1 s9;
	s2 =	simm.s32 @p3 $0x0;
	s5 =	sadd.s32 @!p1 $0x7988, s3  }
0xa5: {  	s2 =	smin.u32 @!p1 s2, $0x270F0  }
0xa6: {  	s3 =	sand.u32 @!p1 $0x3FFF8, s2;
	s2 =	sand.u32 @!p1 $0x7, s2  }
0xa7: {  	s31 =	sadd.s32 $0x1, s31;
	s3 =	sadd.s32 @!p1 s1, s3  }
.LBB2_11:
0xa8: {  	[tilespmem:s5], [sflag:$0x2] =	stream.linear.gather @!p1 [hbm4b:s3+s2], $0x80, $0x38;
	[tilespmem:$0x1F6F8] =	vst v63  }
.Ltmp10:
0xa9: {  	s0 =	sshll.u32 s4, $0x7;
	(pc) =	sbr.rel .LBB2_12-.Ltmp10, $4  }
0xaa: {  	s30 =	simm.s32 $0x2;
	s0 =	sand.u32 $0x3FFFFF80, s0  }
0xab: {  	_ =	swait.ge [sflag:s30], s0  }
0xac: {  	s0 =	ssub.s32 $0x0, s0;
	[sflag:s30] =	ssyncset.done $0x0  }
0xad: {  	s31 =	simm.s32 $0x0;
	[sflag:s30] =	ssyncadd.s32 s0  }
.LBB2_13:
0xae: {  	v1 =	vld [tilespmem:s25+$0xFFFFFFC0];
	_ =	sdelay $0x3  }
0xaf: {  	s0 =	sshra.s32 s0, $0x2  }
0xb0: {  	[tilespmem:s0+$0x108] =	vst.add.f32.msk $0xffff, v1  }
0xb1: {  	v1 =	vld [tilespmem:s25+$0xFFFFFFD0];
	_ =	sdelay $0x4  }
0xb2: {  	[tilespmem:s0+$0x118] =	vst.add.f32.msk $0xffff, v1  }
0xb3: {  	v1 =	vld [tilespmem:s25+$0xFFFFFFE0];
	_ =	sdelay $0x4  }
0xb4: {  	[tilespmem:s0+$0x128] =	vst.add.f32.msk $0xffff, v1  }
0xb5: {  	v1 =	vld [tilespmem:s25+$0xFFFFFFF0];
	_ =	sdelay $0x4  }
0xb6: {  	[tilespmem:s0+$0x138] =	vst.add.f32.msk $0xffff, v1  }
0xb7: {  	v1 =	vld [tilespmem:s25+$0x0];
	_ =	sdelay $0x4  }
0xb8: {  	[tilespmem:s0+$0x148] =	vst.add.f32.msk $0xffff, v1  }
0xb9: {  	v1 =	vld [tilespmem:s25+$0x10];
	_ =	sdelay $0x4  }
0xba: {  	[tilespmem:s0+$0x158] =	vst.add.f32.msk $0xffff, v1  }
0xbb: {  	v1 =	vld [tilespmem:s25+$0x20];
	_ =	sdelay $0x4  }
0xbc: {  	[tilespmem:s0+$0x168] =	vst.add.f32.msk $0xffff, v1  }
0xbd: {  	v1 =	vld [tilespmem:s25+$0x30];
	_ =	sdelay $0x4  }
0xbe: {  	[tilespmem:s0+$0x178] =	vst.add.f32.msk $0xffff, v1  }
.LBB2_17:
0xbf: {  	s26 =	sadd.s32 $0x1, s26  }
0xc0: {  	p1 =	seq.s32 s26, $0x0  }
.Ltmp11:
0xc1: {  	_ = 	snop;
	(pc) =	sbr.rel @p1 .LBB2_18-.Ltmp11, $2  }
0xc2: {  	_ =	sdelay $0x2  }
0xc3: {  	s23 =	sadd.s32 $0x1, s23;
	s25 =	sadd.s32 $0x80, s25;
	s29 =	smov.u32 s30  }
.LBB2_12:
0xc4: {  	v1 =	vld.msk [tilespmem:s23+$0x0], $0x1;
	_ =	sdelay $0x4  }
0xc5: {  	(v2sf) =	vpush v1, $0x0;
	_ =	sdelay $0xe  }
0xc6: {  	s30 =	spop (v2sf)  }
0xc7: {  	p1 =	sne.s32 s29, s30  }
.Ltmp12:
0xc8: {  	_ = 	snop;
	(pc) =	sbr.rel @!p1 .LBB2_13-.Ltmp12, $2  }
0xc9: {  	_ =	sdelay $0x2  }
0xca: {  	s0 =	sshll.u32 s22, $0x9  }
0xcb: {  	p1 =	seq.s32 s29, s24  }
.Ltmp13:
0xcc: {  	_ = 	snop;
	(pc) =	sbr.rel @!p1 .LBB2_15-.Ltmp13, $1  }
0xcd: {  	_ =	sdelay $0x3  }
0xce: {  	s0 =	sshra.s32 s0, $0x2  }
.Ltmp14:
0xcf: {  	s0 =	sadd.s32 $0x108, s0;
	(pc) =	sbr.rel .LBB2_16-.Ltmp14, $4  }
0xd0: {  	[spmem:s16] =	stream.linear.scatter [tilespmem:s0], [sflag:$0x1], $0x80, $0x38;
	[tilespmem:$0x1F6F8] =	vst v63  }
0xd1: {  	_ =	swait.ge [sflag:s12], $0x80  }
0xd2: {  	[sflag:s12] =	ssyncset.done $0x0  }
0xd3: {  	[sflag:s12] =	ssyncadd.s32 $0xFFFFFF80  }
.LBB2_15:
0xd4: {  	s2 =	sshll.u32 s28, $0x9  }
0xd5: {  	s2 =	sshra.s32 s2, $0x2  }
0xd6: {  	v1 =	vld [tilespmem:s2+$0x7988];
	_ =	sdelay $0x3  }
0xd7: {  	s0 =	sshra.s32 s0, $0x2  }
0xd8: {  	[tilespmem:s0+$0x108] =	vst.add.f32.msk $0xffff, v1  }
0xd9: {  	v1 =	vld [tilespmem:s2+$0x7998];
	_ =	sdelay $0x4  }
0xda: {  	[tilespmem:s0+$0x118] =	vst.add.f32.msk $0xffff, v1  }
0xdb: {  	v1 =	vld [tilespmem:s2+$0x79A8];
	_ =	sdelay $0x4  }
0xdc: {  	[tilespmem:s0+$0x128] =	vst.add.f32.msk $0xffff, v1  }
0xdd: {  	v1 =	vld [tilespmem:s2+$0x79B8];
	_ =	sdelay $0x4  }
0xde: {  	[tilespmem:s0+$0x138] =	vst.add.f32.msk $0xffff, v1  }
0xdf: {  	v1 =	vld [tilespmem:s2+$0x79C8];
	_ =	sdelay $0x4  }
0xe0: {  	[tilespmem:s0+$0x148] =	vst.add.f32.msk $0xffff, v1  }
0xe1: {  	v1 =	vld [tilespmem:s2+$0x79D8];
	_ =	sdelay $0x4  }
0xe2: {  	[tilespmem:s0+$0x158] =	vst.add.f32.msk $0xffff, v1  }
0xe3: {  	v1 =	vld [tilespmem:s2+$0x79E8];
	_ =	sdelay $0x4  }
0xe4: {  	[tilespmem:s0+$0x168] =	vst.add.f32.msk $0xffff, v1  }
0xe5: {  	v1 =	vld [tilespmem:s2+$0x79F8];
	_ =	sdelay $0x2  }
0xe6: {  	p1 =	sgt.u32 s29, $0x270F0  }
0xe7: {  	s2 =	sand.u32 @!p1 $0x3FFF8, s29  }
0xe8: {  	s3 =	sadd.s32 $0x108, s0;
	[tilespmem:s0+$0x178] =	vst.add.f32.msk $0xffff, v1;
	s0 =	sadd.s32 @!p1 s1, s2;
	s2 =	sand.u32 @!p1 $0x7, s29  }
0xe9: {  	[hbm4b:s0+s2] =	stream.linear.scatter @!p1 [tilespmem:s3], [sflag:$0xC], $0x80, $0x38;
	[tilespmem:$0x1F6F8] =	vst v63  }
0xea: {  	s0 =	simm.s32 $0x0  }
0xeb: {  	s0 =	simm.s32 @!p1 $0x200  }
0xec: {  	s31 =	sadd.s32 s0, s31  }
.LBB2_16:
0xed: {  	s0 =	sadd.s32 $0x1, s22  }
0xee: {  	s2 =	smulhi.u32 $0x88888889, s0;
	_ =	sdelay $0x1  }
0xef: {  	v1 =	vld [tilespmem:s25+$0xFFFFFFC0];
	s2 =	sshrl.u32 s2, $0x7  }
0xf0: {  	s2 =	smul.u32 $0xF0, s2;
	_ =	sdelay $0x1  }
0xf1: {  	s22 =	ssub.s32 s0, s2  }
0xf2: {  	s0 =	sshll.u32 s22, $0x7  }
0xf3: {  	[tilespmem:s0+$0x108] =	vst v1  }
0xf4: {  	v1 =	vld [tilespmem:s25+$0xFFFFFFD0];
	_ =	sdelay $0x4  }
0xf5: {  	[tilespmem:s0+$0x118] =	vst v1  }
0xf6: {  	v1 =	vld [tilespmem:s25+$0xFFFFFFE0];
	_ =	sdelay $0x4  }
0xf7: {  	[tilespmem:s0+$0x128] =	vst v1  }
0xf8: {  	v1 =	vld [tilespmem:s25+$0xFFFFFFF0];
	_ =	sdelay $0x4  }
0xf9: {  	[tilespmem:s0+$0x138] =	vst v1  }
0xfa: {  	v1 =	vld [tilespmem:s25+$0x0];
	_ =	sdelay $0x4  }
0xfb: {  	[tilespmem:s0+$0x148] =	vst v1  }
0xfc: {  	v1 =	vld [tilespmem:s25+$0x10];
	_ =	sdelay $0x4  }
0xfd: {  	[tilespmem:s0+$0x158] =	vst v1  }
0xfe: {  	v1 =	vld [tilespmem:s25+$0x20];
	_ =	sdelay $0x4  }
0xff: {  	[tilespmem:s0+$0x168] =	vst v1  }
0x100: {  	v1 =	vld [tilespmem:s25+$0x30]  }
.Ltmp15:
0x101: {  	_ = 	snop;
	(pc) =	sbr.rel .LBB2_17-.Ltmp15, $2  }
0x102: {  	_ =	sdelay $0x2  }
0x103: {  	s28 =	sadd.s32 $0x1, s28;
	[tilespmem:s0+$0x178] =	vst v1  }
.LBB2_19:
.Ltmp16:
0x104: {  	(pc) =	sbr.rel .LBB2_20-.Ltmp16, $4  }
0x105: {  	_ = 	snop  }
0x106: {  	s0 =	simm.s32 $0x2  }
0x107: {  	_ =	swait.ge [sflag:s0], $0x0  }
0x108: {  	s30 =	smov.u32 s29;
	[sflag:s0] =	ssyncset.done $0x0;
	s0 =	simm.s32 $0x0  }
.LBB2_22:
0x109: {  	_ =	sfence.sel $0x180000  }
0x10a: {  	s0 =	simm.s32 $0x9;
	[bflag:$0x0] =	sbarrier.arrive $0xFFFF  }
0x10b: {  	s24 =	simm.s32 $0xA;
	[sflag:s0] =	ssyncpa.u1 $0x1  }
0x10c: {  	s25 =	simm.s32 $0xB;
	[sflag:s24] =	ssyncpa.u1 $0x1  }
0x10d: {  	s26 =	simm.s32 $0x2;
	[sflag:s25] =	ssyncpa.u1 $0x1  }
0x10e: {  	[sflag:s26] =	ssyncpa.u1 $0x1  }
0x10f: {  	v0 =	vld [tilespmem:$0xF208];
	_ =	sdelay $0x4  }
0x110: {  	(v2sf) =	vpush v0, $0x0  }
0x111: {  	(v2sf) =	vpush v0, $0x1;
	_ =	sdelay $0x1  }
0x112: {  	(v2sf) =	vpush v0, $0x2;
	_ =	sdelay $0xb  }
0x113: {  	s0 =	spop (v2sf)  }
0x114: {  	s2 =	spop (v2sf)  }
0x115: {  	s3 =	smov.u32 s0;
	p0 =	sne.s32 s0, s2  }
0x116: {  	s4 =	spop (v2sf);
	s3 =	simm.s32 @!p0 $0xFFFFFFFF  }
0x117: {  	v2 =	vimm.s32 $0x1;
	v3 =	vlaneseq.u32;
	p0 =	seq.s32 s4, $0xFFFFFFFF;
	v1 =	vmov s3  }
0x118: {  	s16 =	stileid.u32;
	v0 =	vperm.xlane v0, v2;
	p1 =	sne.s32 @!p0 s0, s2;
	v1 =	vperm.xlane v1, v3  }
0x119: {  	vm0 =	vcmask $0x3F04;
	s6 =	simm.s32 $0xF208;
	s0 =	simm.s32 @!p0 $0x1;
	p1 =	por !p1, p0  }
0x11a: {  	s3 =	sshll.u32 s16, $0x1;
	s2 =	sshll.u32 @!p0 s4, $0x9;
	s0 =	simm.s32 @p1 $0x0;
	v0 =	vsel vm0, v1, v0  }
0x11b: {  	s5 =	sor.u32 $0x1000, s3;
	s2 =	sshra.s32 @!p0 s2, $0x2;
	s0 =	sor.u32 @!p0 s0, s3;
	[tilespmem:$0xF208] =	vst v0  }
0x11c: {  	[spmem:s5] =	stream.linear.scatter [tilespmem:s6], [sflag:$0x1], $0x2, $0x38;
	[tilespmem:$0x1F6F8] =	vst v63  }
0x11d: {  	s2 =	sadd.s32 @!p0 $0x108, s2;
	s0 =	sshll.u32 @!p0 s0, $0x7  }
0x11e: {  	[spmem:s0] =	stream.linear.scatter @!p0 [tilespmem:s2], [sflag:$0x1], $0x80, $0x38;
	[tilespmem:$0x1F6F8] =	vst v63  }
0x11f: {  	s0 =	simm.s32 @!p0 $0x82  }
0x120: {  	s28 =	simm.s32 $0x1;
	s0 =	simm.s32 @p0 $0x2  }
0x121: {  	_ =	swait.ge [sflag:s28], s0  }
0x122: {  	s0 =	ssub.s32 $0x0, s0;
	[sflag:s28] =	ssyncset.done $0x0  }
0x123: {  	p0 =	sne.s32 s16, $0x0;
	[sflag:s28] =	ssyncadd.s32 s0  }
.Ltmp17:
0x124: {  	_ =	sfence.stream.spmem;
	(pc) =	sbr.rel @p0 .LBB2_39-.Ltmp17, $4  }
0x125: {  	s29 =	simm.s32 $0x3;
	[bflag:$0x0] =	sbarrier.arrive $0xFFFF  }
0x126: {  	s30 =	simm.s32 $0x4;
	[sflag:s29] =	ssyncpa.u1 $0x1  }
0x127: {  	s31 =	simm.s32 $0x3C;
	[sflag:s30] =	ssyncpa.u1 $0x1  }
0x128: {  	s15 =	rddreg [dreg:$0x4];
	[sflag:s31] =	ssyncpa.u1 $0x1  }
0x129: {  	_ =	sfence.stream.spmem;
	s0 =	simm.s32 $0x5  }
0x12a: {  	s2 =	simm.s32 $0x1000;
	s3 =	simm.s32 $0xF218;
	[sflag:s0] =	ssyncpa.u1 $0x0  }
0x12b: {  	[tilespmem:s3], [sflag:$0x5] =	stream.linear.gather [spmem:s2], $0x20, $0x38;
	[tilespmem:$0x1F6F8] =	vst v63  }
0x12c: {  	s26 =	simm.s32 $0x0;
	s28 =	simm.s32 $0xF238  }
0x12d: {  	[tilespmem:s28], [sflag:$0x5] =	stream.linear.gather [spmem:s26], $0x1000, $0x38;
	[tilespmem:$0x1F6F8] =	vst v63  }
0x12e: {  	_ =	swait.ge [sflag:s0], $0x1020  }
0x12f: {  	[sflag:s0] =	ssyncset.done $0x0  }
0x130: {  	s29 =	simm.s32 $0x0;
	[sflag:s0] =	ssyncadd.s32 $0xFFFFEFE0  }
0x131: {  	v0 =	vld.msk [tilespmem:s29+$0xF218], $0x1;
	_ =	sdelay $0x1  }
0x132: {  	s30 =	simm.s32 $0x1  }
0x133: {  	v1 =	vld.msk [tilespmem:s30+$0xF218], $0x1;
	_ =	sdelay $0x1  }
0x134: {  	(v2sf) =	vpush v0, $0x0;
	_ =	sdelay $0x2  }
0x135: {  	(v2sf) =	vpush v1, $0x0;
	_ =	sdelay $0x2  }
0x136: {  	s31 =	simm.s32 $0x2  }
0x137: {  	v0 =	vld.msk [tilespmem:s31+$0xF218], $0x1;
	_ =	sdelay $0x2  }
0x138: {  	s4 =	simm.s32 $0xFFFFFFFF;
	s5 =	simm.s32 $0xFFFFFFFF;
	s0 =	simm.s32 $0xC  }
.LBB2_24:
0x139: {  	s2 =	smov.u32 s5;
	s3 =	smov.u32 s4  }
0x13a: {  	s4 =	sshra.s32 s0, $0x2;
	p1 =	sne.s32 s0, $0x7C;
	s0 =	sadd.s32 $0x4, s0;
	(v2sf) =	vpush v0, $0x0  }
0x13b: {  	v0 =	vld.msk [tilespmem:s4+$0xF218], $0x1  }
.Ltmp18:
0x13c: {  	(pc) =	sbr.rel @p1 .LBB2_24-.Ltmp18, $4  }
0x13d: {  	s5 =	spop (v2sf)  }
0x13e: {  	p2 =	sne.s32 s3, $0xFFFFFFFF;
	s4 =	smov.u32 s5  }
0x13f: {  	p3 =	seq.s32 s5, $0xFFFFFFFF;
	s4 =	smov.u32 @p2 s3  }
0x140: {  	s5 =	smov.u32 @p3 s2;
	s4 =	smov.u32 @p3 s3  }
0x141: {  	(v2sf) =	vpush v0, $0x0;
	_ =	sdelay $0x8  }
0x142: {  	s0 =	spop (v2sf)  }
0x143: {  	p1 =	sne.s32 s4, $0xFFFFFFFF;
	s2 =	smov.u32 s0  }
0x144: {  	s9 =	simm.s32 $0x6;
	p2 =	seq.s32 s0, $0xFFFFFFFF;
	s2 =	smov.u32 @p1 s4  }
0x145: {  	s6 =	simm.s32 $0x0;
	s2 =	smov.u32 @p2 s4;
	s3 =	spop (v2sf)  }
0x146: {  	s0 =	smov.u32 @p2 s5;
	p1 =	sne.s32 s2, $0xFFFFFFFF;
	s4 =	smov.u32 s3  }
.Ltmp19:
0x147: {  	p2 =	seq.s32 s3, $0xFFFFFFFF;
	s4 =	smov.u32 @p1 s2;
	(pc) =	sbr.rel .LBB2_26-.Ltmp19, $4  }
0x148: {  	s10 =	simm.s32 $0xF188;
	s4 =	smov.u32 @p2 s2;
	s7 =	spop (v2sf)  }
0x149: {  	s11 =	simm.s32 $0x0;
	p1 =	sne.s32 s4, $0xFFFFFFFF;
	s8 =	smov.u32 s7  }
0x14a: {  	s3 =	smov.u32 @p2 s0;
	p2 =	seq.s32 s7, $0xFFFFFFFF;
	s8 =	smov.u32 @p1 s4  }
0x14b: {  	[sflag:s9] =	ssyncpa.u1 $0x0;
	s7 =	smov.u32 @p2 s3;
	s8 =	smov.u32 @p2 s4  }
.LBB2_32:
0x14c: {  	p1 =	sgt.u32 s12, $0x270F0  }
0x14d: {  	p2 =	seq.s32 @!p1 s12, s8  }
0x14e: {  	p1 =	por p1, p2  }
0x14f: {  	p2 =	sne.s32 @!p1 s12, s7  }
0x150: {  	p1 =	por p1, !p2  }
0x151: {  	s0 =	sshll.u32 @p1 s11, $0x9  }
0x152: {  	s0 =	sand.u32 @!p1 $0x3FFF8, s12  }
0x153: {  	s2 =	sand.u32 @!p1 $0x7, s12;
	s0 =	sadd.s32 @!p1 s1, s0  }
0x154: {  	[tilespmem:s10], [sflag:$0x6] =	stream.linear.gather @!p1 [hbm4b:s0+s2], $0x80, $0x38;
	[tilespmem:$0x1F6F8] =	vst v63  }
0x155: {  	_ =	swait.ge @!p1 [sflag:s9], $0x80  }
0x156: {  	[sflag:s9] =	ssyncset.done @!p1 $0x0  }
0x157: {  	[sflag:s9] =	ssyncadd.s32 @!p1 $0xFFFFFF80  }
0x158: {  	v1 =	vld @!p1 [tilespmem:$0xF188];
	_ =	sdelay $0x2  }
0x159: {  	s0 =	sshll.u32 @!p1 s11, $0x9  }
0x15a: {  	s2 =	sshrl.u32 @!p1 s0, $0x2  }
0x15b: {  	[tilespmem:s2+$0xF238] =	vst.add.f32.msk @!p1 $0xffff, v1  }
0x15c: {  	v1 =	vld @!p1 [tilespmem:$0xF198];
	_ =	sdelay $0x4  }
0x15d: {  	[tilespmem:s2+$0xF248] =	vst.add.f32.msk @!p1 $0xffff, v1  }
0x15e: {  	v1 =	vld @!p1 [tilespmem:$0xF1A8];
	_ =	sdelay $0x4  }
0x15f: {  	[tilespmem:s2+$0xF258] =	vst.add.f32.msk @!p1 $0xffff, v1  }
0x160: {  	v1 =	vld @!p1 [tilespmem:$0xF1B8];
	_ =	sdelay $0x4  }
0x161: {  	[tilespmem:s2+$0xF268] =	vst.add.f32.msk @!p1 $0xffff, v1  }
0x162: {  	v1 =	vld @!p1 [tilespmem:$0xF1C8];
	_ =	sdelay $0x4  }
0x163: {  	[tilespmem:s2+$0xF278] =	vst.add.f32.msk @!p1 $0xffff, v1  }
0x164: {  	v1 =	vld @!p1 [tilespmem:$0xF1D8];
	_ =	sdelay $0x4  }
0x165: {  	[tilespmem:s2+$0xF288] =	vst.add.f32.msk @!p1 $0xffff, v1  }
0x166: {  	v1 =	vld @!p1 [tilespmem:$0xF1E8];
	_ =	sdelay $0x4  }
0x167: {  	[tilespmem:s2+$0xF298] =	vst.add.f32.msk @!p1 $0xffff, v1  }
0x168: {  	v1 =	vld @!p1 [tilespmem:$0xF1F8];
	_ =	sdelay $0x4  }
0x169: {  	[tilespmem:s2+$0xF2A8] =	vst.add.f32.msk @!p1 $0xffff, v1  }
0x16a: {  	s0 =	sshrl.u32 s0, $0x2;
	[tilespmem:s6+$0xF218] =	vst.msk $0x1, v0  }
0x16b: {  	v0 =	vld [tilespmem:s0+$0xF238];
	_ =	sdelay $0x2  }
0x16c: {  	s31 =	sshll.u32 s6, $0x9  }
0x16d: {  	s2 =	sshra.s32 s31, $0x2  }
0x16e: {  	[tilespmem:s2+$0xF238] =	vst v0  }
0x16f: {  	v0 =	vld [tilespmem:s0+$0xF248];
	_ =	sdelay $0x4  }
0x170: {  	[tilespmem:s2+$0xF248] =	vst v0  }
0x171: {  	v0 =	vld [tilespmem:s0+$0xF258];
	_ =	sdelay $0x4  }
0x172: {  	[tilespmem:s2+$0xF258] =	vst v0  }
0x173: {  	v0 =	vld [tilespmem:s0+$0xF268];
	_ =	sdelay $0x4  }
0x174: {  	[tilespmem:s2+$0xF268] =	vst v0  }
0x175: {  	v0 =	vld [tilespmem:s0+$0xF278];
	_ =	sdelay $0x4  }
0x176: {  	[tilespmem:s2+$0xF278] =	vst v0  }
0x177: {  	v0 =	vld [tilespmem:s0+$0xF288];
	_ =	sdelay $0x4  }
0x178: {  	[tilespmem:s2+$0xF288] =	vst v0  }
0x179: {  	v0 =	vld [tilespmem:s0+$0xF298];
	_ =	sdelay $0x4  }
0x17a: {  	[tilespmem:s2+$0xF298] =	vst v0  }
0x17b: {  	v0 =	vld [tilespmem:s0+$0xF2A8];
	_ =	sdelay $0x4  }
0x17c: {  	s6 =	sadd.s32 $0x1, s6;
	[tilespmem:s2+$0xF2A8] =	vst v0  }
.LBB2_33:
0x17d: {  	s11 =	sadd.s32 $0x1, s11  }
0x17e: {  	p1 =	sne.s32 s11, $0x20  }
.Ltmp20:
0x17f: {  	_ = 	snop;
	(pc) =	sbr.rel @!p1 .LBB2_34-.Ltmp20, $1  }
0x180: {  	_ =	sdelay $0x3  }
.LBB2_26:
0x181: {  	v0 =	vld.msk [tilespmem:s11+$0xF218], $0x1;
	_ =	sdelay $0x4  }
0x182: {  	(v2sf) =	vpush v0, $0x0;
	_ =	sdelay $0xe  }
0x183: {  	s12 =	spop (v2sf)  }
0x184: {  	p1 =	seq.s32 s12, $0xFFFFFFFF  }
.Ltmp21:
0x185: {  	_ = 	snop;
	(pc) =	sbr.rel @p1 .LBB2_33-.Ltmp21, $1  }
0x186: {  	_ =	sdelay $0x3  }
0x187: {  	p1 =	slt.s32 s6, $0x1  }
.Ltmp22:
0x188: {  	_ = 	snop;
	(pc) =	sbr.rel @p1 .LBB2_32-.Ltmp22, $1  }
0x189: {  	_ =	sdelay $0x3  }
0x18a: {  	s13 =	simm.s32 $0xF218;
	p1 =	por $0x0, $0x0  }
0x18b: {  	v1 =	vld.msk @!p1 [tilespmem:s13+$0x0], $0x1;
	_ =	sdelay $0x4  }
0x18c: {  	(v2sf) =	vpush @!p1 v1, $0x0;
	_ =	sdelay $0xd  }
0x18d: {  	p3 =	sne.s32 s6, $0x1  }
.Ltmp23:
0x18e: {  	s0 =	spop @!p1 (v2sf);
	(pc) =	sbr.rel @!p3 .LBB2_30-.Ltmp23, $4  }
0x18f: {  	p2 =	seq.s32 @!p1 s12, s0  }
0x190: {  	s14 =	simm.s32 $0x0;
	p2 =	por !p2, p1  }
0x191: {  	s2 =	simm.s32 $0xFFFFFFFF;
	s14 =	simm.s32 @p2 $0xFFFFFFFF  }
0x192: {  	s0 =	simm.s32 $0x1;
	s14 =	smov.u32 @p1 s2  }
.LBB2_29:
0x193: {  	s2 =	smov.u32 s14;
	p1 =	sne.s32 s14, $0xFFFFFFFF  }
0x194: {  	s13 =	sadd.s32 $0x1, s13;
	s14 =	smov.u32 s0;
	s0 =	sadd.s32 $0x1, s0  }
0x195: {  	p2 =	sne.s32 s6, s0;
	v1 =	vld.msk @!p1 [tilespmem:s13+$0x0], $0x1;
	_ =	sdelay $0x4  }
0x196: {  	(v2sf) =	vpush @!p1 v1, $0x0;
	_ =	sdelay $0xe  }
.Ltmp24:
0x197: {  	s3 =	spop @!p1 (v2sf);
	(pc) =	sbr.rel @p2 .LBB2_29-.Ltmp24, $4  }
0x198: {  	p3 =	seq.s32 @!p1 s12, s3  }
0x199: {  	p3 =	por !p3, p1  }
0x19a: {  	s14 =	simm.s32 @p3 $0xFFFFFFFF  }
0x19b: {  	s14 =	smov.u32 @p1 s2  }
.LBB2_30:
0x19c: {  	p1 =	seq.s32 s14, $0xFFFFFFFF  }
.Ltmp25:
0x19d: {  	_ = 	snop;
	(pc) =	sbr.rel @p1 .LBB2_32-.Ltmp25, $1  }
0x19e: {  	_ =	sdelay $0x3  }
0x19f: {  	s0 =	sshll.u32 s11, $0x7  }
0x1a0: {  	s0 =	sand.u32 $0x3FFFFF80, s0  }
0x1a1: {  	v0 =	vld [tilespmem:s0+$0xF238];
	_ =	sdelay $0x2  }
0x1a2: {  	s2 =	sshll.u32 s14, $0x9  }
0x1a3: {  	s2 =	sshra.s32 s2, $0x2  }
0x1a4: {  	[tilespmem:s2+$0xF238] =	vst.add.f32.msk $0xffff, v0  }
0x1a5: {  	v0 =	vld [tilespmem:s0+$0xF248];
	_ =	sdelay $0x4  }
0x1a6: {  	[tilespmem:s2+$0xF248] =	vst.add.f32.msk $0xffff, v0  }
0x1a7: {  	v0 =	vld [tilespmem:s0+$0xF258];
	_ =	sdelay $0x4  }
0x1a8: {  	[tilespmem:s2+$0xF258] =	vst.add.f32.msk $0xffff, v0  }
0x1a9: {  	v0 =	vld [tilespmem:s0+$0xF268];
	_ =	sdelay $0x4  }
0x1aa: {  	[tilespmem:s2+$0xF268] =	vst.add.f32.msk $0xffff, v0  }
0x1ab: {  	v0 =	vld [tilespmem:s0+$0xF278];
	_ =	sdelay $0x4  }
0x1ac: {  	[tilespmem:s2+$0xF278] =	vst.add.f32.msk $0xffff, v0  }
0x1ad: {  	v0 =	vld [tilespmem:s0+$0xF288];
	_ =	sdelay $0x4  }
0x1ae: {  	[tilespmem:s2+$0xF288] =	vst.add.f32.msk $0xffff, v0  }
0x1af: {  	v0 =	vld [tilespmem:s0+$0xF298];
	_ =	sdelay $0x4  }
0x1b0: {  	[tilespmem:s2+$0xF298] =	vst.add.f32.msk $0xffff, v0  }
0x1b1: {  	v0 =	vld [tilespmem:s0+$0xF2A8]  }
.Ltmp26:
0x1b2: {  	_ = 	snop;
	(pc) =	sbr.rel .LBB2_33-.Ltmp26, $2  }
0x1b3: {  	_ =	sdelay $0x2  }
0x1b4: {  	[tilespmem:s2+$0xF2A8] =	vst.add.f32.msk $0xffff, v0  }
.LBB2_34:
0x1b5: {  	s0 =	simm.s32 $0x6;
	p1 =	seq.s32 s6, $0x0  }
0x1b6: {  	[sflag:s0] =	ssyncpa.u1 $0x1;
	v0 =	vimm.s32 @p1 $0xFFFFFFFF  }
0x1b7: {  	s9 =	sadd.s32 $0xFFFFFFFF, s6;
	[tilespmem:$0x10238] =	vst @p1 v0  }
0x1b8: {  	v0 =	vld.msk @!p1 [tilespmem:s9+$0xF218], $0x1;
	_ =	sdelay $0x1  }
0x1b9: {  	v1 =	vld.msk @!p1 [tilespmem:$0xF218], $0x1;
	_ =	sdelay $0x2  }
0x1ba: {  	p2 =	seq.s32 @!p1 s9, $0x0;
	v0 =	vbroadcast @!p1 v0, $0x0  }
0x1bb: {  	vm0 =	vmmov @!p1 $0x1;
	p2 =	por !p2, p1  }
0x1bc: {  	v1 =	vnsel @!p1 vm0, $0xFFFFFFFF, v1;
	vm0 =	vcmask @!p1 $0x308;
	v0 =	vpsel !p2, $0xFFFFFFFF, v0  }
0x1bd: {  	p2 =	sne.s32 @!p1 s8, s7;
	v0 =	vsel @!p1 vm0, v1, v0  }
0x1be: {  	s0 =	simm.s32 @!p1 $0xF238;
	s2 =	simm.s32 @!p1 $0x0;
	p3 =	por !p2, p1;
	[tilespmem:$0x10238] =	vst @!p1 v0  }
0x1bf: {  	[spmem:s2] =	stream.linear.scatter @!p1 [tilespmem:s0], [sflag:$0x1], $0x80, $0x38;
	[tilespmem:$0x1F6F8] =	vst v63  }
0x1c0: {  	s0 =	sshll.u32 @!p3 s9, $0x9  }
0x1c1: {  	s0 =	sshra.s32 @!p3 s0, $0x2  }
0x1c2: {  	s2 =	simm.s32 @!p3 $0x80;
	s0 =	sadd.s32 @!p3 $0xF238, s0  }
0x1c3: {  	[spmem:s2] =	stream.linear.scatter @!p3 [tilespmem:s0], [sflag:$0x1], $0x80, $0x38;
	[tilespmem:$0x1F6F8] =	vst v63  }
0x1c4: {  	s0 =	simm.s32 @!p3 $0x1  }
0x1c5: {  	_ =	swait.ge @!p3 [sflag:s0], $0x100  }
0x1c6: {  	p1 =	por p2, p1;
	[sflag:s0] =	ssyncset.done @!p3 $0x0  }
0x1c7: {  	[sflag:s0] =	ssyncadd.s32 @!p3 $0xFFFFFF00;
	s0 =	simm.s32 @!p1 $0x1  }
0x1c8: {  	_ =	swait.ge @!p1 [sflag:s0], $0x80  }
0x1c9: {  	s29 =	simm.s32 $0x10238;
	[sflag:s0] =	ssyncset.done @!p1 $0x0  }
0x1ca: {  	s30 =	simm.s32 $0x1000;
	s31 =	simm.s32 $0x1;
	[sflag:s0] =	ssyncadd.s32 @!p1 $0xFFFFFF80  }
0x1cb: {  	[spmem:s30] =	stream.linear.scatter [tilespmem:s29], [sflag:$0x1], $0x10, $0x38;
	[tilespmem:$0x1F6F8] =	vst v63  }
0x1cc: {  	_ =	swait.ge [sflag:s31], $0x10  }
0x1cd: {  	[sflag:s31] =	ssyncset.done $0x0  }
0x1ce: {  	p1 =	seq.s32 s15, $0x0;
	s8 =	rddreg [dreg:$0x1];
	[sflag:s31] =	ssyncadd.s32 $0xFFFFFFF0  }
0x1cf: {  	s2 =	sshll.u32 @p1 s8, $0xE;
	s7 =	rddreg [dreg:$0x2]  }
0x1d0: {  	s0 =	sadd.s32 @p1 $0x15C3C, s2;
	s2 =	sshll.u32 @p1 s7, $0x11  }
0x1d1: {  	_ =	sfence.stream.spmem;
	s0 =	sor.u32 @p1 s2, s0  }
0x1d2: {  	[sflag:s0] =	ssyncadd.remote.s32 @p1 $0x1;
	s0 =	simm.s32 @p1 $0x4  }
0x1d3: {  	s3 =	simm.s32 @!p1 $0x3C;
	s2 =	sand.u32 $0xFFFFFFFE, s8;
	_ =	swait.ge @p1 [sflag:s0], $0x22  }
0x1d4: {  	s4 =	simm.s32 @!p1 $0x0;
	s2 =	sadd.s32 @!p1 $0x4, s2;
	[sflag:s0] =	ssyncset.done @p1 $0x0  }
0x1d5: {  	s5 =	simm.s32 @!p1 $0x100;
	[sflag:s0] =	ssyncadd.s32 @p1 $0xFFFFFFDE;
	s0 =	sshll.u32 @!p1 s2, $0x1A  }
0x1d6: {  	s2 =	sshll.u32 @!p1 s2, $0xD;
	s0 =	sor.u32 @!p1 s0, s7;
	_ =	swait.eq @!p1 [sflag:s3], $0x1  }
0x1d7: {  	s2 =	sor.u32 @!p1 $0x1C04, s2;
	s3 =	simm.s32 @!p1 $0x1C03;
	s0 =	sor.u32 @!p1 $0x80004000, s0  }
0x1d8: {  	[spmem:s5], [sflag:s2] =	dma.general @!p1 [spmem:s4], [sflag:s3], length:$0x20, [dreg:$0x0], stride_count:$0x0, ici_dest:s0, dma_misc:DstOpCode:WRITE  }
0x1d9: {  	p2 =	slt.s32 s9, $0x2;
	s4 =	simm.s32 @!p1 $0x200;
	s5 =	simm.s32 @!p1 $0x202  }
0x1da: {  	[spmem:s5], [sflag:s2] =	dma.general @!p1 [spmem:s4], [sflag:s3], length:$0x2, [dreg:$0x0], stride_count:$0x0, ici_dest:s0, dma_misc:DstOpCode:WRITE  }
.Ltmp27:
0x1db: {  	s0 =	simm.s32 @!p1 $0x3;
	(pc) =	sbr.rel @p2 .LBB2_38-.Ltmp27, $4  }
0x1dc: {  	s2 =	sshll.u32 @!p1 s8, $0xE;
	_ =	swait.ge @!p1 [sflag:s0], $0x22  }
0x1dd: {  	s3 =	sshll.u32 @!p1 s7, $0x11;
	s2 =	sadd.s32 @!p1 $0x11C3C, s2;
	[sflag:s0] =	ssyncset.done @!p1 $0x0  }
0x1de: {  	[sflag:s0] =	ssyncadd.s32 @!p1 $0xFFFFFFDE;
	s0 =	sor.u32 @!p1 s3, s2  }
0x1df: {  	[sflag:s0] =	ssyncadd.remote.s32 @!p1 $0xFFFFFFFF;
	s0 =	simm.s32 $0x0  }
0x1e0: {  	s0 =	simm.s32 $0xF219  }
0x1e1: {  	v0 =	vld.msk [tilespmem:s0+$0x0], $0x1;
	_ =	sdelay $0x4  }
0x1e2: {  	(v2sf) =	vpush v0, $0x0;
	_ =	sdelay $0xb  }
0x1e3: {  	s31 =	sadd.s32 $0xFFFFFFFE, s6  }
0x1e4: {  	s0 =	sadd.s32 $0xFFFFFFFF, s31  }
0x1e5: {  	p2 =	sne.s32 s0, $0x0  }
.Ltmp28:
0x1e6: {  	s2 =	spop (v2sf);
	(pc) =	sbr.rel @!p2 .LBB2_37-.Ltmp28, $4  }
0x1e7: {  	s4 =	simm.s32 $0xF2B8;
	s7 =	simm.s32 $0x0;
	p1 =	sgt.u32 s2, $0x270F0  }
0x1e8: {  	s5 =	simm.s32 $0x0;
	s6 =	simm.s32 $0xF21A;
	s3 =	sand.u32 @!p1 $0x3FFF8, s2  }
0x1e9: {  	s2 =	sand.u32 @!p1 $0x7, s2;
	s7 =	simm.s32 @!p1 $0x200;
	s3 =	sadd.s32 @!p1 s1, s3  }
0x1ea: {  	[hbm4b:s3+s2] =	stream.linear.scatter @!p1 [tilespmem:s4], [sflag:$0x5], $0x80, $0x38;
	[tilespmem:$0x1F6F8] =	vst v63  }
.LBB2_36:
0x1eb: {  	v0 =	vld.msk [tilespmem:s6+$0x0], $0x1;
	s0 =	sadd.s32 $0xFFFFFFFF, s0;
	s5 =	sadd.s32 s5, s7  }
0x1ec: {  	p1 =	sne.s32 s0, $0x0;
	_ =	sdelay $0x3  }
0x1ed: {  	(v2sf) =	vpush v0, $0x0;
	_ =	sdelay $0xe  }
.Ltmp29:
0x1ee: {  	s2 =	spop (v2sf);
	(pc) =	sbr.rel @p1 .LBB2_36-.Ltmp29, $4  }
0x1ef: {  	s7 =	simm.s32 $0x0;
	p2 =	sgt.u32 s2, $0x270F0  }
0x1f0: {  	s4 =	sadd.s32 $0x80, s4;
	s7 =	simm.s32 @!p2 $0x200;
	s3 =	sand.u32 @!p2 $0x3FFF8, s2  }
0x1f1: {  	s6 =	sadd.s32 $0x1, s6;
	s2 =	sand.u32 @!p2 $0x7, s2;
	s3 =	sadd.s32 @!p2 s1, s3  }
0x1f2: {  	[hbm4b:s3+s2] =	stream.linear.scatter @!p2 [tilespmem:s4], [sflag:$0x5], $0x80, $0x38;
	[tilespmem:$0x1F6F8] =	vst v63  }
.LBB2_37:
0x1f3: {  	s0 =	sadd.s32 s5, s7  }
0x1f4: {  	s0 =	sshrl.u32 s0, $0x2  }
.LBB2_38:
0x1f5: {  	s2 =	simm.s32 $0x5  }
0x1f6: {  	_ =	swait.ge [sflag:s2], s0  }
0x1f7: {  	s31 =	ssub.s32 $0x0, s0;
	[sflag:s2] =	ssyncset.done $0x0  }
0x1f8: {  	[sflag:s2] =	ssyncadd.s32 s31  }
0x1f9: {  	[sflag:s2] =	ssyncpa.u1 $0x1  }
.LBB2_39:
0x1fa: {  	s0 =	sor.u32 s15, s16  }
0x1fb: {  	p1 =	sne.s32 s0, $0x0  }
.Ltmp30:
0x1fc: {  	_ = 	snop;
	(pc) =	sbr.rel @p1 .LBB2_54-.Ltmp30, $3  }
0x1fd: {  	_ =	sdelay $0x1  }
0x1fe: {  	[bflag:$0x0] =	sbarrier.arrive $0xFFFF  }
0x1ff: {  	_ =	sfence  }
0x200: {  	s0 =	simm.s32 $0x7  }
0x201: {  	s2 =	simm.s32 $0x1000;
	s3 =	simm.s32 $0xF218;
	[sflag:s0] =	ssyncpa.u1 $0x0  }
0x202: {  	[tilespmem:s3], [sflag:$0x7] =	stream.linear.gather [spmem:s2], $0x20, $0x38;
	[tilespmem:$0x1F6F8] =	vst v63  }
0x203: {  	s30 =	simm.s32 $0xF238;
	s2 =	simm.s32 $0x0  }
0x204: {  	[tilespmem:s30], [sflag:$0x7] =	stream.linear.gather [spmem:s2], $0x1000, $0x38;
	[tilespmem:$0x1F6F8] =	vst v63  }
.Ltmp31:
0x205: {  	_ = 	snop;
	(pc) =	sbr.rel .LBB2_41-.Ltmp31, $4  }
0x206: {  	_ =	swait.ge [sflag:s0], $0x1020  }
0x207: {  	[sflag:s0] =	ssyncset.done $0x0  }
0x208: {  	s31 =	simm.s32 $0x8;
	[sflag:s0] =	ssyncadd.s32 $0xFFFFEFE0  }
0x209: {  	s3 =	simm.s32 $0x0;
	[sflag:s31] =	ssyncpa.u1 $0x0  }
.LBB2_47:
0x20a: {  	p1 =	slt.u32 s4, $0x270F1  }
0x20b: {  	s0 =	sand.u32 @p1 $0x3FFF8, s4  }
0x20c: {  	s4 =	sand.u32 @p1 $0x7, s4;
	s5 =	simm.s32 @p1 $0xF188;
	s0 =	sadd.s32 @p1 s1, s0  }
0x20d: {  	[tilespmem:s5], [sflag:$0x8] =	stream.linear.gather @p1 [hbm4b:s0+s4], $0x80, $0x38;
	[tilespmem:$0x1F6F8] =	vst v63  }
0x20e: {  	s0 =	simm.s32 @p1 $0x8  }
0x20f: {  	_ =	swait.ge @p1 [sflag:s0], $0x80  }
0x210: {  	[sflag:s0] =	ssyncset.done @p1 $0x0  }
0x211: {  	[sflag:s0] =	ssyncadd.s32 @p1 $0xFFFFFF80  }
0x212: {  	v1 =	vld @p1 [tilespmem:$0xF188];
	_ =	sdelay $0x2  }
0x213: {  	s0 =	sshll.u32 @p1 s3, $0x9  }
0x214: {  	s4 =	sshrl.u32 @p1 s0, $0x2  }
0x215: {  	[tilespmem:s4+$0xF238] =	vst.add.f32.msk @p1 $0xffff, v1  }
0x216: {  	v1 =	vld @p1 [tilespmem:$0xF198];
	_ =	sdelay $0x4  }
0x217: {  	[tilespmem:s4+$0xF248] =	vst.add.f32.msk @p1 $0xffff, v1  }
0x218: {  	v1 =	vld @p1 [tilespmem:$0xF1A8];
	_ =	sdelay $0x4  }
0x219: {  	[tilespmem:s4+$0xF258] =	vst.add.f32.msk @p1 $0xffff, v1  }
0x21a: {  	v1 =	vld @p1 [tilespmem:$0xF1B8];
	_ =	sdelay $0x4  }
0x21b: {  	[tilespmem:s4+$0xF268] =	vst.add.f32.msk @p1 $0xffff, v1  }
0x21c: {  	v1 =	vld @p1 [tilespmem:$0xF1C8];
	_ =	sdelay $0x4  }
0x21d: {  	[tilespmem:s4+$0xF278] =	vst.add.f32.msk @p1 $0xffff, v1  }
0x21e: {  	v1 =	vld @p1 [tilespmem:$0xF1D8];
	_ =	sdelay $0x4  }
0x21f: {  	[tilespmem:s4+$0xF288] =	vst.add.f32.msk @p1 $0xffff, v1  }
0x220: {  	v1 =	vld @p1 [tilespmem:$0xF1E8];
	_ =	sdelay $0x4  }
0x221: {  	[tilespmem:s4+$0xF298] =	vst.add.f32.msk @p1 $0xffff, v1  }
0x222: {  	v1 =	vld @p1 [tilespmem:$0xF1F8];
	_ =	sdelay $0x3  }
0x223: {  	s5 =	sshll.u32 @!p1 s3, $0x9  }
0x224: {  	s5 =	smov.u32 @p1 s0;
	[tilespmem:s4+$0xF2A8] =	vst.add.f32.msk @p1 $0xffff, v1  }
0x225: {  	s0 =	sshrl.u32 s5, $0x2;
	[tilespmem:s2+$0xF218] =	vst.msk $0x1, v0  }
0x226: {  	v0 =	vld [tilespmem:s0+$0xF238];
	_ =	sdelay $0x2  }
0x227: {  	s31 =	sshll.u32 s2, $0x9  }
0x228: {  	s4 =	sshra.s32 s31, $0x2  }
0x229: {  	[tilespmem:s4+$0xF238] =	vst v0  }
0x22a: {  	v0 =	vld [tilespmem:s0+$0xF248];
	_ =	sdelay $0x4  }
0x22b: {  	[tilespmem:s4+$0xF248] =	vst v0  }
0x22c: {  	v0 =	vld [tilespmem:s0+$0xF258];
	_ =	sdelay $0x4  }
0x22d: {  	[tilespmem:s4+$0xF258] =	vst v0  }
0x22e: {  	v0 =	vld [tilespmem:s0+$0xF268];
	_ =	sdelay $0x4  }
0x22f: {  	[tilespmem:s4+$0xF268] =	vst v0  }
0x230: {  	v0 =	vld [tilespmem:s0+$0xF278];
	_ =	sdelay $0x4  }
0x231: {  	[tilespmem:s4+$0xF278] =	vst v0  }
0x232: {  	v0 =	vld [tilespmem:s0+$0xF288];
	_ =	sdelay $0x4  }
0x233: {  	[tilespmem:s4+$0xF288] =	vst v0  }
0x234: {  	v0 =	vld [tilespmem:s0+$0xF298];
	_ =	sdelay $0x4  }
0x235: {  	[tilespmem:s4+$0xF298] =	vst v0  }
0x236: {  	v0 =	vld [tilespmem:s0+$0xF2A8];
	_ =	sdelay $0x4  }
0x237: {  	s2 =	sadd.s32 $0x1, s2;
	[tilespmem:s4+$0xF2A8] =	vst v0  }
.LBB2_48:
0x238: {  	s3 =	sadd.s32 $0x1, s3  }
0x239: {  	p1 =	sne.s32 s3, $0x20  }
.Ltmp32:
0x23a: {  	_ = 	snop;
	(pc) =	sbr.rel @!p1 .LBB2_49-.Ltmp32, $1  }
0x23b: {  	_ =	sdelay $0x3  }
.LBB2_41:
0x23c: {  	v0 =	vld.msk [tilespmem:s3+$0xF218], $0x1;
	_ =	sdelay $0x4  }
0x23d: {  	(v2sf) =	vpush v0, $0x0;
	_ =	sdelay $0xe  }
0x23e: {  	s4 =	spop (v2sf)  }
0x23f: {  	p1 =	seq.s32 s4, $0xFFFFFFFF  }
.Ltmp33:
0x240: {  	_ = 	snop;
	(pc) =	sbr.rel @p1 .LBB2_48-.Ltmp33, $1  }
0x241: {  	_ =	sdelay $0x3  }
0x242: {  	p1 =	slt.s32 s2, $0x1  }
.Ltmp34:
0x243: {  	_ = 	snop;
	(pc) =	sbr.rel @p1 .LBB2_47-.Ltmp34, $1  }
0x244: {  	_ =	sdelay $0x3  }
0x245: {  	s5 =	simm.s32 $0xF218;
	p1 =	por $0x0, $0x0  }
0x246: {  	v1 =	vld.msk @!p1 [tilespmem:s5+$0x0], $0x1;
	_ =	sdelay $0x4  }
0x247: {  	(v2sf) =	vpush @!p1 v1, $0x0;
	_ =	sdelay $0xd  }
0x248: {  	p3 =	sne.s32 s2, $0x1  }
.Ltmp35:
0x249: {  	s0 =	spop @!p1 (v2sf);
	(pc) =	sbr.rel @!p3 .LBB2_45-.Ltmp35, $4  }
0x24a: {  	p2 =	seq.s32 @!p1 s4, s0  }
0x24b: {  	s6 =	simm.s32 $0x0;
	p2 =	por !p2, p1  }
0x24c: {  	s7 =	simm.s32 $0xFFFFFFFF;
	s6 =	simm.s32 @p2 $0xFFFFFFFF  }
0x24d: {  	s0 =	simm.s32 $0x1;
	s6 =	smov.u32 @p1 s7  }
.LBB2_44:
0x24e: {  	s7 =	smov.u32 s6;
	p1 =	sne.s32 s6, $0xFFFFFFFF  }
0x24f: {  	s5 =	sadd.s32 $0x1, s5;
	s6 =	smov.u32 s0;
	s0 =	sadd.s32 $0x1, s0  }
0x250: {  	p2 =	sne.s32 s2, s0;
	v1 =	vld.msk @!p1 [tilespmem:s5+$0x0], $0x1;
	_ =	sdelay $0x4  }
0x251: {  	(v2sf) =	vpush @!p1 v1, $0x0;
	_ =	sdelay $0xe  }
.Ltmp36:
0x252: {  	s8 =	spop @!p1 (v2sf);
	(pc) =	sbr.rel @p2 .LBB2_44-.Ltmp36, $4  }
0x253: {  	p3 =	seq.s32 @!p1 s4, s8  }
0x254: {  	p3 =	por !p3, p1  }
0x255: {  	s6 =	simm.s32 @p3 $0xFFFFFFFF  }
0x256: {  	s6 =	smov.u32 @p1 s7  }
.LBB2_45:
0x257: {  	p1 =	seq.s32 s6, $0xFFFFFFFF  }
.Ltmp37:
0x258: {  	_ = 	snop;
	(pc) =	sbr.rel @p1 .LBB2_47-.Ltmp37, $1  }
0x259: {  	_ =	sdelay $0x3  }
0x25a: {  	s0 =	sshll.u32 s3, $0x7  }
0x25b: {  	s0 =	sand.u32 $0x3FFFFF80, s0  }
0x25c: {  	v0 =	vld [tilespmem:s0+$0xF238];
	_ =	sdelay $0x2  }
0x25d: {  	s4 =	sshll.u32 s6, $0x9  }
0x25e: {  	s4 =	sshra.s32 s4, $0x2  }
0x25f: {  	[tilespmem:s4+$0xF238] =	vst.add.f32.msk $0xffff, v0  }
0x260: {  	v0 =	vld [tilespmem:s0+$0xF248];
	_ =	sdelay $0x4  }
0x261: {  	[tilespmem:s4+$0xF248] =	vst.add.f32.msk $0xffff, v0  }
0x262: {  	v0 =	vld [tilespmem:s0+$0xF258];
	_ =	sdelay $0x4  }
0x263: {  	[tilespmem:s4+$0xF258] =	vst.add.f32.msk $0xffff, v0  }
0x264: {  	v0 =	vld [tilespmem:s0+$0xF268];
	_ =	sdelay $0x4  }
0x265: {  	[tilespmem:s4+$0xF268] =	vst.add.f32.msk $0xffff, v0  }
0x266: {  	v0 =	vld [tilespmem:s0+$0xF278];
	_ =	sdelay $0x4  }
0x267: {  	[tilespmem:s4+$0xF278] =	vst.add.f32.msk $0xffff, v0  }
0x268: {  	v0 =	vld [tilespmem:s0+$0xF288];
	_ =	sdelay $0x4  }
0x269: {  	[tilespmem:s4+$0xF288] =	vst.add.f32.msk $0xffff, v0  }
0x26a: {  	v0 =	vld [tilespmem:s0+$0xF298];
	_ =	sdelay $0x4  }
0x26b: {  	[tilespmem:s4+$0xF298] =	vst.add.f32.msk $0xffff, v0  }
0x26c: {  	v0 =	vld [tilespmem:s0+$0xF2A8]  }
.Ltmp38:
0x26d: {  	_ = 	snop;
	(pc) =	sbr.rel .LBB2_48-.Ltmp38, $2  }
0x26e: {  	_ =	sdelay $0x2  }
0x26f: {  	[tilespmem:s4+$0xF2A8] =	vst.add.f32.msk $0xffff, v0  }
.LBB2_49:
0x270: {  	p1 =	slt.s32 s2, $0x1  }
.Ltmp39:
0x271: {  	_ = 	snop;
	(pc) =	sbr.rel @p1 .LBB2_53-.Ltmp39, $3  }
0x272: {  	_ =	sdelay $0x1  }
0x273: {  	s0 =	simm.s32 $0x8  }
0x274: {  	s3 =	simm.s32 $0x0;
	[sflag:s0] =	ssyncpa.u1 $0x1  }
0x275: {  	s0 =	simm.s32 $0xF218  }
0x276: {  	v0 =	vld.msk [tilespmem:s0+$0x0], $0x1;
	_ =	sdelay $0x4  }
0x277: {  	(v2sf) =	vpush v0, $0x0;
	_ =	sdelay $0xe  }
0x278: {  	s0 =	sadd.s32 $0xFFFFFFFF, s2;
	s5 =	spop (v2sf)  }
0x279: {  	p2 =	sne.s32 s0, $0x0;
	p1 =	sgt.u32 s5, $0x270F0  }
.Ltmp40:
0x27a: {  	s6 =	sand.u32 @!p1 $0x3FFF8, s5;
	(pc) =	sbr.rel @!p2 .LBB2_52-.Ltmp40, $4  }
0x27b: {  	s4 =	simm.s32 $0xF238;
	s5 =	sand.u32 @!p1 $0x7, s5;
	s2 =	sadd.s32 @!p1 s1, s6  }
0x27c: {  	[hbm4b:s2+s5] =	stream.linear.scatter @!p1 [tilespmem:s4], [sflag:$0x7], $0x80, $0x38;
	[tilespmem:$0x1F6F8] =	vst v63  }
0x27d: {  	s5 =	simm.s32 $0x0  }
0x27e: {  	s2 =	simm.s32 $0xF219;
	s5 =	simm.s32 @!p1 $0x200  }
.LBB2_51:
0x27f: {  	v0 =	vld.msk [tilespmem:s2+$0x0], $0x1;
	s0 =	sadd.s32 $0xFFFFFFFF, s0;
	s3 =	sadd.s32 s3, s5  }
0x280: {  	p1 =	sne.s32 s0, $0x0;
	_ =	sdelay $0x3  }
0x281: {  	(v2sf) =	vpush v0, $0x0;
	_ =	sdelay $0xe  }
.Ltmp41:
0x282: {  	s6 =	spop (v2sf);
	(pc) =	sbr.rel @p1 .LBB2_51-.Ltmp41, $4  }
0x283: {  	s5 =	simm.s32 $0x0;
	p2 =	sgt.u32 s6, $0x270F0  }
0x284: {  	s4 =	sadd.s32 $0x80, s4;
	s5 =	simm.s32 @!p2 $0x200;
	s7 =	sand.u32 @!p2 $0x3FFF8, s6  }
0x285: {  	s2 =	sadd.s32 $0x1, s2;
	s6 =	sand.u32 @!p2 $0x7, s6;
	s7 =	sadd.s32 @!p2 s1, s7  }
0x286: {  	[hbm4b:s7+s6] =	stream.linear.scatter @!p2 [tilespmem:s4], [sflag:$0x7], $0x80, $0x38;
	[tilespmem:$0x1F6F8] =	vst v63  }
.LBB2_52:
0x287: {  	s0 =	sadd.s32 s3, s5  }
0x288: {  	s3 =	sshrl.u32 s0, $0x2  }
.LBB2_53:
0x289: {  	s0 =	simm.s32 $0x7  }
0x28a: {  	_ =	swait.ge [sflag:s0], s3  }
0x28b: {  	s1 =	ssub.s32 $0x0, s3;
	[sflag:s0] =	ssyncset.done $0x0  }
0x28c: {  	[sflag:s0] =	ssyncadd.s32 s1  }
0x28d: {  	[sflag:s0] =	ssyncpa.u1 $0x1  }
.LBB2_54:
0x28e: {  	_ =	sfence;
	s0 =	simm.s32 $0x1  }
0x28f: {  	[sflag:s0] =	ssyncpa.u1 $0x1  }
0x290: {  	_ =	strace $0x9000004D  }
0x291: {  	[bflag:$0x2] =	sbarrier.arrive $0xFFFF  }
0x292: {  	s0 =	rddreg [dreg:$0x3]  }
0x293: {  	s0 =	sadd.s32 @!p0 $0x100000, s0  }
0x294: {  	[sflag:s0] =	ssyncadd.tile.s32 @!p0 $0x1;
	_ =	shalt  }
.Lfunc_end2:
_tile_overlayer_lowered:
.L_overlay_start_2:
0x295: {  	(tag) =	ssettag $0x2  }
0x296: {  	s0 =	rddreg [dreg:$0x0];
	s2 =	stileid.u32  }
0x297: {  	s1 =	rddreg [dreg:$0x1];
	p0 =	sne.s32 s2, $0x0  }
0x298: {  	s3 =	rddreg [dreg:$0x2];
	[bflag:$0x3] =	sbarrier.arrive $0xFFFF;
	s2 =	simm.s32 @!p0 $0x1C01  }
0x299: {  	[timem:s3], [sflag:s2] =	dma.local @!p0 [hbm:s0], s1  }
0x29a: {  	s0 =	simm.s32 @!p0 $0x1  }
0x29b: {  	_ =	swait.ge @!p0 [sflag:s0], s1  }
0x29c: {  	s1 =	ssub.s32 @!p0 $0x0, s1;
	[sflag:s0] =	ssyncset.done @!p0 $0x0  }
0x29d: {  	[sflag:s0] =	ssyncadd.s32 @!p0 s1  }
0x29e: {  	[bflag:$0x3] =	sbarrier.arrive $0xFFFF  }
0x29f: {  	_ =	shalt  }

// kernel: scatter_offload_async_start.2
scs
__scs_entry_jumppad:
0x0: {  	(pc) =	sbr.rel $0x88, $3  }
0x1: {  	(tag) =	ssettag $0x0;
	lr =	simm.s32 $0x1  }
0x2: {  	[smem:$0x3F72] =	sst lr;
	_ =	strace $0xD0000000  }
0x3: {  	_ = 	snop  }
0x4: {  	_ = 	snop  }
0x5: {  	_ = 	snop  }
0x6: {  	_ = 	snop  }
0x7: {  	_ = 	snop  }
__scs_overlays_trampoline_lowered:
0x8: {  	[smem:$0x3F81] =	sst s0  }
0x9: {  	[smem:$0x3F82] =	sst s1  }
0xa: {  	[smem:$0x3F83] =	sst s2  }
0xb: {  	[smem:$0x3F84] =	sst s3  }
0xc: {  	[smem:$0x3F85] =	sst s4  }
0xd: {  	[smem:$0x3F86] =	sst s5  }
0xe: {  	[smem:$0x3F87] =	sst s6  }
0xf: {  	[smem:$0x3F88] =	sst s7  }
0x10: {  	[smem:$0x3F89] =	sst s8  }
0x11: {  	[smem:$0x3F8A] =	sst s9;
	s0 =	simm.s32 @!p0 $0x0  }
0x12: {  	s1 =	sld [smem:$0x3F70];
	s0 =	simm.s32 @p0 $0x1  }
0x13: {  	[smem:$0x3F8B] =	sst s0;
	s0 =	simm.s32 @!p1 $0x0  }
0x14: {  	s2 =	sld [smem:$0x3F6F];
	s0 =	simm.s32 @p1 $0x1  }
0x15: {  	[smem:$0x3F8C] =	sst s0;
	s0 =	simm.s32 @!p2 $0x0  }
0x16: {  	s3 =	sld [smem:$0x3FDB];
	s0 =	simm.s32 @p2 $0x1  }
0x17: {  	s4 =	simm.s32 $0x1BF5;
	[smem:$0x3F8E] =	sst s0  }
0x18: {  	s0 =	sld [smem:$0x3F71];
	_ =	swait.ge [sflag:s4], $0x0  }
0x19: {  	s7 =	sld [smem:$0x3F72]  }
0x1a: {  	s8 =	sadd.s32 $0xFFFFE003, lr  }
0x1b: {  	s9 =	sadd.s32 $0xFFFFFEF7, lr;
	s5 =	simm.s32 $0xFFFFFFFF;
	p2 =	slt.u32 s8, $0xFFFFF086  }
0x1c: {  	p1 =	slt.u32 s9, $0xF7A;
	s5 =	simm.s32 @!p2 $0x0  }
0x1d: {  	s5 =	simm.s32 @p1 $0x1;
	p0 =	seq.s32 s7, s2  }
0x1e: {  	s7 =	smul.u32 @!p0 $0xF7A, s2;
	p2 =	seq.s32 @!p0 s5, $0x0  }
0x1f: {  	s9 =	smul.u32 $0xF7A, s1;
	s8 =	simm.s32 @!p0 $0x1BF5;
	p2 =	por !p2, p0  }
0x20: {  	[sflag:s8] =	ssyncset.s32 @!p0 $0xFFFFF086;
	s6 =	sadd.s32 @!p0 s3, s7;
	s7 =	simm.s32 @!p0 $0x108  }
0x21: {  	s3 =	sadd.s32 s3, s9;
	s6 =	sadd.s32 @!p0 $0x88, s6;
	s7 =	simm.s32 @p2 $0x1082  }
0x22: {  	[simem:s7], [sflag:s8] =	dma.local @!p0 [hbm:s6], $0xF7A  }
0x23: {  	s9 =	sor.u32 $0xD0000000, s2;
	s6 =	simm.s32 $0x108;
	_ =	swait.ge @!p0 [sflag:s8], $0x0  }
0x24: {  	s3 =	sadd.s32 $0x88, s3;
	s6 =	simm.s32 @!p1 $0x1082;
	[sflag:s4] =	ssyncset.s32 $0xFFFFF086  }
0x25: {  	[simem:s6], [sflag:s4] =	dma.local [hbm:s3], $0xF7A  }
0x26: {  	[smem:$0x3F72] =	sst s1;
	(tag) =	ssettag s2;
	_ =	strace s9  }
0x27: {  	s1 =	sld [smem:$0x3F82]  }
0x28: {  	s2 =	sld [smem:$0x3F83]  }
0x29: {  	s4 =	sld [smem:$0x3F85]  }
0x2a: {  	p0 =	seq.s32 s5, $0x0;
	s5 =	sld [smem:$0x3F86]  }
0x2b: {  	s6 =	sld [smem:$0x3F87]  }
0x2c: {  	s7 =	sld [smem:$0x3F88]  }
0x2d: {  	s3 =	simm.s32 $0x108;
	s8 =	sld [smem:$0x3F89]  }
0x2e: {  	s3 =	simm.s32 @!p0 $0x1082;
	s9 =	sld [smem:$0x3F8A]  }
0x2f: {  	lr =	sadd.s32 s0, s3;
	s0 =	sld [smem:$0x3F81]  }
0x30: {  	s3 =	sld [smem:$0x3F84]  }
0x31: {  	[smem:$0x3F8D] =	sst s10  }
0x32: {  	s10 =	sld [smem:$0x3F8B];
	_ =	sdelay $0x3  }
0x33: {  	p0 =	seq.s32 s10, $0x1;
	s10 =	sld [smem:$0x3F8D];
	_ =	sdelay $0x3  }
0x34: {  	[smem:$0x3F8D] =	sst s10  }
0x35: {  	s10 =	sld [smem:$0x3F8C];
	_ =	sdelay $0x3  }
0x36: {  	p1 =	seq.s32 s10, $0x1;
	s10 =	sld [smem:$0x3F8D];
	_ =	sdelay $0x3  }
0x37: {  	[smem:$0x3F8D] =	sst s10  }
0x38: {  	s10 =	sld [smem:$0x3F8E]  }
0x39: {  	_ = 	snop;
	(pc) =	sbr.ind lr, $3  }
0x3a: {  	_ = 	snop  }
0x3b: {  	_ = 	snop  }
0x3c: {  	p2 =	seq.s32 s10, $0x1;
	s10 =	sld [smem:$0x3F8D]  }
0x3d: {  	_ =	shalt  }
0x3e: {  	_ =	shalt  }
0x3f: {  	_ =	shalt  }
0x40: {  	_ =	shalt  }
0x41: {  	_ =	shalt  }
0x42: {  	_ =	shalt  }
0x43: {  	_ =	shalt  }
0x44: {  	_ =	shalt  }
0x45: {  	_ =	shalt  }
0x46: {  	_ =	shalt  }
0x47: {  	_ =	shalt  }
0x48: {  	_ =	shalt  }
0x49: {  	_ =	shalt  }
0x4a: {  	_ =	shalt  }
0x4b: {  	_ =	shalt  }
0x4c: {  	_ =	shalt  }
0x4d: {  	_ =	shalt  }
0x4e: {  	_ =	shalt  }
0x4f: {  	_ =	shalt  }
0x50: {  	_ =	shalt  }
0x51: {  	_ =	shalt  }
0x52: {  	_ =	shalt  }
0x53: {  	_ =	shalt  }
0x54: {  	_ =	shalt  }
0x55: {  	_ =	shalt  }
0x56: {  	_ =	shalt  }
0x57: {  	_ =	shalt  }
0x58: {  	_ =	shalt  }
0x59: {  	_ =	shalt  }
0x5a: {  	_ =	shalt  }
0x5b: {  	_ =	shalt  }
0x5c: {  	_ =	shalt  }
0x5d: {  	_ =	shalt  }
0x5e: {  	_ =	shalt  }
0x5f: {  	_ =	shalt  }
0x60: {  	_ =	shalt  }
0x61: {  	_ =	shalt  }
0x62: {  	_ =	shalt  }
0x63: {  	_ =	shalt  }
0x64: {  	_ =	shalt  }
0x65: {  	_ =	shalt  }
0x66: {  	_ =	shalt  }
0x67: {  	_ =	shalt  }
0x68: {  	_ =	shalt  }
0x69: {  	_ =	shalt  }
0x6a: {  	_ =	shalt  }
0x6b: {  	_ =	shalt  }
0x6c: {  	_ =	shalt  }
0x6d: {  	_ =	shalt  }
0x6e: {  	_ =	shalt  }
0x6f: {  	_ =	shalt  }
0x70: {  	_ =	shalt  }
0x71: {  	_ =	shalt  }
0x72: {  	_ =	shalt  }
0x73: {  	_ =	shalt  }
0x74: {  	_ =	shalt  }
0x75: {  	_ =	shalt  }
0x76: {  	_ =	shalt  }
0x77: {  	_ =	shalt  }
0x78: {  	_ =	shalt  }
0x79: {  	_ =	shalt  }
0x7a: {  	_ =	shalt  }
0x7b: {  	_ =	shalt  }
0x7c: {  	_ =	shalt  }
0x7d: {  	_ =	shalt  }
0x7e: {  	_ =	shalt  }
0x7f: {  	_ =	shalt  }
0x80: {  	_ =	shalt  }
0x81: {  	_ =	shalt  }
0x82: {  	_ =	shalt  }
0x83: {  	_ =	shalt  }
0x84: {  	_ =	shalt  }
0x85: {  	_ =	shalt  }
0x86: {  	_ =	shalt  }
0x87: {  	_ =	shalt  }
.Lfunc_end0:
.L_simem_size_0:
called_computation.2_lowered:
.L_overlay_start_0:
0x88: {  	s2 =	sld [smem:$0x3FD9]  }
0x89: {  	s3 =	sld [smem:$0x3FFE];
	_ =	sdelay $0x1  }
0x8a: {  	s1 =	srdreg.scid  }
0x8b: {  	s0 =	sand.u32 $0x1, s1  }
0x8c: {  	s15 =	sshll.u32 s0, $0xA;
	s2 =	sadd.s32 s3, s2  }
0x8d: {  	s2 =	sadd.s32 s2, s15  }
0x8e: {  	[smem:$0x3F99] =	sst s2  }
0x8f: {  	_ = 	snop  }
0x90: {  	(tm) =	ssettm $0x1  }
0x91: {  	s16 =	sld [smem:$0x3FFB];
	_ =	sdelay $0x3  }
0x92: {  	_ =	strace s16  }
0x93: {  	s2 =	sld [smem:$0x3FFC];
	_ =	sdelay $0x3  }
0x94: {  	_ =	strace s2  }
0x95: {  	s2 =	sld [smem:$0x3FFD];
	_ =	sdelay $0x3  }
0x96: {  	_ =	strace s2  }
0x97: {  	_ =	strace $0x8FFFFFFF  }
0x98: {  	s17 =	sld [smem:$0x3FDB];
	_ =	sdelay $0x1  }
0x99: {  	s18 =	simm.s32 $_scs_section_size  }
0x9a: {  	s4 =	simm.s32 $_size__tile_overlayer_lowered;
	s5 =	simm.s32 $_tile_overlayer_lowered  }
0x9b: {  	s21 =	simm.s32 $0x1BFF;
	s20 =	sshll.u32 s5, $0x1;
	s2 =	sadd.s32 s18, s17  }
0x9c: {  	s6 =	simm.s32 $0x0;
	s19 =	sshll.u32 s4, $0x1;
	s4 =	sadd.s32 s20, s2  }
0x9d: {  	[timem:s6], [sflag:s21] =	dma.local [hbm:s4], s19  }
0x9e: {  	_ =	swait.ge [sflag:s21], s19  }
0x9f: {  	s3 =	ssub.s32 $0x0, s19;
	[sflag:s21] =	ssyncset.done $0x0  }
0xa0: {  	[sflag:s21] =	ssyncadd.s32 s3;
	_ =	sdelay $0x1  }
0xa1: {  	s22 =	simm.s32 $0x1B8B  }
0xa2: {  	_ =	swait.ge [sflag:s22], $0x1  }
0xa3: {  	[sflag:s22] =	ssyncset.done $0x0  }
0xa4: {  	s23 =	sld [smem:$0x3FFE];
	[sflag:s22] =	ssyncadd.s32 $0xFFFFFFFF  }
0xa5: {  	s25 =	simm.s32 $0x1B8E;
	s24 =	sld [smem:$0x0]  }
0xa6: {  	s26 =	simm.s32 $execute0_lowered;
	[smem:$0x3FD2] =	sst s25  }
0xa7: {  	s5 =	sshll.u32 s26, $0x1;
	_ =	strace $0x8000004F;
	[dreg:$0x1] =	wrdreg $0xFFFFFFFF  }
0xa8: {  	s28 =	simm.s32 $_size_execute0_lowered;
	s2 =	sadd.s32 s2, s5;
	[dreg:$0x0] =	wrdreg $0x0  }
0xa9: {  	s5 =	sshll.u32 s28, $0x1;
	[dreg:$0x2] =	wrdreg s2  }
0xaa: {  	[dreg:$0x3] =	wrdreg s5  }
0xab: {  	[dreg:$0x4] =	wrdreg $0xC0  }
0xac: {  	_ =	task [dreg:s6], $0x5FFFF  }
0xad: {  	[dreg:$0x1] =	wrdreg $0xFFFFFFFF  }
0xae: {  	[dreg:$0x0] =	wrdreg $0x60  }
0xaf: {  	[dreg:$0x2] =	wrdreg s23  }
0xb0: {  	[dreg:$0x3] =	wrdreg s1  }
0xb1: {  	[dreg:$0x4] =	wrdreg s24  }
0xb2: {  	[dreg:$0x5] =	wrdreg $0x9  }
0xb3: {  	_ =	task.clear_ibuf [dreg:s6], $0x6FFFF;
	_ =	strace $0x9000004F  }
0xb4: {  	s29 =	simm.s32 $0x9;
	_ =	strace $0x80000051  }
0xb5: {  	_ =	swait.ge [sflag:s29], $0x1  }
0xb6: {  	[sflag:s29] =	ssyncadd.s32 $0xFFFFFFFF  }
0xb7: {  	_ =	strace $0x90000051  }
0xb8: {  	_ =	sfence  }
0xb9: {  	s30 =	sld [smem:$0x0];
	_ =	sdelay $0x2  }
0xba: {  	s31 =	sshll.u32 s1, $0xD;
	s1 =	sshrl.u32 s1, $0x2  }
0xbb: {  	s3 =	sand.u32 $0x4000, s31;
	s1 =	sadd.s32 s1, s30  }
0xbc: {  	s0 =	sor.u32 s3, s0;
	s1 =	sshll.u32 s1, $0x11  }
0xbd: {  	s0 =	sor.u32 s1, s0  }
0xbe: {  	s0 =	sadd.s32 $0x8F2B, s0  }
0xbf: {  	[sflag:s0] =	ssyncadd.remote.s32 $0x1  }
0xc0: {  	_ =	sfence.sel $0xFFFF  }
0xc1: {  	[dreg:$0x0] =	wrdreg $0xFFFFFFFF;
	(pc) =	sbr.abs _section_cstart, $3  }
0xc2: {  	[dreg:$0x1] =	wrdreg $0xFFFFFFFF  }
0xc3: {  	_ =	task.clear_ibuf [dreg:s6], $0x2FFFF;
	_ =	strace $0x9FFFFFFF  }
0xc4: {  	(tm) =	ssettm $0x7FFFFFFF  }
0xc5: {  	_ =	shalt  }
tec
execute0_lowered:
.L_overlay_start_1:
0x0: {  	(tag) =	ssettag $0x1  }
0x1: {  	s2 =	rddreg [dreg:$0x0]  }
0x2: {  	s3 =	rddreg [dreg:$0x1];
	_ =	strace $0x80000050;
	s0 =	simm.s32 $0x1  }
0x3: {  	v0 =	vimm.s32 $0x0;
	[sflag:s0] =	ssyncpa.u1 $0x0;
	s0 =	simm.s32 $0x108  }
0x4: {  	[tilespmem:s0+$0x70] =	vst v0  }
0x5: {  	[tilespmem:s0+$0x60] =	vst v0  }
0x6: {  	[tilespmem:s0+$0x50] =	vst v0  }
0x7: {  	[tilespmem:s0+$0x40] =	vst v0  }
0x8: {  	[tilespmem:s0+$0x30] =	vst v0  }
0x9: {  	s1 =	sadd.s32 $0x2E00, s2;
	s15 =	sadd.s32 $0x3DC00, s2;
	s6 =	sadd.s32 $0x51800, s2;
	[tilespmem:s0+$0x20] =	vst v0  }
0xa: {  	s14 =	sadd.s32 $0x47A00, s2;
	s5 =	sand.u32 $0x1, s3;
	s3 =	simm.s32 $0x40;
	[tilespmem:s0+$0x10] =	vst v0  }
.LBB2_1:
0xb: {  	s3 =	sadd.s32 $0x40, s3;
	[tilespmem:s0+$0x0] =	vst v0;
	s0 =	sadd.s32 $0x80, s0  }
0xc: {  	p0 =	slt.u32 s3, $0x3C40;
	[tilespmem:s0+$0x70] =	vst v0  }
0xd: {  	[tilespmem:s0+$0x60] =	vst v0  }
.Ltmp0:
0xe: {  	[tilespmem:s0+$0x50] =	vst v0;
	(pc) =	sbr.rel @p0 .LBB2_1-.Ltmp0, $4  }
0xf: {  	[tilespmem:s0+$0x40] =	vst v0  }
0x10: {  	[tilespmem:s0+$0x30] =	vst v0  }
0x11: {  	[tilespmem:s0+$0x20] =	vst v0  }
0x12: {  	[tilespmem:s0+$0x10] =	vst v0  }
0x13: {  	s9 =	stileid.u32  }
0x14: {  	s2 =	smul.u32 $0x29, s9  }
0x15: {  	s3 =	smin.u32 s9, $0xB  }
0x16: {  	s2 =	sadd.s32 s3, s2  }
0x17: {  	p0 =	slt.u32 s9, $0xB;
	s7 =	smul.u32 $0xF0, s2;
	s2 =	simm.s32 $0x2760  }
0x18: {  	s2 =	simm.s32 @!p0 $0x2670  }
0x19: {  	s2 =	sadd.s32 s2, s7  }
0x1a: {  	s8 =	smin.u32 s2, $0x27100  }
0x1b: {  	s2 =	ssub.s32 s8, s7  }
0x1c: {  	p0 =	sgt.s32 s2, $0x0  }
0x1d: {  	s29 =	simm.s32 $0x2;
	s10 =	simm.s32 $0x9;
	s2 =	simm.s32 @!p0 $0x0  }
0x1e: {  	s4 =	simm.s32 $0xA;
	s11 =	simm.s32 $0xB;
	s28 =	smulhi.u32 $0x88888889, s2  }
0x1f: {  	[dreg:$0x4] =	wrdreg s5;
	s31 =	smul.u32 $0x4E20, s5;
	s12 =	simm.s32 $0x1  }
0x20: {  	s22 =	simm.s32 $0x0;
	s18 =	simm.s32 $0xC;
	s30 =	sshrl.u32 s28, $0x7  }
0x21: {  	s20 =	simm.s32 $0x0;
	s21 =	simm.s32 $0x0;
	s3 =	smul.u32 $0xF0, s30  }
.Ltmp1:
0x22: {  	[tilespmem:s0+$0x0] =	vst v0;
	v0 =	vimm.s32 $0xFFFFFFFF;
	[sflag:s29] =	ssyncpa.u1 $0x0;
	s16 =	sshll.u32 s9, $0x8;
	(pc) =	sbr.rel .LBB2_3-.Ltmp1, $4  }
0x23: {  	[tilespmem:$0xF208] =	vst v0;
	[sflag:s10] =	ssyncpa.u1 $0x0;
	p0 =	sne.s32 s2, s3;
	s2 =	simm.s32 $0x1  }
0x24: {  	s14 =	sadd.s32 s31, s14;
	[sflag:s4] =	ssyncpa.u1 $0x0;
	s2 =	simm.s32 @!p0 $0x0  }
0x25: {  	s15 =	sadd.s32 s31, s15;
	[sflag:s11] =	ssyncpa.u1 $0x0;
	s13 =	sadd.s32 s2, s30  }
0x26: {  	v0 =	vlaneseq.u32;
	s19 =	smov.u32 s7;
	p0 =	por $0x0, $0x0;
	s17 =	sadd.s32 $0x1, s13  }
.LBB2_18:
0x27: {  	s0 =	sshrl.u32 s31, $0x2  }
.LBB2_20:
0x28: {  	_ =	swait.ge [sflag:s18], s0  }
0x29: {  	s31 =	ssub.s32 $0x0, s0;
	v1 =	vmov s24;
	vm0 =	veq.s32 v0, $0x0;
	[sflag:s18] =	ssyncset.done $0x0  }
0x2a: {  	vm15 =	veq.s32 v0, $0x2;
	v1 =	vsel vm0, s30, v1;
	[sflag:s18] =	ssyncadd.s32 s31  }
0x2b: {  	v1 =	vsel vm15, s22, v1;
	[sflag:s18] =	ssyncpa.u1 $0x1  }
0x2c: {  	[tilespmem:$0xF208] =	vst v1  }
.LBB2_21:
0x2d: {  	s0 =	sadd.s32 $0xF0, s19  }
0x2e: {  	s2 =	smov.u32 s7;
	p1 =	slt.s32 s0, s8  }
0x2f: {  	s2 =	smov.u32 @p1 s0;
	p1 =	sne.s32 s21, s17  }
.Ltmp2:
0x30: {  	_ = 	snop;
	(pc) =	sbr.rel @!p1 .LBB2_22-.Ltmp2, $3  }
0x31: {  	_ =	sdelay $0x1  }
0x32: {  	s22 =	smov.u32 s20;
	s31 =	sadd.s32 $0x1, s21;
	s20 =	smov.u32 s19  }
0x33: {  	p0 =	por !p0, !p0;
	s21 =	smov.u32 s31;
	s19 =	smov.u32 s2  }
.LBB2_3:
0x34: {  	p1 =	sge.u32 s21, s13  }
0x35: {  	s0 =	smulhi.u32 @!p1 $0xAAAAAAAB, s21  }
0x36: {  	s2 =	smov.u32 s19;
	p2 =	sgt.s32 @!p1 s19, $0x27010  }
0x37: {  	s3 =	sshra.s32 @!p1 s19, $0x1F;
	p2 =	por !p2, p1;
	s0 =	sshrl.u32 @!p1 s0, $0x1  }
0x38: {  	s3 =	sand.u32 @!p1 s3, s19;
	s2 =	simm.s32 @p2 $0x27010;
	s0 =	smul.u32 @!p1 $0x3, s0  }
0x39: {  	s2 =	ssub.s32 @!p1 s2, s3  }
0x3a: {  	s2 =	sadd.s32 @!p1 $0xFFFD8FF0, s2;
	s0 =	ssub.s32 @!p1 s21, s0  }
0x3b: {  	s3 =	sshll.u32 @!p1 s2, $0x2;
	p2 =	sgt.s32 @!p1 s2, $0xEF;
	s0 =	smul.u32 @!p1 $0x3C0, s0  }
0x3c: {  	s4 =	sand.u32 @!p1 $0x7, s19;
	s2 =	ssub.s32 @!p1 $0x3C0, s3;
	p2 =	por !p2, p1  }
0x3d: {  	s3 =	sshrl.u32 @!p1 s19, $0x3;
	s2 =	sshrl.u32 @!p1 s2, $0x2;
	s0 =	sshrl.u32 @!p1 s0, $0x2  }
0x3e: {  	s3 =	sadd.s32 @!p1 s3, s14;
	s2 =	simm.s32 @!p2 $0x0;
	s0 =	sadd.s32 @!p1 $0x10248, s0  }
0x3f: {  	[tilespmem:s0], [sflag:$0xA] =	stream.linear.gather @!p1 [hbm4b:s3+s4], s2, $0x38;
	[tilespmem:$0x1F6F8] =	vst v63  }
0x40: {  	s0 =	sadd.s32 $0xFFFFFFFF, s21  }
0x41: {  	p1 =	sge.u32 s0, s13  }
0x42: {  	p2 =	sgt.s32 @!p1 s20, $0x27010  }
0x43: {  	s2 =	smov.u32 s20;
	s3 =	sshra.s32 @!p1 s20, $0x1F;
	p2 =	por !p2, p1  }
0x44: {  	s3 =	sand.u32 @!p1 s3, s20;
	s2 =	simm.s32 @p2 $0x27010  }
0x45: {  	s2 =	ssub.s32 @!p1 s2, s3  }
0x46: {  	s2 =	sadd.s32 @!p1 $0xFFFD8FF0, s2  }
0x47: {  	s4 =	sand.u32 @!p1 $0x1, s0;
	s3 =	sshll.u32 @!p1 s2, $0x2  }
0x48: {  	p2 =	sgt.s32 @!p1 s2, $0xEF;
	s2 =	ssub.s32 @!p1 $0x3C0, s3;
	s3 =	smulhi.u32 @!p1 $0xAAAAAAAB, s0  }
0x49: {  	s23 =	smul.u32 @!p1 $0x3C0, s4;
	p2 =	por !p2, p1;
	s2 =	sshrl.u32 @!p1 s2, $0x2  }
0x4a: {  	s5 =	simm.s32 @!p1 $0xA;
	s2 =	simm.s32 @!p2 $0x0;
	s3 =	sshrl.u32 @!p1 s3, $0x1  }
0x4b: {  	s23 =	sshrl.u32 @!p1 s23, $0x2;
	_ =	swait.ge @!p1 [sflag:s5], s2;
	s3 =	smul.u32 @!p1 $0x3, s3  }
0x4c: {  	s23 =	sadd.s32 @!p1 $0x10518, s23;
	s24 =	ssub.s32 @!p1 $0x0, s2;
	[sflag:s5] =	ssyncset.done @!p1 $0x0  }
0x4d: {  	[sflag:s5] =	ssyncadd.s32 @!p1 s24;
	s5 =	sshrl.u32 @!p1 s20, $0x3;
	s0 =	ssub.s32 @!p1 s0, s3  }
0x4e: {  	s24 =	sand.u32 @!p1 $0x7, s20;
	s5 =	sadd.s32 @!p1 s5, s15;
	s0 =	smul.u32 @!p1 $0x3C0, s0  }
0x4f: {  	[tilespmem:s23], [sflag:$0xB] =	stream.linear.gather @!p1 [hbm4b:s5+s24], s2, $0x38;
	[tilespmem:$0x1F6F8] =	vst v63  }
0x50: {  	s3 =	ssub.s32 @!p1 $0x27100, s20;
	s2 =	smul.u32 @!p1 $0x1E000, s4  }
0x51: {  	p2 =	slt.s32 @!p1 s3, $0xF0  }
0x52: {  	p2 =	por !p2, p1;
	s0 =	sshrl.u32 @!p1 s0, $0x2;
	s2 =	sshrl.u32 @!p1 s2, $0x2  }
0x53: {  	s3 =	simm.s32 @p2 $0xF0;
	s0 =	sadd.s32 @!p1 $0x10248, s0;
	s2 =	sor.u32 @!p1 $0x106F8, s2  }
0x54: {  	[tilespmem:s2], [sflag:$0x9] =	stream.indirect.gather @!p1 [hbm4b:s6+s3], $0x80, s0, s3, $0xb8;
	[tilespmem:$0x1F6F8] =	vst v63  }
0x55: {  	p1 =	slt.u32 s21, $0x2  }
.Ltmp3:
0x56: {  	_ = 	snop;
	(pc) =	sbr.rel @p1 .LBB2_21-.Ltmp3, $1  }
0x57: {  	_ =	sdelay $0x3  }
0x58: {  	p1 =	sgt.s32 s22, $0x27010  }
0x59: {  	s0 =	smov.u32 s22;
	s2 =	sshra.s32 s22, $0x1F;
	s3 =	ssub.s32 $0x27100, s22  }
0x5a: {  	s0 =	simm.s32 @!p1 $0x27010;
	s2 =	sand.u32 s2, s22;
	p1 =	slt.s32 s3, $0xF0  }
0x5b: {  	s0 =	ssub.s32 s0, s2;
	s3 =	simm.s32 @!p1 $0xF0  }
0x5c: {  	s0 =	sadd.s32 $0xFFFD8FF0, s0;
	s25 =	sshll.u32 s3, $0x7  }
0x5d: {  	s26 =	sshll.u32 s0, $0x2;
	s2 =	sand.u32 $0x3FFFFF80, s25  }
0x5e: {  	p1 =	sgt.s32 s0, $0xEF;
	s29 =	ssub.s32 $0x3C0, s26;
	_ =	swait.ge [sflag:s10], s2  }
0x5f: {  	s2 =	ssub.s32 $0x0, s2;
	[sflag:s10] =	ssyncset.done $0x0;
	s0 =	sshrl.u32 s29, $0x2  }
0x60: {  	[sflag:s10] =	ssyncadd.s32 s2;
	s0 =	simm.s32 @p1 $0x0  }
0x61: {  	_ =	swait.ge [sflag:s11], s0  }
0x62: {  	s0 =	ssub.s32 $0x0, s0;
	[sflag:s11] =	ssyncset.done $0x0  }
0x63: {  	[sflag:s11] =	ssyncadd.s32 s0  }
0x64: {  	v1 =	vld [tilespmem:$0xF208];
	_ =	sdelay $0x4  }
0x65: {  	(v2sf) =	vpush v1, $0x0  }
0x66: {  	(v2sf) =	vpush v1, $0x1  }
0x67: {  	(v2sf) =	vpush v1, $0x2;
	_ =	sdelay $0x3  }
0x68: {  	s0 =	sadd.s32 $0xF0, s22  }
0x69: {  	s2 =	ssub.s32 $0x4E200, s22;
	p1 =	slt.s32 s8, s0  }
0x6a: {  	s0 =	smov.u32 @p1 s8;
	p1 =	sgt.s32 s2, $0x0  }
0x6b: {  	s26 =	ssub.s32 s0, s22;
	s2 =	simm.s32 @!p1 $0x0  }
0x6c: {  	p1 =	slt.s32 s2, s26  }
0x6d: {  	s26 =	smov.u32 @p1 s2  }
0x6e: {  	s25 =	simm.s32 $0x1;
	p1 =	slt.s32 s26, $0x1  }
.Ltmp4:
0x6f: {  	s25 =	simm.s32 @!p0 $0x0;
	(pc) =	sbr.rel @p1 .LBB2_8-.Ltmp4, $4  }
0x70: {  	s31 =	smul.u32 $0x3C0, s25  }
0x71: {  	s28 =	spop (v2sf)  }
0x72: {  	s0 =	sshrl.u32 s31, $0x2;
	s30 =	spop (v2sf)  }
0x73: {  	s23 =	sadd.s32 $0x10518, s0;
	s22 =	spop (v2sf)  }
0x74: {  	s0 =	smin.u32 s26, $0x10  }
0x75: {  	v1 =	vmov s0  }
0x76: {  	p2 =	sgt.s32 s26, $0x10;
	vm1 =	vgt.u32 v1, v0  }
.Ltmp5:
0x77: {  	_ = 	snop;
	(pc) =	sbr.rel @!p2 .LBB2_7-.Ltmp5, $2  }
0x78: {  	_ =	sdelay $0x2  }
0x79: {  	s4 =	simm.s32 $0x10;
	s24 =	sadd.s32 $0xFFFFFFF0, s26;
	s0 =	smov.u32 s23;
	vm0 =	vmmov vm1  }
.LBB2_6:
0x7a: {  	s2 =	smin.u32 s24, $0x10;
	s4 =	sadd.s32 $0x10, s4;
	v1 =	vld.msk [tilespmem:s0+$0x0 ss:$0x1], vm1  }
0x7b: {  	v2 =	vmov s2;
	p2 =	slt.s32 s4, s26  }
0x7c: {  	vm1 =	vgt.u32 v2, v0  }
.Ltmp6:
0x7d: {  	(pc) =	sbr.rel @p2 .LBB2_6-.Ltmp6, $3  }
0x7e: {  	_ =	sdelay $0x1  }
0x7f: {  	v1 =	vshll.u32 v1, $0x4  }
0x80: {  	s24 =	sadd.s32 $0xFFFFFFF0, s24;
	[tilespmem:s0+$0x0] =	vst.msk vm0, v1;
	s0 =	sadd.s32 $0x10, s0;
	vm0 =	vmmov vm1  }
.LBB2_7:
0x81: {  	_ =	sdelay $0x4  }
0x82: {  	v1 =	vld.msk [tilespmem:s0+$0x0 ss:$0x1], vm1;
	_ =	sdelay $0x4  }
0x83: {  	v1 =	vshll.u32 v1, $0x4  }
0x84: {  	[tilespmem:s0+$0x0] =	vst.msk vm0, v1  }
.LBB2_8:
0x85: {  	s0 =	sand.u32 $0x1, s21  }
0x86: {  	s0 =	smul.u32 $0xF0, s0  }
0x87: {  	p2 =	sne.s32 s30, $0xFFFFFFFF  }
0x88: {  	v1 =	vld.msk @!p2 [tilespmem:s0+$0x10518], $0x1;
	_ =	sdelay $0x4  }
0x89: {  	(v2sf) =	vpush @!p2 v1, $0x0;
	_ =	sdelay $0xc  }
.Ltmp7:
0x8a: {  	_ = 	snop;
	(pc) =	sbr.rel @p1 .LBB2_19-.Ltmp7, $4  }
0x8b: {  	_ = 	snop  }
0x8c: {  	s29 =	spop @!p2 (v2sf)  }
0x8d: {  	s22 =	simm.s32 @!p2 $0x0;
	s24 =	smov.u32 s29  }
0x8e: {  	[sflag:s18] =	ssyncpa.u1 $0x0;
	s29 =	smov.u32 @p2 s28;
	s24 =	smov.u32 @p2 s30  }
0x8f: {  	v1 =	vld.msk [tilespmem:s23+$0x0], $0x1;
	_ =	sdelay $0x4  }
0x90: {  	(v2sf) =	vpush v1, $0x0;
	_ =	sdelay $0xe  }
0x91: {  	s2 =	smul.u32 $0x1E000, s25;
	s0 =	spop (v2sf)  }
0x92: {  	s26 =	ssub.s32 $0x0, s26;
	p1 =	seq.s32 s29, s0  }
0x93: {  	s30 =	sadd.s32 $0x1, s26;
	s2 =	sshrl.u32 s2, $0x2;
	p2 =	sgt.s32 @!p1 s29, $0x0  }
0x94: {  	s25 =	sor.u32 $0x10738, s2;
	s2 =	smov.u32 s29;
	p2 =	por !p2, p1  }
0x95: {  	s2 =	simm.s32 @p2 $0x0;
	p2 =	seq.s32 s30, $0x0  }
.Ltmp8:
0x96: {  	_ = 	snop;
	(pc) =	sbr.rel @p2 .LBB2_11-.Ltmp8, $4  }
0x97: {  	_ = 	snop  }
0x98: {  	s28 =	simm.s32 $0x0;
	s31 =	sadd.s32 $0x1, s23;
	s2 =	smin.u32 @!p1 s2, $0x270F0  }
0x99: {  	s4 =	simm.s32 @!p1 $0x1;
	s5 =	simm.s32 @!p1 $0x7988;
	s3 =	sand.u32 @!p1 $0x3FFF8, s2  }
0x9a: {  	s4 =	smov.u32 @p1 s28;
	s2 =	sand.u32 @!p1 $0x7, s2;
	s3 =	sadd.s32 @!p1 s1, s3  }
.LBB2_10:
0x9b: {  	s9 =	smov.u32 s4  }
0x9c: {  	[tilespmem:s5], [sflag:$0x2] =	stream.linear.gather @!p1 [hbm4b:s3+s2], $0x80, $0x38;
	[tilespmem:$0x1F6F8] =	vst v63  }
0x9d: {  	s30 =	sadd.s32 $0x1, s30;
	s2 =	smov.u32 s0;
	v1 =	vld.msk [tilespmem:s31+$0x0], $0x1  }
0x9e: {  	p2 =	seq.s32 s30, $0x0;
	_ =	sdelay $0x3  }
0x9f: {  	(v2sf) =	vpush v1, $0x0;
	_ =	sdelay $0xe  }
0xa0: {  	s0 =	spop (v2sf)  }
0xa1: {  	p1 =	seq.s32 s2, s0  }
0xa2: {  	p3 =	sgt.s32 @!p1 s2, $0x0;
	s3 =	sshll.u32 @!p1 s4, $0x9;
	s4 =	sadd.s32 @!p1 $0x1, s4  }
.Ltmp9:
0xa3: {  	p3 =	por !p3, p1;
	s3 =	sshra.s32 @!p1 s3, $0x2;
	(pc) =	sbr.rel @!p2 .LBB2_10-.Ltmp9, $4  }
0xa4: {  	s4 =	smov.u32 @p1 s9;
	s2 =	simm.s32 @p3 $0x0;
	s5 =	sadd.s32 @!p1 $0x7988, s3  }
0xa5: {  	s2 =	smin.u32 @!p1 s2, $0x270F0  }
0xa6: {  	s3 =	sand.u32 @!p1 $0x3FFF8, s2;
	s2 =	sand.u32 @!p1 $0x7, s2  }
0xa7: {  	s31 =	sadd.s32 $0x1, s31;
	s3 =	sadd.s32 @!p1 s1, s3  }
.LBB2_11:
0xa8: {  	[tilespmem:s5], [sflag:$0x2] =	stream.linear.gather @!p1 [hbm4b:s3+s2], $0x80, $0x38;
	[tilespmem:$0x1F6F8] =	vst v63  }
.Ltmp10:
0xa9: {  	s0 =	sshll.u32 s4, $0x7;
	(pc) =	sbr.rel .LBB2_12-.Ltmp10, $4  }
0xaa: {  	s30 =	simm.s32 $0x2;
	s0 =	sand.u32 $0x3FFFFF80, s0  }
0xab: {  	_ =	swait.ge [sflag:s30], s0  }
0xac: {  	s0 =	ssub.s32 $0x0, s0;
	[sflag:s30] =	ssyncset.done $0x0  }
0xad: {  	s31 =	simm.s32 $0x0;
	[sflag:s30] =	ssyncadd.s32 s0  }
.LBB2_13:
0xae: {  	v1 =	vld [tilespmem:s25+$0xFFFFFFC0];
	_ =	sdelay $0x3  }
0xaf: {  	s0 =	sshra.s32 s0, $0x2  }
0xb0: {  	[tilespmem:s0+$0x108] =	vst.add.f32.msk $0xffff, v1  }
0xb1: {  	v1 =	vld [tilespmem:s25+$0xFFFFFFD0];
	_ =	sdelay $0x4  }
0xb2: {  	[tilespmem:s0+$0x118] =	vst.add.f32.msk $0xffff, v1  }
0xb3: {  	v1 =	vld [tilespmem:s25+$0xFFFFFFE0];
	_ =	sdelay $0x4  }
0xb4: {  	[tilespmem:s0+$0x128] =	vst.add.f32.msk $0xffff, v1  }
0xb5: {  	v1 =	vld [tilespmem:s25+$0xFFFFFFF0];
	_ =	sdelay $0x4  }
0xb6: {  	[tilespmem:s0+$0x138] =	vst.add.f32.msk $0xffff, v1  }
0xb7: {  	v1 =	vld [tilespmem:s25+$0x0];
	_ =	sdelay $0x4  }
0xb8: {  	[tilespmem:s0+$0x148] =	vst.add.f32.msk $0xffff, v1  }
0xb9: {  	v1 =	vld [tilespmem:s25+$0x10];
	_ =	sdelay $0x4  }
0xba: {  	[tilespmem:s0+$0x158] =	vst.add.f32.msk $0xffff, v1  }
0xbb: {  	v1 =	vld [tilespmem:s25+$0x20];
	_ =	sdelay $0x4  }
0xbc: {  	[tilespmem:s0+$0x168] =	vst.add.f32.msk $0xffff, v1  }
0xbd: {  	v1 =	vld [tilespmem:s25+$0x30];
	_ =	sdelay $0x4  }
0xbe: {  	[tilespmem:s0+$0x178] =	vst.add.f32.msk $0xffff, v1  }
.LBB2_17:
0xbf: {  	s26 =	sadd.s32 $0x1, s26  }
0xc0: {  	p1 =	seq.s32 s26, $0x0  }
.Ltmp11:
0xc1: {  	_ = 	snop;
	(pc) =	sbr.rel @p1 .LBB2_18-.Ltmp11, $2  }
0xc2: {  	_ =	sdelay $0x2  }
0xc3: {  	s23 =	sadd.s32 $0x1, s23;
	s25 =	sadd.s32 $0x80, s25;
	s29 =	smov.u32 s30  }
.LBB2_12:
0xc4: {  	v1 =	vld.msk [tilespmem:s23+$0x0], $0x1;
	_ =	sdelay $0x4  }
0xc5: {  	(v2sf) =	vpush v1, $0x0;
	_ =	sdelay $0xe  }
0xc6: {  	s30 =	spop (v2sf)  }
0xc7: {  	p1 =	sne.s32 s29, s30  }
.Ltmp12:
0xc8: {  	_ = 	snop;
	(pc) =	sbr.rel @!p1 .LBB2_13-.Ltmp12, $2  }
0xc9: {  	_ =	sdelay $0x2  }
0xca: {  	s0 =	sshll.u32 s22, $0x9  }
0xcb: {  	p1 =	seq.s32 s29, s24  }
.Ltmp13:
0xcc: {  	_ = 	snop;
	(pc) =	sbr.rel @!p1 .LBB2_15-.Ltmp13, $1  }
0xcd: {  	_ =	sdelay $0x3  }
0xce: {  	s0 =	sshra.s32 s0, $0x2  }
.Ltmp14:
0xcf: {  	s0 =	sadd.s32 $0x108, s0;
	(pc) =	sbr.rel .LBB2_16-.Ltmp14, $4  }
0xd0: {  	[spmem:s16] =	stream.linear.scatter [tilespmem:s0], [sflag:$0x1], $0x80, $0x38;
	[tilespmem:$0x1F6F8] =	vst v63  }
0xd1: {  	_ =	swait.ge [sflag:s12], $0x80  }
0xd2: {  	[sflag:s12] =	ssyncset.done $0x0  }
0xd3: {  	[sflag:s12] =	ssyncadd.s32 $0xFFFFFF80  }
.LBB2_15:
0xd4: {  	s2 =	sshll.u32 s28, $0x9  }
0xd5: {  	s2 =	sshra.s32 s2, $0x2  }
0xd6: {  	v1 =	vld [tilespmem:s2+$0x7988];
	_ =	sdelay $0x3  }
0xd7: {  	s0 =	sshra.s32 s0, $0x2  }
0xd8: {  	[tilespmem:s0+$0x108] =	vst.add.f32.msk $0xffff, v1  }
0xd9: {  	v1 =	vld [tilespmem:s2+$0x7998];
	_ =	sdelay $0x4  }
0xda: {  	[tilespmem:s0+$0x118] =	vst.add.f32.msk $0xffff, v1  }
0xdb: {  	v1 =	vld [tilespmem:s2+$0x79A8];
	_ =	sdelay $0x4  }
0xdc: {  	[tilespmem:s0+$0x128] =	vst.add.f32.msk $0xffff, v1  }
0xdd: {  	v1 =	vld [tilespmem:s2+$0x79B8];
	_ =	sdelay $0x4  }
0xde: {  	[tilespmem:s0+$0x138] =	vst.add.f32.msk $0xffff, v1  }
0xdf: {  	v1 =	vld [tilespmem:s2+$0x79C8];
	_ =	sdelay $0x4  }
0xe0: {  	[tilespmem:s0+$0x148] =	vst.add.f32.msk $0xffff, v1  }
0xe1: {  	v1 =	vld [tilespmem:s2+$0x79D8];
	_ =	sdelay $0x4  }
0xe2: {  	[tilespmem:s0+$0x158] =	vst.add.f32.msk $0xffff, v1  }
0xe3: {  	v1 =	vld [tilespmem:s2+$0x79E8];
	_ =	sdelay $0x4  }
0xe4: {  	[tilespmem:s0+$0x168] =	vst.add.f32.msk $0xffff, v1  }
0xe5: {  	v1 =	vld [tilespmem:s2+$0x79F8];
	_ =	sdelay $0x2  }
0xe6: {  	p1 =	sgt.u32 s29, $0x270F0  }
0xe7: {  	s2 =	sand.u32 @!p1 $0x3FFF8, s29  }
0xe8: {  	s3 =	sadd.s32 $0x108, s0;
	[tilespmem:s0+$0x178] =	vst.add.f32.msk $0xffff, v1;
	s0 =	sadd.s32 @!p1 s1, s2;
	s2 =	sand.u32 @!p1 $0x7, s29  }
0xe9: {  	[hbm4b:s0+s2] =	stream.linear.scatter @!p1 [tilespmem:s3], [sflag:$0xC], $0x80, $0x38;
	[tilespmem:$0x1F6F8] =	vst v63  }
0xea: {  	s0 =	simm.s32 $0x0  }
0xeb: {  	s0 =	simm.s32 @!p1 $0x200  }
0xec: {  	s31 =	sadd.s32 s0, s31  }
.LBB2_16:
0xed: {  	s0 =	sadd.s32 $0x1, s22  }
0xee: {  	s2 =	smulhi.u32 $0x88888889, s0;
	_ =	sdelay $0x1  }
0xef: {  	v1 =	vld [tilespmem:s25+$0xFFFFFFC0];
	s2 =	sshrl.u32 s2, $0x7  }
0xf0: {  	s2 =	smul.u32 $0xF0, s2;
	_ =	sdelay $0x1  }
0xf1: {  	s22 =	ssub.s32 s0, s2  }
0xf2: {  	s0 =	sshll.u32 s22, $0x7  }
0xf3: {  	[tilespmem:s0+$0x108] =	vst v1  }
0xf4: {  	v1 =	vld [tilespmem:s25+$0xFFFFFFD0];
	_ =	sdelay $0x4  }
0xf5: {  	[tilespmem:s0+$0x118] =	vst v1  }
0xf6: {  	v1 =	vld [tilespmem:s25+$0xFFFFFFE0];
	_ =	sdelay $0x4  }
0xf7: {  	[tilespmem:s0+$0x128] =	vst v1  }
0xf8: {  	v1 =	vld [tilespmem:s25+$0xFFFFFFF0];
	_ =	sdelay $0x4  }
0xf9: {  	[tilespmem:s0+$0x138] =	vst v1  }
0xfa: {  	v1 =	vld [tilespmem:s25+$0x0];
	_ =	sdelay $0x4  }
0xfb: {  	[tilespmem:s0+$0x148] =	vst v1  }
0xfc: {  	v1 =	vld [tilespmem:s25+$0x10];
	_ =	sdelay $0x4  }
0xfd: {  	[tilespmem:s0+$0x158] =	vst v1  }
0xfe: {  	v1 =	vld [tilespmem:s25+$0x20];
	_ =	sdelay $0x4  }
0xff: {  	[tilespmem:s0+$0x168] =	vst v1  }
0x100: {  	v1 =	vld [tilespmem:s25+$0x30]  }
.Ltmp15:
0x101: {  	_ = 	snop;
	(pc) =	sbr.rel .LBB2_17-.Ltmp15, $2  }
0x102: {  	_ =	sdelay $0x2  }
0x103: {  	s28 =	sadd.s32 $0x1, s28;
	[tilespmem:s0+$0x178] =	vst v1  }
.LBB2_19:
.Ltmp16:
0x104: {  	(pc) =	sbr.rel .LBB2_20-.Ltmp16, $4  }
0x105: {  	_ = 	snop  }
0x106: {  	s0 =	simm.s32 $0x2  }
0x107: {  	_ =	swait.ge [sflag:s0], $0x0  }
0x108: {  	s30 =	smov.u32 s29;
	[sflag:s0] =	ssyncset.done $0x0;
	s0 =	simm.s32 $0x0  }
.LBB2_22:
0x109: {  	_ =	sfence.sel $0x180000  }
0x10a: {  	s0 =	simm.s32 $0x9;
	[bflag:$0x0] =	sbarrier.arrive $0xFFFF  }
0x10b: {  	s24 =	simm.s32 $0xA;
	[sflag:s0] =	ssyncpa.u1 $0x1  }
0x10c: {  	s25 =	simm.s32 $0xB;
	[sflag:s24] =	ssyncpa.u1 $0x1  }
0x10d: {  	s26 =	simm.s32 $0x2;
	[sflag:s25] =	ssyncpa.u1 $0x1  }
0x10e: {  	[sflag:s26] =	ssyncpa.u1 $0x1  }
0x10f: {  	v0 =	vld [tilespmem:$0xF208];
	_ =	sdelay $0x4  }
0x110: {  	(v2sf) =	vpush v0, $0x0  }
0x111: {  	(v2sf) =	vpush v0, $0x1;
	_ =	sdelay $0x1  }
0x112: {  	(v2sf) =	vpush v0, $0x2;
	_ =	sdelay $0xb  }
0x113: {  	s0 =	spop (v2sf)  }
0x114: {  	s2 =	spop (v2sf)  }
0x115: {  	s3 =	smov.u32 s0;
	p0 =	sne.s32 s0, s2  }
0x116: {  	s4 =	spop (v2sf);
	s3 =	simm.s32 @!p0 $0xFFFFFFFF  }
0x117: {  	v2 =	vimm.s32 $0x1;
	v3 =	vlaneseq.u32;
	p0 =	seq.s32 s4, $0xFFFFFFFF;
	v1 =	vmov s3  }
0x118: {  	s16 =	stileid.u32;
	v0 =	vperm.xlane v0, v2;
	p1 =	sne.s32 @!p0 s0, s2;
	v1 =	vperm.xlane v1, v3  }
0x119: {  	vm0 =	vcmask $0x3F04;
	s6 =	simm.s32 $0xF208;
	s0 =	simm.s32 @!p0 $0x1;
	p1 =	por !p1, p0  }
0x11a: {  	s3 =	sshll.u32 s16, $0x1;
	s2 =	sshll.u32 @!p0 s4, $0x9;
	s0 =	simm.s32 @p1 $0x0;
	v0 =	vsel vm0, v1, v0  }
0x11b: {  	s5 =	sor.u32 $0x1000, s3;
	s2 =	sshra.s32 @!p0 s2, $0x2;
	s0 =	sor.u32 @!p0 s0, s3;
	[tilespmem:$0xF208] =	vst v0  }
0x11c: {  	[spmem:s5] =	stream.linear.scatter [tilespmem:s6], [sflag:$0x1], $0x2, $0x38;
	[tilespmem:$0x1F6F8] =	vst v63  }
0x11d: {  	s2 =	sadd.s32 @!p0 $0x108, s2;
	s0 =	sshll.u32 @!p0 s0, $0x7  }
0x11e: {  	[spmem:s0] =	stream.linear.scatter @!p0 [tilespmem:s2], [sflag:$0x1], $0x80, $0x38;
	[tilespmem:$0x1F6F8] =	vst v63  }
0x11f: {  	s0 =	simm.s32 @!p0 $0x82  }
0x120: {  	s28 =	simm.s32 $0x1;
	s0 =	simm.s32 @p0 $0x2  }
0x121: {  	_ =	swait.ge [sflag:s28], s0  }
0x122: {  	s0 =	ssub.s32 $0x0, s0;
	[sflag:s28] =	ssyncset.done $0x0  }
0x123: {  	p0 =	sne.s32 s16, $0x0;
	[sflag:s28] =	ssyncadd.s32 s0  }
.Ltmp17:
0x124: {  	_ =	sfence.stream.spmem;
	(pc) =	sbr.rel @p0 .LBB2_39-.Ltmp17, $4  }
0x125: {  	s29 =	simm.s32 $0x3;
	[bflag:$0x0] =	sbarrier.arrive $0xFFFF  }
0x126: {  	s30 =	simm.s32 $0x4;
	[sflag:s29] =	ssyncpa.u1 $0x1  }
0x127: {  	s31 =	simm.s32 $0x3C;
	[sflag:s30] =	ssyncpa.u1 $0x1  }
0x128: {  	s15 =	rddreg [dreg:$0x4];
	[sflag:s31] =	ssyncpa.u1 $0x1  }
0x129: {  	_ =	sfence.stream.spmem;
	s0 =	simm.s32 $0x5  }
0x12a: {  	s2 =	simm.s32 $0x1000;
	s3 =	simm.s32 $0xF218;
	[sflag:s0] =	ssyncpa.u1 $0x0  }
0x12b: {  	[tilespmem:s3], [sflag:$0x5] =	stream.linear.gather [spmem:s2], $0x20, $0x38;
	[tilespmem:$0x1F6F8] =	vst v63  }
0x12c: {  	s26 =	simm.s32 $0x0;
	s28 =	simm.s32 $0xF238  }
0x12d: {  	[tilespmem:s28], [sflag:$0x5] =	stream.linear.gather [spmem:s26], $0x1000, $0x38;
	[tilespmem:$0x1F6F8] =	vst v63  }
0x12e: {  	_ =	swait.ge [sflag:s0], $0x1020  }
0x12f: {  	[sflag:s0] =	ssyncset.done $0x0  }
0x130: {  	s29 =	simm.s32 $0x0;
	[sflag:s0] =	ssyncadd.s32 $0xFFFFEFE0  }
0x131: {  	v0 =	vld.msk [tilespmem:s29+$0xF218], $0x1;
	_ =	sdelay $0x1  }
0x132: {  	s30 =	simm.s32 $0x1  }
0x133: {  	v1 =	vld.msk [tilespmem:s30+$0xF218], $0x1;
	_ =	sdelay $0x1  }
0x134: {  	(v2sf) =	vpush v0, $0x0;
	_ =	sdelay $0x2  }
0x135: {  	(v2sf) =	vpush v1, $0x0;
	_ =	sdelay $0x2  }
0x136: {  	s31 =	simm.s32 $0x2  }
0x137: {  	v0 =	vld.msk [tilespmem:s31+$0xF218], $0x1;
	_ =	sdelay $0x2  }
0x138: {  	s4 =	simm.s32 $0xFFFFFFFF;
	s5 =	simm.s32 $0xFFFFFFFF;
	s0 =	simm.s32 $0xC  }
.LBB2_24:
0x139: {  	s2 =	smov.u32 s5;
	s3 =	smov.u32 s4  }
0x13a: {  	s4 =	sshra.s32 s0, $0x2;
	p1 =	sne.s32 s0, $0x7C;
	s0 =	sadd.s32 $0x4, s0;
	(v2sf) =	vpush v0, $0x0  }
0x13b: {  	v0 =	vld.msk [tilespmem:s4+$0xF218], $0x1  }
.Ltmp18:
0x13c: {  	(pc) =	sbr.rel @p1 .LBB2_24-.Ltmp18, $4  }
0x13d: {  	s5 =	spop (v2sf)  }
0x13e: {  	p2 =	sne.s32 s3, $0xFFFFFFFF;
	s4 =	smov.u32 s5  }
0x13f: {  	p3 =	seq.s32 s5, $0xFFFFFFFF;
	s4 =	smov.u32 @p2 s3  }
0x140: {  	s5 =	smov.u32 @p3 s2;
	s4 =	smov.u32 @p3 s3  }
0x141: {  	(v2sf) =	vpush v0, $0x0;
	_ =	sdelay $0x8  }
0x142: {  	s0 =	spop (v2sf)  }
0x143: {  	p1 =	sne.s32 s4, $0xFFFFFFFF;
	s2 =	smov.u32 s0  }
0x144: {  	s9 =	simm.s32 $0x6;
	p2 =	seq.s32 s0, $0xFFFFFFFF;
	s2 =	smov.u32 @p1 s4  }
0x145: {  	s6 =	simm.s32 $0x0;
	s2 =	smov.u32 @p2 s4;
	s3 =	spop (v2sf)  }
0x146: {  	s0 =	smov.u32 @p2 s5;
	p1 =	sne.s32 s2, $0xFFFFFFFF;
	s4 =	smov.u32 s3  }
.Ltmp19:
0x147: {  	p2 =	seq.s32 s3, $0xFFFFFFFF;
	s4 =	smov.u32 @p1 s2;
	(pc) =	sbr.rel .LBB2_26-.Ltmp19, $4  }
0x148: {  	s10 =	simm.s32 $0xF188;
	s4 =	smov.u32 @p2 s2;
	s7 =	spop (v2sf)  }
0x149: {  	s11 =	simm.s32 $0x0;
	p1 =	sne.s32 s4, $0xFFFFFFFF;
	s8 =	smov.u32 s7  }
0x14a: {  	s3 =	smov.u32 @p2 s0;
	p2 =	seq.s32 s7, $0xFFFFFFFF;
	s8 =	smov.u32 @p1 s4  }
0x14b: {  	[sflag:s9] =	ssyncpa.u1 $0x0;
	s7 =	smov.u32 @p2 s3;
	s8 =	smov.u32 @p2 s4  }
.LBB2_32:
0x14c: {  	p1 =	sgt.u32 s12, $0x270F0  }
0x14d: {  	p2 =	seq.s32 @!p1 s12, s8  }
0x14e: {  	p1 =	por p1, p2  }
0x14f: {  	p2 =	sne.s32 @!p1 s12, s7  }
0x150: {  	p1 =	por p1, !p2  }
0x151: {  	s0 =	sshll.u32 @p1 s11, $0x9  }
0x152: {  	s0 =	sand.u32 @!p1 $0x3FFF8, s12  }
0x153: {  	s2 =	sand.u32 @!p1 $0x7, s12;
	s0 =	sadd.s32 @!p1 s1, s0  }
0x154: {  	[tilespmem:s10], [sflag:$0x6] =	stream.linear.gather @!p1 [hbm4b:s0+s2], $0x80, $0x38;
	[tilespmem:$0x1F6F8] =	vst v63  }
0x155: {  	_ =	swait.ge @!p1 [sflag:s9], $0x80  }
0x156: {  	[sflag:s9] =	ssyncset.done @!p1 $0x0  }
0x157: {  	[sflag:s9] =	ssyncadd.s32 @!p1 $0xFFFFFF80  }
0x158: {  	v1 =	vld @!p1 [tilespmem:$0xF188];
	_ =	sdelay $0x2  }
0x159: {  	s0 =	sshll.u32 @!p1 s11, $0x9  }
0x15a: {  	s2 =	sshrl.u32 @!p1 s0, $0x2  }
0x15b: {  	[tilespmem:s2+$0xF238] =	vst.add.f32.msk @!p1 $0xffff, v1  }
0x15c: {  	v1 =	vld @!p1 [tilespmem:$0xF198];
	_ =	sdelay $0x4  }
0x15d: {  	[tilespmem:s2+$0xF248] =	vst.add.f32.msk @!p1 $0xffff, v1  }
0x15e: {  	v1 =	vld @!p1 [tilespmem:$0xF1A8];
	_ =	sdelay $0x4  }
0x15f: {  	[tilespmem:s2+$0xF258] =	vst.add.f32.msk @!p1 $0xffff, v1  }
0x160: {  	v1 =	vld @!p1 [tilespmem:$0xF1B8];
	_ =	sdelay $0x4  }
0x161: {  	[tilespmem:s2+$0xF268] =	vst.add.f32.msk @!p1 $0xffff, v1  }
0x162: {  	v1 =	vld @!p1 [tilespmem:$0xF1C8];
	_ =	sdelay $0x4  }
0x163: {  	[tilespmem:s2+$0xF278] =	vst.add.f32.msk @!p1 $0xffff, v1  }
0x164: {  	v1 =	vld @!p1 [tilespmem:$0xF1D8];
	_ =	sdelay $0x4  }
0x165: {  	[tilespmem:s2+$0xF288] =	vst.add.f32.msk @!p1 $0xffff, v1  }
0x166: {  	v1 =	vld @!p1 [tilespmem:$0xF1E8];
	_ =	sdelay $0x4  }
0x167: {  	[tilespmem:s2+$0xF298] =	vst.add.f32.msk @!p1 $0xffff, v1  }
0x168: {  	v1 =	vld @!p1 [tilespmem:$0xF1F8];
	_ =	sdelay $0x4  }
0x169: {  	[tilespmem:s2+$0xF2A8] =	vst.add.f32.msk @!p1 $0xffff, v1  }
0x16a: {  	s0 =	sshrl.u32 s0, $0x2;
	[tilespmem:s6+$0xF218] =	vst.msk $0x1, v0  }
0x16b: {  	v0 =	vld [tilespmem:s0+$0xF238];
	_ =	sdelay $0x2  }
0x16c: {  	s31 =	sshll.u32 s6, $0x9  }
0x16d: {  	s2 =	sshra.s32 s31, $0x2  }
0x16e: {  	[tilespmem:s2+$0xF238] =	vst v0  }
0x16f: {  	v0 =	vld [tilespmem:s0+$0xF248];
	_ =	sdelay $0x4  }
0x170: {  	[tilespmem:s2+$0xF248] =	vst v0  }
0x171: {  	v0 =	vld [tilespmem:s0+$0xF258];
	_ =	sdelay $0x4  }
0x172: {  	[tilespmem:s2+$0xF258] =	vst v0  }
0x173: {  	v0 =	vld [tilespmem:s0+$0xF268];
	_ =	sdelay $0x4  }
0x174: {  	[tilespmem:s2+$0xF268] =	vst v0  }
0x175: {  	v0 =	vld [tilespmem:s0+$0xF278];
	_ =	sdelay $0x4  }
0x176: {  	[tilespmem:s2+$0xF278] =	vst v0  }
0x177: {  	v0 =	vld [tilespmem:s0+$0xF288];
	_ =	sdelay $0x4  }
0x178: {  	[tilespmem:s2+$0xF288] =	vst v0  }
0x179: {  	v0 =	vld [tilespmem:s0+$0xF298];
	_ =	sdelay $0x4  }
0x17a: {  	[tilespmem:s2+$0xF298] =	vst v0  }
0x17b: {  	v0 =	vld [tilespmem:s0+$0xF2A8];
	_ =	sdelay $0x4  }
0x17c: {  	s6 =	sadd.s32 $0x1, s6;
	[tilespmem:s2+$0xF2A8] =	vst v0  }
.LBB2_33:
0x17d: {  	s11 =	sadd.s32 $0x1, s11  }
0x17e: {  	p1 =	sne.s32 s11, $0x20  }
.Ltmp20:
0x17f: {  	_ = 	snop;
	(pc) =	sbr.rel @!p1 .LBB2_34-.Ltmp20, $1  }
0x180: {  	_ =	sdelay $0x3  }
.LBB2_26:
0x181: {  	v0 =	vld.msk [tilespmem:s11+$0xF218], $0x1;
	_ =	sdelay $0x4  }
0x182: {  	(v2sf) =	vpush v0, $0x0;
	_ =	sdelay $0xe  }
0x183: {  	s12 =	spop (v2sf)  }
0x184: {  	p1 =	seq.s32 s12, $0xFFFFFFFF  }
.Ltmp21:
0x185: {  	_ = 	snop;
	(pc) =	sbr.rel @p1 .LBB2_33-.Ltmp21, $1  }
0x186: {  	_ =	sdelay $0x3  }
0x187: {  	p1 =	slt.s32 s6, $0x1  }
.Ltmp22:
0x188: {  	_ = 	snop;
	(pc) =	sbr.rel @p1 .LBB2_32-.Ltmp22, $1  }
0x189: {  	_ =	sdelay $0x3  }
0x18a: {  	s13 =	simm.s32 $0xF218;
	p1 =	por $0x0, $0x0  }
0x18b: {  	v1 =	vld.msk @!p1 [tilespmem:s13+$0x0], $0x1;
	_ =	sdelay $0x4  }
0x18c: {  	(v2sf) =	vpush @!p1 v1, $0x0;
	_ =	sdelay $0xd  }
0x18d: {  	p3 =	sne.s32 s6, $0x1  }
.Ltmp23:
0x18e: {  	s0 =	spop @!p1 (v2sf);
	(pc) =	sbr.rel @!p3 .LBB2_30-.Ltmp23, $4  }
0x18f: {  	p2 =	seq.s32 @!p1 s12, s0  }
0x190: {  	s14 =	simm.s32 $0x0;
	p2 =	por !p2, p1  }
0x191: {  	s2 =	simm.s32 $0xFFFFFFFF;
	s14 =	simm.s32 @p2 $0xFFFFFFFF  }
0x192: {  	s0 =	simm.s32 $0x1;
	s14 =	smov.u32 @p1 s2  }
.LBB2_29:
0x193: {  	s2 =	smov.u32 s14;
	p1 =	sne.s32 s14, $0xFFFFFFFF  }
0x194: {  	s13 =	sadd.s32 $0x1, s13;
	s14 =	smov.u32 s0;
	s0 =	sadd.s32 $0x1, s0  }
0x195: {  	p2 =	sne.s32 s6, s0;
	v1 =	vld.msk @!p1 [tilespmem:s13+$0x0], $0x1;
	_ =	sdelay $0x4  }
0x196: {  	(v2sf) =	vpush @!p1 v1, $0x0;
	_ =	sdelay $0xe  }
.Ltmp24:
0x197: {  	s3 =	spop @!p1 (v2sf);
	(pc) =	sbr.rel @p2 .LBB2_29-.Ltmp24, $4  }
0x198: {  	p3 =	seq.s32 @!p1 s12, s3  }
0x199: {  	p3 =	por !p3, p1  }
0x19a: {  	s14 =	simm.s32 @p3 $0xFFFFFFFF  }
0x19b: {  	s14 =	smov.u32 @p1 s2  }
.LBB2_30:
0x19c: {  	p1 =	seq.s32 s14, $0xFFFFFFFF  }
.Ltmp25:
0x19d: {  	_ = 	snop;
	(pc) =	sbr.rel @p1 .LBB2_32-.Ltmp25, $1  }
0x19e: {  	_ =	sdelay $0x3  }
0x19f: {  	s0 =	sshll.u32 s11, $0x7  }
0x1a0: {  	s0 =	sand.u32 $0x3FFFFF80, s0  }
0x1a1: {  	v0 =	vld [tilespmem:s0+$0xF238];
	_ =	sdelay $0x2  }
0x1a2: {  	s2 =	sshll.u32 s14, $0x9  }
0x1a3: {  	s2 =	sshra.s32 s2, $0x2  }
0x1a4: {  	[tilespmem:s2+$0xF238] =	vst.add.f32.msk $0xffff, v0  }
0x1a5: {  	v0 =	vld [tilespmem:s0+$0xF248];
	_ =	sdelay $0x4  }
0x1a6: {  	[tilespmem:s2+$0xF248] =	vst.add.f32.msk $0xffff, v0  }
0x1a7: {  	v0 =	vld [tilespmem:s0+$0xF258];
	_ =	sdelay $0x4  }
0x1a8: {  	[tilespmem:s2+$0xF258] =	vst.add.f32.msk $0xffff, v0  }
0x1a9: {  	v0 =	vld [tilespmem:s0+$0xF268];
	_ =	sdelay $0x4  }
0x1aa: {  	[tilespmem:s2+$0xF268] =	vst.add.f32.msk $0xffff, v0  }
0x1ab: {  	v0 =	vld [tilespmem:s0+$0xF278];
	_ =	sdelay $0x4  }
0x1ac: {  	[tilespmem:s2+$0xF278] =	vst.add.f32.msk $0xffff, v0  }
0x1ad: {  	v0 =	vld [tilespmem:s0+$0xF288];
	_ =	sdelay $0x4  }
0x1ae: {  	[tilespmem:s2+$0xF288] =	vst.add.f32.msk $0xffff, v0  }
0x1af: {  	v0 =	vld [tilespmem:s0+$0xF298];
	_ =	sdelay $0x4  }
0x1b0: {  	[tilespmem:s2+$0xF298] =	vst.add.f32.msk $0xffff, v0  }
0x1b1: {  	v0 =	vld [tilespmem:s0+$0xF2A8]  }
.Ltmp26:
0x1b2: {  	_ = 	snop;
	(pc) =	sbr.rel .LBB2_33-.Ltmp26, $2  }
0x1b3: {  	_ =	sdelay $0x2  }
0x1b4: {  	[tilespmem:s2+$0xF2A8] =	vst.add.f32.msk $0xffff, v0  }
.LBB2_34:
0x1b5: {  	s0 =	simm.s32 $0x6;
	p1 =	seq.s32 s6, $0x0  }
0x1b6: {  	[sflag:s0] =	ssyncpa.u1 $0x1;
	v0 =	vimm.s32 @p1 $0xFFFFFFFF  }
0x1b7: {  	s9 =	sadd.s32 $0xFFFFFFFF, s6;
	[tilespmem:$0x10238] =	vst @p1 v0  }
0x1b8: {  	v0 =	vld.msk @!p1 [tilespmem:s9+$0xF218], $0x1;
	_ =	sdelay $0x1  }
0x1b9: {  	v1 =	vld.msk @!p1 [tilespmem:$0xF218], $0x1;
	_ =	sdelay $0x2  }
0x1ba: {  	p2 =	seq.s32 @!p1 s9, $0x0;
	v0 =	vbroadcast @!p1 v0, $0x0  }
0x1bb: {  	vm0 =	vmmov @!p1 $0x1;
	p2 =	por !p2, p1  }
0x1bc: {  	v1 =	vnsel @!p1 vm0, $0xFFFFFFFF, v1;
	vm0 =	vcmask @!p1 $0x308;
	v0 =	vpsel !p2, $0xFFFFFFFF, v0  }
0x1bd: {  	p2 =	sne.s32 @!p1 s8, s7;
	v0 =	vsel @!p1 vm0, v1, v0  }
0x1be: {  	s0 =	simm.s32 @!p1 $0xF238;
	s2 =	simm.s32 @!p1 $0x0;
	p3 =	por !p2, p1;
	[tilespmem:$0x10238] =	vst @!p1 v0  }
0x1bf: {  	[spmem:s2] =	stream.linear.scatter @!p1 [tilespmem:s0], [sflag:$0x1], $0x80, $0x38;
	[tilespmem:$0x1F6F8] =	vst v63  }
0x1c0: {  	s0 =	sshll.u32 @!p3 s9, $0x9  }
0x1c1: {  	s0 =	sshra.s32 @!p3 s0, $0x2  }
0x1c2: {  	s2 =	simm.s32 @!p3 $0x80;
	s0 =	sadd.s32 @!p3 $0xF238, s0  }
0x1c3: {  	[spmem:s2] =	stream.linear.scatter @!p3 [tilespmem:s0], [sflag:$0x1], $0x80, $0x38;
	[tilespmem:$0x1F6F8] =	vst v63  }
0x1c4: {  	s0 =	simm.s32 @!p3 $0x1  }
0x1c5: {  	_ =	swait.ge @!p3 [sflag:s0], $0x100  }
0x1c6: {  	p1 =	por p2, p1;
	[sflag:s0] =	ssyncset.done @!p3 $0x0  }
0x1c7: {  	[sflag:s0] =	ssyncadd.s32 @!p3 $0xFFFFFF00;
	s0 =	simm.s32 @!p1 $0x1  }
0x1c8: {  	_ =	swait.ge @!p1 [sflag:s0], $0x80  }
0x1c9: {  	s29 =	simm.s32 $0x10238;
	[sflag:s0] =	ssyncset.done @!p1 $0x0  }
0x1ca: {  	s30 =	simm.s32 $0x1000;
	s31 =	simm.s32 $0x1;
	[sflag:s0] =	ssyncadd.s32 @!p1 $0xFFFFFF80  }
0x1cb: {  	[spmem:s30] =	stream.linear.scatter [tilespmem:s29], [sflag:$0x1], $0x10, $0x38;
	[tilespmem:$0x1F6F8] =	vst v63  }
0x1cc: {  	_ =	swait.ge [sflag:s31], $0x10  }
0x1cd: {  	[sflag:s31] =	ssyncset.done $0x0  }
0x1ce: {  	p1 =	seq.s32 s15, $0x0;
	s8 =	rddreg [dreg:$0x1];
	[sflag:s31] =	ssyncadd.s32 $0xFFFFFFF0  }
0x1cf: {  	s2 =	sshll.u32 @p1 s8, $0xE;
	s7 =	rddreg [dreg:$0x2]  }
0x1d0: {  	s0 =	sadd.s32 @p1 $0x15C3C, s2;
	s2 =	sshll.u32 @p1 s7, $0x11  }
0x1d1: {  	_ =	sfence.stream.spmem;
	s0 =	sor.u32 @p1 s2, s0  }
0x1d2: {  	[sflag:s0] =	ssyncadd.remote.s32 @p1 $0x1;
	s0 =	simm.s32 @p1 $0x4  }
0x1d3: {  	s3 =	simm.s32 @!p1 $0x3C;
	s2 =	sand.u32 $0xFFFFFFFE, s8;
	_ =	swait.ge @p1 [sflag:s0], $0x22  }
0x1d4: {  	s4 =	simm.s32 @!p1 $0x0;
	s2 =	sadd.s32 @!p1 $0x4, s2;
	[sflag:s0] =	ssyncset.done @p1 $0x0  }
0x1d5: {  	s5 =	simm.s32 @!p1 $0x100;
	[sflag:s0] =	ssyncadd.s32 @p1 $0xFFFFFFDE;
	s0 =	sshll.u32 @!p1 s2, $0x1A  }
0x1d6: {  	s2 =	sshll.u32 @!p1 s2, $0xD;
	s0 =	sor.u32 @!p1 s0, s7;
	_ =	swait.eq @!p1 [sflag:s3], $0x1  }
0x1d7: {  	s2 =	sor.u32 @!p1 $0x1C04, s2;
	s3 =	simm.s32 @!p1 $0x1C03;
	s0 =	sor.u32 @!p1 $0x80004000, s0  }
0x1d8: {  	[spmem:s5], [sflag:s2] =	dma.general @!p1 [spmem:s4], [sflag:s3], length:$0x20, [dreg:$0x0], stride_count:$0x0, ici_dest:s0, dma_misc:DstOpCode:WRITE  }
0x1d9: {  	p2 =	slt.s32 s9, $0x2;
	s4 =	simm.s32 @!p1 $0x200;
	s5 =	simm.s32 @!p1 $0x202  }
0x1da: {  	[spmem:s5], [sflag:s2] =	dma.general @!p1 [spmem:s4], [sflag:s3], length:$0x2, [dreg:$0x0], stride_count:$0x0, ici_dest:s0, dma_misc:DstOpCode:WRITE  }
.Ltmp27:
0x1db: {  	s0 =	simm.s32 @!p1 $0x3;
	(pc) =	sbr.rel @p2 .LBB2_38-.Ltmp27, $4  }
0x1dc: {  	s2 =	sshll.u32 @!p1 s8, $0xE;
	_ =	swait.ge @!p1 [sflag:s0], $0x22  }
0x1dd: {  	s3 =	sshll.u32 @!p1 s7, $0x11;
	s2 =	sadd.s32 @!p1 $0x11C3C, s2;
	[sflag:s0] =	ssyncset.done @!p1 $0x0  }
0x1de: {  	[sflag:s0] =	ssyncadd.s32 @!p1 $0xFFFFFFDE;
	s0 =	sor.u32 @!p1 s3, s2  }
0x1df: {  	[sflag:s0] =	ssyncadd.remote.s32 @!p1 $0xFFFFFFFF;
	s0 =	simm.s32 $0x0  }
0x1e0: {  	s0 =	simm.s32 $0xF219  }
0x1e1: {  	v0 =	vld.msk [tilespmem:s0+$0x0], $0x1;
	_ =	sdelay $0x4  }
0x1e2: {  	(v2sf) =	vpush v0, $0x0;
	_ =	sdelay $0xb  }
0x1e3: {  	s31 =	sadd.s32 $0xFFFFFFFE, s6  }
0x1e4: {  	s0 =	sadd.s32 $0xFFFFFFFF, s31  }
0x1e5: {  	p2 =	sne.s32 s0, $0x0  }
.Ltmp28:
0x1e6: {  	s2 =	spop (v2sf);
	(pc) =	sbr.rel @!p2 .LBB2_37-.Ltmp28, $4  }
0x1e7: {  	s4 =	simm.s32 $0xF2B8;
	s7 =	simm.s32 $0x0;
	p1 =	sgt.u32 s2, $0x270F0  }
0x1e8: {  	s5 =	simm.s32 $0x0;
	s6 =	simm.s32 $0xF21A;
	s3 =	sand.u32 @!p1 $0x3FFF8, s2  }
0x1e9: {  	s2 =	sand.u32 @!p1 $0x7, s2;
	s7 =	simm.s32 @!p1 $0x200;
	s3 =	sadd.s32 @!p1 s1, s3  }
0x1ea: {  	[hbm4b:s3+s2] =	stream.linear.scatter @!p1 [tilespmem:s4], [sflag:$0x5], $0x80, $0x38;
	[tilespmem:$0x1F6F8] =	vst v63  }
.LBB2_36:
0x1eb: {  	v0 =	vld.msk [tilespmem:s6+$0x0], $0x1;
	s0 =	sadd.s32 $0xFFFFFFFF, s0;
	s5 =	sadd.s32 s5, s7  }
0x1ec: {  	p1 =	sne.s32 s0, $0x0;
	_ =	sdelay $0x3  }
0x1ed: {  	(v2sf) =	vpush v0, $0x0;
	_ =	sdelay $0xe  }
.Ltmp29:
0x1ee: {  	s2 =	spop (v2sf);
	(pc) =	sbr.rel @p1 .LBB2_36-.Ltmp29, $4  }
0x1ef: {  	s7 =	simm.s32 $0x0;
	p2 =	sgt.u32 s2, $0x270F0  }
0x1f0: {  	s4 =	sadd.s32 $0x80, s4;
	s7 =	simm.s32 @!p2 $0x200;
	s3 =	sand.u32 @!p2 $0x3FFF8, s2  }
0x1f1: {  	s6 =	sadd.s32 $0x1, s6;
	s2 =	sand.u32 @!p2 $0x7, s2;
	s3 =	sadd.s32 @!p2 s1, s3  }
0x1f2: {  	[hbm4b:s3+s2] =	stream.linear.scatter @!p2 [tilespmem:s4], [sflag:$0x5], $0x80, $0x38;
	[tilespmem:$0x1F6F8] =	vst v63  }
.LBB2_37:
0x1f3: {  	s0 =	sadd.s32 s5, s7  }
0x1f4: {  	s0 =	sshrl.u32 s0, $0x2  }
.LBB2_38:
0x1f5: {  	s2 =	simm.s32 $0x5  }
0x1f6: {  	_ =	swait.ge [sflag:s2], s0  }
0x1f7: {  	s31 =	ssub.s32 $0x0, s0;
	[sflag:s2] =	ssyncset.done $0x0  }
0x1f8: {  	[sflag:s2] =	ssyncadd.s32 s31  }
0x1f9: {  	[sflag:s2] =	ssyncpa.u1 $0x1  }
.LBB2_39:
0x1fa: {  	s0 =	sor.u32 s15, s16  }
0x1fb: {  	p1 =	sne.s32 s0, $0x0  }
.Ltmp30:
0x1fc: {  	_ = 	snop;
	(pc) =	sbr.rel @p1 .LBB2_54-.Ltmp30, $3  }
0x1fd: {  	_ =	sdelay $0x1  }
0x1fe: {  	[bflag:$0x0] =	sbarrier.arrive $0xFFFF  }
0x1ff: {  	_ =	sfence  }
0x200: {  	s0 =	simm.s32 $0x7  }
0x201: {  	s2 =	simm.s32 $0x1000;
	s3 =	simm.s32 $0xF218;
	[sflag:s0] =	ssyncpa.u1 $0x0  }
0x202: {  	[tilespmem:s3], [sflag:$0x7] =	stream.linear.gather [spmem:s2], $0x20, $0x38;
	[tilespmem:$0x1F6F8] =	vst v63  }
0x203: {  	s30 =	simm.s32 $0xF238;
	s2 =	simm.s32 $0x0  }
0x204: {  	[tilespmem:s30], [sflag:$0x7] =	stream.linear.gather [spmem:s2], $0x1000, $0x38;
	[tilespmem:$0x1F6F8] =	vst v63  }
.Ltmp31:
0x205: {  	_ = 	snop;
	(pc) =	sbr.rel .LBB2_41-.Ltmp31, $4  }
0x206: {  	_ =	swait.ge [sflag:s0], $0x1020  }
0x207: {  	[sflag:s0] =	ssyncset.done $0x0  }
0x208: {  	s31 =	simm.s32 $0x8;
	[sflag:s0] =	ssyncadd.s32 $0xFFFFEFE0  }
0x209: {  	s3 =	simm.s32 $0x0;
	[sflag:s31] =	ssyncpa.u1 $0x0  }
.LBB2_47:
0x20a: {  	p1 =	slt.u32 s4, $0x270F1  }
0x20b: {  	s0 =	sand.u32 @p1 $0x3FFF8, s4  }
0x20c: {  	s4 =	sand.u32 @p1 $0x7, s4;
	s5 =	simm.s32 @p1 $0xF188;
	s0 =	sadd.s32 @p1 s1, s0  }
0x20d: {  	[tilespmem:s5], [sflag:$0x8] =	stream.linear.gather @p1 [hbm4b:s0+s4], $0x80, $0x38;
	[tilespmem:$0x1F6F8] =	vst v63  }
0x20e: {  	s0 =	simm.s32 @p1 $0x8  }
0x20f: {  	_ =	swait.ge @p1 [sflag:s0], $0x80  }
0x210: {  	[sflag:s0] =	ssyncset.done @p1 $0x0  }
0x211: {  	[sflag:s0] =	ssyncadd.s32 @p1 $0xFFFFFF80  }
0x212: {  	v1 =	vld @p1 [tilespmem:$0xF188];
	_ =	sdelay $0x2  }
0x213: {  	s0 =	sshll.u32 @p1 s3, $0x9  }
0x214: {  	s4 =	sshrl.u32 @p1 s0, $0x2  }
0x215: {  	[tilespmem:s4+$0xF238] =	vst.add.f32.msk @p1 $0xffff, v1  }
0x216: {  	v1 =	vld @p1 [tilespmem:$0xF198];
	_ =	sdelay $0x4  }
0x217: {  	[tilespmem:s4+$0xF248] =	vst.add.f32.msk @p1 $0xffff, v1  }
0x218: {  	v1 =	vld @p1 [tilespmem:$0xF1A8];
	_ =	sdelay $0x4  }
0x219: {  	[tilespmem:s4+$0xF258] =	vst.add.f32.msk @p1 $0xffff, v1  }
0x21a: {  	v1 =	vld @p1 [tilespmem:$0xF1B8];
	_ =	sdelay $0x4  }
0x21b: {  	[tilespmem:s4+$0xF268] =	vst.add.f32.msk @p1 $0xffff, v1  }
0x21c: {  	v1 =	vld @p1 [tilespmem:$0xF1C8];
	_ =	sdelay $0x4  }
0x21d: {  	[tilespmem:s4+$0xF278] =	vst.add.f32.msk @p1 $0xffff, v1  }
0x21e: {  	v1 =	vld @p1 [tilespmem:$0xF1D8];
	_ =	sdelay $0x4  }
0x21f: {  	[tilespmem:s4+$0xF288] =	vst.add.f32.msk @p1 $0xffff, v1  }
0x220: {  	v1 =	vld @p1 [tilespmem:$0xF1E8];
	_ =	sdelay $0x4  }
0x221: {  	[tilespmem:s4+$0xF298] =	vst.add.f32.msk @p1 $0xffff, v1  }
0x222: {  	v1 =	vld @p1 [tilespmem:$0xF1F8];
	_ =	sdelay $0x3  }
0x223: {  	s5 =	sshll.u32 @!p1 s3, $0x9  }
0x224: {  	s5 =	smov.u32 @p1 s0;
	[tilespmem:s4+$0xF2A8] =	vst.add.f32.msk @p1 $0xffff, v1  }
0x225: {  	s0 =	sshrl.u32 s5, $0x2;
	[tilespmem:s2+$0xF218] =	vst.msk $0x1, v0  }
0x226: {  	v0 =	vld [tilespmem:s0+$0xF238];
	_ =	sdelay $0x2  }
0x227: {  	s31 =	sshll.u32 s2, $0x9  }
0x228: {  	s4 =	sshra.s32 s31, $0x2  }
0x229: {  	[tilespmem:s4+$0xF238] =	vst v0  }
0x22a: {  	v0 =	vld [tilespmem:s0+$0xF248];
	_ =	sdelay $0x4  }
0x22b: {  	[tilespmem:s4+$0xF248] =	vst v0  }
0x22c: {  	v0 =	vld [tilespmem:s0+$0xF258];
	_ =	sdelay $0x4  }
0x22d: {  	[tilespmem:s4+$0xF258] =	vst v0  }
0x22e: {  	v0 =	vld [tilespmem:s0+$0xF268];
	_ =	sdelay $0x4  }
0x22f: {  	[tilespmem:s4+$0xF268] =	vst v0  }
0x230: {  	v0 =	vld [tilespmem:s0+$0xF278];
	_ =	sdelay $0x4  }
0x231: {  	[tilespmem:s4+$0xF278] =	vst v0  }
0x232: {  	v0 =	vld [tilespmem:s0+$0xF288];
	_ =	sdelay $0x4  }
0x233: {  	[tilespmem:s4+$0xF288] =	vst v0  }
0x234: {  	v0 =	vld [tilespmem:s0+$0xF298];
	_ =	sdelay $0x4  }
0x235: {  	[tilespmem:s4+$0xF298] =	vst v0  }
0x236: {  	v0 =	vld [tilespmem:s0+$0xF2A8];
	_ =	sdelay $0x4  }
0x237: {  	s2 =	sadd.s32 $0x1, s2;
	[tilespmem:s4+$0xF2A8] =	vst v0  }
.LBB2_48:
0x238: {  	s3 =	sadd.s32 $0x1, s3  }
0x239: {  	p1 =	sne.s32 s3, $0x20  }
.Ltmp32:
0x23a: {  	_ = 	snop;
	(pc) =	sbr.rel @!p1 .LBB2_49-.Ltmp32, $1  }
0x23b: {  	_ =	sdelay $0x3  }
.LBB2_41:
0x23c: {  	v0 =	vld.msk [tilespmem:s3+$0xF218], $0x1;
	_ =	sdelay $0x4  }
0x23d: {  	(v2sf) =	vpush v0, $0x0;
	_ =	sdelay $0xe  }
0x23e: {  	s4 =	spop (v2sf)  }
0x23f: {  	p1 =	seq.s32 s4, $0xFFFFFFFF  }
.Ltmp33:
0x240: {  	_ = 	snop;
	(pc) =	sbr.rel @p1 .LBB2_48-.Ltmp33, $1  }
0x241: {  	_ =	sdelay $0x3  }
0x242: {  	p1 =	slt.s32 s2, $0x1  }
.Ltmp34:
0x243: {  	_ = 	snop;
	(pc) =	sbr.rel @p1 .LBB2_47-.Ltmp34, $1  }
0x244: {  	_ =	sdelay $0x3  }
0x245: {  	s5 =	simm.s32 $0xF218;
	p1 =	por $0x0, $0x0  }
0x246: {  	v1 =	vld.msk @!p1 [tilespmem:s5+$0x0], $0x1;
	_ =	sdelay $0x4  }
0x247: {  	(v2sf) =	vpush @!p1 v1, $0x0;
	_ =	sdelay $0xd  }
0x248: {  	p3 =	sne.s32 s2, $0x1  }
.Ltmp35:
0x249: {  	s0 =	spop @!p1 (v2sf);
	(pc) =	sbr.rel @!p3 .LBB2_45-.Ltmp35, $4  }
0x24a: {  	p2 =	seq.s32 @!p1 s4, s0  }
0x24b: {  	s6 =	simm.s32 $0x0;
	p2 =	por !p2, p1  }
0x24c: {  	s7 =	simm.s32 $0xFFFFFFFF;
	s6 =	simm.s32 @p2 $0xFFFFFFFF  }
0x24d: {  	s0 =	simm.s32 $0x1;
	s6 =	smov.u32 @p1 s7  }
.LBB2_44:
0x24e: {  	s7 =	smov.u32 s6;
	p1 =	sne.s32 s6, $0xFFFFFFFF  }
0x24f: {  	s5 =	sadd.s32 $0x1, s5;
	s6 =	smov.u32 s0;
	s0 =	sadd.s32 $0x1, s0  }
0x250: {  	p2 =	sne.s32 s2, s0;
	v1 =	vld.msk @!p1 [tilespmem:s5+$0x0], $0x1;
	_ =	sdelay $0x4  }
0x251: {  	(v2sf) =	vpush @!p1 v1, $0x0;
	_ =	sdelay $0xe  }
.Ltmp36:
0x252: {  	s8 =	spop @!p1 (v2sf);
	(pc) =	sbr.rel @p2 .LBB2_44-.Ltmp36, $4  }
0x253: {  	p3 =	seq.s32 @!p1 s4, s8  }
0x254: {  	p3 =	por !p3, p1  }
0x255: {  	s6 =	simm.s32 @p3 $0xFFFFFFFF  }
0x256: {  	s6 =	smov.u32 @p1 s7  }
.LBB2_45:
0x257: {  	p1 =	seq.s32 s6, $0xFFFFFFFF  }
.Ltmp37:
0x258: {  	_ = 	snop;
	(pc) =	sbr.rel @p1 .LBB2_47-.Ltmp37, $1  }
0x259: {  	_ =	sdelay $0x3  }
0x25a: {  	s0 =	sshll.u32 s3, $0x7  }
0x25b: {  	s0 =	sand.u32 $0x3FFFFF80, s0  }
0x25c: {  	v0 =	vld [tilespmem:s0+$0xF238];
	_ =	sdelay $0x2  }
0x25d: {  	s4 =	sshll.u32 s6, $0x9  }
0x25e: {  	s4 =	sshra.s32 s4, $0x2  }
0x25f: {  	[tilespmem:s4+$0xF238] =	vst.add.f32.msk $0xffff, v0  }
0x260: {  	v0 =	vld [tilespmem:s0+$0xF248];
	_ =	sdelay $0x4  }
0x261: {  	[tilespmem:s4+$0xF248] =	vst.add.f32.msk $0xffff, v0  }
0x262: {  	v0 =	vld [tilespmem:s0+$0xF258];
	_ =	sdelay $0x4  }
0x263: {  	[tilespmem:s4+$0xF258] =	vst.add.f32.msk $0xffff, v0  }
0x264: {  	v0 =	vld [tilespmem:s0+$0xF268];
	_ =	sdelay $0x4  }
0x265: {  	[tilespmem:s4+$0xF268] =	vst.add.f32.msk $0xffff, v0  }
0x266: {  	v0 =	vld [tilespmem:s0+$0xF278];
	_ =	sdelay $0x4  }
0x267: {  	[tilespmem:s4+$0xF278] =	vst.add.f32.msk $0xffff, v0  }
0x268: {  	v0 =	vld [tilespmem:s0+$0xF288];
	_ =	sdelay $0x4  }
0x269: {  	[tilespmem:s4+$0xF288] =	vst.add.f32.msk $0xffff, v0  }
0x26a: {  	v0 =	vld [tilespmem:s0+$0xF298];
	_ =	sdelay $0x4  }
0x26b: {  	[tilespmem:s4+$0xF298] =	vst.add.f32.msk $0xffff, v0  }
0x26c: {  	v0 =	vld [tilespmem:s0+$0xF2A8]  }
.Ltmp38:
0x26d: {  	_ = 	snop;
	(pc) =	sbr.rel .LBB2_48-.Ltmp38, $2  }
0x26e: {  	_ =	sdelay $0x2  }
0x26f: {  	[tilespmem:s4+$0xF2A8] =	vst.add.f32.msk $0xffff, v0  }
.LBB2_49:
0x270: {  	p1 =	slt.s32 s2, $0x1  }
.Ltmp39:
0x271: {  	_ = 	snop;
	(pc) =	sbr.rel @p1 .LBB2_53-.Ltmp39, $3  }
0x272: {  	_ =	sdelay $0x1  }
0x273: {  	s0 =	simm.s32 $0x8  }
0x274: {  	s3 =	simm.s32 $0x0;
	[sflag:s0] =	ssyncpa.u1 $0x1  }
0x275: {  	s0 =	simm.s32 $0xF218  }
0x276: {  	v0 =	vld.msk [tilespmem:s0+$0x0], $0x1;
	_ =	sdelay $0x4  }
0x277: {  	(v2sf) =	vpush v0, $0x0;
	_ =	sdelay $0xe  }
0x278: {  	s0 =	sadd.s32 $0xFFFFFFFF, s2;
	s5 =	spop (v2sf)  }
0x279: {  	p2 =	sne.s32 s0, $0x0;
	p1 =	sgt.u32 s5, $0x270F0  }
.Ltmp40:
0x27a: {  	s6 =	sand.u32 @!p1 $0x3FFF8, s5;
	(pc) =	sbr.rel @!p2 .LBB2_52-.Ltmp40, $4  }
0x27b: {  	s4 =	simm.s32 $0xF238;
	s5 =	sand.u32 @!p1 $0x7, s5;
	s2 =	sadd.s32 @!p1 s1, s6  }
0x27c: {  	[hbm4b:s2+s5] =	stream.linear.scatter @!p1 [tilespmem:s4], [sflag:$0x7], $0x80, $0x38;
	[tilespmem:$0x1F6F8] =	vst v63  }
0x27d: {  	s5 =	simm.s32 $0x0  }
0x27e: {  	s2 =	simm.s32 $0xF219;
	s5 =	simm.s32 @!p1 $0x200  }
.LBB2_51:
0x27f: {  	v0 =	vld.msk [tilespmem:s2+$0x0], $0x1;
	s0 =	sadd.s32 $0xFFFFFFFF, s0;
	s3 =	sadd.s32 s3, s5  }
0x280: {  	p1 =	sne.s32 s0, $0x0;
	_ =	sdelay $0x3  }
0x281: {  	(v2sf) =	vpush v0, $0x0;
	_ =	sdelay $0xe  }
.Ltmp41:
0x282: {  	s6 =	spop (v2sf);
	(pc) =	sbr.rel @p1 .LBB2_51-.Ltmp41, $4  }
0x283: {  	s5 =	simm.s32 $0x0;
	p2 =	sgt.u32 s6, $0x270F0  }
0x284: {  	s4 =	sadd.s32 $0x80, s4;
	s5 =	simm.s32 @!p2 $0x200;
	s7 =	sand.u32 @!p2 $0x3FFF8, s6  }
0x285: {  	s2 =	sadd.s32 $0x1, s2;
	s6 =	sand.u32 @!p2 $0x7, s6;
	s7 =	sadd.s32 @!p2 s1, s7  }
0x286: {  	[hbm4b:s7+s6] =	stream.linear.scatter @!p2 [tilespmem:s4], [sflag:$0x7], $0x80, $0x38;
	[tilespmem:$0x1F6F8] =	vst v63  }
.LBB2_52:
0x287: {  	s0 =	sadd.s32 s3, s5  }
0x288: {  	s3 =	sshrl.u32 s0, $0x2  }
.LBB2_53:
0x289: {  	s0 =	simm.s32 $0x7  }
0x28a: {  	_ =	swait.ge [sflag:s0], s3  }
0x28b: {  	s1 =	ssub.s32 $0x0, s3;
	[sflag:s0] =	ssyncset.done $0x0  }
0x28c: {  	[sflag:s0] =	ssyncadd.s32 s1  }
0x28d: {  	[sflag:s0] =	ssyncpa.u1 $0x1  }
.LBB2_54:
0x28e: {  	_ =	sfence;
	s0 =	simm.s32 $0x1  }
0x28f: {  	[sflag:s0] =	ssyncpa.u1 $0x1  }
0x290: {  	_ =	strace $0x90000050  }
0x291: {  	[bflag:$0x2] =	sbarrier.arrive $0xFFFF  }
0x292: {  	s0 =	rddreg [dreg:$0x3]  }
0x293: {  	s0 =	sadd.s32 @!p0 $0x100000, s0  }
0x294: {  	[sflag:s0] =	ssyncadd.tile.s32 @!p0 $0x1;
	_ =	shalt  }
.Lfunc_end2:
_tile_overlayer_lowered:
.L_overlay_start_2:
0x295: {  	(tag) =	ssettag $0x2  }
0x296: {  	s0 =	rddreg [dreg:$0x0];
	s2 =	stileid.u32  }
0x297: {  	s1 =	rddreg [dreg:$0x1];
	p0 =	sne.s32 s2, $0x0  }
0x298: {  	s3 =	rddreg [dreg:$0x2];
	[bflag:$0x3] =	sbarrier.arrive $0xFFFF;
	s2 =	simm.s32 @!p0 $0x1C01  }
0x299: {  	[timem:s3], [sflag:s2] =	dma.local @!p0 [hbm:s0], s1  }
0x29a: {  	s0 =	simm.s32 @!p0 $0x1  }
0x29b: {  	_ =	swait.ge @!p0 [sflag:s0], s1  }
0x29c: {  	s1 =	ssub.s32 @!p0 $0x0, s1;
	[sflag:s0] =	ssyncset.done @!p0 $0x0  }
0x29d: {  	[sflag:s0] =	ssyncadd.s32 @!p0 s1  }
0x29e: {  	[bflag:$0x3] =	sbarrier.arrive $0xFFFF  }
0x29f: {  	_ =	shalt  }

// kernel: scatter_offload_async_start
scs
__scs_entry_jumppad:
0x0: {  	(pc) =	sbr.rel $0x88, $3  }
0x1: {  	(tag) =	ssettag $0x0;
	lr =	simm.s32 $0x1  }
0x2: {  	[smem:$0x3F72] =	sst lr;
	_ =	strace $0xD0000000  }
0x3: {  	_ = 	snop  }
0x4: {  	_ = 	snop  }
0x5: {  	_ = 	snop  }
0x6: {  	_ = 	snop  }
0x7: {  	_ = 	snop  }
__scs_overlays_trampoline_lowered:
0x8: {  	[smem:$0x3F81] =	sst s0  }
0x9: {  	[smem:$0x3F82] =	sst s1  }
0xa: {  	[smem:$0x3F83] =	sst s2  }
0xb: {  	[smem:$0x3F84] =	sst s3  }
0xc: {  	[smem:$0x3F85] =	sst s4  }
0xd: {  	[smem:$0x3F86] =	sst s5  }
0xe: {  	[smem:$0x3F87] =	sst s6  }
0xf: {  	[smem:$0x3F88] =	sst s7  }
0x10: {  	[smem:$0x3F89] =	sst s8  }
0x11: {  	[smem:$0x3F8A] =	sst s9;
	s0 =	simm.s32 @!p0 $0x0  }
0x12: {  	s1 =	sld [smem:$0x3F70];
	s0 =	simm.s32 @p0 $0x1  }
0x13: {  	[smem:$0x3F8B] =	sst s0;
	s0 =	simm.s32 @!p1 $0x0  }
0x14: {  	s2 =	sld [smem:$0x3F6F];
	s0 =	simm.s32 @p1 $0x1  }
0x15: {  	[smem:$0x3F8C] =	sst s0;
	s0 =	simm.s32 @!p2 $0x0  }
0x16: {  	s3 =	sld [smem:$0x3FDB];
	s0 =	simm.s32 @p2 $0x1  }
0x17: {  	s4 =	simm.s32 $0x1BF5;
	[smem:$0x3F8E] =	sst s0  }
0x18: {  	s0 =	sld [smem:$0x3F71];
	_ =	swait.ge [sflag:s4], $0x0  }
0x19: {  	s7 =	sld [smem:$0x3F72]  }
0x1a: {  	s8 =	sadd.s32 $0xFFFFE003, lr  }
0x1b: {  	s9 =	sadd.s32 $0xFFFFFEF7, lr;
	s5 =	simm.s32 $0xFFFFFFFF;
	p2 =	slt.u32 s8, $0xFFFFF086  }
0x1c: {  	p1 =	slt.u32 s9, $0xF7A;
	s5 =	simm.s32 @!p2 $0x0  }
0x1d: {  	s5 =	simm.s32 @p1 $0x1;
	p0 =	seq.s32 s7, s2  }
0x1e: {  	s7 =	smul.u32 @!p0 $0xF7A, s2;
	p2 =	seq.s32 @!p0 s5, $0x0  }
0x1f: {  	s9 =	smul.u32 $0xF7A, s1;
	s8 =	simm.s32 @!p0 $0x1BF5;
	p2 =	por !p2, p0  }
0x20: {  	[sflag:s8] =	ssyncset.s32 @!p0 $0xFFFFF086;
	s6 =	sadd.s32 @!p0 s3, s7;
	s7 =	simm.s32 @!p0 $0x108  }
0x21: {  	s3 =	sadd.s32 s3, s9;
	s6 =	sadd.s32 @!p0 $0x88, s6;
	s7 =	simm.s32 @p2 $0x1082  }
0x22: {  	[simem:s7], [sflag:s8] =	dma.local @!p0 [hbm:s6], $0xF7A  }
0x23: {  	s9 =	sor.u32 $0xD0000000, s2;
	s6 =	simm.s32 $0x108;
	_ =	swait.ge @!p0 [sflag:s8], $0x0  }
0x24: {  	s3 =	sadd.s32 $0x88, s3;
	s6 =	simm.s32 @!p1 $0x1082;
	[sflag:s4] =	ssyncset.s32 $0xFFFFF086  }
0x25: {  	[simem:s6], [sflag:s4] =	dma.local [hbm:s3], $0xF7A  }
0x26: {  	[smem:$0x3F72] =	sst s1;
	(tag) =	ssettag s2;
	_ =	strace s9  }
0x27: {  	s1 =	sld [smem:$0x3F82]  }
0x28: {  	s2 =	sld [smem:$0x3F83]  }
0x29: {  	s4 =	sld [smem:$0x3F85]  }
0x2a: {  	p0 =	seq.s32 s5, $0x0;
	s5 =	sld [smem:$0x3F86]  }
0x2b: {  	s6 =	sld [smem:$0x3F87]  }
0x2c: {  	s7 =	sld [smem:$0x3F88]  }
0x2d: {  	s3 =	simm.s32 $0x108;
	s8 =	sld [smem:$0x3F89]  }
0x2e: {  	s3 =	simm.s32 @!p0 $0x1082;
	s9 =	sld [smem:$0x3F8A]  }
0x2f: {  	lr =	sadd.s32 s0, s3;
	s0 =	sld [smem:$0x3F81]  }
0x30: {  	s3 =	sld [smem:$0x3F84]  }
0x31: {  	[smem:$0x3F8D] =	sst s10  }
0x32: {  	s10 =	sld [smem:$0x3F8B];
	_ =	sdelay $0x3  }
0x33: {  	p0 =	seq.s32 s10, $0x1;
	s10 =	sld [smem:$0x3F8D];
	_ =	sdelay $0x3  }
0x34: {  	[smem:$0x3F8D] =	sst s10  }
0x35: {  	s10 =	sld [smem:$0x3F8C];
	_ =	sdelay $0x3  }
0x36: {  	p1 =	seq.s32 s10, $0x1;
	s10 =	sld [smem:$0x3F8D];
	_ =	sdelay $0x3  }
0x37: {  	[smem:$0x3F8D] =	sst s10  }
0x38: {  	s10 =	sld [smem:$0x3F8E]  }
0x39: {  	_ = 	snop;
	(pc) =	sbr.ind lr, $3  }
0x3a: {  	_ = 	snop  }
0x3b: {  	_ = 	snop  }
0x3c: {  	p2 =	seq.s32 s10, $0x1;
	s10 =	sld [smem:$0x3F8D]  }
0x3d: {  	_ =	shalt  }
0x3e: {  	_ =	shalt  }
0x3f: {  	_ =	shalt  }
0x40: {  	_ =	shalt  }
0x41: {  	_ =	shalt  }
0x42: {  	_ =	shalt  }
0x43: {  	_ =	shalt  }
0x44: {  	_ =	shalt  }
0x45: {  	_ =	shalt  }
0x46: {  	_ =	shalt  }
0x47: {  	_ =	shalt  }
0x48: {  	_ =	shalt  }
0x49: {  	_ =	shalt  }
0x4a: {  	_ =	shalt  }
0x4b: {  	_ =	shalt  }
0x4c: {  	_ =	shalt  }
0x4d: {  	_ =	shalt  }
0x4e: {  	_ =	shalt  }
0x4f: {  	_ =	shalt  }
0x50: {  	_ =	shalt  }
0x51: {  	_ =	shalt  }
0x52: {  	_ =	shalt  }
0x53: {  	_ =	shalt  }
0x54: {  	_ =	shalt  }
0x55: {  	_ =	shalt  }
0x56: {  	_ =	shalt  }
0x57: {  	_ =	shalt  }
0x58: {  	_ =	shalt  }
0x59: {  	_ =	shalt  }
0x5a: {  	_ =	shalt  }
0x5b: {  	_ =	shalt  }
0x5c: {  	_ =	shalt  }
0x5d: {  	_ =	shalt  }
0x5e: {  	_ =	shalt  }
0x5f: {  	_ =	shalt  }
0x60: {  	_ =	shalt  }
0x61: {  	_ =	shalt  }
0x62: {  	_ =	shalt  }
0x63: {  	_ =	shalt  }
0x64: {  	_ =	shalt  }
0x65: {  	_ =	shalt  }
0x66: {  	_ =	shalt  }
0x67: {  	_ =	shalt  }
0x68: {  	_ =	shalt  }
0x69: {  	_ =	shalt  }
0x6a: {  	_ =	shalt  }
0x6b: {  	_ =	shalt  }
0x6c: {  	_ =	shalt  }
0x6d: {  	_ =	shalt  }
0x6e: {  	_ =	shalt  }
0x6f: {  	_ =	shalt  }
0x70: {  	_ =	shalt  }
0x71: {  	_ =	shalt  }
0x72: {  	_ =	shalt  }
0x73: {  	_ =	shalt  }
0x74: {  	_ =	shalt  }
0x75: {  	_ =	shalt  }
0x76: {  	_ =	shalt  }
0x77: {  	_ =	shalt  }
0x78: {  	_ =	shalt  }
0x79: {  	_ =	shalt  }
0x7a: {  	_ =	shalt  }
0x7b: {  	_ =	shalt  }
0x7c: {  	_ =	shalt  }
0x7d: {  	_ =	shalt  }
0x7e: {  	_ =	shalt  }
0x7f: {  	_ =	shalt  }
0x80: {  	_ =	shalt  }
0x81: {  	_ =	shalt  }
0x82: {  	_ =	shalt  }
0x83: {  	_ =	shalt  }
0x84: {  	_ =	shalt  }
0x85: {  	_ =	shalt  }
0x86: {  	_ =	shalt  }
0x87: {  	_ =	shalt  }
.Lfunc_end0:
.L_simem_size_0:
called_computation_lowered:
.L_overlay_start_0:
0x88: {  	s2 =	sld [smem:$0x3FD9]  }
0x89: {  	s3 =	sld [smem:$0x3FFE];
	_ =	sdelay $0x1  }
0x8a: {  	s1 =	srdreg.scid  }
0x8b: {  	s0 =	sand.u32 $0x1, s1  }
0x8c: {  	s15 =	sshll.u32 s0, $0xA;
	s2 =	sadd.s32 s3, s2  }
0x8d: {  	s2 =	sadd.s32 s2, s15  }
0x8e: {  	[smem:$0x3F99] =	sst s2  }
0x8f: {  	_ = 	snop  }
0x90: {  	(tm) =	ssettm $0x1  }
0x91: {  	s16 =	sld [smem:$0x3FFB];
	_ =	sdelay $0x3  }
0x92: {  	_ =	strace s16  }
0x93: {  	s2 =	sld [smem:$0x3FFC];
	_ =	sdelay $0x3  }
0x94: {  	_ =	strace s2  }
0x95: {  	s2 =	sld [smem:$0x3FFD];
	_ =	sdelay $0x3  }
0x96: {  	_ =	strace s2  }
0x97: {  	_ =	strace $0x8FFFFFFF  }
0x98: {  	s17 =	sld [smem:$0x3FDB];
	_ =	sdelay $0x1  }
0x99: {  	s18 =	simm.s32 $_scs_section_size  }
0x9a: {  	s4 =	simm.s32 $_size__tile_overlayer_lowered;
	s5 =	simm.s32 $_tile_overlayer_lowered  }
0x9b: {  	s21 =	simm.s32 $0x1BFF;
	s20 =	sshll.u32 s5, $0x1;
	s2 =	sadd.s32 s18, s17  }
0x9c: {  	s6 =	simm.s32 $0x0;
	s19 =	sshll.u32 s4, $0x1;
	s4 =	sadd.s32 s20, s2  }
0x9d: {  	[timem:s6], [sflag:s21] =	dma.local [hbm:s4], s19  }
0x9e: {  	_ =	swait.ge [sflag:s21], s19  }
0x9f: {  	s3 =	ssub.s32 $0x0, s19;
	[sflag:s21] =	ssyncset.done $0x0  }
0xa0: {  	[sflag:s21] =	ssyncadd.s32 s3;
	_ =	sdelay $0x1  }
0xa1: {  	s22 =	simm.s32 $0x1B8B  }
0xa2: {  	_ =	swait.ge [sflag:s22], $0x1  }
0xa3: {  	[sflag:s22] =	ssyncset.done $0x0  }
0xa4: {  	s23 =	sld [smem:$0x3FFE];
	[sflag:s22] =	ssyncadd.s32 $0xFFFFFFFF  }
0xa5: {  	s25 =	simm.s32 $0x1B8E;
	s24 =	sld [smem:$0x0]  }
0xa6: {  	s26 =	simm.s32 $execute0_lowered;
	[smem:$0x3FD2] =	sst s25  }
0xa7: {  	s5 =	sshll.u32 s26, $0x1;
	_ =	strace $0x80000049;
	[dreg:$0x1] =	wrdreg $0xFFFFFFFF  }
0xa8: {  	s28 =	simm.s32 $_size_execute0_lowered;
	s2 =	sadd.s32 s2, s5;
	[dreg:$0x0] =	wrdreg $0x0  }
0xa9: {  	s5 =	sshll.u32 s28, $0x1;
	[dreg:$0x2] =	wrdreg s2  }
0xaa: {  	[dreg:$0x3] =	wrdreg s5  }
0xab: {  	[dreg:$0x4] =	wrdreg $0xC0  }
0xac: {  	_ =	task [dreg:s6], $0x5FFFF  }
0xad: {  	[dreg:$0x1] =	wrdreg $0xFFFFFFFF  }
0xae: {  	[dreg:$0x0] =	wrdreg $0x60  }
0xaf: {  	[dreg:$0x2] =	wrdreg s23  }
0xb0: {  	[dreg:$0x3] =	wrdreg s1  }
0xb1: {  	[dreg:$0x4] =	wrdreg s24  }
0xb2: {  	[dreg:$0x5] =	wrdreg $0x9  }
0xb3: {  	_ =	task.clear_ibuf [dreg:s6], $0x6FFFF;
	_ =	strace $0x90000049  }
0xb4: {  	s29 =	simm.s32 $0x9;
	_ =	strace $0x8000004B  }
0xb5: {  	_ =	swait.ge [sflag:s29], $0x1  }
0xb6: {  	[sflag:s29] =	ssyncadd.s32 $0xFFFFFFFF  }
0xb7: {  	_ =	strace $0x9000004B  }
0xb8: {  	_ =	sfence  }
0xb9: {  	s30 =	sld [smem:$0x0];
	_ =	sdelay $0x2  }
0xba: {  	s31 =	sshll.u32 s1, $0xD;
	s1 =	sshrl.u32 s1, $0x2  }
0xbb: {  	s3 =	sand.u32 $0x4000, s31;
	s1 =	sadd.s32 s1, s30  }
0xbc: {  	s0 =	sor.u32 s3, s0;
	s1 =	sshll.u32 s1, $0x11  }
0xbd: {  	s0 =	sor.u32 s1, s0  }
0xbe: {  	s0 =	sadd.s32 $0x8F2B, s0  }
0xbf: {  	[sflag:s0] =	ssyncadd.remote.s32 $0x1  }
0xc0: {  	_ =	sfence.sel $0xFFFF  }
0xc1: {  	[dreg:$0x0] =	wrdreg $0xFFFFFFFF;
	(pc) =	sbr.abs _section_cstart, $3  }
0xc2: {  	[dreg:$0x1] =	wrdreg $0xFFFFFFFF  }
0xc3: {  	_ =	task.clear_ibuf [dreg:s6], $0x2FFFF;
	_ =	strace $0x9FFFFFFF  }
0xc4: {  	(tm) =	ssettm $0x7FFFFFFF  }
0xc5: {  	_ =	shalt  }
tec
execute0_lowered:
.L_overlay_start_1:
0x0: {  	(tag) =	ssettag $0x1  }
0x1: {  	s2 =	rddreg [dreg:$0x0]  }
0x2: {  	s3 =	rddreg [dreg:$0x1];
	_ =	strace $0x8000004A;
	s0 =	simm.s32 $0x1  }
0x3: {  	v0 =	vimm.s32 $0x0;
	[sflag:s0] =	ssyncpa.u1 $0x0;
	s0 =	simm.s32 $0x108  }
0x4: {  	[tilespmem:s0+$0x70] =	vst v0  }
0x5: {  	[tilespmem:s0+$0x60] =	vst v0  }
0x6: {  	[tilespmem:s0+$0x50] =	vst v0  }
0x7: {  	[tilespmem:s0+$0x40] =	vst v0  }
0x8: {  	[tilespmem:s0+$0x30] =	vst v0  }
0x9: {  	s1 =	sadd.s32 $0x2E00, s2;
	s15 =	sadd.s32 $0x3DC00, s2;
	s6 =	sadd.s32 $0x5B600, s2;
	[tilespmem:s0+$0x20] =	vst v0  }
0xa: {  	s14 =	sadd.s32 $0x47A00, s2;
	s5 =	sand.u32 $0x1, s3;
	s3 =	simm.s32 $0x40;
	[tilespmem:s0+$0x10] =	vst v0  }
.LBB2_1:
0xb: {  	s3 =	sadd.s32 $0x40, s3;
	[tilespmem:s0+$0x0] =	vst v0;
	s0 =	sadd.s32 $0x80, s0  }
0xc: {  	p0 =	slt.u32 s3, $0x3C40;
	[tilespmem:s0+$0x70] =	vst v0  }
0xd: {  	[tilespmem:s0+$0x60] =	vst v0  }
.Ltmp0:
0xe: {  	[tilespmem:s0+$0x50] =	vst v0;
	(pc) =	sbr.rel @p0 .LBB2_1-.Ltmp0, $4  }
0xf: {  	[tilespmem:s0+$0x40] =	vst v0  }
0x10: {  	[tilespmem:s0+$0x30] =	vst v0  }
0x11: {  	[tilespmem:s0+$0x20] =	vst v0  }
0x12: {  	[tilespmem:s0+$0x10] =	vst v0  }
0x13: {  	s9 =	stileid.u32  }
0x14: {  	s2 =	smul.u32 $0x29, s9  }
0x15: {  	s3 =	smin.u32 s9, $0xB  }
0x16: {  	s2 =	sadd.s32 s3, s2  }
0x17: {  	p0 =	slt.u32 s9, $0xB;
	s7 =	smul.u32 $0xF0, s2;
	s2 =	simm.s32 $0x2760  }
0x18: {  	s2 =	simm.s32 @!p0 $0x2670  }
0x19: {  	s2 =	sadd.s32 s2, s7  }
0x1a: {  	s8 =	smin.u32 s2, $0x27100  }
0x1b: {  	s2 =	ssub.s32 s8, s7  }
0x1c: {  	p0 =	sgt.s32 s2, $0x0  }
0x1d: {  	s29 =	simm.s32 $0x2;
	s10 =	simm.s32 $0x9;
	s2 =	simm.s32 @!p0 $0x0  }
0x1e: {  	s4 =	simm.s32 $0xA;
	s11 =	simm.s32 $0xB;
	s28 =	smulhi.u32 $0x88888889, s2  }
0x1f: {  	[dreg:$0x4] =	wrdreg s5;
	s31 =	smul.u32 $0x4E20, s5;
	s12 =	simm.s32 $0x1  }
0x20: {  	s22 =	simm.s32 $0x0;
	s18 =	simm.s32 $0xC;
	s30 =	sshrl.u32 s28, $0x7  }
0x21: {  	s20 =	simm.s32 $0x0;
	s21 =	simm.s32 $0x0;
	s3 =	smul.u32 $0xF0, s30  }
.Ltmp1:
0x22: {  	[tilespmem:s0+$0x0] =	vst v0;
	v0 =	vimm.s32 $0xFFFFFFFF;
	[sflag:s29] =	ssyncpa.u1 $0x0;
	s16 =	sshll.u32 s9, $0x8;
	(pc) =	sbr.rel .LBB2_3-.Ltmp1, $4  }
0x23: {  	[tilespmem:$0xF208] =	vst v0;
	[sflag:s10] =	ssyncpa.u1 $0x0;
	p0 =	sne.s32 s2, s3;
	s2 =	simm.s32 $0x1  }
0x24: {  	s14 =	sadd.s32 s31, s14;
	[sflag:s4] =	ssyncpa.u1 $0x0;
	s2 =	simm.s32 @!p0 $0x0  }
0x25: {  	s15 =	sadd.s32 s31, s15;
	[sflag:s11] =	ssyncpa.u1 $0x0;
	s13 =	sadd.s32 s2, s30  }
0x26: {  	v0 =	vlaneseq.u32;
	s19 =	smov.u32 s7;
	p0 =	por $0x0, $0x0;
	s17 =	sadd.s32 $0x1, s13  }
.LBB2_18:
0x27: {  	s0 =	sshrl.u32 s31, $0x2  }
.LBB2_20:
0x28: {  	_ =	swait.ge [sflag:s18], s0  }
0x29: {  	s31 =	ssub.s32 $0x0, s0;
	v1 =	vmov s24;
	vm0 =	veq.s32 v0, $0x0;
	[sflag:s18] =	ssyncset.done $0x0  }
0x2a: {  	vm15 =	veq.s32 v0, $0x2;
	v1 =	vsel vm0, s30, v1;
	[sflag:s18] =	ssyncadd.s32 s31  }
0x2b: {  	v1 =	vsel vm15, s22, v1;
	[sflag:s18] =	ssyncpa.u1 $0x1  }
0x2c: {  	[tilespmem:$0xF208] =	vst v1  }
.LBB2_21:
0x2d: {  	s0 =	sadd.s32 $0xF0, s19  }
0x2e: {  	s2 =	smov.u32 s7;
	p1 =	slt.s32 s0, s8  }
0x2f: {  	s2 =	smov.u32 @p1 s0;
	p1 =	sne.s32 s21, s17  }
.Ltmp2:
0x30: {  	_ = 	snop;
	(pc) =	sbr.rel @!p1 .LBB2_22-.Ltmp2, $3  }
0x31: {  	_ =	sdelay $0x1  }
0x32: {  	s22 =	smov.u32 s20;
	s31 =	sadd.s32 $0x1, s21;
	s20 =	smov.u32 s19  }
0x33: {  	p0 =	por !p0, !p0;
	s21 =	smov.u32 s31;
	s19 =	smov.u32 s2  }
.LBB2_3:
0x34: {  	p1 =	sge.u32 s21, s13  }
0x35: {  	s0 =	smulhi.u32 @!p1 $0xAAAAAAAB, s21  }
0x36: {  	s2 =	smov.u32 s19;
	p2 =	sgt.s32 @!p1 s19, $0x27010  }
0x37: {  	s3 =	sshra.s32 @!p1 s19, $0x1F;
	p2 =	por !p2, p1;
	s0 =	sshrl.u32 @!p1 s0, $0x1  }
0x38: {  	s3 =	sand.u32 @!p1 s3, s19;
	s2 =	simm.s32 @p2 $0x27010;
	s0 =	smul.u32 @!p1 $0x3, s0  }
0x39: {  	s2 =	ssub.s32 @!p1 s2, s3  }
0x3a: {  	s2 =	sadd.s32 @!p1 $0xFFFD8FF0, s2;
	s0 =	ssub.s32 @!p1 s21, s0  }
0x3b: {  	s3 =	sshll.u32 @!p1 s2, $0x2;
	p2 =	sgt.s32 @!p1 s2, $0xEF;
	s0 =	smul.u32 @!p1 $0x3C0, s0  }
0x3c: {  	s4 =	sand.u32 @!p1 $0x7, s19;
	s2 =	ssub.s32 @!p1 $0x3C0, s3;
	p2 =	por !p2, p1  }
0x3d: {  	s3 =	sshrl.u32 @!p1 s19, $0x3;
	s2 =	sshrl.u32 @!p1 s2, $0x2;
	s0 =	sshrl.u32 @!p1 s0, $0x2  }
0x3e: {  	s3 =	sadd.s32 @!p1 s3, s14;
	s2 =	simm.s32 @!p2 $0x0;
	s0 =	sadd.s32 @!p1 $0x10248, s0  }
0x3f: {  	[tilespmem:s0], [sflag:$0xA] =	stream.linear.gather @!p1 [hbm4b:s3+s4], s2, $0x38;
	[tilespmem:$0x1F6F8] =	vst v63  }
0x40: {  	s0 =	sadd.s32 $0xFFFFFFFF, s21  }
0x41: {  	p1 =	sge.u32 s0, s13  }
0x42: {  	p2 =	sgt.s32 @!p1 s20, $0x27010  }
0x43: {  	s2 =	smov.u32 s20;
	s3 =	sshra.s32 @!p1 s20, $0x1F;
	p2 =	por !p2, p1  }
0x44: {  	s3 =	sand.u32 @!p1 s3, s20;
	s2 =	simm.s32 @p2 $0x27010  }
0x45: {  	s2 =	ssub.s32 @!p1 s2, s3  }
0x46: {  	s2 =	sadd.s32 @!p1 $0xFFFD8FF0, s2  }
0x47: {  	s4 =	sand.u32 @!p1 $0x1, s0;
	s3 =	sshll.u32 @!p1 s2, $0x2  }
0x48: {  	p2 =	sgt.s32 @!p1 s2, $0xEF;
	s2 =	ssub.s32 @!p1 $0x3C0, s3;
	s3 =	smulhi.u32 @!p1 $0xAAAAAAAB, s0  }
0x49: {  	s23 =	smul.u32 @!p1 $0x3C0, s4;
	p2 =	por !p2, p1;
	s2 =	sshrl.u32 @!p1 s2, $0x2  }
0x4a: {  	s5 =	simm.s32 @!p1 $0xA;
	s2 =	simm.s32 @!p2 $0x0;
	s3 =	sshrl.u32 @!p1 s3, $0x1  }
0x4b: {  	s23 =	sshrl.u32 @!p1 s23, $0x2;
	_ =	swait.ge @!p1 [sflag:s5], s2;
	s3 =	smul.u32 @!p1 $0x3, s3  }
0x4c: {  	s23 =	sadd.s32 @!p1 $0x10518, s23;
	s24 =	ssub.s32 @!p1 $0x0, s2;
	[sflag:s5] =	ssyncset.done @!p1 $0x0  }
0x4d: {  	[sflag:s5] =	ssyncadd.s32 @!p1 s24;
	s5 =	sshrl.u32 @!p1 s20, $0x3;
	s0 =	ssub.s32 @!p1 s0, s3  }
0x4e: {  	s24 =	sand.u32 @!p1 $0x7, s20;
	s5 =	sadd.s32 @!p1 s5, s15;
	s0 =	smul.u32 @!p1 $0x3C0, s0  }
0x4f: {  	[tilespmem:s23], [sflag:$0xB] =	stream.linear.gather @!p1 [hbm4b:s5+s24], s2, $0x38;
	[tilespmem:$0x1F6F8] =	vst v63  }
0x50: {  	s3 =	ssub.s32 @!p1 $0x27100, s20;
	s2 =	smul.u32 @!p1 $0x1E000, s4  }
0x51: {  	p2 =	slt.s32 @!p1 s3, $0xF0  }
0x52: {  	p2 =	por !p2, p1;
	s0 =	sshrl.u32 @!p1 s0, $0x2;
	s2 =	sshrl.u32 @!p1 s2, $0x2  }
0x53: {  	s3 =	simm.s32 @p2 $0xF0;
	s0 =	sadd.s32 @!p1 $0x10248, s0;
	s2 =	sor.u32 @!p1 $0x106F8, s2  }
0x54: {  	[tilespmem:s2], [sflag:$0x9] =	stream.indirect.gather @!p1 [hbm4b:s6+s3], $0x80, s0, s3, $0xb8;
	[tilespmem:$0x1F6F8] =	vst v63  }
0x55: {  	p1 =	slt.u32 s21, $0x2  }
.Ltmp3:
0x56: {  	_ = 	snop;
	(pc) =	sbr.rel @p1 .LBB2_21-.Ltmp3, $1  }
0x57: {  	_ =	sdelay $0x3  }
0x58: {  	p1 =	sgt.s32 s22, $0x27010  }
0x59: {  	s0 =	smov.u32 s22;
	s2 =	sshra.s32 s22, $0x1F;
	s3 =	ssub.s32 $0x27100, s22  }
0x5a: {  	s0 =	simm.s32 @!p1 $0x27010;
	s2 =	sand.u32 s2, s22;
	p1 =	slt.s32 s3, $0xF0  }
0x5b: {  	s0 =	ssub.s32 s0, s2;
	s3 =	simm.s32 @!p1 $0xF0  }
0x5c: {  	s0 =	sadd.s32 $0xFFFD8FF0, s0;
	s25 =	sshll.u32 s3, $0x7  }
0x5d: {  	s26 =	sshll.u32 s0, $0x2;
	s2 =	sand.u32 $0x3FFFFF80, s25  }
0x5e: {  	p1 =	sgt.s32 s0, $0xEF;
	s29 =	ssub.s32 $0x3C0, s26;
	_ =	swait.ge [sflag:s10], s2  }
0x5f: {  	s2 =	ssub.s32 $0x0, s2;
	[sflag:s10] =	ssyncset.done $0x0;
	s0 =	sshrl.u32 s29, $0x2  }
0x60: {  	[sflag:s10] =	ssyncadd.s32 s2;
	s0 =	simm.s32 @p1 $0x0  }
0x61: {  	_ =	swait.ge [sflag:s11], s0  }
0x62: {  	s0 =	ssub.s32 $0x0, s0;
	[sflag:s11] =	ssyncset.done $0x0  }
0x63: {  	[sflag:s11] =	ssyncadd.s32 s0  }
0x64: {  	v1 =	vld [tilespmem:$0xF208];
	_ =	sdelay $0x4  }
0x65: {  	(v2sf) =	vpush v1, $0x0  }
0x66: {  	(v2sf) =	vpush v1, $0x1  }
0x67: {  	(v2sf) =	vpush v1, $0x2;
	_ =	sdelay $0x3  }
0x68: {  	s0 =	sadd.s32 $0xF0, s22  }
0x69: {  	s2 =	ssub.s32 $0x4E200, s22;
	p1 =	slt.s32 s8, s0  }
0x6a: {  	s0 =	smov.u32 @p1 s8;
	p1 =	sgt.s32 s2, $0x0  }
0x6b: {  	s26 =	ssub.s32 s0, s22;
	s2 =	simm.s32 @!p1 $0x0  }
0x6c: {  	p1 =	slt.s32 s2, s26  }
0x6d: {  	s26 =	smov.u32 @p1 s2  }
0x6e: {  	s25 =	simm.s32 $0x1;
	p1 =	slt.s32 s26, $0x1  }
.Ltmp4:
0x6f: {  	s25 =	simm.s32 @!p0 $0x0;
	(pc) =	sbr.rel @p1 .LBB2_8-.Ltmp4, $4  }
0x70: {  	s31 =	smul.u32 $0x3C0, s25  }
0x71: {  	s28 =	spop (v2sf)  }
0x72: {  	s0 =	sshrl.u32 s31, $0x2;
	s30 =	spop (v2sf)  }
0x73: {  	s23 =	sadd.s32 $0x10518, s0;
	s22 =	spop (v2sf)  }
0x74: {  	s0 =	smin.u32 s26, $0x10  }
0x75: {  	v1 =	vmov s0  }
0x76: {  	p2 =	sgt.s32 s26, $0x10;
	vm1 =	vgt.u32 v1, v0  }
.Ltmp5:
0x77: {  	_ = 	snop;
	(pc) =	sbr.rel @!p2 .LBB2_7-.Ltmp5, $2  }
0x78: {  	_ =	sdelay $0x2  }
0x79: {  	s4 =	simm.s32 $0x10;
	s24 =	sadd.s32 $0xFFFFFFF0, s26;
	s0 =	smov.u32 s23;
	vm0 =	vmmov vm1  }
.LBB2_6:
0x7a: {  	s2 =	smin.u32 s24, $0x10;
	s4 =	sadd.s32 $0x10, s4;
	v1 =	vld.msk [tilespmem:s0+$0x0 ss:$0x1], vm1  }
0x7b: {  	v2 =	vmov s2;
	p2 =	slt.s32 s4, s26  }
0x7c: {  	vm1 =	vgt.u32 v2, v0  }
.Ltmp6:
0x7d: {  	(pc) =	sbr.rel @p2 .LBB2_6-.Ltmp6, $3  }
0x7e: {  	_ =	sdelay $0x1  }
0x7f: {  	v1 =	vshll.u32 v1, $0x4  }
0x80: {  	s24 =	sadd.s32 $0xFFFFFFF0, s24;
	[tilespmem:s0+$0x0] =	vst.msk vm0, v1;
	s0 =	sadd.s32 $0x10, s0;
	vm0 =	vmmov vm1  }
.LBB2_7:
0x81: {  	_ =	sdelay $0x4  }
0x82: {  	v1 =	vld.msk [tilespmem:s0+$0x0 ss:$0x1], vm1;
	_ =	sdelay $0x4  }
0x83: {  	v1 =	vshll.u32 v1, $0x4  }
0x84: {  	[tilespmem:s0+$0x0] =	vst.msk vm0, v1  }
.LBB2_8:
0x85: {  	s0 =	sand.u32 $0x1, s21  }
0x86: {  	s0 =	smul.u32 $0xF0, s0  }
0x87: {  	p2 =	sne.s32 s30, $0xFFFFFFFF  }
0x88: {  	v1 =	vld.msk @!p2 [tilespmem:s0+$0x10518], $0x1;
	_ =	sdelay $0x4  }
0x89: {  	(v2sf) =	vpush @!p2 v1, $0x0;
	_ =	sdelay $0xc  }
.Ltmp7:
0x8a: {  	_ = 	snop;
	(pc) =	sbr.rel @p1 .LBB2_19-.Ltmp7, $4  }
0x8b: {  	_ = 	snop  }
0x8c: {  	s29 =	spop @!p2 (v2sf)  }
0x8d: {  	s22 =	simm.s32 @!p2 $0x0;
	s24 =	smov.u32 s29  }
0x8e: {  	[sflag:s18] =	ssyncpa.u1 $0x0;
	s29 =	smov.u32 @p2 s28;
	s24 =	smov.u32 @p2 s30  }
0x8f: {  	v1 =	vld.msk [tilespmem:s23+$0x0], $0x1;
	_ =	sdelay $0x4  }
0x90: {  	(v2sf) =	vpush v1, $0x0;
	_ =	sdelay $0xe  }
0x91: {  	s2 =	smul.u32 $0x1E000, s25;
	s0 =	spop (v2sf)  }
0x92: {  	s26 =	ssub.s32 $0x0, s26;
	p1 =	seq.s32 s29, s0  }
0x93: {  	s30 =	sadd.s32 $0x1, s26;
	s2 =	sshrl.u32 s2, $0x2;
	p2 =	sgt.s32 @!p1 s29, $0x0  }
0x94: {  	s25 =	sor.u32 $0x10738, s2;
	s2 =	smov.u32 s29;
	p2 =	por !p2, p1  }
0x95: {  	s2 =	simm.s32 @p2 $0x0;
	p2 =	seq.s32 s30, $0x0  }
.Ltmp8:
0x96: {  	_ = 	snop;
	(pc) =	sbr.rel @p2 .LBB2_11-.Ltmp8, $4  }
0x97: {  	_ = 	snop  }
0x98: {  	s28 =	simm.s32 $0x0;
	s31 =	sadd.s32 $0x1, s23;
	s2 =	smin.u32 @!p1 s2, $0x270F0  }
0x99: {  	s4 =	simm.s32 @!p1 $0x1;
	s5 =	simm.s32 @!p1 $0x7988;
	s3 =	sand.u32 @!p1 $0x3FFF8, s2  }
0x9a: {  	s4 =	smov.u32 @p1 s28;
	s2 =	sand.u32 @!p1 $0x7, s2;
	s3 =	sadd.s32 @!p1 s1, s3  }
.LBB2_10:
0x9b: {  	s9 =	smov.u32 s4  }
0x9c: {  	[tilespmem:s5], [sflag:$0x2] =	stream.linear.gather @!p1 [hbm4b:s3+s2], $0x80, $0x38;
	[tilespmem:$0x1F6F8] =	vst v63  }
0x9d: {  	s30 =	sadd.s32 $0x1, s30;
	s2 =	smov.u32 s0;
	v1 =	vld.msk [tilespmem:s31+$0x0], $0x1  }
0x9e: {  	p2 =	seq.s32 s30, $0x0;
	_ =	sdelay $0x3  }
0x9f: {  	(v2sf) =	vpush v1, $0x0;
	_ =	sdelay $0xe  }
0xa0: {  	s0 =	spop (v2sf)  }
0xa1: {  	p1 =	seq.s32 s2, s0  }
0xa2: {  	p3 =	sgt.s32 @!p1 s2, $0x0;
	s3 =	sshll.u32 @!p1 s4, $0x9;
	s4 =	sadd.s32 @!p1 $0x1, s4  }
.Ltmp9:
0xa3: {  	p3 =	por !p3, p1;
	s3 =	sshra.s32 @!p1 s3, $0x2;
	(pc) =	sbr.rel @!p2 .LBB2_10-.Ltmp9, $4  }
0xa4: {  	s4 =	smov.u32 @p1 s9;
	s2 =	simm.s32 @p3 $0x0;
	s5 =	sadd.s32 @!p1 $0x7988, s3  }
0xa5: {  	s2 =	smin.u32 @!p1 s2, $0x270F0  }
0xa6: {  	s3 =	sand.u32 @!p1 $0x3FFF8, s2;
	s2 =	sand.u32 @!p1 $0x7, s2  }
0xa7: {  	s31 =	sadd.s32 $0x1, s31;
	s3 =	sadd.s32 @!p1 s1, s3  }
.LBB2_11:
0xa8: {  	[tilespmem:s5], [sflag:$0x2] =	stream.linear.gather @!p1 [hbm4b:s3+s2], $0x80, $0x38;
	[tilespmem:$0x1F6F8] =	vst v63  }
.Ltmp10:
0xa9: {  	s0 =	sshll.u32 s4, $0x7;
	(pc) =	sbr.rel .LBB2_12-.Ltmp10, $4  }
0xaa: {  	s30 =	simm.s32 $0x2;
	s0 =	sand.u32 $0x3FFFFF80, s0  }
0xab: {  	_ =	swait.ge [sflag:s30], s0  }
0xac: {  	s0 =	ssub.s32 $0x0, s0;
	[sflag:s30] =	ssyncset.done $0x0  }
0xad: {  	s31 =	simm.s32 $0x0;
	[sflag:s30] =	ssyncadd.s32 s0  }
.LBB2_13:
0xae: {  	v1 =	vld [tilespmem:s25+$0xFFFFFFC0];
	_ =	sdelay $0x3  }
0xaf: {  	s0 =	sshra.s32 s0, $0x2  }
0xb0: {  	[tilespmem:s0+$0x108] =	vst.add.f32.msk $0xffff, v1  }
0xb1: {  	v1 =	vld [tilespmem:s25+$0xFFFFFFD0];
	_ =	sdelay $0x4  }
0xb2: {  	[tilespmem:s0+$0x118] =	vst.add.f32.msk $0xffff, v1  }
0xb3: {  	v1 =	vld [tilespmem:s25+$0xFFFFFFE0];
	_ =	sdelay $0x4  }
0xb4: {  	[tilespmem:s0+$0x128] =	vst.add.f32.msk $0xffff, v1  }
0xb5: {  	v1 =	vld [tilespmem:s25+$0xFFFFFFF0];
	_ =	sdelay $0x4  }
0xb6: {  	[tilespmem:s0+$0x138] =	vst.add.f32.msk $0xffff, v1  }
0xb7: {  	v1 =	vld [tilespmem:s25+$0x0];
	_ =	sdelay $0x4  }
0xb8: {  	[tilespmem:s0+$0x148] =	vst.add.f32.msk $0xffff, v1  }
0xb9: {  	v1 =	vld [tilespmem:s25+$0x10];
	_ =	sdelay $0x4  }
0xba: {  	[tilespmem:s0+$0x158] =	vst.add.f32.msk $0xffff, v1  }
0xbb: {  	v1 =	vld [tilespmem:s25+$0x20];
	_ =	sdelay $0x4  }
0xbc: {  	[tilespmem:s0+$0x168] =	vst.add.f32.msk $0xffff, v1  }
0xbd: {  	v1 =	vld [tilespmem:s25+$0x30];
	_ =	sdelay $0x4  }
0xbe: {  	[tilespmem:s0+$0x178] =	vst.add.f32.msk $0xffff, v1  }
.LBB2_17:
0xbf: {  	s26 =	sadd.s32 $0x1, s26  }
0xc0: {  	p1 =	seq.s32 s26, $0x0  }
.Ltmp11:
0xc1: {  	_ = 	snop;
	(pc) =	sbr.rel @p1 .LBB2_18-.Ltmp11, $2  }
0xc2: {  	_ =	sdelay $0x2  }
0xc3: {  	s23 =	sadd.s32 $0x1, s23;
	s25 =	sadd.s32 $0x80, s25;
	s29 =	smov.u32 s30  }
.LBB2_12:
0xc4: {  	v1 =	vld.msk [tilespmem:s23+$0x0], $0x1;
	_ =	sdelay $0x4  }
0xc5: {  	(v2sf) =	vpush v1, $0x0;
	_ =	sdelay $0xe  }
0xc6: {  	s30 =	spop (v2sf)  }
0xc7: {  	p1 =	sne.s32 s29, s30  }
.Ltmp12:
0xc8: {  	_ = 	snop;
	(pc) =	sbr.rel @!p1 .LBB2_13-.Ltmp12, $2  }
0xc9: {  	_ =	sdelay $0x2  }
0xca: {  	s0 =	sshll.u32 s22, $0x9  }
0xcb: {  	p1 =	seq.s32 s29, s24  }
.Ltmp13:
0xcc: {  	_ = 	snop;
	(pc) =	sbr.rel @!p1 .LBB2_15-.Ltmp13, $1  }
0xcd: {  	_ =	sdelay $0x3  }
0xce: {  	s0 =	sshra.s32 s0, $0x2  }
.Ltmp14:
0xcf: {  	s0 =	sadd.s32 $0x108, s0;
	(pc) =	sbr.rel .LBB2_16-.Ltmp14, $4  }
0xd0: {  	[spmem:s16] =	stream.linear.scatter [tilespmem:s0], [sflag:$0x1], $0x80, $0x38;
	[tilespmem:$0x1F6F8] =	vst v63  }
0xd1: {  	_ =	swait.ge [sflag:s12], $0x80  }
0xd2: {  	[sflag:s12] =	ssyncset.done $0x0  }
0xd3: {  	[sflag:s12] =	ssyncadd.s32 $0xFFFFFF80  }
.LBB2_15:
0xd4: {  	s2 =	sshll.u32 s28, $0x9  }
0xd5: {  	s2 =	sshra.s32 s2, $0x2  }
0xd6: {  	v1 =	vld [tilespmem:s2+$0x7988];
	_ =	sdelay $0x3  }
0xd7: {  	s0 =	sshra.s32 s0, $0x2  }
0xd8: {  	[tilespmem:s0+$0x108] =	vst.add.f32.msk $0xffff, v1  }
0xd9: {  	v1 =	vld [tilespmem:s2+$0x7998];
	_ =	sdelay $0x4  }
0xda: {  	[tilespmem:s0+$0x118] =	vst.add.f32.msk $0xffff, v1  }
0xdb: {  	v1 =	vld [tilespmem:s2+$0x79A8];
	_ =	sdelay $0x4  }
0xdc: {  	[tilespmem:s0+$0x128] =	vst.add.f32.msk $0xffff, v1  }
0xdd: {  	v1 =	vld [tilespmem:s2+$0x79B8];
	_ =	sdelay $0x4  }
0xde: {  	[tilespmem:s0+$0x138] =	vst.add.f32.msk $0xffff, v1  }
0xdf: {  	v1 =	vld [tilespmem:s2+$0x79C8];
	_ =	sdelay $0x4  }
0xe0: {  	[tilespmem:s0+$0x148] =	vst.add.f32.msk $0xffff, v1  }
0xe1: {  	v1 =	vld [tilespmem:s2+$0x79D8];
	_ =	sdelay $0x4  }
0xe2: {  	[tilespmem:s0+$0x158] =	vst.add.f32.msk $0xffff, v1  }
0xe3: {  	v1 =	vld [tilespmem:s2+$0x79E8];
	_ =	sdelay $0x4  }
0xe4: {  	[tilespmem:s0+$0x168] =	vst.add.f32.msk $0xffff, v1  }
0xe5: {  	v1 =	vld [tilespmem:s2+$0x79F8];
	_ =	sdelay $0x2  }
0xe6: {  	p1 =	sgt.u32 s29, $0x270F0  }
0xe7: {  	s2 =	sand.u32 @!p1 $0x3FFF8, s29  }
0xe8: {  	s3 =	sadd.s32 $0x108, s0;
	[tilespmem:s0+$0x178] =	vst.add.f32.msk $0xffff, v1;
	s0 =	sadd.s32 @!p1 s1, s2;
	s2 =	sand.u32 @!p1 $0x7, s29  }
0xe9: {  	[hbm4b:s0+s2] =	stream.linear.scatter @!p1 [tilespmem:s3], [sflag:$0xC], $0x80, $0x38;
	[tilespmem:$0x1F6F8] =	vst v63  }
0xea: {  	s0 =	simm.s32 $0x0  }
0xeb: {  	s0 =	simm.s32 @!p1 $0x200  }
0xec: {  	s31 =	sadd.s32 s0, s31  }
.LBB2_16:
0xed: {  	s0 =	sadd.s32 $0x1, s22  }
0xee: {  	s2 =	smulhi.u32 $0x88888889, s0;
	_ =	sdelay $0x1  }
0xef: {  	v1 =	vld [tilespmem:s25+$0xFFFFFFC0];
	s2 =	sshrl.u32 s2, $0x7  }
0xf0: {  	s2 =	smul.u32 $0xF0, s2;
	_ =	sdelay $0x1  }
0xf1: {  	s22 =	ssub.s32 s0, s2  }
0xf2: {  	s0 =	sshll.u32 s22, $0x7  }
0xf3: {  	[tilespmem:s0+$0x108] =	vst v1  }
0xf4: {  	v1 =	vld [tilespmem:s25+$0xFFFFFFD0];
	_ =	sdelay $0x4  }
0xf5: {  	[tilespmem:s0+$0x118] =	vst v1  }
0xf6: {  	v1 =	vld [tilespmem:s25+$0xFFFFFFE0];
	_ =	sdelay $0x4  }
0xf7: {  	[tilespmem:s0+$0x128] =	vst v1  }
0xf8: {  	v1 =	vld [tilespmem:s25+$0xFFFFFFF0];
	_ =	sdelay $0x4  }
0xf9: {  	[tilespmem:s0+$0x138] =	vst v1  }
0xfa: {  	v1 =	vld [tilespmem:s25+$0x0];
	_ =	sdelay $0x4  }
0xfb: {  	[tilespmem:s0+$0x148] =	vst v1  }
0xfc: {  	v1 =	vld [tilespmem:s25+$0x10];
	_ =	sdelay $0x4  }
0xfd: {  	[tilespmem:s0+$0x158] =	vst v1  }
0xfe: {  	v1 =	vld [tilespmem:s25+$0x20];
	_ =	sdelay $0x4  }
0xff: {  	[tilespmem:s0+$0x168] =	vst v1  }
0x100: {  	v1 =	vld [tilespmem:s25+$0x30]  }
.Ltmp15:
0x101: {  	_ = 	snop;
	(pc) =	sbr.rel .LBB2_17-.Ltmp15, $2  }
0x102: {  	_ =	sdelay $0x2  }
0x103: {  	s28 =	sadd.s32 $0x1, s28;
	[tilespmem:s0+$0x178] =	vst v1  }
.LBB2_19:
.Ltmp16:
0x104: {  	(pc) =	sbr.rel .LBB2_20-.Ltmp16, $4  }
0x105: {  	_ = 	snop  }
0x106: {  	s0 =	simm.s32 $0x2  }
0x107: {  	_ =	swait.ge [sflag:s0], $0x0  }
0x108: {  	s30 =	smov.u32 s29;
	[sflag:s0] =	ssyncset.done $0x0;
	s0 =	simm.s32 $0x0  }
.LBB2_22:
0x109: {  	_ =	sfence.sel $0x180000  }
0x10a: {  	s0 =	simm.s32 $0x9;
	[bflag:$0x0] =	sbarrier.arrive $0xFFFF  }
0x10b: {  	s24 =	simm.s32 $0xA;
	[sflag:s0] =	ssyncpa.u1 $0x1  }
0x10c: {  	s25 =	simm.s32 $0xB;
	[sflag:s24] =	ssyncpa.u1 $0x1  }
0x10d: {  	s26 =	simm.s32 $0x2;
	[sflag:s25] =	ssyncpa.u1 $0x1  }
0x10e: {  	[sflag:s26] =	ssyncpa.u1 $0x1  }
0x10f: {  	v0 =	vld [tilespmem:$0xF208];
	_ =	sdelay $0x4  }
0x110: {  	(v2sf) =	vpush v0, $0x0  }
0x111: {  	(v2sf) =	vpush v0, $0x1;
	_ =	sdelay $0x1  }
0x112: {  	(v2sf) =	vpush v0, $0x2;
	_ =	sdelay $0xb  }
0x113: {  	s0 =	spop (v2sf)  }
0x114: {  	s2 =	spop (v2sf)  }
0x115: {  	s3 =	smov.u32 s0;
	p0 =	sne.s32 s0, s2  }
0x116: {  	s4 =	spop (v2sf);
	s3 =	simm.s32 @!p0 $0xFFFFFFFF  }
0x117: {  	v2 =	vimm.s32 $0x1;
	v3 =	vlaneseq.u32;
	p0 =	seq.s32 s4, $0xFFFFFFFF;
	v1 =	vmov s3  }
0x118: {  	s16 =	stileid.u32;
	v0 =	vperm.xlane v0, v2;
	p1 =	sne.s32 @!p0 s0, s2;
	v1 =	vperm.xlane v1, v3  }
0x119: {  	vm0 =	vcmask $0x3F04;
	s6 =	simm.s32 $0xF208;
	s0 =	simm.s32 @!p0 $0x1;
	p1 =	por !p1, p0  }
0x11a: {  	s3 =	sshll.u32 s16, $0x1;
	s2 =	sshll.u32 @!p0 s4, $0x9;
	s0 =	simm.s32 @p1 $0x0;
	v0 =	vsel vm0, v1, v0  }
0x11b: {  	s5 =	sor.u32 $0x1000, s3;
	s2 =	sshra.s32 @!p0 s2, $0x2;
	s0 =	sor.u32 @!p0 s0, s3;
	[tilespmem:$0xF208] =	vst v0  }
0x11c: {  	[spmem:s5] =	stream.linear.scatter [tilespmem:s6], [sflag:$0x1], $0x2, $0x38;
	[tilespmem:$0x1F6F8] =	vst v63  }
0x11d: {  	s2 =	sadd.s32 @!p0 $0x108, s2;
	s0 =	sshll.u32 @!p0 s0, $0x7  }
0x11e: {  	[spmem:s0] =	stream.linear.scatter @!p0 [tilespmem:s2], [sflag:$0x1], $0x80, $0x38;
	[tilespmem:$0x1F6F8] =	vst v63  }
0x11f: {  	s0 =	simm.s32 @!p0 $0x82  }
0x120: {  	s28 =	simm.s32 $0x1;
	s0 =	simm.s32 @p0 $0x2  }
0x121: {  	_ =	swait.ge [sflag:s28], s0  }
0x122: {  	s0 =	ssub.s32 $0x0, s0;
	[sflag:s28] =	ssyncset.done $0x0  }
0x123: {  	p0 =	sne.s32 s16, $0x0;
	[sflag:s28] =	ssyncadd.s32 s0  }
.Ltmp17:
0x124: {  	_ =	sfence.stream.spmem;
	(pc) =	sbr.rel @p0 .LBB2_39-.Ltmp17, $4  }
0x125: {  	s29 =	simm.s32 $0x3;
	[bflag:$0x0] =	sbarrier.arrive $0xFFFF  }
0x126: {  	s30 =	simm.s32 $0x4;
	[sflag:s29] =	ssyncpa.u1 $0x1  }
0x127: {  	s31 =	simm.s32 $0x3C;
	[sflag:s30] =	ssyncpa.u1 $0x1  }
0x128: {  	s15 =	rddreg [dreg:$0x4];
	[sflag:s31] =	ssyncpa.u1 $0x1  }
0x129: {  	_ =	sfence.stream.spmem;
	s0 =	simm.s32 $0x5  }
0x12a: {  	s2 =	simm.s32 $0x1000;
	s3 =	simm.s32 $0xF218;
	[sflag:s0] =	ssyncpa.u1 $0x0  }
0x12b: {  	[tilespmem:s3], [sflag:$0x5] =	stream.linear.gather [spmem:s2], $0x20, $0x38;
	[tilespmem:$0x1F6F8] =	vst v63  }
0x12c: {  	s26 =	simm.s32 $0x0;
	s28 =	simm.s32 $0xF238  }
0x12d: {  	[tilespmem:s28], [sflag:$0x5] =	stream.linear.gather [spmem:s26], $0x1000, $0x38;
	[tilespmem:$0x1F6F8] =	vst v63  }
0x12e: {  	_ =	swait.ge [sflag:s0], $0x1020  }
0x12f: {  	[sflag:s0] =	ssyncset.done $0x0  }
0x130: {  	s29 =	simm.s32 $0x0;
	[sflag:s0] =	ssyncadd.s32 $0xFFFFEFE0  }
0x131: {  	v0 =	vld.msk [tilespmem:s29+$0xF218], $0x1;
	_ =	sdelay $0x1  }
0x132: {  	s30 =	simm.s32 $0x1  }
0x133: {  	v1 =	vld.msk [tilespmem:s30+$0xF218], $0x1;
	_ =	sdelay $0x1  }
0x134: {  	(v2sf) =	vpush v0, $0x0;
	_ =	sdelay $0x2  }
0x135: {  	(v2sf) =	vpush v1, $0x0;
	_ =	sdelay $0x2  }
0x136: {  	s31 =	simm.s32 $0x2  }
0x137: {  	v0 =	vld.msk [tilespmem:s31+$0xF218], $0x1;
	_ =	sdelay $0x2  }
0x138: {  	s4 =	simm.s32 $0xFFFFFFFF;
	s5 =	simm.s32 $0xFFFFFFFF;
	s0 =	simm.s32 $0xC  }
.LBB2_24:
0x139: {  	s2 =	smov.u32 s5;
	s3 =	smov.u32 s4  }
0x13a: {  	s4 =	sshra.s32 s0, $0x2;
	p1 =	sne.s32 s0, $0x7C;
	s0 =	sadd.s32 $0x4, s0;
	(v2sf) =	vpush v0, $0x0  }
0x13b: {  	v0 =	vld.msk [tilespmem:s4+$0xF218], $0x1  }
.Ltmp18:
0x13c: {  	(pc) =	sbr.rel @p1 .LBB2_24-.Ltmp18, $4  }
0x13d: {  	s5 =	spop (v2sf)  }
0x13e: {  	p2 =	sne.s32 s3, $0xFFFFFFFF;
	s4 =	smov.u32 s5  }
0x13f: {  	p3 =	seq.s32 s5, $0xFFFFFFFF;
	s4 =	smov.u32 @p2 s3  }
0x140: {  	s5 =	smov.u32 @p3 s2;
	s4 =	smov.u32 @p3 s3  }
0x141: {  	(v2sf) =	vpush v0, $0x0;
	_ =	sdelay $0x8  }
0x142: {  	s0 =	spop (v2sf)  }
0x143: {  	p1 =	sne.s32 s4, $0xFFFFFFFF;
	s2 =	smov.u32 s0  }
0x144: {  	s9 =	simm.s32 $0x6;
	p2 =	seq.s32 s0, $0xFFFFFFFF;
	s2 =	smov.u32 @p1 s4  }
0x145: {  	s6 =	simm.s32 $0x0;
	s2 =	smov.u32 @p2 s4;
	s3 =	spop (v2sf)  }
0x146: {  	s0 =	smov.u32 @p2 s5;
	p1 =	sne.s32 s2, $0xFFFFFFFF;
	s4 =	smov.u32 s3  }
.Ltmp19:
0x147: {  	p2 =	seq.s32 s3, $0xFFFFFFFF;
	s4 =	smov.u32 @p1 s2;
	(pc) =	sbr.rel .LBB2_26-.Ltmp19, $4  }
0x148: {  	s10 =	simm.s32 $0xF188;
	s4 =	smov.u32 @p2 s2;
	s7 =	spop (v2sf)  }
0x149: {  	s11 =	simm.s32 $0x0;
	p1 =	sne.s32 s4, $0xFFFFFFFF;
	s8 =	smov.u32 s7  }
0x14a: {  	s3 =	smov.u32 @p2 s0;
	p2 =	seq.s32 s7, $0xFFFFFFFF;
	s8 =	smov.u32 @p1 s4  }
0x14b: {  	[sflag:s9] =	ssyncpa.u1 $0x0;
	s7 =	smov.u32 @p2 s3;
	s8 =	smov.u32 @p2 s4  }
.LBB2_32:
0x14c: {  	p1 =	sgt.u32 s12, $0x270F0  }
0x14d: {  	p2 =	seq.s32 @!p1 s12, s8  }
0x14e: {  	p1 =	por p1, p2  }
0x14f: {  	p2 =	sne.s32 @!p1 s12, s7  }
0x150: {  	p1 =	por p1, !p2  }
0x151: {  	s0 =	sshll.u32 @p1 s11, $0x9  }
0x152: {  	s0 =	sand.u32 @!p1 $0x3FFF8, s12  }
0x153: {  	s2 =	sand.u32 @!p1 $0x7, s12;
	s0 =	sadd.s32 @!p1 s1, s0  }
0x154: {  	[tilespmem:s10], [sflag:$0x6] =	stream.linear.gather @!p1 [hbm4b:s0+s2], $0x80, $0x38;
	[tilespmem:$0x1F6F8] =	vst v63  }
0x155: {  	_ =	swait.ge @!p1 [sflag:s9], $0x80  }
0x156: {  	[sflag:s9] =	ssyncset.done @!p1 $0x0  }
0x157: {  	[sflag:s9] =	ssyncadd.s32 @!p1 $0xFFFFFF80  }
0x158: {  	v1 =	vld @!p1 [tilespmem:$0xF188];
	_ =	sdelay $0x2  }
0x159: {  	s0 =	sshll.u32 @!p1 s11, $0x9  }
0x15a: {  	s2 =	sshrl.u32 @!p1 s0, $0x2  }
0x15b: {  	[tilespmem:s2+$0xF238] =	vst.add.f32.msk @!p1 $0xffff, v1  }
0x15c: {  	v1 =	vld @!p1 [tilespmem:$0xF198];
	_ =	sdelay $0x4  }
0x15d: {  	[tilespmem:s2+$0xF248] =	vst.add.f32.msk @!p1 $0xffff, v1  }
0x15e: {  	v1 =	vld @!p1 [tilespmem:$0xF1A8];
	_ =	sdelay $0x4  }
0x15f: {  	[tilespmem:s2+$0xF258] =	vst.add.f32.msk @!p1 $0xffff, v1  }
0x160: {  	v1 =	vld @!p1 [tilespmem:$0xF1B8];
	_ =	sdelay $0x4  }
0x161: {  	[tilespmem:s2+$0xF268] =	vst.add.f32.msk @!p1 $0xffff, v1  }
0x162: {  	v1 =	vld @!p1 [tilespmem:$0xF1C8];
	_ =	sdelay $0x4  }
0x163: {  	[tilespmem:s2+$0xF278] =	vst.add.f32.msk @!p1 $0xffff, v1  }
0x164: {  	v1 =	vld @!p1 [tilespmem:$0xF1D8];
	_ =	sdelay $0x4  }
0x165: {  	[tilespmem:s2+$0xF288] =	vst.add.f32.msk @!p1 $0xffff, v1  }
0x166: {  	v1 =	vld @!p1 [tilespmem:$0xF1E8];
	_ =	sdelay $0x4  }
0x167: {  	[tilespmem:s2+$0xF298] =	vst.add.f32.msk @!p1 $0xffff, v1  }
0x168: {  	v1 =	vld @!p1 [tilespmem:$0xF1F8];
	_ =	sdelay $0x4  }
0x169: {  	[tilespmem:s2+$0xF2A8] =	vst.add.f32.msk @!p1 $0xffff, v1  }
0x16a: {  	s0 =	sshrl.u32 s0, $0x2;
	[tilespmem:s6+$0xF218] =	vst.msk $0x1, v0  }
0x16b: {  	v0 =	vld [tilespmem:s0+$0xF238];
	_ =	sdelay $0x2  }
0x16c: {  	s31 =	sshll.u32 s6, $0x9  }
0x16d: {  	s2 =	sshra.s32 s31, $0x2  }
0x16e: {  	[tilespmem:s2+$0xF238] =	vst v0  }
0x16f: {  	v0 =	vld [tilespmem:s0+$0xF248];
	_ =	sdelay $0x4  }
0x170: {  	[tilespmem:s2+$0xF248] =	vst v0  }
0x171: {  	v0 =	vld [tilespmem:s0+$0xF258];
	_ =	sdelay $0x4  }
0x172: {  	[tilespmem:s2+$0xF258] =	vst v0  }
0x173: {  	v0 =	vld [tilespmem:s0+$0xF268];
	_ =	sdelay $0x4  }
0x174: {  	[tilespmem:s2+$0xF268] =	vst v0  }
0x175: {  	v0 =	vld [tilespmem:s0+$0xF278];
	_ =	sdelay $0x4  }
0x176: {  	[tilespmem:s2+$0xF278] =	vst v0  }
0x177: {  	v0 =	vld [tilespmem:s0+$0xF288];
	_ =	sdelay $0x4  }
0x178: {  	[tilespmem:s2+$0xF288] =	vst v0  }
0x179: {  	v0 =	vld [tilespmem:s0+$0xF298];
	_ =	sdelay $0x4  }
0x17a: {  	[tilespmem:s2+$0xF298] =	vst v0  }
0x17b: {  	v0 =	vld [tilespmem:s0+$0xF2A8];
	_ =	sdelay $0x4  }
0x17c: {  	s6 =	sadd.s32 $0x1, s6;
	[tilespmem:s2+$0xF2A8] =	vst v0  }
.LBB2_33:
0x17d: {  	s11 =	sadd.s32 $0x1, s11  }
0x17e: {  	p1 =	sne.s32 s11, $0x20  }
.Ltmp20:
0x17f: {  	_ = 	snop;
	(pc) =	sbr.rel @!p1 .LBB2_34-.Ltmp20, $1  }
0x180: {  	_ =	sdelay $0x3  }
.LBB2_26:
0x181: {  	v0 =	vld.msk [tilespmem:s11+$0xF218], $0x1;
	_ =	sdelay $0x4  }
0x182: {  	(v2sf) =	vpush v0, $0x0;
	_ =	sdelay $0xe  }
0x183: {  	s12 =	spop (v2sf)  }
0x184: {  	p1 =	seq.s32 s12, $0xFFFFFFFF  }
.Ltmp21:
0x185: {  	_ = 	snop;
	(pc) =	sbr.rel @p1 .LBB2_33-.Ltmp21, $1  }
0x186: {  	_ =	sdelay $0x3  }
0x187: {  	p1 =	slt.s32 s6, $0x1  }
.Ltmp22:
0x188: {  	_ = 	snop;
	(pc) =	sbr.rel @p1 .LBB2_32-.Ltmp22, $1  }
0x189: {  	_ =	sdelay $0x3  }
0x18a: {  	s13 =	simm.s32 $0xF218;
	p1 =	por $0x0, $0x0  }
0x18b: {  	v1 =	vld.msk @!p1 [tilespmem:s13+$0x0], $0x1;
	_ =	sdelay $0x4  }
0x18c: {  	(v2sf) =	vpush @!p1 v1, $0x0;
	_ =	sdelay $0xd  }
0x18d: {  	p3 =	sne.s32 s6, $0x1  }
.Ltmp23:
0x18e: {  	s0 =	spop @!p1 (v2sf);
	(pc) =	sbr.rel @!p3 .LBB2_30-.Ltmp23, $4  }
0x18f: {  	p2 =	seq.s32 @!p1 s12, s0  }
0x190: {  	s14 =	simm.s32 $0x0;
	p2 =	por !p2, p1  }
0x191: {  	s2 =	simm.s32 $0xFFFFFFFF;
	s14 =	simm.s32 @p2 $0xFFFFFFFF  }
0x192: {  	s0 =	simm.s32 $0x1;
	s14 =	smov.u32 @p1 s2  }
.LBB2_29:
0x193: {  	s2 =	smov.u32 s14;
	p1 =	sne.s32 s14, $0xFFFFFFFF  }
0x194: {  	s13 =	sadd.s32 $0x1, s13;
	s14 =	smov.u32 s0;
	s0 =	sadd.s32 $0x1, s0  }
0x195: {  	p2 =	sne.s32 s6, s0;
	v1 =	vld.msk @!p1 [tilespmem:s13+$0x0], $0x1;
	_ =	sdelay $0x4  }
0x196: {  	(v2sf) =	vpush @!p1 v1, $0x0;
	_ =	sdelay $0xe  }
.Ltmp24:
0x197: {  	s3 =	spop @!p1 (v2sf);
	(pc) =	sbr.rel @p2 .LBB2_29-.Ltmp24, $4  }
0x198: {  	p3 =	seq.s32 @!p1 s12, s3  }
0x199: {  	p3 =	por !p3, p1  }
0x19a: {  	s14 =	simm.s32 @p3 $0xFFFFFFFF  }
0x19b: {  	s14 =	smov.u32 @p1 s2  }
.LBB2_30:
0x19c: {  	p1 =	seq.s32 s14, $0xFFFFFFFF  }
.Ltmp25:
0x19d: {  	_ = 	snop;
	(pc) =	sbr.rel @p1 .LBB2_32-.Ltmp25, $1  }
0x19e: {  	_ =	sdelay $0x3  }
0x19f: {  	s0 =	sshll.u32 s11, $0x7  }
0x1a0: {  	s0 =	sand.u32 $0x3FFFFF80, s0  }
0x1a1: {  	v0 =	vld [tilespmem:s0+$0xF238];
	_ =	sdelay $0x2  }
0x1a2: {  	s2 =	sshll.u32 s14, $0x9  }
0x1a3: {  	s2 =	sshra.s32 s2, $0x2  }
0x1a4: {  	[tilespmem:s2+$0xF238] =	vst.add.f32.msk $0xffff, v0  }
0x1a5: {  	v0 =	vld [tilespmem:s0+$0xF248];
	_ =	sdelay $0x4  }
0x1a6: {  	[tilespmem:s2+$0xF248] =	vst.add.f32.msk $0xffff, v0  }
0x1a7: {  	v0 =	vld [tilespmem:s0+$0xF258];
	_ =	sdelay $0x4  }
0x1a8: {  	[tilespmem:s2+$0xF258] =	vst.add.f32.msk $0xffff, v0  }
0x1a9: {  	v0 =	vld [tilespmem:s0+$0xF268];
	_ =	sdelay $0x4  }
0x1aa: {  	[tilespmem:s2+$0xF268] =	vst.add.f32.msk $0xffff, v0  }
0x1ab: {  	v0 =	vld [tilespmem:s0+$0xF278];
	_ =	sdelay $0x4  }
0x1ac: {  	[tilespmem:s2+$0xF278] =	vst.add.f32.msk $0xffff, v0  }
0x1ad: {  	v0 =	vld [tilespmem:s0+$0xF288];
	_ =	sdelay $0x4  }
0x1ae: {  	[tilespmem:s2+$0xF288] =	vst.add.f32.msk $0xffff, v0  }
0x1af: {  	v0 =	vld [tilespmem:s0+$0xF298];
	_ =	sdelay $0x4  }
0x1b0: {  	[tilespmem:s2+$0xF298] =	vst.add.f32.msk $0xffff, v0  }
0x1b1: {  	v0 =	vld [tilespmem:s0+$0xF2A8]  }
.Ltmp26:
0x1b2: {  	_ = 	snop;
	(pc) =	sbr.rel .LBB2_33-.Ltmp26, $2  }
0x1b3: {  	_ =	sdelay $0x2  }
0x1b4: {  	[tilespmem:s2+$0xF2A8] =	vst.add.f32.msk $0xffff, v0  }
.LBB2_34:
0x1b5: {  	s0 =	simm.s32 $0x6;
	p1 =	seq.s32 s6, $0x0  }
0x1b6: {  	[sflag:s0] =	ssyncpa.u1 $0x1;
	v0 =	vimm.s32 @p1 $0xFFFFFFFF  }
0x1b7: {  	s9 =	sadd.s32 $0xFFFFFFFF, s6;
	[tilespmem:$0x10238] =	vst @p1 v0  }
0x1b8: {  	v0 =	vld.msk @!p1 [tilespmem:s9+$0xF218], $0x1;
	_ =	sdelay $0x1  }
0x1b9: {  	v1 =	vld.msk @!p1 [tilespmem:$0xF218], $0x1;
	_ =	sdelay $0x2  }
0x1ba: {  	p2 =	seq.s32 @!p1 s9, $0x0;
	v0 =	vbroadcast @!p1 v0, $0x0  }
0x1bb: {  	vm0 =	vmmov @!p1 $0x1;
	p2 =	por !p2, p1  }
0x1bc: {  	v1 =	vnsel @!p1 vm0, $0xFFFFFFFF, v1;
	vm0 =	vcmask @!p1 $0x308;
	v0 =	vpsel !p2, $0xFFFFFFFF, v0  }
0x1bd: {  	p2 =	sne.s32 @!p1 s8, s7;
	v0 =	vsel @!p1 vm0, v1, v0  }
0x1be: {  	s0 =	simm.s32 @!p1 $0xF238;
	s2 =	simm.s32 @!p1 $0x0;
	p3 =	por !p2, p1;
	[tilespmem:$0x10238] =	vst @!p1 v0  }
0x1bf: {  	[spmem:s2] =	stream.linear.scatter @!p1 [tilespmem:s0], [sflag:$0x1], $0x80, $0x38;
	[tilespmem:$0x1F6F8] =	vst v63  }
0x1c0: {  	s0 =	sshll.u32 @!p3 s9, $0x9  }
0x1c1: {  	s0 =	sshra.s32 @!p3 s0, $0x2  }
0x1c2: {  	s2 =	simm.s32 @!p3 $0x80;
	s0 =	sadd.s32 @!p3 $0xF238, s0  }
0x1c3: {  	[spmem:s2] =	stream.linear.scatter @!p3 [tilespmem:s0], [sflag:$0x1], $0x80, $0x38;
	[tilespmem:$0x1F6F8] =	vst v63  }
0x1c4: {  	s0 =	simm.s32 @!p3 $0x1  }
0x1c5: {  	_ =	swait.ge @!p3 [sflag:s0], $0x100  }
0x1c6: {  	p1 =	por p2, p1;
	[sflag:s0] =	ssyncset.done @!p3 $0x0  }
0x1c7: {  	[sflag:s0] =	ssyncadd.s32 @!p3 $0xFFFFFF00;
	s0 =	simm.s32 @!p1 $0x1  }
0x1c8: {  	_ =	swait.ge @!p1 [sflag:s0], $0x80  }
0x1c9: {  	s29 =	simm.s32 $0x10238;
	[sflag:s0] =	ssyncset.done @!p1 $0x0  }
0x1ca: {  	s30 =	simm.s32 $0x1000;
	s31 =	simm.s32 $0x1;
	[sflag:s0] =	ssyncadd.s32 @!p1 $0xFFFFFF80  }
0x1cb: {  	[spmem:s30] =	stream.linear.scatter [tilespmem:s29], [sflag:$0x1], $0x10, $0x38;
	[tilespmem:$0x1F6F8] =	vst v63  }
0x1cc: {  	_ =	swait.ge [sflag:s31], $0x10  }
0x1cd: {  	[sflag:s31] =	ssyncset.done $0x0  }
0x1ce: {  	p1 =	seq.s32 s15, $0x0;
	s8 =	rddreg [dreg:$0x1];
	[sflag:s31] =	ssyncadd.s32 $0xFFFFFFF0  }
0x1cf: {  	s2 =	sshll.u32 @p1 s8, $0xE;
	s7 =	rddreg [dreg:$0x2]  }
0x1d0: {  	s0 =	sadd.s32 @p1 $0x15C3C, s2;
	s2 =	sshll.u32 @p1 s7, $0x11  }
0x1d1: {  	_ =	sfence.stream.spmem;
	s0 =	sor.u32 @p1 s2, s0  }
0x1d2: {  	[sflag:s0] =	ssyncadd.remote.s32 @p1 $0x1;
	s0 =	simm.s32 @p1 $0x4  }
0x1d3: {  	s3 =	simm.s32 @!p1 $0x3C;
	s2 =	sand.u32 $0xFFFFFFFE, s8;
	_ =	swait.ge @p1 [sflag:s0], $0x22  }
0x1d4: {  	s4 =	simm.s32 @!p1 $0x0;
	s2 =	sadd.s32 @!p1 $0x4, s2;
	[sflag:s0] =	ssyncset.done @p1 $0x0  }
0x1d5: {  	s5 =	simm.s32 @!p1 $0x100;
	[sflag:s0] =	ssyncadd.s32 @p1 $0xFFFFFFDE;
	s0 =	sshll.u32 @!p1 s2, $0x1A  }
0x1d6: {  	s2 =	sshll.u32 @!p1 s2, $0xD;
	s0 =	sor.u32 @!p1 s0, s7;
	_ =	swait.eq @!p1 [sflag:s3], $0x1  }
0x1d7: {  	s2 =	sor.u32 @!p1 $0x1C04, s2;
	s3 =	simm.s32 @!p1 $0x1C03;
	s0 =	sor.u32 @!p1 $0x80004000, s0  }
0x1d8: {  	[spmem:s5], [sflag:s2] =	dma.general @!p1 [spmem:s4], [sflag:s3], length:$0x20, [dreg:$0x0], stride_count:$0x0, ici_dest:s0, dma_misc:DstOpCode:WRITE  }
0x1d9: {  	p2 =	slt.s32 s9, $0x2;
	s4 =	simm.s32 @!p1 $0x200;
	s5 =	simm.s32 @!p1 $0x202  }
0x1da: {  	[spmem:s5], [sflag:s2] =	dma.general @!p1 [spmem:s4], [sflag:s3], length:$0x2, [dreg:$0x0], stride_count:$0x0, ici_dest:s0, dma_misc:DstOpCode:WRITE  }
.Ltmp27:
0x1db: {  	s0 =	simm.s32 @!p1 $0x3;
	(pc) =	sbr.rel @p2 .LBB2_38-.Ltmp27, $4  }
0x1dc: {  	s2 =	sshll.u32 @!p1 s8, $0xE;
	_ =	swait.ge @!p1 [sflag:s0], $0x22  }
0x1dd: {  	s3 =	sshll.u32 @!p1 s7, $0x11;
	s2 =	sadd.s32 @!p1 $0x11C3C, s2;
	[sflag:s0] =	ssyncset.done @!p1 $0x0  }
0x1de: {  	[sflag:s0] =	ssyncadd.s32 @!p1 $0xFFFFFFDE;
	s0 =	sor.u32 @!p1 s3, s2  }
0x1df: {  	[sflag:s0] =	ssyncadd.remote.s32 @!p1 $0xFFFFFFFF;
	s0 =	simm.s32 $0x0  }
0x1e0: {  	s0 =	simm.s32 $0xF219  }
0x1e1: {  	v0 =	vld.msk [tilespmem:s0+$0x0], $0x1;
	_ =	sdelay $0x4  }
0x1e2: {  	(v2sf) =	vpush v0, $0x0;
	_ =	sdelay $0xb  }
0x1e3: {  	s31 =	sadd.s32 $0xFFFFFFFE, s6  }
0x1e4: {  	s0 =	sadd.s32 $0xFFFFFFFF, s31  }
0x1e5: {  	p2 =	sne.s32 s0, $0x0  }
.Ltmp28:
0x1e6: {  	s2 =	spop (v2sf);
	(pc) =	sbr.rel @!p2 .LBB2_37-.Ltmp28, $4  }
0x1e7: {  	s4 =	simm.s32 $0xF2B8;
	s7 =	simm.s32 $0x0;
	p1 =	sgt.u32 s2, $0x270F0  }
0x1e8: {  	s5 =	simm.s32 $0x0;
	s6 =	simm.s32 $0xF21A;
	s3 =	sand.u32 @!p1 $0x3FFF8, s2  }
0x1e9: {  	s2 =	sand.u32 @!p1 $0x7, s2;
	s7 =	simm.s32 @!p1 $0x200;
	s3 =	sadd.s32 @!p1 s1, s3  }
0x1ea: {  	[hbm4b:s3+s2] =	stream.linear.scatter @!p1 [tilespmem:s4], [sflag:$0x5], $0x80, $0x38;
	[tilespmem:$0x1F6F8] =	vst v63  }
.LBB2_36:
0x1eb: {  	v0 =	vld.msk [tilespmem:s6+$0x0], $0x1;
	s0 =	sadd.s32 $0xFFFFFFFF, s0;
	s5 =	sadd.s32 s5, s7  }
0x1ec: {  	p1 =	sne.s32 s0, $0x0;
	_ =	sdelay $0x3  }
0x1ed: {  	(v2sf) =	vpush v0, $0x0;
	_ =	sdelay $0xe  }
.Ltmp29:
0x1ee: {  	s2 =	spop (v2sf);
	(pc) =	sbr.rel @p1 .LBB2_36-.Ltmp29, $4  }
0x1ef: {  	s7 =	simm.s32 $0x0;
	p2 =	sgt.u32 s2, $0x270F0  }
0x1f0: {  	s4 =	sadd.s32 $0x80, s4;
	s7 =	simm.s32 @!p2 $0x200;
	s3 =	sand.u32 @!p2 $0x3FFF8, s2  }
0x1f1: {  	s6 =	sadd.s32 $0x1, s6;
	s2 =	sand.u32 @!p2 $0x7, s2;
	s3 =	sadd.s32 @!p2 s1, s3  }
0x1f2: {  	[hbm4b:s3+s2] =	stream.linear.scatter @!p2 [tilespmem:s4], [sflag:$0x5], $0x80, $0x38;
	[tilespmem:$0x1F6F8] =	vst v63  }
.LBB2_37:
0x1f3: {  	s0 =	sadd.s32 s5, s7  }
0x1f4: {  	s0 =	sshrl.u32 s0, $0x2  }
.LBB2_38:
0x1f5: {  	s2 =	simm.s32 $0x5  }
0x1f6: {  	_ =	swait.ge [sflag:s2], s0  }
0x1f7: {  	s31 =	ssub.s32 $0x0, s0;
	[sflag:s2] =	ssyncset.done $0x0  }
0x1f8: {  	[sflag:s2] =	ssyncadd.s32 s31  }
0x1f9: {  	[sflag:s2] =	ssyncpa.u1 $0x1  }
.LBB2_39:
0x1fa: {  	s0 =	sor.u32 s15, s16  }
0x1fb: {  	p1 =	sne.s32 s0, $0x0  }
.Ltmp30:
0x1fc: {  	_ = 	snop;
	(pc) =	sbr.rel @p1 .LBB2_54-.Ltmp30, $3  }
0x1fd: {  	_ =	sdelay $0x1  }
0x1fe: {  	[bflag:$0x0] =	sbarrier.arrive $0xFFFF  }
0x1ff: {  	_ =	sfence  }
0x200: {  	s0 =	simm.s32 $0x7  }
0x201: {  	s2 =	simm.s32 $0x1000;
	s3 =	simm.s32 $0xF218;
	[sflag:s0] =	ssyncpa.u1 $0x0  }
0x202: {  	[tilespmem:s3], [sflag:$0x7] =	stream.linear.gather [spmem:s2], $0x20, $0x38;
	[tilespmem:$0x1F6F8] =	vst v63  }
0x203: {  	s30 =	simm.s32 $0xF238;
	s2 =	simm.s32 $0x0  }
0x204: {  	[tilespmem:s30], [sflag:$0x7] =	stream.linear.gather [spmem:s2], $0x1000, $0x38;
	[tilespmem:$0x1F6F8] =	vst v63  }
.Ltmp31:
0x205: {  	_ = 	snop;
	(pc) =	sbr.rel .LBB2_41-.Ltmp31, $4  }
0x206: {  	_ =	swait.ge [sflag:s0], $0x1020  }
0x207: {  	[sflag:s0] =	ssyncset.done $0x0  }
0x208: {  	s31 =	simm.s32 $0x8;
	[sflag:s0] =	ssyncadd.s32 $0xFFFFEFE0  }
0x209: {  	s3 =	simm.s32 $0x0;
	[sflag:s31] =	ssyncpa.u1 $0x0  }
.LBB2_47:
0x20a: {  	p1 =	slt.u32 s4, $0x270F1  }
0x20b: {  	s0 =	sand.u32 @p1 $0x3FFF8, s4  }
0x20c: {  	s4 =	sand.u32 @p1 $0x7, s4;
	s5 =	simm.s32 @p1 $0xF188;
	s0 =	sadd.s32 @p1 s1, s0  }
0x20d: {  	[tilespmem:s5], [sflag:$0x8] =	stream.linear.gather @p1 [hbm4b:s0+s4], $0x80, $0x38;
	[tilespmem:$0x1F6F8] =	vst v63  }
0x20e: {  	s0 =	simm.s32 @p1 $0x8  }
0x20f: {  	_ =	swait.ge @p1 [sflag:s0], $0x80  }
0x210: {  	[sflag:s0] =	ssyncset.done @p1 $0x0  }
0x211: {  	[sflag:s0] =	ssyncadd.s32 @p1 $0xFFFFFF80  }
0x212: {  	v1 =	vld @p1 [tilespmem:$0xF188];
	_ =	sdelay $0x2  }
0x213: {  	s0 =	sshll.u32 @p1 s3, $0x9  }
0x214: {  	s4 =	sshrl.u32 @p1 s0, $0x2  }
0x215: {  	[tilespmem:s4+$0xF238] =	vst.add.f32.msk @p1 $0xffff, v1  }
0x216: {  	v1 =	vld @p1 [tilespmem:$0xF198];
	_ =	sdelay $0x4  }
0x217: {  	[tilespmem:s4+$0xF248] =	vst.add.f32.msk @p1 $0xffff, v1  }
0x218: {  	v1 =	vld @p1 [tilespmem:$0xF1A8];
	_ =	sdelay $0x4  }
0x219: {  	[tilespmem:s4+$0xF258] =	vst.add.f32.msk @p1 $0xffff, v1  }
0x21a: {  	v1 =	vld @p1 [tilespmem:$0xF1B8];
	_ =	sdelay $0x4  }
0x21b: {  	[tilespmem:s4+$0xF268] =	vst.add.f32.msk @p1 $0xffff, v1  }
0x21c: {  	v1 =	vld @p1 [tilespmem:$0xF1C8];
	_ =	sdelay $0x4  }
0x21d: {  	[tilespmem:s4+$0xF278] =	vst.add.f32.msk @p1 $0xffff, v1  }
0x21e: {  	v1 =	vld @p1 [tilespmem:$0xF1D8];
	_ =	sdelay $0x4  }
0x21f: {  	[tilespmem:s4+$0xF288] =	vst.add.f32.msk @p1 $0xffff, v1  }
0x220: {  	v1 =	vld @p1 [tilespmem:$0xF1E8];
	_ =	sdelay $0x4  }
0x221: {  	[tilespmem:s4+$0xF298] =	vst.add.f32.msk @p1 $0xffff, v1  }
0x222: {  	v1 =	vld @p1 [tilespmem:$0xF1F8];
	_ =	sdelay $0x3  }
0x223: {  	s5 =	sshll.u32 @!p1 s3, $0x9  }
0x224: {  	s5 =	smov.u32 @p1 s0;
	[tilespmem:s4+$0xF2A8] =	vst.add.f32.msk @p1 $0xffff, v1  }
0x225: {  	s0 =	sshrl.u32 s5, $0x2;
	[tilespmem:s2+$0xF218] =	vst.msk $0x1, v0  }
0x226: {  	v0 =	vld [tilespmem:s0+$0xF238];
	_ =	sdelay $0x2  }
0x227: {  	s31 =	sshll.u32 s2, $0x9  }
0x228: {  	s4 =	sshra.s32 s31, $0x2  }
0x229: {  	[tilespmem:s4+$0xF238] =	vst v0  }
0x22a: {  	v0 =	vld [tilespmem:s0+$0xF248];
	_ =	sdelay $0x4  }
0x22b: {  	[tilespmem:s4+$0xF248] =	vst v0  }
0x22c: {  	v0 =	vld [tilespmem:s0+$0xF258];
	_ =	sdelay $0x4  }
0x22d: {  	[tilespmem:s4+$0xF258] =	vst v0  }
0x22e: {  	v0 =	vld [tilespmem:s0+$0xF268];
	_ =	sdelay $0x4  }
0x22f: {  	[tilespmem:s4+$0xF268] =	vst v0  }
0x230: {  	v0 =	vld [tilespmem:s0+$0xF278];
	_ =	sdelay $0x4  }
0x231: {  	[tilespmem:s4+$0xF278] =	vst v0  }
0x232: {  	v0 =	vld [tilespmem:s0+$0xF288];
	_ =	sdelay $0x4  }
0x233: {  	[tilespmem:s4+$0xF288] =	vst v0  }
0x234: {  	v0 =	vld [tilespmem:s0+$0xF298];
	_ =	sdelay $0x4  }
0x235: {  	[tilespmem:s4+$0xF298] =	vst v0  }
0x236: {  	v0 =	vld [tilespmem:s0+$0xF2A8];
	_ =	sdelay $0x4  }
0x237: {  	s2 =	sadd.s32 $0x1, s2;
	[tilespmem:s4+$0xF2A8] =	vst v0  }
.LBB2_48:
0x238: {  	s3 =	sadd.s32 $0x1, s3  }
0x239: {  	p1 =	sne.s32 s3, $0x20  }
.Ltmp32:
0x23a: {  	_ = 	snop;
	(pc) =	sbr.rel @!p1 .LBB2_49-.Ltmp32, $1  }
0x23b: {  	_ =	sdelay $0x3  }
.LBB2_41:
0x23c: {  	v0 =	vld.msk [tilespmem:s3+$0xF218], $0x1;
	_ =	sdelay $0x4  }
0x23d: {  	(v2sf) =	vpush v0, $0x0;
	_ =	sdelay $0xe  }
0x23e: {  	s4 =	spop (v2sf)  }
0x23f: {  	p1 =	seq.s32 s4, $0xFFFFFFFF  }
.Ltmp33:
0x240: {  	_ = 	snop;
	(pc) =	sbr.rel @p1 .LBB2_48-.Ltmp33, $1  }
0x241: {  	_ =	sdelay $0x3  }
0x242: {  	p1 =	slt.s32 s2, $0x1  }
.Ltmp34:
0x243: {  	_ = 	snop;
	(pc) =	sbr.rel @p1 .LBB2_47-.Ltmp34, $1  }
0x244: {  	_ =	sdelay $0x3  }
0x245: {  	s5 =	simm.s32 $0xF218;
	p1 =	por $0x0, $0x0  }
0x246: {  	v1 =	vld.msk @!p1 [tilespmem:s5+$0x0], $0x1;
	_ =	sdelay $0x4  }
0x247: {  	(v2sf) =	vpush @!p1 v1, $0x0;
	_ =	sdelay $0xd  }
0x248: {  	p3 =	sne.s32 s2, $0x1  }
.Ltmp35:
0x249: {  	s0 =	spop @!p1 (v2sf);
	(pc) =	sbr.rel @!p3 .LBB2_45-.Ltmp35, $4  }
0x24a: {  	p2 =	seq.s32 @!p1 s4, s0  }
0x24b: {  	s6 =	simm.s32 $0x0;
	p2 =	por !p2, p1  }
0x24c: {  	s7 =	simm.s32 $0xFFFFFFFF;
	s6 =	simm.s32 @p2 $0xFFFFFFFF  }
0x24d: {  	s0 =	simm.s32 $0x1;
	s6 =	smov.u32 @p1 s7  }
.LBB2_44:
0x24e: {  	s7 =	smov.u32 s6;
	p1 =	sne.s32 s6, $0xFFFFFFFF  }
0x24f: {  	s5 =	sadd.s32 $0x1, s5;
	s6 =	smov.u32 s0;
	s0 =	sadd.s32 $0x1, s0  }
0x250: {  	p2 =	sne.s32 s2, s0;
	v1 =	vld.msk @!p1 [tilespmem:s5+$0x0], $0x1;
	_ =	sdelay $0x4  }
0x251: {  	(v2sf) =	vpush @!p1 v1, $0x0;
	_ =	sdelay $0xe  }
.Ltmp36:
0x252: {  	s8 =	spop @!p1 (v2sf);
	(pc) =	sbr.rel @p2 .LBB2_44-.Ltmp36, $4  }
0x253: {  	p3 =	seq.s32 @!p1 s4, s8  }
0x254: {  	p3 =	por !p3, p1  }
0x255: {  	s6 =	simm.s32 @p3 $0xFFFFFFFF  }
0x256: {  	s6 =	smov.u32 @p1 s7  }
.LBB2_45:
0x257: {  	p1 =	seq.s32 s6, $0xFFFFFFFF  }
.Ltmp37:
0x258: {  	_ = 	snop;
	(pc) =	sbr.rel @p1 .LBB2_47-.Ltmp37, $1  }
0x259: {  	_ =	sdelay $0x3  }
0x25a: {  	s0 =	sshll.u32 s3, $0x7  }
0x25b: {  	s0 =	sand.u32 $0x3FFFFF80, s0  }
0x25c: {  	v0 =	vld [tilespmem:s0+$0xF238];
	_ =	sdelay $0x2  }
0x25d: {  	s4 =	sshll.u32 s6, $0x9  }
0x25e: {  	s4 =	sshra.s32 s4, $0x2  }
0x25f: {  	[tilespmem:s4+$0xF238] =	vst.add.f32.msk $0xffff, v0  }
0x260: {  	v0 =	vld [tilespmem:s0+$0xF248];
	_ =	sdelay $0x4  }
0x261: {  	[tilespmem:s4+$0xF248] =	vst.add.f32.msk $0xffff, v0  }
0x262: {  	v0 =	vld [tilespmem:s0+$0xF258];
	_ =	sdelay $0x4  }
0x263: {  	[tilespmem:s4+$0xF258] =	vst.add.f32.msk $0xffff, v0  }
0x264: {  	v0 =	vld [tilespmem:s0+$0xF268];
	_ =	sdelay $0x4  }
0x265: {  	[tilespmem:s4+$0xF268] =	vst.add.f32.msk $0xffff, v0  }
0x266: {  	v0 =	vld [tilespmem:s0+$0xF278];
	_ =	sdelay $0x4  }
0x267: {  	[tilespmem:s4+$0xF278] =	vst.add.f32.msk $0xffff, v0  }
0x268: {  	v0 =	vld [tilespmem:s0+$0xF288];
	_ =	sdelay $0x4  }
0x269: {  	[tilespmem:s4+$0xF288] =	vst.add.f32.msk $0xffff, v0  }
0x26a: {  	v0 =	vld [tilespmem:s0+$0xF298];
	_ =	sdelay $0x4  }
0x26b: {  	[tilespmem:s4+$0xF298] =	vst.add.f32.msk $0xffff, v0  }
0x26c: {  	v0 =	vld [tilespmem:s0+$0xF2A8]  }
.Ltmp38:
0x26d: {  	_ = 	snop;
	(pc) =	sbr.rel .LBB2_48-.Ltmp38, $2  }
0x26e: {  	_ =	sdelay $0x2  }
0x26f: {  	[tilespmem:s4+$0xF2A8] =	vst.add.f32.msk $0xffff, v0  }
.LBB2_49:
0x270: {  	p1 =	slt.s32 s2, $0x1  }
.Ltmp39:
0x271: {  	_ = 	snop;
	(pc) =	sbr.rel @p1 .LBB2_53-.Ltmp39, $3  }
0x272: {  	_ =	sdelay $0x1  }
0x273: {  	s0 =	simm.s32 $0x8  }
0x274: {  	s3 =	simm.s32 $0x0;
	[sflag:s0] =	ssyncpa.u1 $0x1  }
0x275: {  	s0 =	simm.s32 $0xF218  }
0x276: {  	v0 =	vld.msk [tilespmem:s0+$0x0], $0x1;
	_ =	sdelay $0x4  }
0x277: {  	(v2sf) =	vpush v0, $0x0;
	_ =	sdelay $0xe  }
0x278: {  	s0 =	sadd.s32 $0xFFFFFFFF, s2;
	s5 =	spop (v2sf)  }
0x279: {  	p2 =	sne.s32 s0, $0x0;
	p1 =	sgt.u32 s5, $0x270F0  }
.Ltmp40:
0x27a: {  	s6 =	sand.u32 @!p1 $0x3FFF8, s5;
	(pc) =	sbr.rel @!p2 .LBB2_52-.Ltmp40, $4  }
0x27b: {  	s4 =	simm.s32 $0xF238;
	s5 =	sand.u32 @!p1 $0x7, s5;
	s2 =	sadd.s32 @!p1 s1, s6  }
0x27c: {  	[hbm4b:s2+s5] =	stream.linear.scatter @!p1 [tilespmem:s4], [sflag:$0x7], $0x80, $0x38;
	[tilespmem:$0x1F6F8] =	vst v63  }
0x27d: {  	s5 =	simm.s32 $0x0  }
0x27e: {  	s2 =	simm.s32 $0xF219;
	s5 =	simm.s32 @!p1 $0x200  }
.LBB2_51:
0x27f: {  	v0 =	vld.msk [tilespmem:s2+$0x0], $0x1;
	s0 =	sadd.s32 $0xFFFFFFFF, s0;
	s3 =	sadd.s32 s3, s5  }
0x280: {  	p1 =	sne.s32 s0, $0x0;
	_ =	sdelay $0x3  }
0x281: {  	(v2sf) =	vpush v0, $0x0;
	_ =	sdelay $0xe  }
.Ltmp41:
0x282: {  	s6 =	spop (v2sf);
	(pc) =	sbr.rel @p1 .LBB2_51-.Ltmp41, $4  }
0x283: {  	s5 =	simm.s32 $0x0;
	p2 =	sgt.u32 s6, $0x270F0  }
0x284: {  	s4 =	sadd.s32 $0x80, s4;
	s5 =	simm.s32 @!p2 $0x200;
	s7 =	sand.u32 @!p2 $0x3FFF8, s6  }
0x285: {  	s2 =	sadd.s32 $0x1, s2;
	s6 =	sand.u32 @!p2 $0x7, s6;
	s7 =	sadd.s32 @!p2 s1, s7  }
0x286: {  	[hbm4b:s7+s6] =	stream.linear.scatter @!p2 [tilespmem:s4], [sflag:$0x7], $0x80, $0x38;
	[tilespmem:$0x1F6F8] =	vst v63  }
.LBB2_52:
0x287: {  	s0 =	sadd.s32 s3, s5  }
0x288: {  	s3 =	sshrl.u32 s0, $0x2  }
.LBB2_53:
0x289: {  	s0 =	simm.s32 $0x7  }
0x28a: {  	_ =	swait.ge [sflag:s0], s3  }
0x28b: {  	s1 =	ssub.s32 $0x0, s3;
	[sflag:s0] =	ssyncset.done $0x0  }
0x28c: {  	[sflag:s0] =	ssyncadd.s32 s1  }
0x28d: {  	[sflag:s0] =	ssyncpa.u1 $0x1  }
.LBB2_54:
0x28e: {  	_ =	sfence;
	s0 =	simm.s32 $0x1  }
0x28f: {  	[sflag:s0] =	ssyncpa.u1 $0x1  }
0x290: {  	_ =	strace $0x9000004A  }
0x291: {  	[bflag:$0x2] =	sbarrier.arrive $0xFFFF  }
0x292: {  	s0 =	rddreg [dreg:$0x3]  }
0x293: {  	s0 =	sadd.s32 @!p0 $0x100000, s0  }
0x294: {  	[sflag:s0] =	ssyncadd.tile.s32 @!p0 $0x1;
	_ =	shalt  }
.Lfunc_end2:
_tile_overlayer_lowered:
.L_overlay_start_2:
0x295: {  	(tag) =	ssettag $0x2  }
0x296: {  	s0 =	rddreg [dreg:$0x0];
	s2 =	stileid.u32  }
0x297: {  	s1 =	rddreg [dreg:$0x1];
	p0 =	sne.s32 s2, $0x0  }
0x298: {  	s3 =	rddreg [dreg:$0x2];
	[bflag:$0x3] =	sbarrier.arrive $0xFFFF;
	s2 =	simm.s32 @!p0 $0x1C01  }
0x299: {  	[timem:s3], [sflag:s2] =	dma.local @!p0 [hbm:s0], s1  }
0x29a: {  	s0 =	simm.s32 @!p0 $0x1  }
0x29b: {  	_ =	swait.ge @!p0 [sflag:s0], s1  }
0x29c: {  	s1 =	ssub.s32 @!p0 $0x0, s1;
	[sflag:s0] =	ssyncset.done @!p0 $0x0  }
0x29d: {  	[sflag:s0] =	ssyncadd.s32 @!p0 s1  }
0x29e: {  	[bflag:$0x3] =	sbarrier.arrive $0xFFFF  }
0x29f: {  	_ =	shalt  }

</sc_bundles>
